<compile_context>
chip_gen: v7x
topology: tpu7x:2x2x1
jax: 0.10.2.dev20260603
libtpu: 0.0.44.dev20260713+nightly
codegen_flags: <defaults>
</compile_context>

<pallas_src>
import functools

import jax
import jax.numpy as jnp
import numpy as np
from jax import lax
from jax.experimental import pallas as pl
from jax.experimental.pallas import tpu as pltpu
from jax.experimental.pallas import tpu_sc as plsc

N = 10000
E = 320000
IN = 128
H = 8
F = 32
H2 = H // 2

KB = 80
NBLK = E // KB
NSUB = 16
ROWW = 136
PCH = 50
NCH = N // PCH
NITER = NBLK // NSUB + 2

_R = 400
_G = N // _R


def _tc_body(feat_ref, ah_ref, wfc_ref, q0_ref, q1_ref, w1_ref, w2_ref,
             b1_ref, b2_ref, fs_ref, t_ref):
    x = feat_ref[...]
    fs = lax.dot_general(x, wfc_ref[...], (((1,), (1,)), ((), ())),
                         preferred_element_type=jnp.float32)
    fs_ref[0] = fs[:, :128].astype(jnp.bfloat16)
    fs_ref[1] = fs[:, 128:].astype(jnp.bfloat16)
    h1 = lax.dot_general(ah_ref[...], w1_ref[...], (((1,), (1,)), ((), ())),
                         preferred_element_type=jnp.float32) + b1_ref[...]
    h1 = jnp.where(h1 > 0, h1, jnp.exp(h1) - 1.0)
    z = lax.dot_general(h1, w2_ref[...], (((1,), (0,)), ((), ())),
                        preferred_element_type=jnp.float32) + b2_ref[...]
    sig = 1.0 / (1.0 + jnp.exp(-z))
    cm8 = (lax.broadcasted_iota(jnp.int32, (1, 16), 1) == 8).astype(jnp.float32)
    ftp8 = sig * cm8
    t_ref[0] = lax.dot_general(fs, q0_ref[...], (((1,), (0,)), ((), ())),
                               preferred_element_type=jnp.float32) + ftp8
    t_ref[1] = lax.dot_general(fs, q1_ref[...], (((1,), (0,)), ((), ())),
                               preferred_element_type=jnp.float32) + ftp8


_tc_call = pl.pallas_call(
    _tc_body,
    grid=(_G,),
    in_specs=[
        pl.BlockSpec((_R, IN), lambda i: (i, 0)),
        pl.BlockSpec((_R, 128), lambda i: (i, 0)),
        pl.BlockSpec((H * F, IN), lambda i: (0, 0)),
        pl.BlockSpec((H * F, 16), lambda i: (0, 0)),
        pl.BlockSpec((H * F, 16), lambda i: (0, 0)),
        pl.BlockSpec((F, 128), lambda i: (0, 0)),
        pl.BlockSpec((F, 16), lambda i: (0, 0)),
        pl.BlockSpec((1, F), lambda i: (0, 0)),
        pl.BlockSpec((1, 16), lambda i: (0, 0)),
    ],
    out_specs=[
        pl.BlockSpec((2, _R, 128), lambda i: (0, i, 0)),
        pl.BlockSpec((2, _R, 16), lambda i: (0, i, 0)),
    ],
    out_shape=[
        jax.ShapeDtypeStruct((2, N, 128), jnp.bfloat16),
        jax.ShapeDtypeStruct((2, N, 16), jnp.float32),
    ],
)


def _sc_body(fstack, tstack, src_hbm, dst_hbm, bias_hbm,
             rst_hbm, alpha_hbm,
             idx_s, idx_d, idx_da, scd, ts, td, fsrc, stage, wblk,
             avblk, biasv, u_acc,
             sem_g0, sem_g1, sem_f0, sem_f1, sem_sc0, sem_sc1,
             sem_al0, sem_al1, sem_ix0, sem_ix1):
    c = lax.axis_index("c")
    s = lax.axis_index("s")
    cN = c * N
    c_f = c.astype(jnp.float32)
    sgn = 1.0 - 2.0 * c_f
    z16 = jnp.zeros((16,), jnp.float32)
    iota16 = lax.broadcasted_iota(jnp.int32, (16,), 0)
    semg = (sem_g0, sem_g1)
    semf = (sem_f0, sem_f1)
    semsc = (sem_sc0, sem_sc1)
    semal = (sem_al0, sem_al1)
    semix = (sem_ix0, sem_ix1)

    def _zrow(i, _):
        for p in range(2):
            for ch in range(8):
                stage[p, i, pl.ds(ch * 16, 16)] = z16
            stage[p, i, pl.ds(ROWW - 16, 16)] = z16
        return 0
    lax.fori_loop(0, KB, _zrow, 0)

    nch = jnp.where(s < NCH - (NCH // NSUB) * NSUB,
                    NCH // NSUB + 1, NCH // NSUB)

    def _zchunk(i, _):
        pltpu.sync_copy(stage.at[0, pl.ds(0, PCH)],
                        u_acc.at[pl.ds((s + i * NSUB) * PCH, PCH)])
        return 0
    lax.fori_loop(0, nch, _zchunk, 0)
    pltpu.sync_copy(bias_hbm.at[pl.ds(c * 128, 128)], biasv)
    plsc.subcore_barrier()

    def blk_of(j):
        return s + j * NSUB

    def idx_prefetch(j, q):
        off = blk_of(j) * KB
        pltpu.async_copy(src_hbm.at[pl.ds(off, KB)], idx_s.at[q], semix[q])
        pltpu.async_copy(dst_hbm.at[pl.ds(off, KB)], idx_d.at[q], semix[q])

    def gather_descs(q):
        return (
            pltpu.make_async_copy(tstack.at[idx_s.at[q]], ts.at[q], semg[q]),
            pltpu.make_async_copy(tstack.at[idx_da.at[q]], td.at[q], semg[q]),
            pltpu.make_async_copy(fstack.at[idx_s.at[q]], fsrc.at[q], semf[q]),
        )

    def fetch(j, q):
        @pl.when((j >= 2) & (blk_of(j - 2) < NBLK))
        def _():
            pltpu.make_async_copy(stage.at[q], u_acc.at[scd.at[q]],
                                  semsc[q]).wait()

            @pl.when(c == 0)
            def _():
                pltpu.make_async_copy(
                    avblk.at[q],
                    alpha_hbm.at[pl.ds(blk_of(j - 2) * KB, KB)],
                    semal[q]).wait()

        @pl.when(blk_of(j) < NBLK)
        def _():
            off = blk_of(j) * KB
            pltpu.make_async_copy(src_hbm.at[pl.ds(off, KB)], idx_s.at[q],
                                  semix[q]).wait()
            pltpu.make_async_copy(dst_hbm.at[pl.ds(off, KB)], idx_d.at[q],
                                  semix[q]).wait()
            for g in range(KB // 16):
                sl = pl.ds(g * 16, 16)
                idx_s[q, sl] = idx_s[q, sl] + cN
                idx_da[q, sl] = idx_d[q, sl] + cN
            for d in gather_descs(q):
                d.start()

        @pl.when(blk_of(j + 1) < NBLK)
        def _():
            idx_prefetch(j + 1, q ^ 1)

    def halfiter(i, p):
        b = blk_of(i)

        @pl.when(b < NBLK)
        def _():
            gd = gather_descs(p)
            gd[0].wait()
            gd[1].wait()
            for g in range(KB // 16):
                lanes = g * 16 + iota16
                fps = plsc.load_gather(ts.at[p], [lanes, jnp.full((16,), 8, jnp.int32)])
                fpd = plsc.load_gather(td.at[p], [lanes, jnp.full((16,), 8, jnp.int32)])
                sig = 1.0 / (1.0 + jnp.exp(-(fps + fpd)))
                av = c_f + sgn * sig
                avblk[p, pl.ds(g * 16, 16)] = sig
                for h in range(H2):
                    el = plsc.load_gather(ts.at[p], [lanes, jnp.full((16,), h, jnp.int32)])
                    er = plsc.load_gather(td.at[p], [lanes, jnp.full((16,), 4 + h, jnp.int32)])
                    x = el + er
                    xlr = jnp.where(x >= 0, x, 0.2 * x)
                    ex = jnp.exp(sgn * xlr)
                    plsc.store_scatter(stage.at[p], [lanes, jnp.full((16,), 128 + h, jnp.int32)], ex)
                    plsc.store_scatter(wblk, [lanes, jnp.full((16,), h, jnp.int32)], ex * av)
                sl = pl.ds(g * 16, 16)
                scd[p, sl] = idx_d[p, sl]

        fetch(i + 1, p ^ 1)

        @pl.when(b < NBLK)
        def _():
            pltpu.make_async_copy(fstack.at[idx_s.at[p]], fsrc.at[p],
                                  semf[p]).wait()
            def _row(r2, _):
                r = r2 * 2
                wva = wblk[r, pl.ds(0, 16)]
                wvb = wblk[r + 1, pl.ds(0, 16)]
                xa = [fsrc[p, r, pl.ds(k * 32, 32)] for k in range(4)]
                xb = [fsrc[p, r + 1, pl.ds(k * 32, 32)] for k in range(4)]
                for h in range(H2):
                    a0, a1 = plsc.unpack(xa[h], format=plsc.PackFormat.INTERLEAVED)
                    b0, b1 = plsc.unpack(xb[h], format=plsc.PackFormat.INTERLEAVED)
                    wa = wva[h]
                    wb = wvb[h]
                    stage[p, r, pl.ds(h * 32, 16)] = a0 * wa
                    stage[p, r, pl.ds(h * 32 + 16, 16)] = a1 * wa
                    stage[p, r + 1, pl.ds(h * 32, 16)] = b0 * wb
                    stage[p, r + 1, pl.ds(h * 32 + 16, 16)] = b1 * wb
                return 0
            lax.fori_loop(0, KB // 2, _row, 0)
            pltpu.async_copy(stage.at[p], u_acc.at[scd.at[p]], semsc[p],
                             add=True)

            @pl.when(c == 0)
            def _():
                pltpu.async_copy(avblk.at[p],
                                 alpha_hbm.at[pl.ds(b * KB, KB)], semal[p])

    idx_prefetch(0, 0)
    fetch(0, 0)

    def _pair(t, _):
        halfiter(2 * t, 0)
        halfiter(2 * t + 1, 1)
        return 0
    lax.fori_loop(0, NITER // 2, _pair, 0)
    plsc.subcore_barrier()

    def _fchunk(i, _):
        base = (s + i * NSUB) * PCH
        pltpu.sync_copy(u_acc.at[pl.ds(base, PCH)], stage.at[0, pl.ds(0, PCH)])

        def _node(r, _):
            sv = stage[0, r, pl.ds(ROWW - 16, 16)]
            rv = jnp.where(sv > 0.0, 1.0 / sv, 0.0)
            uv = [stage[0, r, pl.ds(k * 16, 16)] for k in range(8)]
            for h in range(H2):
                rin = rv[8 + h]
                for v in range(2):
                    cl = pl.ds(h * 32 + v * 16, 16)
                    stage[1, r, cl] = uv[h * 2 + v] * rin + biasv[cl]
            return 0
        lax.fori_loop(0, PCH, _node, 0)
        pltpu.sync_copy(stage.at[1, pl.ds(0, PCH), pl.ds(0, 128)],
                        rst_hbm.at[pl.ds(base, PCH), pl.ds(c * 128, 128)])
        return 0
    lax.fori_loop(0, nch, _fchunk, 0)


def _make_sc():
    mesh = plsc.VectorSubcoreMesh(core_axis_name="c", subcore_axis_name="s",
                                  num_cores=2, num_subcores=NSUB)
    return pl.kernel(
        _sc_body,
        out_type=(jax.ShapeDtypeStruct((N, 2 * 128), jnp.float32),
                  jax.ShapeDtypeStruct((E,), jnp.float32)),
        mesh=mesh,
        compiler_params=pltpu.CompilerParams(use_tc_tiling_on_sc=False,
                                             needs_layout_passes=False),
        scratch_types=dict(
            idx_s=pltpu.VMEM((2, KB), jnp.int32),
            idx_d=pltpu.VMEM((2, KB), jnp.int32),
            idx_da=pltpu.VMEM((2, KB), jnp.int32),
            scd=pltpu.VMEM((2, KB), jnp.int32),
            ts=pltpu.VMEM((2, KB, 16), jnp.float32),
            td=pltpu.VMEM((2, KB, 16), jnp.float32),
            fsrc=pltpu.VMEM((2, KB, 128), jnp.bfloat16),
            stage=pltpu.VMEM((2, KB, ROWW), jnp.float32),
            wblk=pltpu.VMEM((KB, 16), jnp.float32),
            avblk=pltpu.VMEM((2, KB), jnp.float32),
            biasv=pltpu.VMEM((128,), jnp.float32),
            u_acc=pltpu.MemorySpace.VMEM_SHARED((N, ROWW), jnp.float32),
            sem_g0=pltpu.SemaphoreType.DMA,
            sem_g1=pltpu.SemaphoreType.DMA,
            sem_f0=pltpu.SemaphoreType.DMA,
            sem_f1=pltpu.SemaphoreType.DMA,
            sem_sc0=pltpu.SemaphoreType.DMA,
            sem_sc1=pltpu.SemaphoreType.DMA,
            sem_al0=pltpu.SemaphoreType.DMA,
            sem_al1=pltpu.SemaphoreType.DMA,
            sem_ix0=pltpu.SemaphoreType.DMA,
            sem_ix1=pltpu.SemaphoreType.DMA,
        ),
    )


def kernel(feat, alpha_hidden, edge_index, W_fc, attn_l, attn_r, attn_ln,
           attn_rn, bias, W1, b1, W2, b2):
    eye4 = jnp.eye(4, dtype=jnp.float32)
    def bd(a):
        return (a[:, :, None] * eye4[:, None, :]).reshape(128, 4)
    q0 = jnp.zeros((H * F, 16), jnp.float32)
    q0 = q0.at[0:128, 0:4].set(bd(attn_l[0])).at[0:128, 4:8].set(bd(attn_r[0]))
    q1 = jnp.zeros((H * F, 16), jnp.float32)
    q1 = q1.at[128:256, 0:4].set(bd(attn_ln[0])).at[128:256, 4:8].set(bd(attn_rn[0]))

    pidx = np.zeros((H * F,), np.int32)
    for h in range(H):
        for j in range(16):
            pidx[h * 32 + 2 * j] = h * 32 + j
            pidx[h * 32 + 2 * j + 1] = h * 32 + 16 + j
    pidx = jnp.asarray(pidx)
    W_fc = W_fc[pidx]
    q0 = q0[pidx]
    q1 = q1[pidx]

    w2p = jnp.zeros((F, 16), jnp.float32).at[:, 8].set(W2[0])
    b2r = jnp.broadcast_to(b2.reshape(1, 1), (1, 16))
    fs2, t2 = _tc_call(feat, alpha_hidden, W_fc, q0, q1, W1,
                       w2p, b1.reshape(1, F), b2r)
    fstack = fs2.reshape(2 * N, 128)
    tstack = t2.reshape(2 * N, 16)

    src = edge_index[0]
    dst = edge_index[1]
    rst_flat, alpha = _make_sc()(fstack, tstack, src, dst, bias)
    return (rst_flat.reshape(N, H, F), alpha.reshape(E, 1, 1))

# --- scband reference (transcript-rebuilt; emitter-appended) ---
"""Pipeline reference for scband-hero-gatconv-72739566125588 (READ-ONLY COPY).

The authoritative reference and input builder live on the scoring server;
editing this copy changes nothing except your own understanding.
"""

import jax, jax.numpy as jnp
import numpy as np

N = 10000
E = 320000
IN = 128
ALP = 128
H = 8
F = 32
H2 = H // 2


def leaky_relu(x):
    return jnp.where(x >= 0, x, 0.2 * x)


def elu(x):
    return jnp.where(x > 0, x, jnp.expm1(x))


def edge_softmax(e, dst, n):
    # softmax over incoming edges of each destination node
    m = jax.ops.segment_max(e, dst, num_segments=n)
    ex = jnp.exp(e - m[dst])
    s = jax.ops.segment_sum(ex, dst, num_segments=n)
    return ex / s[dst]


def setup_inputs(seed: int = 0) -> dict:
    key = jax.random.key(seed)
    ks = jax.random.split(key, 12)
    feat = jax.random.normal(ks[0], (N, IN), dtype=jnp.float32)
    alpha_hidden = jax.random.normal(ks[1], (N, ALP), dtype=jnp.float32)
    edge_index = jax.random.randint(ks[2], (2, E), 0, N, dtype=jnp.int32)
    W_fc = jax.random.normal(ks[3], (H * F, IN), dtype=jnp.float32) * 0.05
    attn_l = jax.random.normal(ks[4], (1, H2, F), dtype=jnp.float32) * 0.1
    attn_r = jax.random.normal(ks[5], (1, H2, F), dtype=jnp.float32) * 0.1
    attn_ln = jax.random.normal(ks[6], (1, H2, F), dtype=jnp.float32) * 0.1
    attn_rn = jax.random.normal(ks[7], (1, H2, F), dtype=jnp.float32) * 0.1
    bias = jnp.zeros((H * F,), dtype=jnp.float32)
    W1 = jax.random.normal(ks[8], (F, ALP), dtype=jnp.float32) * 0.05
    b1 = jnp.zeros((F,), dtype=jnp.float32)
    W2 = jax.random.normal(ks[9], (1, F), dtype=jnp.float32) * 0.1
    b2 = jnp.zeros((1,), dtype=jnp.float32)
    return {"feat": feat, "alpha_hidden": alpha_hidden, "edge_index": edge_index,
            "W_fc": W_fc, "attn_l": attn_l, "attn_r": attn_r, "attn_ln": attn_ln,
            "attn_rn": attn_rn, "bias": bias, "W1": W1, "b1": b1, "W2": W2, "b2": b2}


def reference(feat, alpha_hidden, edge_index, W_fc, attn_l, attn_r, attn_ln, attn_rn, bias, W1, b1, W2, b2):
    src = edge_index[0]
    dst = edge_index[1]
    # fc projection (dropout is identity in eval mode)
    feat_src = (feat @ W_fc.T).reshape(N, H, F)
    el = jnp.sum(feat_src[:, :H2] * attn_l, axis=-1, keepdims=True)   # [N,H2,1]
    er = jnp.sum(feat_src[:, :H2] * attn_r, axis=-1, keepdims=True)
    eln = jnp.sum(feat_src[:, H2:] * attn_ln, axis=-1, keepdims=True)
    ern = jnp.sum(feat_src[:, H2:] * attn_rn, axis=-1, keepdims=True)
    # alp MLP: Dropout(identity) -> Linear -> ELU -> Linear -> Sigmoid
    h1 = elu(alpha_hidden @ W1.T + b1)
    ftp = jax.nn.sigmoid(h1 @ W2.T + b2)                              # [N,1]
    # edge-level quantities (u_add_v gathers)
    e = leaky_relu(el[src] + er[dst])                                  # [E,H2,1]
    en = leaky_relu(eln[src] + ern[dst])
    fte = ftp[src] + ftp[dst]                                          # [E,1]
    alpha = jax.nn.sigmoid(fte[:, :, None])                            # [E,1,1]
    a = edge_softmax(e, dst, N) * alpha
    an = edge_softmax(-en, dst, N) * (1.0 - alpha)
    # message passing: u_mul_e then segment-sum over dst
    ft = jax.ops.segment_sum(feat_src[src, :H2] * a, dst, num_segments=N)
    ftn = jax.ops.segment_sum(feat_src[src, H2:] * an, dst, num_segments=N)
    rst = jnp.concatenate([ft, ftn], axis=1) + bias.reshape(1, H, F)
    return (rst, alpha)

if __name__ == "__main__":
    import jax
    _d = setup_inputs()
    print(jax.jit(kernel)(*tuple(_d.values())))

</pallas_src>

<mosaic_0001>
#map = affine_map<(d0, d1) -> (0, 0)>
#map1 = affine_map<(d0, d1) -> (0)>
module attributes {stable_mosaic.version = 14 : i64} {
  func.func @_sc_body(%arg0: i32, %arg1: i32, %arg2: memref<20000x128xbf16, #tpu.memory_space<hbm>>, %arg3: memref<20000x16xf32, #tpu.memory_space<hbm>>, %arg4: memref<320000xi32, #tpu.memory_space<hbm>>, %arg5: memref<320000xi32, #tpu.memory_space<hbm>>, %arg6: memref<256xf32, #tpu.memory_space<hbm>>, %arg7: memref<10000x256xf32, #tpu.memory_space<hbm>>, %arg8: memref<320000xf32, #tpu.memory_space<hbm>>, %arg9: memref<2x80xf32, #tpu.memory_space<vmem>>, %arg10: memref<128xf32, #tpu.memory_space<vmem>>, %arg11: memref<2x80x128xbf16, #tpu.memory_space<vmem>>, %arg12: memref<2x80xi32, #tpu.memory_space<vmem>>, %arg13: memref<2x80xi32, #tpu.memory_space<vmem>>, %arg14: memref<2x80xi32, #tpu.memory_space<vmem>>, %arg15: memref<2x80xi32, #tpu.memory_space<vmem>>, %arg16: memref<!tpu.dma_semaphore, #tpu.memory_space<semaphore_mem>>, %arg17: memref<!tpu.dma_semaphore, #tpu.memory_space<semaphore_mem>>, %arg18: memref<!tpu.dma_semaphore, #tpu.memory_space<semaphore_mem>>, %arg19: memref<!tpu.dma_semaphore, #tpu.memory_space<semaphore_mem>>, %arg20: memref<!tpu.dma_semaphore, #tpu.memory_space<semaphore_mem>>, %arg21: memref<!tpu.dma_semaphore, #tpu.memory_space<semaphore_mem>>, %arg22: memref<!tpu.dma_semaphore, #tpu.memory_space<semaphore_mem>>, %arg23: memref<!tpu.dma_semaphore, #tpu.memory_space<semaphore_mem>>, %arg24: memref<!tpu.dma_semaphore, #tpu.memory_space<semaphore_mem>>, %arg25: memref<!tpu.dma_semaphore, #tpu.memory_space<semaphore_mem>>, %arg26: memref<2x80x136xf32, #tpu.memory_space<vmem>>, %arg27: memref<2x80x16xf32, #tpu.memory_space<vmem>>, %arg28: memref<2x80x16xf32, #tpu.memory_space<vmem>>, %arg29: memref<10000x136xf32, #tpu.memory_space<vmem_shared>>, %arg30: memref<80x16xf32, #tpu.memory_space<vmem>>) attributes {dimension_semantics = [#tpu.dimension_semantics<core_parallel>, #tpu.dimension_semantics<subcore_parallel>], iteration_bounds = array<i64: 2, 16>, scalar_prefetch = 0 : i64, scratch_operands = 22 : i64, tpu.core_type = #tpu.core_type<sc_vector_subcore>, window_params = [{transform_indices = #map}, {transform_indices = #map}, {transform_indices = #map1}, {transform_indices = #map1}, {transform_indices = #map1}, {transform_indices = #map}, {transform_indices = #map1}]} {
    %mul3A = arith.constant 10000 : i32
    %mul3A_0 = arith.muli %arg0, %mul3A : i32
    %convert_element_type3A = arith.sitofp %arg0 : i32 to f32
    %mul3A_1 = arith.constant 2.000000e+00 : f32
    %mul3A_2 = arith.mulf %mul3A_1, %convert_element_type3A : f32
    %sub3A = arith.constant 1.000000e+00 : f32
    %sub3A_3 = arith.subf %sub3A, %mul3A_2 : f32
    %broadcast_in_dim3A = arith.constant 0.000000e+00 : f32
    %broadcast_in_dim3A_4 = vector.broadcast %broadcast_in_dim3A : f32 to vector<16xf32>
    %iota3A = tpu.iota {dimensions = array<i32: 0>} : vector<16xi32>
    %scan3A = arith.constant 0 : i32
    %scan3A_5 = arith.constant 0 : i32
    %scan3A_6 = arith.constant 80 : i32
    %scan3A_7 = arith.addi %scan3A_5, %scan3A_6 : i32
    %scan3A_8 = arith.constant 1 : i32
    %scan3A_9 = scf.for %scan3A_87 = %scan3A_5 to %scan3A_7 step %scan3A_8 iter_args(%scan3A_88 = %scan3A) -> (i32)  : i32 {
      %swap3A = arith.constant 0 : i32
      %swap3A_89 = arith.index_cast %swap3A : i32 to index
      %swap3A_90 = arith.index_cast %scan3A_87 : i32 to index
      %swap3A_91 = arith.constant 0 : index
      %swap3A_92 = tpu.vector_load %arg26[%swap3A_89, %swap3A_90, %swap3A_91] {strides = array<i32>} : memref<2x80x136xf32, #tpu.memory_space<vmem>>, vector<16xf32>,
      tpu.vector_store %arg26[%swap3A_89, %swap3A_90, %swap3A_91], %broadcast_in_dim3A_4 {strides = array<i32>} : memref<2x80x136xf32, #tpu.memory_space<vmem>>, vector<16xf32>,
      %swap3A_93 = arith.constant 0 : i32
      %swap3A_94 = arith.index_cast %swap3A_93 : i32 to index
      %swap3A_95 = arith.index_cast %scan3A_87 : i32 to index
      %swap3A_96 = arith.constant 16 : index
      %swap3A_97 = tpu.vector_load %arg26[%swap3A_94, %swap3A_95, %swap3A_96] {strides = array<i32>} : memref<2x80x136xf32, #tpu.memory_space<vmem>>, vector<16xf32>,
      tpu.vector_store %arg26[%swap3A_94, %swap3A_95, %swap3A_96], %broadcast_in_dim3A_4 {strides = array<i32>} : memref<2x80x136xf32, #tpu.memory_space<vmem>>, vector<16xf32>,
      %swap3A_98 = arith.constant 0 : i32
      %swap3A_99 = arith.index_cast %swap3A_98 : i32 to index
      %swap3A_100 = arith.index_cast %scan3A_87 : i32 to index
      %swap3A_101 = arith.constant 32 : index
      %swap3A_102 = tpu.vector_load %arg26[%swap3A_99, %swap3A_100, %swap3A_101] {strides = array<i32>} : memref<2x80x136xf32, #tpu.memory_space<vmem>>, vector<16xf32>,
      tpu.vector_store %arg26[%swap3A_99, %swap3A_100, %swap3A_101], %broadcast_in_dim3A_4 {strides = array<i32>} : memref<2x80x136xf32, #tpu.memory_space<vmem>>, vector<16xf32>,
      %swap3A_103 = arith.constant 0 : i32
      %swap3A_104 = arith.index_cast %swap3A_103 : i32 to index
      %swap3A_105 = arith.index_cast %scan3A_87 : i32 to index
      %swap3A_106 = arith.constant 48 : index
      %swap3A_107 = tpu.vector_load %arg26[%swap3A_104, %swap3A_105, %swap3A_106] {strides = array<i32>} : memref<2x80x136xf32, #tpu.memory_space<vmem>>, vector<16xf32>,
      tpu.vector_store %arg26[%swap3A_104, %swap3A_105, %swap3A_106], %broadcast_in_dim3A_4 {strides = array<i32>} : memref<2x80x136xf32, #tpu.memory_space<vmem>>, vector<16xf32>,
      %swap3A_108 = arith.constant 0 : i32
      %swap3A_109 = arith.index_cast %swap3A_108 : i32 to index
      %swap3A_110 = arith.index_cast %scan3A_87 : i32 to index
      %swap3A_111 = arith.constant 64 : index
      %swap3A_112 = tpu.vector_load %arg26[%swap3A_109, %swap3A_110, %swap3A_111] {strides = array<i32>} : memref<2x80x136xf32, #tpu.memory_space<vmem>>, vector<16xf32>,
      tpu.vector_store %arg26[%swap3A_109, %swap3A_110, %swap3A_111], %broadcast_in_dim3A_4 {strides = array<i32>} : memref<2x80x136xf32, #tpu.memory_space<vmem>>, vector<16xf32>,
      %swap3A_113 = arith.constant 0 : i32
      %swap3A_114 = arith.index_cast %swap3A_113 : i32 to index
      %swap3A_115 = arith.index_cast %scan3A_87 : i32 to index
      %swap3A_116 = arith.constant 80 : index
      %swap3A_117 = tpu.vector_load %arg26[%swap3A_114, %swap3A_115, %swap3A_116] {strides = array<i32>} : memref<2x80x136xf32, #tpu.memory_space<vmem>>, vector<16xf32>,
      tpu.vector_store %arg26[%swap3A_114, %swap3A_115, %swap3A_116], %broadcast_in_dim3A_4 {strides = array<i32>} : memref<2x80x136xf32, #tpu.memory_space<vmem>>, vector<16xf32>,
      %swap3A_118 = arith.constant 0 : i32
      %swap3A_119 = arith.index_cast %swap3A_118 : i32 to index
      %swap3A_120 = arith.index_cast %scan3A_87 : i32 to index
      %swap3A_121 = arith.constant 96 : index
      %swap3A_122 = tpu.vector_load %arg26[%swap3A_119, %swap3A_120, %swap3A_121] {strides = array<i32>} : memref<2x80x136xf32, #tpu.memory_space<vmem>>, vector<16xf32>,
      tpu.vector_store %arg26[%swap3A_119, %swap3A_120, %swap3A_121], %broadcast_in_dim3A_4 {strides = array<i32>} : memref<2x80x136xf32, #tpu.memory_space<vmem>>, vector<16xf32>,
      %swap3A_123 = arith.constant 0 : i32
      %swap3A_124 = arith.index_cast %swap3A_123 : i32 to index
      %swap3A_125 = arith.index_cast %scan3A_87 : i32 to index
      %swap3A_126 = arith.constant 112 : index
      %swap3A_127 = tpu.vector_load %arg26[%swap3A_124, %swap3A_125, %swap3A_126] {strides = array<i32>} : memref<2x80x136xf32, #tpu.memory_space<vmem>>, vector<16xf32>,
      tpu.vector_store %arg26[%swap3A_124, %swap3A_125, %swap3A_126], %broadcast_in_dim3A_4 {strides = array<i32>} : memref<2x80x136xf32, #tpu.memory_space<vmem>>, vector<16xf32>,
      %swap3A_128 = arith.constant 0 : i32
      %swap3A_129 = arith.index_cast %swap3A_128 : i32 to index
      %swap3A_130 = arith.index_cast %scan3A_87 : i32 to index
      %swap3A_131 = arith.constant 120 : index
      %swap3A_132 = tpu.vector_load %arg26[%swap3A_129, %swap3A_130, %swap3A_131] {strides = array<i32>} : memref<2x80x136xf32, #tpu.memory_space<vmem>>, vector<16xf32>,
      tpu.vector_store %arg26[%swap3A_129, %swap3A_130, %swap3A_131], %broadcast_in_dim3A_4 {strides = array<i32>} : memref<2x80x136xf32, #tpu.memory_space<vmem>>, vector<16xf32>,
      %swap3A_133 = arith.constant 1 : i32
      %swap3A_134 = arith.index_cast %swap3A_133 : i32 to index
      %swap3A_135 = arith.index_cast %scan3A_87 : i32 to index
      %swap3A_136 = arith.constant 0 : index
      %swap3A_137 = tpu.vector_load %arg26[%swap3A_134, %swap3A_135, %swap3A_136] {strides = array<i32>} : memref<2x80x136xf32, #tpu.memory_space<vmem>>, vector<16xf32>,
      tpu.vector_store %arg26[%swap3A_134, %swap3A_135, %swap3A_136], %broadcast_in_dim3A_4 {strides = array<i32>} : memref<2x80x136xf32, #tpu.memory_space<vmem>>, vector<16xf32>,
      %swap3A_138 = arith.constant 1 : i32
      %swap3A_139 = arith.index_cast %swap3A_138 : i32 to index
      %swap3A_140 = arith.index_cast %scan3A_87 : i32 to index
      %swap3A_141 = arith.constant 16 : index
      %swap3A_142 = tpu.vector_load %arg26[%swap3A_139, %swap3A_140, %swap3A_141] {strides = array<i32>} : memref<2x80x136xf32, #tpu.memory_space<vmem>>, vector<16xf32>,
      tpu.vector_store %arg26[%swap3A_139, %swap3A_140, %swap3A_141], %broadcast_in_dim3A_4 {strides = array<i32>} : memref<2x80x136xf32, #tpu.memory_space<vmem>>, vector<16xf32>,
      %swap3A_143 = arith.constant 1 : i32
      %swap3A_144 = arith.index_cast %swap3A_143 : i32 to index
      %swap3A_145 = arith.index_cast %scan3A_87 : i32 to index
      %swap3A_146 = arith.constant 32 : index
      %swap3A_147 = tpu.vector_load %arg26[%swap3A_144, %swap3A_145, %swap3A_146] {strides = array<i32>} : memref<2x80x136xf32, #tpu.memory_space<vmem>>, vector<16xf32>,
      tpu.vector_store %arg26[%swap3A_144, %swap3A_145, %swap3A_146], %broadcast_in_dim3A_4 {strides = array<i32>} : memref<2x80x136xf32, #tpu.memory_space<vmem>>, vector<16xf32>,
      %swap3A_148 = arith.constant 1 : i32
      %swap3A_149 = arith.index_cast %swap3A_148 : i32 to index
      %swap3A_150 = arith.index_cast %scan3A_87 : i32 to index
      %swap3A_151 = arith.constant 48 : index
      %swap3A_152 = tpu.vector_load %arg26[%swap3A_149, %swap3A_150, %swap3A_151] {strides = array<i32>} : memref<2x80x136xf32, #tpu.memory_space<vmem>>, vector<16xf32>,
      tpu.vector_store %arg26[%swap3A_149, %swap3A_150, %swap3A_151], %broadcast_in_dim3A_4 {strides = array<i32>} : memref<2x80x136xf32, #tpu.memory_space<vmem>>, vector<16xf32>,
      %swap3A_153 = arith.constant 1 : i32
      %swap3A_154 = arith.index_cast %swap3A_153 : i32 to index
      %swap3A_155 = arith.index_cast %scan3A_87 : i32 to index
      %swap3A_156 = arith.constant 64 : index
      %swap3A_157 = tpu.vector_load %arg26[%swap3A_154, %swap3A_155, %swap3A_156] {strides = array<i32>} : memref<2x80x136xf32, #tpu.memory_space<vmem>>, vector<16xf32>,
      tpu.vector_store %arg26[%swap3A_154, %swap3A_155, %swap3A_156], %broadcast_in_dim3A_4 {strides = array<i32>} : memref<2x80x136xf32, #tpu.memory_space<vmem>>, vector<16xf32>,
      %swap3A_158 = arith.constant 1 : i32
      %swap3A_159 = arith.index_cast %swap3A_158 : i32 to index
      %swap3A_160 = arith.index_cast %scan3A_87 : i32 to index
      %swap3A_161 = arith.constant 80 : index
      %swap3A_162 = tpu.vector_load %arg26[%swap3A_159, %swap3A_160, %swap3A_161] {strides = array<i32>} : memref<2x80x136xf32, #tpu.memory_space<vmem>>, vector<16xf32>,
      tpu.vector_store %arg26[%swap3A_159, %swap3A_160, %swap3A_161], %broadcast_in_dim3A_4 {strides = array<i32>} : memref<2x80x136xf32, #tpu.memory_space<vmem>>, vector<16xf32>,
      %swap3A_163 = arith.constant 1 : i32
      %swap3A_164 = arith.index_cast %swap3A_163 : i32 to index
      %swap3A_165 = arith.index_cast %scan3A_87 : i32 to index
      %swap3A_166 = arith.constant 96 : index
      %swap3A_167 = tpu.vector_load %arg26[%swap3A_164, %swap3A_165, %swap3A_166] {strides = array<i32>} : memref<2x80x136xf32, #tpu.memory_space<vmem>>, vector<16xf32>,
      tpu.vector_store %arg26[%swap3A_164, %swap3A_165, %swap3A_166], %broadcast_in_dim3A_4 {strides = array<i32>} : memref<2x80x136xf32, #tpu.memory_space<vmem>>, vector<16xf32>,
      %swap3A_168 = arith.constant 1 : i32
      %swap3A_169 = arith.index_cast %swap3A_168 : i32 to index
      %swap3A_170 = arith.index_cast %scan3A_87 : i32 to index
      %swap3A_171 = arith.constant 112 : index
      %swap3A_172 = tpu.vector_load %arg26[%swap3A_169, %swap3A_170, %swap3A_171] {strides = array<i32>} : memref<2x80x136xf32, #tpu.memory_space<vmem>>, vector<16xf32>,
      tpu.vector_store %arg26[%swap3A_169, %swap3A_170, %swap3A_171], %broadcast_in_dim3A_4 {strides = array<i32>} : memref<2x80x136xf32, #tpu.memory_space<vmem>>, vector<16xf32>,
      %swap3A_173 = arith.constant 1 : i32
      %swap3A_174 = arith.index_cast %swap3A_173 : i32 to index
      %swap3A_175 = arith.index_cast %scan3A_87 : i32 to index
      %swap3A_176 = arith.constant 120 : index
      %swap3A_177 = tpu.vector_load %arg26[%swap3A_174, %swap3A_175, %swap3A_176] {strides = array<i32>} : memref<2x80x136xf32, #tpu.memory_space<vmem>>, vector<16xf32>,
      tpu.vector_store %arg26[%swap3A_174, %swap3A_175, %swap3A_176], %broadcast_in_dim3A_4 {strides = array<i32>} : memref<2x80x136xf32, #tpu.memory_space<vmem>>, vector<16xf32>,
      %scan3A_178 = arith.constant 0 : i32
      scf.yield %scan3A_178 : i32
    }
    %scan3A_10 = arith.constant 80 : i32
    %lt3A = arith.constant 8 : i32
    %lt3A_11 = arith.cmpi slt, %arg1, %lt3A : i32
    %jit3A = arith.constant 13 : i32
    %jit3A_12 = arith.constant 12 : i32
    %select_n3A = arith.select %lt3A_11, %jit3A, %jit3A_12 : i32
    %while3A = arith.constant 0 : i32
    %while3A_13 = arith.constant 0 : i32
    %while3A_14 = arith.subi %select_n3A, %while3A : i32
    %while3A_15 = arith.addi %while3A, %while3A_14 : i32
    %while3A_16 = arith.constant 1 : i32
    %while3A_17 = arith.divsi %while3A_14, %while3A_16 : i32
    %while3A_18 = arith.muli %while3A_17, %while3A_16 : i32
    %while3A_19 = arith.addi %while3A, %while3A_18 : i32
    %while3A_20 = arith.constant 1 : i32
    %while3A_21 = scf.for %while3A_87 = %while3A to %while3A_19 step %while3A_20 iter_args(%while3A_88 = %while3A_13) -> (i32)  : i32 {
      %mul3A_89 = arith.constant 16 : i32
      %mul3A_90 = arith.muli %while3A_87, %mul3A_89 : i32
      %add3A_91 = arith.addi %arg1, %mul3A_90 : i32
      %mul3A_92 = arith.constant 50 : i32
      %mul3A_93 = arith.muli %add3A_91, %mul3A_92 : i32
      %run_scoped3A = arith.constant 0 : i32
      "tpu.region"() ({
        %run_scoped3A_95 = tpu.sem_alloc : memref<!tpu.dma_semaphore, #tpu.memory_space<semaphore_mem>>
        %dma_start3A_96 = arith.constant 0 : i32
        %dma_start3A_97 = arith.constant 0 : i32
        %dma_start3A_98 = tpu.memref_slice %arg26[%run_scoped3A, %dma_start3A_96, %dma_start3A_97] : memref<2x80x136xf32, #tpu.memory_space<vmem>> -> memref<1x50x136xf32, #tpu.memory_space<vmem>>
        %dma_start3A_99 = tpu.memref_squeeze %dma_start3A_98 : memref<1x50x136xf32, #tpu.memory_space<vmem>> -> memref<50x136xf32, #tpu.memory_space<vmem>>
        %dma_start3A_100 = arith.constant 0 : i32
        %dma_start3A_101 = tpu.memref_slice %arg29[%mul3A_93, %dma_start3A_100] : memref<10000x136xf32, #tpu.memory_space<vmem_shared>> -> memref<50x136xf32, #tpu.memory_space<vmem_shared>>
        %dma_start3A_102 = arith.constant 0 : i32
        %dma_start3A_103 = tpu.memref_slice %arg29[%mul3A_93, %dma_start3A_102] : memref<10000x136xf32, #tpu.memory_space<vmem_shared>> -> memref<50x136xf32, #tpu.memory_space<vmem_shared>>
        %dma_start3A_104 = arith.constant 0 : i32
        %dma_start3A_105 = arith.constant 0 : i32
        %dma_start3A_106 = tpu.memref_slice %arg26[%run_scoped3A, %dma_start3A_104, %dma_start3A_105] : memref<2x80x136xf32, #tpu.memory_space<vmem>> -> memref<1x50x136xf32, #tpu.memory_space<vmem>>
        %dma_start3A_107 = tpu.memref_squeeze %dma_start3A_106 : memref<1x50x136xf32, #tpu.memory_space<vmem>> -> memref<50x136xf32, #tpu.memory_space<vmem>>
        tpu.enqueue_dma source(%dma_start3A_107 : memref<50x136xf32, #tpu.memory_space<vmem>>) target(%dma_start3A_103 : memref<50x136xf32, #tpu.memory_space<vmem_shared>>) target_semaphore(%run_scoped3A_95 : memref<!tpu.dma_semaphore, #tpu.memory_space<semaphore_mem>>)
        %dma_wait3A = arith.constant 0 : i32
        %dma_wait3A_108 = arith.constant 0 : i32
        %dma_wait3A_109 = tpu.memref_slice %arg26[%run_scoped3A, %dma_wait3A, %dma_wait3A_108] : memref<2x80x136xf32, #tpu.memory_space<vmem>> -> memref<1x50x136xf32, #tpu.memory_space<vmem>>
        %dma_wait3A_110 = tpu.memref_squeeze %dma_wait3A_109 : memref<1x50x136xf32, #tpu.memory_space<vmem>> -> memref<50x136xf32, #tpu.memory_space<vmem>>
        %dma_wait3A_111 = arith.constant 0 : i32
        %dma_wait3A_112 = tpu.memref_slice %arg29[%mul3A_93, %dma_wait3A_111] : memref<10000x136xf32, #tpu.memory_space<vmem_shared>> -> memref<50x136xf32, #tpu.memory_space<vmem_shared>>
        %dma_wait3A_113 = arith.constant 0 : i32
        %dma_wait3A_114 = tpu.memref_slice %arg29[%mul3A_93, %dma_wait3A_113] : memref<10000x136xf32, #tpu.memory_space<vmem_shared>> -> memref<50x136xf32, #tpu.memory_space<vmem_shared>>
        %dma_wait3A_115 = arith.constant 0 : i32
        %dma_wait3A_116 = arith.constant 0 : i32
        %dma_wait3A_117 = tpu.memref_slice %arg26[%run_scoped3A, %dma_wait3A_115, %dma_wait3A_116] : memref<2x80x136xf32, #tpu.memory_space<vmem>> -> memref<1x50x136xf32, #tpu.memory_space<vmem>>
        %dma_wait3A_118 = tpu.memref_squeeze %dma_wait3A_117 : memref<1x50x136xf32, #tpu.memory_space<vmem>> -> memref<50x136xf32, #tpu.memory_space<vmem>>
        tpu.wait_dma2 semaphore(%run_scoped3A_95 : memref<!tpu.dma_semaphore, #tpu.memory_space<semaphore_mem>>) src(%dma_wait3A_118 : memref<50x136xf32, #tpu.memory_space<vmem>>) dst(%dma_wait3A_114 : memref<50x136xf32, #tpu.memory_space<vmem_shared>>)
        tpu.yield
      }) : () -> ()
      %while3A_94 = arith.constant 0 : i32
      scf.yield %while3A_94 : i32
    }
    %while3A_22 = arith.constant 1 : i32
    %while3A_23 = scf.for %while3A_87 = %while3A_19 to %while3A_15 step %while3A_22 iter_args(%while3A_88 = %while3A_21) -> (i32)  : i32 {
      %mul3A_89 = arith.constant 16 : i32
      %mul3A_90 = arith.muli %while3A_87, %mul3A_89 : i32
      %add3A_91 = arith.addi %arg1, %mul3A_90 : i32
      %mul3A_92 = arith.constant 50 : i32
      %mul3A_93 = arith.muli %add3A_91, %mul3A_92 : i32
      %run_scoped3A = arith.constant 0 : i32
      "tpu.region"() ({
        %run_scoped3A_95 = tpu.sem_alloc : memref<!tpu.dma_semaphore, #tpu.memory_space<semaphore_mem>>
        %dma_start3A_96 = arith.constant 0 : i32
        %dma_start3A_97 = arith.constant 0 : i32
        %dma_start3A_98 = tpu.memref_slice %arg26[%run_scoped3A, %dma_start3A_96, %dma_start3A_97] : memref<2x80x136xf32, #tpu.memory_space<vmem>> -> memref<1x50x136xf32, #tpu.memory_space<vmem>>
        %dma_start3A_99 = tpu.memref_squeeze %dma_start3A_98 : memref<1x50x136xf32, #tpu.memory_space<vmem>> -> memref<50x136xf32, #tpu.memory_space<vmem>>
        %dma_start3A_100 = arith.constant 0 : i32
        %dma_start3A_101 = tpu.memref_slice %arg29[%mul3A_93, %dma_start3A_100] : memref<10000x136xf32, #tpu.memory_space<vmem_shared>> -> memref<50x136xf32, #tpu.memory_space<vmem_shared>>
        %dma_start3A_102 = arith.constant 0 : i32
        %dma_start3A_103 = tpu.memref_slice %arg29[%mul3A_93, %dma_start3A_102] : memref<10000x136xf32, #tpu.memory_space<vmem_shared>> -> memref<50x136xf32, #tpu.memory_space<vmem_shared>>
        %dma_start3A_104 = arith.constant 0 : i32
        %dma_start3A_105 = arith.constant 0 : i32
        %dma_start3A_106 = tpu.memref_slice %arg26[%run_scoped3A, %dma_start3A_104, %dma_start3A_105] : memref<2x80x136xf32, #tpu.memory_space<vmem>> -> memref<1x50x136xf32, #tpu.memory_space<vmem>>
        %dma_start3A_107 = tpu.memref_squeeze %dma_start3A_106 : memref<1x50x136xf32, #tpu.memory_space<vmem>> -> memref<50x136xf32, #tpu.memory_space<vmem>>
        tpu.enqueue_dma source(%dma_start3A_107 : memref<50x136xf32, #tpu.memory_space<vmem>>) target(%dma_start3A_103 : memref<50x136xf32, #tpu.memory_space<vmem_shared>>) target_semaphore(%run_scoped3A_95 : memref<!tpu.dma_semaphore, #tpu.memory_space<semaphore_mem>>)
        %dma_wait3A = arith.constant 0 : i32
        %dma_wait3A_108 = arith.constant 0 : i32
        %dma_wait3A_109 = tpu.memref_slice %arg26[%run_scoped3A, %dma_wait3A, %dma_wait3A_108] : memref<2x80x136xf32, #tpu.memory_space<vmem>> -> memref<1x50x136xf32, #tpu.memory_space<vmem>>
        %dma_wait3A_110 = tpu.memref_squeeze %dma_wait3A_109 : memref<1x50x136xf32, #tpu.memory_space<vmem>> -> memref<50x136xf32, #tpu.memory_space<vmem>>
        %dma_wait3A_111 = arith.constant 0 : i32
        %dma_wait3A_112 = tpu.memref_slice %arg29[%mul3A_93, %dma_wait3A_111] : memref<10000x136xf32, #tpu.memory_space<vmem_shared>> -> memref<50x136xf32, #tpu.memory_space<vmem_shared>>
        %dma_wait3A_113 = arith.constant 0 : i32
        %dma_wait3A_114 = tpu.memref_slice %arg29[%mul3A_93, %dma_wait3A_113] : memref<10000x136xf32, #tpu.memory_space<vmem_shared>> -> memref<50x136xf32, #tpu.memory_space<vmem_shared>>
        %dma_wait3A_115 = arith.constant 0 : i32
        %dma_wait3A_116 = arith.constant 0 : i32
        %dma_wait3A_117 = tpu.memref_slice %arg26[%run_scoped3A, %dma_wait3A_115, %dma_wait3A_116] : memref<2x80x136xf32, #tpu.memory_space<vmem>> -> memref<1x50x136xf32, #tpu.memory_space<vmem>>
        %dma_wait3A_118 = tpu.memref_squeeze %dma_wait3A_117 : memref<1x50x136xf32, #tpu.memory_space<vmem>> -> memref<50x136xf32, #tpu.memory_space<vmem>>
        tpu.wait_dma2 semaphore(%run_scoped3A_95 : memref<!tpu.dma_semaphore, #tpu.memory_space<semaphore_mem>>) src(%dma_wait3A_118 : memref<50x136xf32, #tpu.memory_space<vmem>>) dst(%dma_wait3A_114 : memref<50x136xf32, #tpu.memory_space<vmem_shared>>)
        tpu.yield
      }) : () -> ()
      %while3A_94 = arith.constant 0 : i32
      scf.yield %while3A_94 : i32
    }
    %mul3A_24 = arith.constant 128 : i32
    %mul3A_25 = arith.muli %arg0, %mul3A_24 : i32
    "tpu.region"() ({
      %run_scoped3A = tpu.sem_alloc : memref<!tpu.dma_semaphore, #tpu.memory_space<semaphore_mem>>
      %dma_start3A_87 = tpu.memref_slice %arg6[%mul3A_25] : memref<256xf32, #tpu.memory_space<hbm>> -> memref<128xf32, #tpu.memory_space<hbm>>
      %dma_start3A_88 = tpu.memref_slice %arg6[%mul3A_25] : memref<256xf32, #tpu.memory_space<hbm>> -> memref<128xf32, #tpu.memory_space<hbm>>
      tpu.enqueue_dma source(%dma_start3A_88 : memref<128xf32, #tpu.memory_space<hbm>>) target(%arg10 : memref<128xf32, #tpu.memory_space<vmem>>) target_semaphore(%run_scoped3A : memref<!tpu.dma_semaphore, #tpu.memory_space<semaphore_mem>>)
      %dma_wait3A = tpu.memref_slice %arg6[%mul3A_25] : memref<256xf32, #tpu.memory_space<hbm>> -> memref<128xf32, #tpu.memory_space<hbm>>
      %dma_wait3A_89 = tpu.memref_slice %arg6[%mul3A_25] : memref<256xf32, #tpu.memory_space<hbm>> -> memref<128xf32, #tpu.memory_space<hbm>>
      tpu.wait_dma2 semaphore(%run_scoped3A : memref<!tpu.dma_semaphore, #tpu.memory_space<semaphore_mem>>) src(%dma_wait3A_89 : memref<128xf32, #tpu.memory_space<hbm>>) dst(%arg10 : memref<128xf32, #tpu.memory_space<vmem>>)
      tpu.yield
    }) : () -> ()
    %barrier3A = arith.constant 0 : index
    tpu.barrier barrier_id(%barrier3A)
    %add3A = arith.constant 0 : i32
    %add3A_26 = arith.addi %arg1, %add3A : i32
    %mul3A_27 = arith.constant 80 : i32
    %mul3A_28 = arith.muli %add3A_26, %mul3A_27 : i32
    %dma_start3A = arith.constant 0 : i32
    %dma_start3A_29 = arith.constant 0 : i32
    %dma_start3A_30 = tpu.memref_slice %arg14[%dma_start3A, %dma_start3A_29] : memref<2x80xi32, #tpu.memory_space<vmem>> -> memref<1x80xi32, #tpu.memory_space<vmem>>
    %dma_start3A_31 = tpu.memref_squeeze %dma_start3A_30 : memref<1x80xi32, #tpu.memory_space<vmem>> -> memref<80xi32, #tpu.memory_space<vmem>>
    %dma_start3A_32 = tpu.memref_slice %arg4[%mul3A_28] : memref<320000xi32, #tpu.memory_space<hbm>> -> memref<80xi32, #tpu.memory_space<hbm>>
    %dma_start3A_33 = arith.constant 0 : i32
    %dma_start3A_34 = tpu.memref_slice %arg14[%dma_start3A, %dma_start3A_33] : memref<2x80xi32, #tpu.memory_space<vmem>> -> memref<1x80xi32, #tpu.memory_space<vmem>>
    %dma_start3A_35 = tpu.memref_squeeze %dma_start3A_34 : memref<1x80xi32, #tpu.memory_space<vmem>> -> memref<80xi32, #tpu.memory_space<vmem>>
    %dma_start3A_36 = tpu.memref_slice %arg4[%mul3A_28] : memref<320000xi32, #tpu.memory_space<hbm>> -> memref<80xi32, #tpu.memory_space<hbm>>
    tpu.enqueue_dma source(%dma_start3A_36 : memref<80xi32, #tpu.memory_space<hbm>>) target(%dma_start3A_35 : memref<80xi32, #tpu.memory_space<vmem>>) target_semaphore(%arg22 : memref<!tpu.dma_semaphore, #tpu.memory_space<semaphore_mem>>)
    %dma_start3A_37 = arith.constant 0 : i32
    %dma_start3A_38 = arith.constant 0 : i32
    %dma_start3A_39 = tpu.memref_slice %arg12[%dma_start3A_37, %dma_start3A_38] : memref<2x80xi32, #tpu.memory_space<vmem>> -> memref<1x80xi32, #tpu.memory_space<vmem>>
    %dma_start3A_40 = tpu.memref_squeeze %dma_start3A_39 : memref<1x80xi32, #tpu.memory_space<vmem>> -> memref<80xi32, #tpu.memory_space<vmem>>
    %dma_start3A_41 = tpu.memref_slice %arg5[%mul3A_28] : memref<320000xi32, #tpu.memory_space<hbm>> -> memref<80xi32, #tpu.memory_space<hbm>>
    %dma_start3A_42 = arith.constant 0 : i32
    %dma_start3A_43 = tpu.memref_slice %arg12[%dma_start3A_37, %dma_start3A_42] : memref<2x80xi32, #tpu.memory_space<vmem>> -> memref<1x80xi32, #tpu.memory_space<vmem>>
    %dma_start3A_44 = tpu.memref_squeeze %dma_start3A_43 : memref<1x80xi32, #tpu.memory_space<vmem>> -> memref<80xi32, #tpu.memory_space<vmem>>
    %dma_start3A_45 = tpu.memref_slice %arg5[%mul3A_28] : memref<320000xi32, #tpu.memory_space<hbm>> -> memref<80xi32, #tpu.memory_space<hbm>>
    tpu.enqueue_dma source(%dma_start3A_45 : memref<80xi32, #tpu.memory_space<hbm>>) target(%dma_start3A_44 : memref<80xi32, #tpu.memory_space<vmem>>) target_semaphore(%arg22 : memref<!tpu.dma_semaphore, #tpu.memory_space<semaphore_mem>>)
    %add3A_46 = arith.constant -32 : i32
    %add3A_47 = arith.addi %arg1, %add3A_46 : i32
    %lt3A_48 = arith.constant 4000 : i32
    %lt3A_49 = arith.cmpi slt, %add3A_47, %lt3A_48 : i32
    %and3A = arith.constant false
    %and3A_50 = arith.andi %and3A, %lt3A_49 : i1
    %convert_element_type3A_51 = arith.extui %and3A_50 : i1 to i32
    %cond3A = arith.constant 0 : i32
    %cond3A_52 = arith.cmpi ne, %convert_element_type3A_51, %cond3A : i32
    scf.if %cond3A_52 {
      %dma_wait3A = arith.constant 0 : i32
      %dma_wait3A_87 = arith.constant 0 : i32
      %dma_wait3A_88 = arith.constant 0 : i32
      %dma_wait3A_89 = arith.constant 0 : i32
      %dma_wait3A_90 = tpu.memref_slice %arg26[%dma_wait3A, %dma_wait3A_88, %dma_wait3A_89] : memref<2x80x136xf32, #tpu.memory_space<vmem>> -> memref<1x80x136xf32, #tpu.memory_space<vmem>>
      %dma_wait3A_91 = tpu.memref_squeeze %dma_wait3A_90 : memref<1x80x136xf32, #tpu.memory_space<vmem>> -> memref<80x136xf32, #tpu.memory_space<vmem>>
      %dma_wait3A_92 = arith.constant 0 : i32
      %dma_wait3A_93 = tpu.memref_slice %arg15[%dma_wait3A_87, %dma_wait3A_92] : memref<2x80xi32, #tpu.memory_space<vmem>> -> memref<1x80xi32, #tpu.memory_space<vmem>>
      %dma_wait3A_94 = tpu.memref_squeeze %dma_wait3A_93 : memref<1x80xi32, #tpu.memory_space<vmem>> -> memref<80xi32, #tpu.memory_space<vmem>>
      %dma_wait3A_95 = arith.constant 0 : i32
      %dma_wait3A_96 = arith.constant 0 : i32
      %dma_wait3A_97 = tpu.memref_slice %arg29[%dma_wait3A_95, %dma_wait3A_96] : memref<10000x136xf32, #tpu.memory_space<vmem_shared>> -> memref<10000x136xf32, #tpu.memory_space<vmem_shared>>
      tpu.wait_indirect_dma semaphore(%arg24 : memref<!tpu.dma_semaphore, #tpu.memory_space<semaphore_mem>>) src(%dma_wait3A_91 : memref<80x136xf32, #tpu.memory_space<vmem>>) dst(%dma_wait3A_97 : memref<10000x136xf32, #tpu.memory_space<vmem_shared>>)
      %eq3A = arith.constant 0 : i32
      %eq3A_98 = arith.cmpi eq, %arg0, %eq3A : i32
      %convert_element_type3A_99 = arith.extui %eq3A_98 : i1 to i32
      %cond3A_100 = arith.constant 0 : i32
      %cond3A_101 = arith.cmpi ne, %convert_element_type3A_99, %cond3A_100 : i32
      scf.if %cond3A_101 {
        %add3A_102 = arith.constant -32 : i32
        %add3A_103 = arith.addi %arg1, %add3A_102 : i32
        %mul3A_104 = arith.constant 80 : i32
        %mul3A_105 = arith.muli %add3A_103, %mul3A_104 : i32
        %dma_wait3A_106 = arith.constant 0 : i32
        %dma_wait3A_107 = arith.constant 0 : i32
        %dma_wait3A_108 = tpu.memref_slice %arg9[%dma_wait3A_106, %dma_wait3A_107] : memref<2x80xf32, #tpu.memory_space<vmem>> -> memref<1x80xf32, #tpu.memory_space<vmem>>
        %dma_wait3A_109 = tpu.memref_squeeze %dma_wait3A_108 : memref<1x80xf32, #tpu.memory_space<vmem>> -> memref<80xf32, #tpu.memory_space<vmem>>
        %dma_wait3A_110 = tpu.memref_slice %arg8[%mul3A_105] : memref<320000xf32, #tpu.memory_space<hbm>> -> memref<80xf32, #tpu.memory_space<hbm>>
        %dma_wait3A_111 = tpu.memref_slice %arg8[%mul3A_105] : memref<320000xf32, #tpu.memory_space<hbm>> -> memref<80xf32, #tpu.memory_space<hbm>>
        %dma_wait3A_112 = arith.constant 0 : i32
        %dma_wait3A_113 = tpu.memref_slice %arg9[%dma_wait3A_106, %dma_wait3A_112] : memref<2x80xf32, #tpu.memory_space<vmem>> -> memref<1x80xf32, #tpu.memory_space<vmem>>
        %dma_wait3A_114 = tpu.memref_squeeze %dma_wait3A_113 : memref<1x80xf32, #tpu.memory_space<vmem>> -> memref<80xf32, #tpu.memory_space<vmem>>
        tpu.wait_dma2 semaphore(%arg16 : memref<!tpu.dma_semaphore, #tpu.memory_space<semaphore_mem>>) src(%dma_wait3A_114 : memref<80xf32, #tpu.memory_space<vmem>>) dst(%dma_wait3A_111 : memref<80xf32, #tpu.memory_space<hbm>>)
      } else {
      }
    } else {
    }
    %add3A_53 = arith.constant 0 : i32
    %add3A_54 = arith.addi %arg1, %add3A_53 : i32
    %lt3A_55 = arith.constant 4000 : i32
    %lt3A_56 = arith.cmpi slt, %add3A_54, %lt3A_55 : i32
    %convert_element_type3A_57 = arith.extui %lt3A_56 : i1 to i32
    %cond3A_58 = arith.constant 0 : i32
    %cond3A_59 = arith.cmpi ne, %convert_element_type3A_57, %cond3A_58 : i32
    scf.if %cond3A_59 {
      %add3A_87 = arith.constant 0 : i32
      %add3A_88 = arith.addi %arg1, %add3A_87 : i32
      %mul3A_89 = arith.constant 80 : i32
      %mul3A_90 = arith.muli %add3A_88, %mul3A_89 : i32
      %dma_wait3A = arith.constant 0 : i32
      %dma_wait3A_91 = arith.constant 0 : i32
      %dma_wait3A_92 = tpu.memref_slice %arg14[%dma_wait3A, %dma_wait3A_91] : memref<2x80xi32, #tpu.memory_space<vmem>> -> memref<1x80xi32, #tpu.memory_space<vmem>>
      %dma_wait3A_93 = tpu.memref_squeeze %dma_wait3A_92 : memref<1x80xi32, #tpu.memory_space<vmem>> -> memref<80xi32, #tpu.memory_space<vmem>>
      %dma_wait3A_94 = tpu.memref_slice %arg4[%mul3A_90] : memref<320000xi32, #tpu.memory_space<hbm>> -> memref<80xi32, #tpu.memory_space<hbm>>
      %dma_wait3A_95 = arith.constant 0 : i32
      %dma_wait3A_96 = tpu.memref_slice %arg14[%dma_wait3A, %dma_wait3A_95] : memref<2x80xi32, #tpu.memory_space<vmem>> -> memref<1x80xi32, #tpu.memory_space<vmem>>
      %dma_wait3A_97 = tpu.memref_squeeze %dma_wait3A_96 : memref<1x80xi32, #tpu.memory_space<vmem>> -> memref<80xi32, #tpu.memory_space<vmem>>
      %dma_wait3A_98 = tpu.memref_slice %arg4[%mul3A_90] : memref<320000xi32, #tpu.memory_space<hbm>> -> memref<80xi32, #tpu.memory_space<hbm>>
      tpu.wait_dma2 semaphore(%arg22 : memref<!tpu.dma_semaphore, #tpu.memory_space<semaphore_mem>>) src(%dma_wait3A_98 : memref<80xi32, #tpu.memory_space<hbm>>) dst(%dma_wait3A_97 : memref<80xi32, #tpu.memory_space<vmem>>)
      %dma_wait3A_99 = arith.constant 0 : i32
      %dma_wait3A_100 = arith.constant 0 : i32
      %dma_wait3A_101 = tpu.memref_slice %arg12[%dma_wait3A_99, %dma_wait3A_100] : memref<2x80xi32, #tpu.memory_space<vmem>> -> memref<1x80xi32, #tpu.memory_space<vmem>>
      %dma_wait3A_102 = tpu.memref_squeeze %dma_wait3A_101 : memref<1x80xi32, #tpu.memory_space<vmem>> -> memref<80xi32, #tpu.memory_space<vmem>>
      %dma_wait3A_103 = tpu.memref_slice %arg5[%mul3A_90] : memref<320000xi32, #tpu.memory_space<hbm>> -> memref<80xi32, #tpu.memory_space<hbm>>
      %dma_wait3A_104 = arith.constant 0 : i32
      %dma_wait3A_105 = tpu.memref_slice %arg12[%dma_wait3A_99, %dma_wait3A_104] : memref<2x80xi32, #tpu.memory_space<vmem>> -> memref<1x80xi32, #tpu.memory_space<vmem>>
      %dma_wait3A_106 = tpu.memref_squeeze %dma_wait3A_105 : memref<1x80xi32, #tpu.memory_space<vmem>> -> memref<80xi32, #tpu.memory_space<vmem>>
      %dma_wait3A_107 = tpu.memref_slice %arg5[%mul3A_90] : memref<320000xi32, #tpu.memory_space<hbm>> -> memref<80xi32, #tpu.memory_space<hbm>>
      tpu.wait_dma2 semaphore(%arg22 : memref<!tpu.dma_semaphore, #tpu.memory_space<semaphore_mem>>) src(%dma_wait3A_107 : memref<80xi32, #tpu.memory_space<hbm>>) dst(%dma_wait3A_106 : memref<80xi32, #tpu.memory_space<vmem>>)
      %get3A = arith.constant 0 : i32
      %get3A_108 = arith.index_cast %get3A : i32 to index
      %get3A_109 = arith.constant 0 : index
      %get3A_110 = tpu.vector_load %arg14[%get3A_108, %get3A_109] {strides = array<i32>} : memref<2x80xi32, #tpu.memory_space<vmem>>, vector<16xi32>,
      %add3A_111 = vector.broadcast %mul3A_0 : i32 to vector<16xi32>
      %add3A_112 = arith.addi %get3A_110, %add3A_111 : vector<16xi32>
      %swap3A = arith.constant 0 : i32
      %swap3A_113 = arith.index_cast %swap3A : i32 to index
      %swap3A_114 = arith.constant 0 : index
      %swap3A_115 = tpu.vector_load %arg14[%swap3A_113, %swap3A_114] {strides = array<i32>} : memref<2x80xi32, #tpu.memory_space<vmem>>, vector<16xi32>,
      tpu.vector_store %arg14[%swap3A_113, %swap3A_114], %add3A_112 {strides = array<i32>} : memref<2x80xi32, #tpu.memory_space<vmem>>, vector<16xi32>,
      %get3A_116 = arith.constant 0 : i32
      %get3A_117 = arith.index_cast %get3A_116 : i32 to index
      %get3A_118 = arith.constant 0 : index
      %get3A_119 = tpu.vector_load %arg12[%get3A_117, %get3A_118] {strides = array<i32>} : memref<2x80xi32, #tpu.memory_space<vmem>>, vector<16xi32>,
      %add3A_120 = vector.broadcast %mul3A_0 : i32 to vector<16xi32>
      %add3A_121 = arith.addi %get3A_119, %add3A_120 : vector<16xi32>
      %swap3A_122 = arith.constant 0 : i32
      %swap3A_123 = arith.index_cast %swap3A_122 : i32 to index
      %swap3A_124 = arith.constant 0 : index
      %swap3A_125 = tpu.vector_load %arg13[%swap3A_123, %swap3A_124] {strides = array<i32>} : memref<2x80xi32, #tpu.memory_space<vmem>>, vector<16xi32>,
      tpu.vector_store %arg13[%swap3A_123, %swap3A_124], %add3A_121 {strides = array<i32>} : memref<2x80xi32, #tpu.memory_space<vmem>>, vector<16xi32>,
      %get3A_126 = arith.constant 0 : i32
      %get3A_127 = arith.index_cast %get3A_126 : i32 to index
      %get3A_128 = arith.constant 16 : index
      %get3A_129 = tpu.vector_load %arg14[%get3A_127, %get3A_128] {strides = array<i32>} : memref<2x80xi32, #tpu.memory_space<vmem>>, vector<16xi32>,
      %add3A_130 = vector.broadcast %mul3A_0 : i32 to vector<16xi32>
      %add3A_131 = arith.addi %get3A_129, %add3A_130 : vector<16xi32>
      %swap3A_132 = arith.constant 0 : i32
      %swap3A_133 = arith.index_cast %swap3A_132 : i32 to index
      %swap3A_134 = arith.constant 16 : index
      %swap3A_135 = tpu.vector_load %arg14[%swap3A_133, %swap3A_134] {strides = array<i32>} : memref<2x80xi32, #tpu.memory_space<vmem>>, vector<16xi32>,
      tpu.vector_store %arg14[%swap3A_133, %swap3A_134], %add3A_131 {strides = array<i32>} : memref<2x80xi32, #tpu.memory_space<vmem>>, vector<16xi32>,
      %get3A_136 = arith.constant 0 : i32
      %get3A_137 = arith.index_cast %get3A_136 : i32 to index
      %get3A_138 = arith.constant 16 : index
      %get3A_139 = tpu.vector_load %arg12[%get3A_137, %get3A_138] {strides = array<i32>} : memref<2x80xi32, #tpu.memory_space<vmem>>, vector<16xi32>,
      %add3A_140 = vector.broadcast %mul3A_0 : i32 to vector<16xi32>
      %add3A_141 = arith.addi %get3A_139, %add3A_140 : vector<16xi32>
      %swap3A_142 = arith.constant 0 : i32
      %swap3A_143 = arith.index_cast %swap3A_142 : i32 to index
      %swap3A_144 = arith.constant 16 : index
      %swap3A_145 = tpu.vector_load %arg13[%swap3A_143, %swap3A_144] {strides = array<i32>} : memref<2x80xi32, #tpu.memory_space<vmem>>, vector<16xi32>,
      tpu.vector_store %arg13[%swap3A_143, %swap3A_144], %add3A_141 {strides = array<i32>} : memref<2x80xi32, #tpu.memory_space<vmem>>, vector<16xi32>,
      %get3A_146 = arith.constant 0 : i32
      %get3A_147 = arith.index_cast %get3A_146 : i32 to index
      %get3A_148 = arith.constant 32 : index
      %get3A_149 = tpu.vector_load %arg14[%get3A_147, %get3A_148] {strides = array<i32>} : memref<2x80xi32, #tpu.memory_space<vmem>>, vector<16xi32>,
      %add3A_150 = vector.broadcast %mul3A_0 : i32 to vector<16xi32>
      %add3A_151 = arith.addi %get3A_149, %add3A_150 : vector<16xi32>
      %swap3A_152 = arith.constant 0 : i32
      %swap3A_153 = arith.index_cast %swap3A_152 : i32 to index
      %swap3A_154 = arith.constant 32 : index
      %swap3A_155 = tpu.vector_load %arg14[%swap3A_153, %swap3A_154] {strides = array<i32>} : memref<2x80xi32, #tpu.memory_space<vmem>>, vector<16xi32>,
      tpu.vector_store %arg14[%swap3A_153, %swap3A_154], %add3A_151 {strides = array<i32>} : memref<2x80xi32, #tpu.memory_space<vmem>>, vector<16xi32>,
      %get3A_156 = arith.constant 0 : i32
      %get3A_157 = arith.index_cast %get3A_156 : i32 to index
      %get3A_158 = arith.constant 32 : index
      %get3A_159 = tpu.vector_load %arg12[%get3A_157, %get3A_158] {strides = array<i32>} : memref<2x80xi32, #tpu.memory_space<vmem>>, vector<16xi32>,
      %add3A_160 = vector.broadcast %mul3A_0 : i32 to vector<16xi32>
      %add3A_161 = arith.addi %get3A_159, %add3A_160 : vector<16xi32>
      %swap3A_162 = arith.constant 0 : i32
      %swap3A_163 = arith.index_cast %swap3A_162 : i32 to index
      %swap3A_164 = arith.constant 32 : index
      %swap3A_165 = tpu.vector_load %arg13[%swap3A_163, %swap3A_164] {strides = array<i32>} : memref<2x80xi32, #tpu.memory_space<vmem>>, vector<16xi32>,
      tpu.vector_store %arg13[%swap3A_163, %swap3A_164], %add3A_161 {strides = array<i32>} : memref<2x80xi32, #tpu.memory_space<vmem>>, vector<16xi32>,
      %get3A_166 = arith.constant 0 : i32
      %get3A_167 = arith.index_cast %get3A_166 : i32 to index
      %get3A_168 = arith.constant 48 : index
      %get3A_169 = tpu.vector_load %arg14[%get3A_167, %get3A_168] {strides = array<i32>} : memref<2x80xi32, #tpu.memory_space<vmem>>, vector<16xi32>,
      %add3A_170 = vector.broadcast %mul3A_0 : i32 to vector<16xi32>
      %add3A_171 = arith.addi %get3A_169, %add3A_170 : vector<16xi32>
      %swap3A_172 = arith.constant 0 : i32
      %swap3A_173 = arith.index_cast %swap3A_172 : i32 to index
      %swap3A_174 = arith.constant 48 : index
      %swap3A_175 = tpu.vector_load %arg14[%swap3A_173, %swap3A_174] {strides = array<i32>} : memref<2x80xi32, #tpu.memory_space<vmem>>, vector<16xi32>,
      tpu.vector_store %arg14[%swap3A_173, %swap3A_174], %add3A_171 {strides = array<i32>} : memref<2x80xi32, #tpu.memory_space<vmem>>, vector<16xi32>,
      %get3A_176 = arith.constant 0 : i32
      %get3A_177 = arith.index_cast %get3A_176 : i32 to index
      %get3A_178 = arith.constant 48 : index
      %get3A_179 = tpu.vector_load %arg12[%get3A_177, %get3A_178] {strides = array<i32>} : memref<2x80xi32, #tpu.memory_space<vmem>>, vector<16xi32>,
      %add3A_180 = vector.broadcast %mul3A_0 : i32 to vector<16xi32>
      %add3A_181 = arith.addi %get3A_179, %add3A_180 : vector<16xi32>
      %swap3A_182 = arith.constant 0 : i32
      %swap3A_183 = arith.index_cast %swap3A_182 : i32 to index
      %swap3A_184 = arith.constant 48 : index
      %swap3A_185 = tpu.vector_load %arg13[%swap3A_183, %swap3A_184] {strides = array<i32>} : memref<2x80xi32, #tpu.memory_space<vmem>>, vector<16xi32>,
      tpu.vector_store %arg13[%swap3A_183, %swap3A_184], %add3A_181 {strides = array<i32>} : memref<2x80xi32, #tpu.memory_space<vmem>>, vector<16xi32>,
      %get3A_186 = arith.constant 0 : i32
      %get3A_187 = arith.index_cast %get3A_186 : i32 to index
      %get3A_188 = arith.constant 64 : index
      %get3A_189 = tpu.vector_load %arg14[%get3A_187, %get3A_188] {strides = array<i32>} : memref<2x80xi32, #tpu.memory_space<vmem>>, vector<16xi32>,
      %add3A_190 = vector.broadcast %mul3A_0 : i32 to vector<16xi32>
      %add3A_191 = arith.addi %get3A_189, %add3A_190 : vector<16xi32>
      %swap3A_192 = arith.constant 0 : i32
      %swap3A_193 = arith.index_cast %swap3A_192 : i32 to index
      %swap3A_194 = arith.constant 64 : index
      %swap3A_195 = tpu.vector_load %arg14[%swap3A_193, %swap3A_194] {strides = array<i32>} : memref<2x80xi32, #tpu.memory_space<vmem>>, vector<16xi32>,
      tpu.vector_store %arg14[%swap3A_193, %swap3A_194], %add3A_191 {strides = array<i32>} : memref<2x80xi32, #tpu.memory_space<vmem>>, vector<16xi32>,
      %get3A_196 = arith.constant 0 : i32
      %get3A_197 = arith.index_cast %get3A_196 : i32 to index
      %get3A_198 = arith.constant 64 : index
      %get3A_199 = tpu.vector_load %arg12[%get3A_197, %get3A_198] {strides = array<i32>} : memref<2x80xi32, #tpu.memory_space<vmem>>, vector<16xi32>,
      %add3A_200 = vector.broadcast %mul3A_0 : i32 to vector<16xi32>
      %add3A_201 = arith.addi %get3A_199, %add3A_200 : vector<16xi32>
      %swap3A_202 = arith.constant 0 : i32
      %swap3A_203 = arith.index_cast %swap3A_202 : i32 to index
      %swap3A_204 = arith.constant 64 : index
      %swap3A_205 = tpu.vector_load %arg13[%swap3A_203, %swap3A_204] {strides = array<i32>} : memref<2x80xi32, #tpu.memory_space<vmem>>, vector<16xi32>,
      tpu.vector_store %arg13[%swap3A_203, %swap3A_204], %add3A_201 {strides = array<i32>} : memref<2x80xi32, #tpu.memory_space<vmem>>, vector<16xi32>,
      %dma_start3A_206 = arith.constant 0 : i32
      %dma_start3A_207 = arith.constant 0 : i32
      %dma_start3A_208 = arith.constant 0 : i32
      %dma_start3A_209 = arith.constant 0 : i32
      %dma_start3A_210 = tpu.memref_slice %arg28[%dma_start3A_207, %dma_start3A_208, %dma_start3A_209] : memref<2x80x16xf32, #tpu.memory_space<vmem>> -> memref<1x80x16xf32, #tpu.memory_space<vmem>>
      %dma_start3A_211 = tpu.memref_squeeze %dma_start3A_210 : memref<1x80x16xf32, #tpu.memory_space<vmem>> -> memref<80x16xf32, #tpu.memory_space<vmem>>
      %dma_start3A_212 = arith.constant 0 : i32
      %dma_start3A_213 = tpu.memref_slice %arg14[%dma_start3A_206, %dma_start3A_212] : memref<2x80xi32, #tpu.memory_space<vmem>> -> memref<1x80xi32, #tpu.memory_space<vmem>>
      %dma_start3A_214 = tpu.memref_squeeze %dma_start3A_213 : memref<1x80xi32, #tpu.memory_space<vmem>> -> memref<80xi32, #tpu.memory_space<vmem>>
      %dma_start3A_215 = arith.constant 0 : i32
      %dma_start3A_216 = arith.constant 0 : i32
      %dma_start3A_217 = tpu.memref_slice %arg3[%dma_start3A_215, %dma_start3A_216] : memref<20000x16xf32, #tpu.memory_space<hbm>> -> memref<20000x16xf32, #tpu.memory_space<hbm>>
      tpu.enqueue_indirect_dma source(%dma_start3A_217 : memref<20000x16xf32, #tpu.memory_space<hbm>>) target(%dma_start3A_211 : memref<80x16xf32, #tpu.memory_space<vmem>>) offsets(%dma_start3A_214 : memref<80xi32, #tpu.memory_space<vmem>>) semaphore(%arg20 : memref<!tpu.dma_semaphore, #tpu.memory_space<semaphore_mem>>)
      %dma_start3A_218 = arith.constant 0 : i32
      %dma_start3A_219 = arith.constant 0 : i32
      %dma_start3A_220 = arith.constant 0 : i32
      %dma_start3A_221 = arith.constant 0 : i32
      %dma_start3A_222 = tpu.memref_slice %arg27[%dma_start3A_219, %dma_start3A_220, %dma_start3A_221] : memref<2x80x16xf32, #tpu.memory_space<vmem>> -> memref<1x80x16xf32, #tpu.memory_space<vmem>>
      %dma_start3A_223 = tpu.memref_squeeze %dma_start3A_222 : memref<1x80x16xf32, #tpu.memory_space<vmem>> -> memref<80x16xf32, #tpu.memory_space<vmem>>
      %dma_start3A_224 = arith.constant 0 : i32
      %dma_start3A_225 = tpu.memref_slice %arg13[%dma_start3A_218, %dma_start3A_224] : memref<2x80xi32, #tpu.memory_space<vmem>> -> memref<1x80xi32, #tpu.memory_space<vmem>>
      %dma_start3A_226 = tpu.memref_squeeze %dma_start3A_225 : memref<1x80xi32, #tpu.memory_space<vmem>> -> memref<80xi32, #tpu.memory_space<vmem>>
      %dma_start3A_227 = arith.constant 0 : i32
      %dma_start3A_228 = arith.constant 0 : i32
      %dma_start3A_229 = tpu.memref_slice %arg3[%dma_start3A_227, %dma_start3A_228] : memref<20000x16xf32, #tpu.memory_space<hbm>> -> memref<20000x16xf32, #tpu.memory_space<hbm>>
      tpu.enqueue_indirect_dma source(%dma_start3A_229 : memref<20000x16xf32, #tpu.memory_space<hbm>>) target(%dma_start3A_223 : memref<80x16xf32, #tpu.memory_space<vmem>>) offsets(%dma_start3A_226 : memref<80xi32, #tpu.memory_space<vmem>>) semaphore(%arg20 : memref<!tpu.dma_semaphore, #tpu.memory_space<semaphore_mem>>)
      %dma_start3A_230 = arith.constant 0 : i32
      %dma_start3A_231 = arith.constant 0 : i32
      %dma_start3A_232 = arith.constant 0 : i32
      %dma_start3A_233 = arith.constant 0 : i32
      %dma_start3A_234 = tpu.memref_slice %arg11[%dma_start3A_231, %dma_start3A_232, %dma_start3A_233] : memref<2x80x128xbf16, #tpu.memory_space<vmem>> -> memref<1x80x128xbf16, #tpu.memory_space<vmem>>
      %dma_start3A_235 = tpu.memref_squeeze %dma_start3A_234 : memref<1x80x128xbf16, #tpu.memory_space<vmem>> -> memref<80x128xbf16, #tpu.memory_space<vmem>>
      %dma_start3A_236 = arith.constant 0 : i32
      %dma_start3A_237 = tpu.memref_slice %arg14[%dma_start3A_230, %dma_start3A_236] : memref<2x80xi32, #tpu.memory_space<vmem>> -> memref<1x80xi32, #tpu.memory_space<vmem>>
      %dma_start3A_238 = tpu.memref_squeeze %dma_start3A_237 : memref<1x80xi32, #tpu.memory_space<vmem>> -> memref<80xi32, #tpu.memory_space<vmem>>
      %dma_start3A_239 = arith.constant 0 : i32
      %dma_start3A_240 = arith.constant 0 : i32
      %dma_start3A_241 = tpu.memref_slice %arg2[%dma_start3A_239, %dma_start3A_240] : memref<20000x128xbf16, #tpu.memory_space<hbm>> -> memref<20000x128xbf16, #tpu.memory_space<hbm>>
      tpu.enqueue_indirect_dma source(%dma_start3A_241 : memref<20000x128xbf16, #tpu.memory_space<hbm>>) target(%dma_start3A_235 : memref<80x128xbf16, #tpu.memory_space<vmem>>) offsets(%dma_start3A_238 : memref<80xi32, #tpu.memory_space<vmem>>) semaphore(%arg18 : memref<!tpu.dma_semaphore, #tpu.memory_space<semaphore_mem>>)
    } else {
    }
    %add3A_60 = arith.constant 16 : i32
    %add3A_61 = arith.addi %arg1, %add3A_60 : i32
    %lt3A_62 = arith.constant 4000 : i32
    %lt3A_63 = arith.cmpi slt, %add3A_61, %lt3A_62 : i32
    %convert_element_type3A_64 = arith.extui %lt3A_63 : i1 to i32
    %cond3A_65 = arith.constant 0 : i32
    %cond3A_66 = arith.cmpi ne, %convert_element_type3A_64, %cond3A_65 : i32
    scf.if %cond3A_66 {
      %add3A_87 = arith.constant 16 : i32
      %add3A_88 = arith.addi %arg1, %add3A_87 : i32
      %mul3A_89 = arith.constant 80 : i32
      %mul3A_90 = arith.muli %add3A_88, %mul3A_89 : i32
      %dma_start3A_91 = arith.constant 1 : i32
      %dma_start3A_92 = arith.constant 0 : i32
      %dma_start3A_93 = tpu.memref_slice %arg14[%dma_start3A_91, %dma_start3A_92] : memref<2x80xi32, #tpu.memory_space<vmem>> -> memref<1x80xi32, #tpu.memory_space<vmem>>
      %dma_start3A_94 = tpu.memref_squeeze %dma_start3A_93 : memref<1x80xi32, #tpu.memory_space<vmem>> -> memref<80xi32, #tpu.memory_space<vmem>>
      %dma_start3A_95 = tpu.memref_slice %arg4[%mul3A_90] : memref<320000xi32, #tpu.memory_space<hbm>> -> memref<80xi32, #tpu.memory_space<hbm>>
      %dma_start3A_96 = arith.constant 0 : i32
      %dma_start3A_97 = tpu.memref_slice %arg14[%dma_start3A_91, %dma_start3A_96] : memref<2x80xi32, #tpu.memory_space<vmem>> -> memref<1x80xi32, #tpu.memory_space<vmem>>
      %dma_start3A_98 = tpu.memref_squeeze %dma_start3A_97 : memref<1x80xi32, #tpu.memory_space<vmem>> -> memref<80xi32, #tpu.memory_space<vmem>>
      %dma_start3A_99 = tpu.memref_slice %arg4[%mul3A_90] : memref<320000xi32, #tpu.memory_space<hbm>> -> memref<80xi32, #tpu.memory_space<hbm>>
      tpu.enqueue_dma source(%dma_start3A_99 : memref<80xi32, #tpu.memory_space<hbm>>) target(%dma_start3A_98 : memref<80xi32, #tpu.memory_space<vmem>>) target_semaphore(%arg23 : memref<!tpu.dma_semaphore, #tpu.memory_space<semaphore_mem>>)
      %dma_start3A_100 = arith.constant 1 : i32
      %dma_start3A_101 = arith.constant 0 : i32
      %dma_start3A_102 = tpu.memref_slice %arg12[%dma_start3A_100, %dma_start3A_101] : memref<2x80xi32, #tpu.memory_space<vmem>> -> memref<1x80xi32, #tpu.memory_space<vmem>>
      %dma_start3A_103 = tpu.memref_squeeze %dma_start3A_102 : memref<1x80xi32, #tpu.memory_space<vmem>> -> memref<80xi32, #tpu.memory_space<vmem>>
      %dma_start3A_104 = tpu.memref_slice %arg5[%mul3A_90] : memref<320000xi32, #tpu.memory_space<hbm>> -> memref<80xi32, #tpu.memory_space<hbm>>
      %dma_start3A_105 = arith.constant 0 : i32
      %dma_start3A_106 = tpu.memref_slice %arg12[%dma_start3A_100, %dma_start3A_105] : memref<2x80xi32, #tpu.memory_space<vmem>> -> memref<1x80xi32, #tpu.memory_space<vmem>>
      %dma_start3A_107 = tpu.memref_squeeze %dma_start3A_106 : memref<1x80xi32, #tpu.memory_space<vmem>> -> memref<80xi32, #tpu.memory_space<vmem>>
      %dma_start3A_108 = tpu.memref_slice %arg5[%mul3A_90] : memref<320000xi32, #tpu.memory_space<hbm>> -> memref<80xi32, #tpu.memory_space<hbm>>
      tpu.enqueue_dma source(%dma_start3A_108 : memref<80xi32, #tpu.memory_space<hbm>>) target(%dma_start3A_107 : memref<80xi32, #tpu.memory_space<vmem>>) target_semaphore(%arg23 : memref<!tpu.dma_semaphore, #tpu.memory_space<semaphore_mem>>)
    } else {
    }
    %scan3A_67 = arith.constant 0 : i32
    %scan3A_68 = arith.constant 0 : i32
    %scan3A_69 = arith.constant 126 : i32
    %scan3A_70 = arith.addi %scan3A_68, %scan3A_69 : i32
    %scan3A_71 = arith.constant 1 : i32
    %scan3A_72 = scf.for %scan3A_87 = %scan3A_68 to %scan3A_70 step %scan3A_71 iter_args(%scan3A_88 = %scan3A_67) -> (i32)  : i32 {
      %mul3A_89 = arith.constant 2 : i32
      %mul3A_90 = arith.muli %mul3A_89, %scan3A_87 : i32
      %mul3A_91 = arith.constant 16 : i32
      %mul3A_92 = arith.muli %mul3A_90, %mul3A_91 : i32
      %add3A_93 = arith.addi %arg1, %mul3A_92 : i32
      %lt3A_94 = arith.constant 4000 : i32
      %lt3A_95 = arith.cmpi slt, %add3A_93, %lt3A_94 : i32
      %convert_element_type3A_96 = arith.extui %lt3A_95 : i1 to i32
      %cond3A_97 = arith.constant 0 : i32
      %cond3A_98 = arith.cmpi ne, %convert_element_type3A_96, %cond3A_97 : i32
      scf.if %cond3A_98 {
        %dma_wait3A = arith.constant 0 : i32
        %dma_wait3A_187 = arith.constant 0 : i32
        %dma_wait3A_188 = arith.constant 0 : i32
        %dma_wait3A_189 = arith.constant 0 : i32
        %dma_wait3A_190 = tpu.memref_slice %arg28[%dma_wait3A_187, %dma_wait3A_188, %dma_wait3A_189] : memref<2x80x16xf32, #tpu.memory_space<vmem>> -> memref<1x80x16xf32, #tpu.memory_space<vmem>>
        %dma_wait3A_191 = tpu.memref_squeeze %dma_wait3A_190 : memref<1x80x16xf32, #tpu.memory_space<vmem>> -> memref<80x16xf32, #tpu.memory_space<vmem>>
        %dma_wait3A_192 = arith.constant 0 : i32
        %dma_wait3A_193 = tpu.memref_slice %arg14[%dma_wait3A, %dma_wait3A_192] : memref<2x80xi32, #tpu.memory_space<vmem>> -> memref<1x80xi32, #tpu.memory_space<vmem>>
        %dma_wait3A_194 = tpu.memref_squeeze %dma_wait3A_193 : memref<1x80xi32, #tpu.memory_space<vmem>> -> memref<80xi32, #tpu.memory_space<vmem>>
        %dma_wait3A_195 = arith.constant 0 : i32
        %dma_wait3A_196 = arith.constant 0 : i32
        %dma_wait3A_197 = tpu.memref_slice %arg3[%dma_wait3A_195, %dma_wait3A_196] : memref<20000x16xf32, #tpu.memory_space<hbm>> -> memref<20000x16xf32, #tpu.memory_space<hbm>>
        tpu.wait_indirect_dma semaphore(%arg20 : memref<!tpu.dma_semaphore, #tpu.memory_space<semaphore_mem>>) src(%dma_wait3A_197 : memref<20000x16xf32, #tpu.memory_space<hbm>>) dst(%dma_wait3A_191 : memref<80x16xf32, #tpu.memory_space<vmem>>)
        %dma_wait3A_198 = arith.constant 0 : i32
        %dma_wait3A_199 = arith.constant 0 : i32
        %dma_wait3A_200 = arith.constant 0 : i32
        %dma_wait3A_201 = arith.constant 0 : i32
        %dma_wait3A_202 = tpu.memref_slice %arg27[%dma_wait3A_199, %dma_wait3A_200, %dma_wait3A_201] : memref<2x80x16xf32, #tpu.memory_space<vmem>> -> memref<1x80x16xf32, #tpu.memory_space<vmem>>
        %dma_wait3A_203 = tpu.memref_squeeze %dma_wait3A_202 : memref<1x80x16xf32, #tpu.memory_space<vmem>> -> memref<80x16xf32, #tpu.memory_space<vmem>>
        %dma_wait3A_204 = arith.constant 0 : i32
        %dma_wait3A_205 = tpu.memref_slice %arg13[%dma_wait3A_198, %dma_wait3A_204] : memref<2x80xi32, #tpu.memory_space<vmem>> -> memref<1x80xi32, #tpu.memory_space<vmem>>
        %dma_wait3A_206 = tpu.memref_squeeze %dma_wait3A_205 : memref<1x80xi32, #tpu.memory_space<vmem>> -> memref<80xi32, #tpu.memory_space<vmem>>
        %dma_wait3A_207 = arith.constant 0 : i32
        %dma_wait3A_208 = arith.constant 0 : i32
        %dma_wait3A_209 = tpu.memref_slice %arg3[%dma_wait3A_207, %dma_wait3A_208] : memref<20000x16xf32, #tpu.memory_space<hbm>> -> memref<20000x16xf32, #tpu.memory_space<hbm>>
        tpu.wait_indirect_dma semaphore(%arg20 : memref<!tpu.dma_semaphore, #tpu.memory_space<semaphore_mem>>) src(%dma_wait3A_209 : memref<20000x16xf32, #tpu.memory_space<hbm>>) dst(%dma_wait3A_203 : memref<80x16xf32, #tpu.memory_space<vmem>>)
        %add3A_210 = arith.constant 0 : i32
        %add3A_211 = vector.broadcast %add3A_210 : i32 to vector<16xi32>
        %add3A_212 = arith.addi %add3A_211, %iota3A : vector<16xi32>
        %broadcast_in_dim3A_213 = arith.constant 8 : i32
        %broadcast_in_dim3A_214 = vector.broadcast %broadcast_in_dim3A_213 : i32 to vector<16xi32>
        %gather3A = arith.constant 0 : i32
        %gather3A_215 = arith.constant 0 : i32
        %gather3A_216 = arith.constant 0 : i32
        %gather3A_217 = tpu.memref_slice %arg28[%gather3A, %gather3A_215, %gather3A_216] : memref<2x80x16xf32, #tpu.memory_space<vmem>> -> memref<1x80x16xf32, #tpu.memory_space<vmem>>
        %gather3A_218 = tpu.memref_squeeze %gather3A_217 : memref<1x80x16xf32, #tpu.memory_space<vmem>> -> memref<80x16xf32, #tpu.memory_space<vmem>>
        %gather3A_219 = tpu.vector_load_idx %gather3A_218[%add3A_212, %broadcast_in_dim3A_214] : memref<80x16xf32, #tpu.memory_space<vmem>>[vector<16xi32>, vector<16xi32>], vector<16xf32>,
        %broadcast_in_dim3A_220 = arith.constant 8 : i32
        %broadcast_in_dim3A_221 = vector.broadcast %broadcast_in_dim3A_220 : i32 to vector<16xi32>
        %gather3A_222 = arith.constant 0 : i32
        %gather3A_223 = arith.constant 0 : i32
        %gather3A_224 = arith.constant 0 : i32
        %gather3A_225 = tpu.memref_slice %arg27[%gather3A_222, %gather3A_223, %gather3A_224] : memref<2x80x16xf32, #tpu.memory_space<vmem>> -> memref<1x80x16xf32, #tpu.memory_space<vmem>>
        %gather3A_226 = tpu.memref_squeeze %gather3A_225 : memref<1x80x16xf32, #tpu.memory_space<vmem>> -> memref<80x16xf32, #tpu.memory_space<vmem>>
        %gather3A_227 = tpu.vector_load_idx %gather3A_226[%add3A_212, %broadcast_in_dim3A_221] : memref<80x16xf32, #tpu.memory_space<vmem>>[vector<16xi32>, vector<16xi32>], vector<16xf32>,
        %add3A_228 = arith.addf %gather3A_219, %gather3A_227 : vector<16xf32>
        %neg3A = arith.constant 0.000000e+00 : f32
        %neg3A_229 = vector.broadcast %neg3A : f32 to vector<16xf32>
        %neg3A_230 = arith.subf %neg3A_229, %add3A_228 : vector<16xf32>
        %exp3A = math.exp %neg3A_230 : vector<16xf32>
        %add3A_231 = arith.constant 1.000000e+00 : f32
        %add3A_232 = vector.broadcast %add3A_231 : f32 to vector<16xf32>
        %add3A_233 = arith.addf %add3A_232, %exp3A : vector<16xf32>
        %div3A = arith.constant 1.000000e+00 : f32
        %div3A_234 = vector.broadcast %div3A : f32 to vector<16xf32>
        %div3A_235 = arith.divf %div3A_234, %add3A_233 : vector<16xf32>
        %mul3A_236 = vector.broadcast %sub3A_3 : f32 to vector<16xf32>
        %mul3A_237 = arith.mulf %mul3A_236, %div3A_235 : vector<16xf32>
        %add3A_238 = vector.broadcast %convert_element_type3A : f32 to vector<16xf32>
        %add3A_239 = arith.addf %add3A_238, %mul3A_237 : vector<16xf32>
        %swap3A = arith.constant 0 : i32
        %swap3A_240 = arith.index_cast %swap3A : i32 to index
        %swap3A_241 = arith.constant 0 : index
        %swap3A_242 = tpu.vector_load %arg9[%swap3A_240, %swap3A_241] {strides = array<i32>} : memref<2x80xf32, #tpu.memory_space<vmem>>, vector<16xf32>,
        tpu.vector_store %arg9[%swap3A_240, %swap3A_241], %div3A_235 {strides = array<i32>} : memref<2x80xf32, #tpu.memory_space<vmem>>, vector<16xf32>,
        %broadcast_in_dim3A_243 = arith.constant 0 : i32
        %broadcast_in_dim3A_244 = vector.broadcast %broadcast_in_dim3A_243 : i32 to vector<16xi32>
        %gather3A_245 = arith.constant 0 : i32
        %gather3A_246 = arith.constant 0 : i32
        %gather3A_247 = arith.constant 0 : i32
        %gather3A_248 = tpu.memref_slice %arg28[%gather3A_245, %gather3A_246, %gather3A_247] : memref<2x80x16xf32, #tpu.memory_space<vmem>> -> memref<1x80x16xf32, #tpu.memory_space<vmem>>
        %gather3A_249 = tpu.memref_squeeze %gather3A_248 : memref<1x80x16xf32, #tpu.memory_space<vmem>> -> memref<80x16xf32, #tpu.memory_space<vmem>>
        %gather3A_250 = tpu.vector_load_idx %gather3A_249[%add3A_212, %broadcast_in_dim3A_244] : memref<80x16xf32, #tpu.memory_space<vmem>>[vector<16xi32>, vector<16xi32>], vector<16xf32>,
        %broadcast_in_dim3A_251 = arith.constant 4 : i32
        %broadcast_in_dim3A_252 = vector.broadcast %broadcast_in_dim3A_251 : i32 to vector<16xi32>
        %gather3A_253 = arith.constant 0 : i32
        %gather3A_254 = arith.constant 0 : i32
        %gather3A_255 = arith.constant 0 : i32
        %gather3A_256 = tpu.memref_slice %arg27[%gather3A_253, %gather3A_254, %gather3A_255] : memref<2x80x16xf32, #tpu.memory_space<vmem>> -> memref<1x80x16xf32, #tpu.memory_space<vmem>>
        %gather3A_257 = tpu.memref_squeeze %gather3A_256 : memref<1x80x16xf32, #tpu.memory_space<vmem>> -> memref<80x16xf32, #tpu.memory_space<vmem>>
        %gather3A_258 = tpu.vector_load_idx %gather3A_257[%add3A_212, %broadcast_in_dim3A_252] : memref<80x16xf32, #tpu.memory_space<vmem>>[vector<16xi32>, vector<16xi32>], vector<16xf32>,
        %add3A_259 = arith.addf %gather3A_250, %gather3A_258 : vector<16xf32>
        %ge3A_260 = arith.constant 0.000000e+00 : f32
        %ge3A_261 = vector.broadcast %ge3A_260 : f32 to vector<16xf32>
        %ge3A_262 = arith.cmpf oge, %add3A_259, %ge3A_261 : vector<16xf32>
        %mul3A_263 = arith.constant 2.000000e-01 : f32
        %mul3A_264 = vector.broadcast %mul3A_263 : f32 to vector<16xf32>
        %mul3A_265 = arith.mulf %mul3A_264, %add3A_259 : vector<16xf32>
        %select_n3A_266 = arith.select %ge3A_262, %add3A_259, %mul3A_265 : vector<16xi1>, vector<16xf32>
        %mul3A_267 = vector.broadcast %sub3A_3 : f32 to vector<16xf32>
        %mul3A_268 = arith.mulf %mul3A_267, %select_n3A_266 : vector<16xf32>
        %exp3A_269 = math.exp %mul3A_268 : vector<16xf32>
        %broadcast_in_dim3A_270 = arith.constant 128 : i32
        %broadcast_in_dim3A_271 = vector.broadcast %broadcast_in_dim3A_270 : i32 to vector<16xi32>
        %scatter3A = arith.constant 0 : i32
        %scatter3A_272 = arith.constant 0 : i32
        %scatter3A_273 = arith.constant 0 : i32
        %scatter3A_274 = tpu.memref_slice %arg26[%scatter3A, %scatter3A_272, %scatter3A_273] : memref<2x80x136xf32, #tpu.memory_space<vmem>> -> memref<1x80x136xf32, #tpu.memory_space<vmem>>
        %scatter3A_275 = tpu.memref_squeeze %scatter3A_274 : memref<1x80x136xf32, #tpu.memory_space<vmem>> -> memref<80x136xf32, #tpu.memory_space<vmem>>
        tpu.vector_store_idx %scatter3A_275[%add3A_212, %broadcast_in_dim3A_271], %exp3A_269 : memref<80x136xf32, #tpu.memory_space<vmem>>[vector<16xi32>, vector<16xi32>], vector<16xf32>,
        %broadcast_in_dim3A_276 = arith.constant 0 : i32
        %broadcast_in_dim3A_277 = vector.broadcast %broadcast_in_dim3A_276 : i32 to vector<16xi32>
        %mul3A_278 = arith.mulf %exp3A_269, %add3A_239 : vector<16xf32>
        tpu.vector_store_idx %arg30[%add3A_212, %broadcast_in_dim3A_277], %mul3A_278 : memref<80x16xf32, #tpu.memory_space<vmem>>[vector<16xi32>, vector<16xi32>], vector<16xf32>,
        %broadcast_in_dim3A_279 = arith.constant 1 : i32
        %broadcast_in_dim3A_280 = vector.broadcast %broadcast_in_dim3A_279 : i32 to vector<16xi32>
        %gather3A_281 = arith.constant 0 : i32
        %gather3A_282 = arith.constant 0 : i32
        %gather3A_283 = arith.constant 0 : i32
        %gather3A_284 = tpu.memref_slice %arg28[%gather3A_281, %gather3A_282, %gather3A_283] : memref<2x80x16xf32, #tpu.memory_space<vmem>> -> memref<1x80x16xf32, #tpu.memory_space<vmem>>
        %gather3A_285 = tpu.memref_squeeze %gather3A_284 : memref<1x80x16xf32, #tpu.memory_space<vmem>> -> memref<80x16xf32, #tpu.memory_space<vmem>>
        %gather3A_286 = tpu.vector_load_idx %gather3A_285[%add3A_212, %broadcast_in_dim3A_280] : memref<80x16xf32, #tpu.memory_space<vmem>>[vector<16xi32>, vector<16xi32>], vector<16xf32>,
        %broadcast_in_dim3A_287 = arith.constant 5 : i32
        %broadcast_in_dim3A_288 = vector.broadcast %broadcast_in_dim3A_287 : i32 to vector<16xi32>
        %gather3A_289 = arith.constant 0 : i32
        %gather3A_290 = arith.constant 0 : i32
        %gather3A_291 = arith.constant 0 : i32
        %gather3A_292 = tpu.memref_slice %arg27[%gather3A_289, %gather3A_290, %gather3A_291] : memref<2x80x16xf32, #tpu.memory_space<vmem>> -> memref<1x80x16xf32, #tpu.memory_space<vmem>>
        %gather3A_293 = tpu.memref_squeeze %gather3A_292 : memref<1x80x16xf32, #tpu.memory_space<vmem>> -> memref<80x16xf32, #tpu.memory_space<vmem>>
        %gather3A_294 = tpu.vector_load_idx %gather3A_293[%add3A_212, %broadcast_in_dim3A_288] : memref<80x16xf32, #tpu.memory_space<vmem>>[vector<16xi32>, vector<16xi32>], vector<16xf32>,
        %add3A_295 = arith.addf %gather3A_286, %gather3A_294 : vector<16xf32>
        %ge3A_296 = arith.constant 0.000000e+00 : f32
        %ge3A_297 = vector.broadcast %ge3A_296 : f32 to vector<16xf32>
        %ge3A_298 = arith.cmpf oge, %add3A_295, %ge3A_297 : vector<16xf32>
        %mul3A_299 = arith.constant 2.000000e-01 : f32
        %mul3A_300 = vector.broadcast %mul3A_299 : f32 to vector<16xf32>
        %mul3A_301 = arith.mulf %mul3A_300, %add3A_295 : vector<16xf32>
        %select_n3A_302 = arith.select %ge3A_298, %add3A_295, %mul3A_301 : vector<16xi1>, vector<16xf32>
        %mul3A_303 = vector.broadcast %sub3A_3 : f32 to vector<16xf32>
        %mul3A_304 = arith.mulf %mul3A_303, %select_n3A_302 : vector<16xf32>
        %exp3A_305 = math.exp %mul3A_304 : vector<16xf32>
        %broadcast_in_dim3A_306 = arith.constant 129 : i32
        %broadcast_in_dim3A_307 = vector.broadcast %broadcast_in_dim3A_306 : i32 to vector<16xi32>
        %scatter3A_308 = arith.constant 0 : i32
        %scatter3A_309 = arith.constant 0 : i32
        %scatter3A_310 = arith.constant 0 : i32
        %scatter3A_311 = tpu.memref_slice %arg26[%scatter3A_308, %scatter3A_309, %scatter3A_310] : memref<2x80x136xf32, #tpu.memory_space<vmem>> -> memref<1x80x136xf32, #tpu.memory_space<vmem>>
        %scatter3A_312 = tpu.memref_squeeze %scatter3A_311 : memref<1x80x136xf32, #tpu.memory_space<vmem>> -> memref<80x136xf32, #tpu.memory_space<vmem>>
        tpu.vector_store_idx %scatter3A_312[%add3A_212, %broadcast_in_dim3A_307], %exp3A_305 : memref<80x136xf32, #tpu.memory_space<vmem>>[vector<16xi32>, vector<16xi32>], vector<16xf32>,
        %broadcast_in_dim3A_313 = arith.constant 1 : i32
        %broadcast_in_dim3A_314 = vector.broadcast %broadcast_in_dim3A_313 : i32 to vector<16xi32>
        %mul3A_315 = arith.mulf %exp3A_305, %add3A_239 : vector<16xf32>
        tpu.vector_store_idx %arg30[%add3A_212, %broadcast_in_dim3A_314], %mul3A_315 : memref<80x16xf32, #tpu.memory_space<vmem>>[vector<16xi32>, vector<16xi32>], vector<16xf32>,
        %broadcast_in_dim3A_316 = arith.constant 2 : i32
        %broadcast_in_dim3A_317 = vector.broadcast %broadcast_in_dim3A_316 : i32 to vector<16xi32>
        %gather3A_318 = arith.constant 0 : i32
        %gather3A_319 = arith.constant 0 : i32
        %gather3A_320 = arith.constant 0 : i32
        %gather3A_321 = tpu.memref_slice %arg28[%gather3A_318, %gather3A_319, %gather3A_320] : memref<2x80x16xf32, #tpu.memory_space<vmem>> -> memref<1x80x16xf32, #tpu.memory_space<vmem>>
        %gather3A_322 = tpu.memref_squeeze %gather3A_321 : memref<1x80x16xf32, #tpu.memory_space<vmem>> -> memref<80x16xf32, #tpu.memory_space<vmem>>
        %gather3A_323 = tpu.vector_load_idx %gather3A_322[%add3A_212, %broadcast_in_dim3A_317] : memref<80x16xf32, #tpu.memory_space<vmem>>[vector<16xi32>, vector<16xi32>], vector<16xf32>,
        %broadcast_in_dim3A_324 = arith.constant 6 : i32
        %broadcast_in_dim3A_325 = vector.broadcast %broadcast_in_dim3A_324 : i32 to vector<16xi32>
        %gather3A_326 = arith.constant 0 : i32
        %gather3A_327 = arith.constant 0 : i32
        %gather3A_328 = arith.constant 0 : i32
        %gather3A_329 = tpu.memref_slice %arg27[%gather3A_326, %gather3A_327, %gather3A_328] : memref<2x80x16xf32, #tpu.memory_space<vmem>> -> memref<1x80x16xf32, #tpu.memory_space<vmem>>
        %gather3A_330 = tpu.memref_squeeze %gather3A_329 : memref<1x80x16xf32, #tpu.memory_space<vmem>> -> memref<80x16xf32, #tpu.memory_space<vmem>>
        %gather3A_331 = tpu.vector_load_idx %gather3A_330[%add3A_212, %broadcast_in_dim3A_325] : memref<80x16xf32, #tpu.memory_space<vmem>>[vector<16xi32>, vector<16xi32>], vector<16xf32>,
        %add3A_332 = arith.addf %gather3A_323, %gather3A_331 : vector<16xf32>
        %ge3A_333 = arith.constant 0.000000e+00 : f32
        %ge3A_334 = vector.broadcast %ge3A_333 : f32 to vector<16xf32>
        %ge3A_335 = arith.cmpf oge, %add3A_332, %ge3A_334 : vector<16xf32>
        %mul3A_336 = arith.constant 2.000000e-01 : f32
        %mul3A_337 = vector.broadcast %mul3A_336 : f32 to vector<16xf32>
        %mul3A_338 = arith.mulf %mul3A_337, %add3A_332 : vector<16xf32>
        %select_n3A_339 = arith.select %ge3A_335, %add3A_332, %mul3A_338 : vector<16xi1>, vector<16xf32>
        %mul3A_340 = vector.broadcast %sub3A_3 : f32 to vector<16xf32>
        %mul3A_341 = arith.mulf %mul3A_340, %select_n3A_339 : vector<16xf32>
        %exp3A_342 = math.exp %mul3A_341 : vector<16xf32>
        %broadcast_in_dim3A_343 = arith.constant 130 : i32
        %broadcast_in_dim3A_344 = vector.broadcast %broadcast_in_dim3A_343 : i32 to vector<16xi32>
        %scatter3A_345 = arith.constant 0 : i32
        %scatter3A_346 = arith.constant 0 : i32
        %scatter3A_347 = arith.constant 0 : i32
        %scatter3A_348 = tpu.memref_slice %arg26[%scatter3A_345, %scatter3A_346, %scatter3A_347] : memref<2x80x136xf32, #tpu.memory_space<vmem>> -> memref<1x80x136xf32, #tpu.memory_space<vmem>>
        %scatter3A_349 = tpu.memref_squeeze %scatter3A_348 : memref<1x80x136xf32, #tpu.memory_space<vmem>> -> memref<80x136xf32, #tpu.memory_space<vmem>>
        tpu.vector_store_idx %scatter3A_349[%add3A_212, %broadcast_in_dim3A_344], %exp3A_342 : memref<80x136xf32, #tpu.memory_space<vmem>>[vector<16xi32>, vector<16xi32>], vector<16xf32>,
        %broadcast_in_dim3A_350 = arith.constant 2 : i32
        %broadcast_in_dim3A_351 = vector.broadcast %broadcast_in_dim3A_350 : i32 to vector<16xi32>
        %mul3A_352 = arith.mulf %exp3A_342, %add3A_239 : vector<16xf32>
        tpu.vector_store_idx %arg30[%add3A_212, %broadcast_in_dim3A_351], %mul3A_352 : memref<80x16xf32, #tpu.memory_space<vmem>>[vector<16xi32>, vector<16xi32>], vector<16xf32>,
        %broadcast_in_dim3A_353 = arith.constant 3 : i32
        %broadcast_in_dim3A_354 = vector.broadcast %broadcast_in_dim3A_353 : i32 to vector<16xi32>
        %gather3A_355 = arith.constant 0 : i32
        %gather3A_356 = arith.constant 0 : i32
        %gather3A_357 = arith.constant 0 : i32
        %gather3A_358 = tpu.memref_slice %arg28[%gather3A_355, %gather3A_356, %gather3A_357] : memref<2x80x16xf32, #tpu.memory_space<vmem>> -> memref<1x80x16xf32, #tpu.memory_space<vmem>>
        %gather3A_359 = tpu.memref_squeeze %gather3A_358 : memref<1x80x16xf32, #tpu.memory_space<vmem>> -> memref<80x16xf32, #tpu.memory_space<vmem>>
        %gather3A_360 = tpu.vector_load_idx %gather3A_359[%add3A_212, %broadcast_in_dim3A_354] : memref<80x16xf32, #tpu.memory_space<vmem>>[vector<16xi32>, vector<16xi32>], vector<16xf32>,
        %broadcast_in_dim3A_361 = arith.constant 7 : i32
        %broadcast_in_dim3A_362 = vector.broadcast %broadcast_in_dim3A_361 : i32 to vector<16xi32>
        %gather3A_363 = arith.constant 0 : i32
        %gather3A_364 = arith.constant 0 : i32
        %gather3A_365 = arith.constant 0 : i32
        %gather3A_366 = tpu.memref_slice %arg27[%gather3A_363, %gather3A_364, %gather3A_365] : memref<2x80x16xf32, #tpu.memory_space<vmem>> -> memref<1x80x16xf32, #tpu.memory_space<vmem>>
        %gather3A_367 = tpu.memref_squeeze %gather3A_366 : memref<1x80x16xf32, #tpu.memory_space<vmem>> -> memref<80x16xf32, #tpu.memory_space<vmem>>
        %gather3A_368 = tpu.vector_load_idx %gather3A_367[%add3A_212, %broadcast_in_dim3A_362] : memref<80x16xf32, #tpu.memory_space<vmem>>[vector<16xi32>, vector<16xi32>], vector<16xf32>,
        %add3A_369 = arith.addf %gather3A_360, %gather3A_368 : vector<16xf32>
        %ge3A_370 = arith.constant 0.000000e+00 : f32
        %ge3A_371 = vector.broadcast %ge3A_370 : f32 to vector<16xf32>
        %ge3A_372 = arith.cmpf oge, %add3A_369, %ge3A_371 : vector<16xf32>
        %mul3A_373 = arith.constant 2.000000e-01 : f32
        %mul3A_374 = vector.broadcast %mul3A_373 : f32 to vector<16xf32>
        %mul3A_375 = arith.mulf %mul3A_374, %add3A_369 : vector<16xf32>
        %select_n3A_376 = arith.select %ge3A_372, %add3A_369, %mul3A_375 : vector<16xi1>, vector<16xf32>
        %mul3A_377 = vector.broadcast %sub3A_3 : f32 to vector<16xf32>
        %mul3A_378 = arith.mulf %mul3A_377, %select_n3A_376 : vector<16xf32>
        %exp3A_379 = math.exp %mul3A_378 : vector<16xf32>
        %broadcast_in_dim3A_380 = arith.constant 131 : i32
        %broadcast_in_dim3A_381 = vector.broadcast %broadcast_in_dim3A_380 : i32 to vector<16xi32>
        %scatter3A_382 = arith.constant 0 : i32
        %scatter3A_383 = arith.constant 0 : i32
        %scatter3A_384 = arith.constant 0 : i32
        %scatter3A_385 = tpu.memref_slice %arg26[%scatter3A_382, %scatter3A_383, %scatter3A_384] : memref<2x80x136xf32, #tpu.memory_space<vmem>> -> memref<1x80x136xf32, #tpu.memory_space<vmem>>
        %scatter3A_386 = tpu.memref_squeeze %scatter3A_385 : memref<1x80x136xf32, #tpu.memory_space<vmem>> -> memref<80x136xf32, #tpu.memory_space<vmem>>
        tpu.vector_store_idx %scatter3A_386[%add3A_212, %broadcast_in_dim3A_381], %exp3A_379 : memref<80x136xf32, #tpu.memory_space<vmem>>[vector<16xi32>, vector<16xi32>], vector<16xf32>,
        %broadcast_in_dim3A_387 = arith.constant 3 : i32
        %broadcast_in_dim3A_388 = vector.broadcast %broadcast_in_dim3A_387 : i32 to vector<16xi32>
        %mul3A_389 = arith.mulf %exp3A_379, %add3A_239 : vector<16xf32>
        tpu.vector_store_idx %arg30[%add3A_212, %broadcast_in_dim3A_388], %mul3A_389 : memref<80x16xf32, #tpu.memory_space<vmem>>[vector<16xi32>, vector<16xi32>], vector<16xf32>,
        %get3A = arith.constant 0 : i32
        %get3A_390 = arith.index_cast %get3A : i32 to index
        %get3A_391 = arith.constant 0 : index
        %get3A_392 = tpu.vector_load %arg12[%get3A_390, %get3A_391] {strides = array<i32>} : memref<2x80xi32, #tpu.memory_space<vmem>>, vector<16xi32>,
        %swap3A_393 = arith.constant 0 : i32
        %swap3A_394 = arith.index_cast %swap3A_393 : i32 to index
        %swap3A_395 = arith.constant 0 : index
        %swap3A_396 = tpu.vector_load %arg15[%swap3A_394, %swap3A_395] {strides = array<i32>} : memref<2x80xi32, #tpu.memory_space<vmem>>, vector<16xi32>,
        tpu.vector_store %arg15[%swap3A_394, %swap3A_395], %get3A_392 {strides = array<i32>} : memref<2x80xi32, #tpu.memory_space<vmem>>, vector<16xi32>,
        %add3A_397 = arith.constant 16 : i32
        %add3A_398 = vector.broadcast %add3A_397 : i32 to vector<16xi32>
        %add3A_399 = arith.addi %add3A_398, %iota3A : vector<16xi32>
        %broadcast_in_dim3A_400 = arith.constant 8 : i32
        %broadcast_in_dim3A_401 = vector.broadcast %broadcast_in_dim3A_400 : i32 to vector<16xi32>
        %gather3A_402 = arith.constant 0 : i32
        %gather3A_403 = arith.constant 0 : i32
        %gather3A_404 = arith.constant 0 : i32
        %gather3A_405 = tpu.memref_slice %arg28[%gather3A_402, %gather3A_403, %gather3A_404] : memref<2x80x16xf32, #tpu.memory_space<vmem>> -> memref<1x80x16xf32, #tpu.memory_space<vmem>>
        %gather3A_406 = tpu.memref_squeeze %gather3A_405 : memref<1x80x16xf32, #tpu.memory_space<vmem>> -> memref<80x16xf32, #tpu.memory_space<vmem>>
        %gather3A_407 = tpu.vector_load_idx %gather3A_406[%add3A_399, %broadcast_in_dim3A_401] : memref<80x16xf32, #tpu.memory_space<vmem>>[vector<16xi32>, vector<16xi32>], vector<16xf32>,
        %broadcast_in_dim3A_408 = arith.constant 8 : i32
        %broadcast_in_dim3A_409 = vector.broadcast %broadcast_in_dim3A_408 : i32 to vector<16xi32>
        %gather3A_410 = arith.constant 0 : i32
        %gather3A_411 = arith.constant 0 : i32
        %gather3A_412 = arith.constant 0 : i32
        %gather3A_413 = tpu.memref_slice %arg27[%gather3A_410, %gather3A_411, %gather3A_412] : memref<2x80x16xf32, #tpu.memory_space<vmem>> -> memref<1x80x16xf32, #tpu.memory_space<vmem>>
        %gather3A_414 = tpu.memref_squeeze %gather3A_413 : memref<1x80x16xf32, #tpu.memory_space<vmem>> -> memref<80x16xf32, #tpu.memory_space<vmem>>
        %gather3A_415 = tpu.vector_load_idx %gather3A_414[%add3A_399, %broadcast_in_dim3A_409] : memref<80x16xf32, #tpu.memory_space<vmem>>[vector<16xi32>, vector<16xi32>], vector<16xf32>,
        %add3A_416 = arith.addf %gather3A_407, %gather3A_415 : vector<16xf32>
        %neg3A_417 = arith.constant 0.000000e+00 : f32
        %neg3A_418 = vector.broadcast %neg3A_417 : f32 to vector<16xf32>
        %neg3A_419 = arith.subf %neg3A_418, %add3A_416 : vector<16xf32>
        %exp3A_420 = math.exp %neg3A_419 : vector<16xf32>
        %add3A_421 = arith.constant 1.000000e+00 : f32
        %add3A_422 = vector.broadcast %add3A_421 : f32 to vector<16xf32>
        %add3A_423 = arith.addf %add3A_422, %exp3A_420 : vector<16xf32>
        %div3A_424 = arith.constant 1.000000e+00 : f32
        %div3A_425 = vector.broadcast %div3A_424 : f32 to vector<16xf32>
        %div3A_426 = arith.divf %div3A_425, %add3A_423 : vector<16xf32>
        %mul3A_427 = vector.broadcast %sub3A_3 : f32 to vector<16xf32>
        %mul3A_428 = arith.mulf %mul3A_427, %div3A_426 : vector<16xf32>
        %add3A_429 = vector.broadcast %convert_element_type3A : f32 to vector<16xf32>
        %add3A_430 = arith.addf %add3A_429, %mul3A_428 : vector<16xf32>
        %swap3A_431 = arith.constant 0 : i32
        %swap3A_432 = arith.index_cast %swap3A_431 : i32 to index
        %swap3A_433 = arith.constant 16 : index
        %swap3A_434 = tpu.vector_load %arg9[%swap3A_432, %swap3A_433] {strides = array<i32>} : memref<2x80xf32, #tpu.memory_space<vmem>>, vector<16xf32>,
        tpu.vector_store %arg9[%swap3A_432, %swap3A_433], %div3A_426 {strides = array<i32>} : memref<2x80xf32, #tpu.memory_space<vmem>>, vector<16xf32>,
        %broadcast_in_dim3A_435 = arith.constant 0 : i32
        %broadcast_in_dim3A_436 = vector.broadcast %broadcast_in_dim3A_435 : i32 to vector<16xi32>
        %gather3A_437 = arith.constant 0 : i32
        %gather3A_438 = arith.constant 0 : i32
        %gather3A_439 = arith.constant 0 : i32
        %gather3A_440 = tpu.memref_slice %arg28[%gather3A_437, %gather3A_438, %gather3A_439] : memref<2x80x16xf32, #tpu.memory_space<vmem>> -> memref<1x80x16xf32, #tpu.memory_space<vmem>>
        %gather3A_441 = tpu.memref_squeeze %gather3A_440 : memref<1x80x16xf32, #tpu.memory_space<vmem>> -> memref<80x16xf32, #tpu.memory_space<vmem>>
        %gather3A_442 = tpu.vector_load_idx %gather3A_441[%add3A_399, %broadcast_in_dim3A_436] : memref<80x16xf32, #tpu.memory_space<vmem>>[vector<16xi32>, vector<16xi32>], vector<16xf32>,
        %broadcast_in_dim3A_443 = arith.constant 4 : i32
        %broadcast_in_dim3A_444 = vector.broadcast %broadcast_in_dim3A_443 : i32 to vector<16xi32>
        %gather3A_445 = arith.constant 0 : i32
        %gather3A_446 = arith.constant 0 : i32
        %gather3A_447 = arith.constant 0 : i32
        %gather3A_448 = tpu.memref_slice %arg27[%gather3A_445, %gather3A_446, %gather3A_447] : memref<2x80x16xf32, #tpu.memory_space<vmem>> -> memref<1x80x16xf32, #tpu.memory_space<vmem>>
        %gather3A_449 = tpu.memref_squeeze %gather3A_448 : memref<1x80x16xf32, #tpu.memory_space<vmem>> -> memref<80x16xf32, #tpu.memory_space<vmem>>
        %gather3A_450 = tpu.vector_load_idx %gather3A_449[%add3A_399, %broadcast_in_dim3A_444] : memref<80x16xf32, #tpu.memory_space<vmem>>[vector<16xi32>, vector<16xi32>], vector<16xf32>,
        %add3A_451 = arith.addf %gather3A_442, %gather3A_450 : vector<16xf32>
        %ge3A_452 = arith.constant 0.000000e+00 : f32
        %ge3A_453 = vector.broadcast %ge3A_452 : f32 to vector<16xf32>
        %ge3A_454 = arith.cmpf oge, %add3A_451, %ge3A_453 : vector<16xf32>
        %mul3A_455 = arith.constant 2.000000e-01 : f32
        %mul3A_456 = vector.broadcast %mul3A_455 : f32 to vector<16xf32>
        %mul3A_457 = arith.mulf %mul3A_456, %add3A_451 : vector<16xf32>
        %select_n3A_458 = arith.select %ge3A_454, %add3A_451, %mul3A_457 : vector<16xi1>, vector<16xf32>
        %mul3A_459 = vector.broadcast %sub3A_3 : f32 to vector<16xf32>
        %mul3A_460 = arith.mulf %mul3A_459, %select_n3A_458 : vector<16xf32>
        %exp3A_461 = math.exp %mul3A_460 : vector<16xf32>
        %broadcast_in_dim3A_462 = arith.constant 128 : i32
        %broadcast_in_dim3A_463 = vector.broadcast %broadcast_in_dim3A_462 : i32 to vector<16xi32>
        %scatter3A_464 = arith.constant 0 : i32
        %scatter3A_465 = arith.constant 0 : i32
        %scatter3A_466 = arith.constant 0 : i32
        %scatter3A_467 = tpu.memref_slice %arg26[%scatter3A_464, %scatter3A_465, %scatter3A_466] : memref<2x80x136xf32, #tpu.memory_space<vmem>> -> memref<1x80x136xf32, #tpu.memory_space<vmem>>
        %scatter3A_468 = tpu.memref_squeeze %scatter3A_467 : memref<1x80x136xf32, #tpu.memory_space<vmem>> -> memref<80x136xf32, #tpu.memory_space<vmem>>
        tpu.vector_store_idx %scatter3A_468[%add3A_399, %broadcast_in_dim3A_463], %exp3A_461 : memref<80x136xf32, #tpu.memory_space<vmem>>[vector<16xi32>, vector<16xi32>], vector<16xf32>,
        %broadcast_in_dim3A_469 = arith.constant 0 : i32
        %broadcast_in_dim3A_470 = vector.broadcast %broadcast_in_dim3A_469 : i32 to vector<16xi32>
        %mul3A_471 = arith.mulf %exp3A_461, %add3A_430 : vector<16xf32>
        tpu.vector_store_idx %arg30[%add3A_399, %broadcast_in_dim3A_470], %mul3A_471 : memref<80x16xf32, #tpu.memory_space<vmem>>[vector<16xi32>, vector<16xi32>], vector<16xf32>,
        %broadcast_in_dim3A_472 = arith.constant 1 : i32
        %broadcast_in_dim3A_473 = vector.broadcast %broadcast_in_dim3A_472 : i32 to vector<16xi32>
        %gather3A_474 = arith.constant 0 : i32
        %gather3A_475 = arith.constant 0 : i32
        %gather3A_476 = arith.constant 0 : i32
        %gather3A_477 = tpu.memref_slice %arg28[%gather3A_474, %gather3A_475, %gather3A_476] : memref<2x80x16xf32, #tpu.memory_space<vmem>> -> memref<1x80x16xf32, #tpu.memory_space<vmem>>
        %gather3A_478 = tpu.memref_squeeze %gather3A_477 : memref<1x80x16xf32, #tpu.memory_space<vmem>> -> memref<80x16xf32, #tpu.memory_space<vmem>>
        %gather3A_479 = tpu.vector_load_idx %gather3A_478[%add3A_399, %broadcast_in_dim3A_473] : memref<80x16xf32, #tpu.memory_space<vmem>>[vector<16xi32>, vector<16xi32>], vector<16xf32>,
        %broadcast_in_dim3A_480 = arith.constant 5 : i32
        %broadcast_in_dim3A_481 = vector.broadcast %broadcast_in_dim3A_480 : i32 to vector<16xi32>
        %gather3A_482 = arith.constant 0 : i32
        %gather3A_483 = arith.constant 0 : i32
        %gather3A_484 = arith.constant 0 : i32
        %gather3A_485 = tpu.memref_slice %arg27[%gather3A_482, %gather3A_483, %gather3A_484] : memref<2x80x16xf32, #tpu.memory_space<vmem>> -> memref<1x80x16xf32, #tpu.memory_space<vmem>>
        %gather3A_486 = tpu.memref_squeeze %gather3A_485 : memref<1x80x16xf32, #tpu.memory_space<vmem>> -> memref<80x16xf32, #tpu.memory_space<vmem>>
        %gather3A_487 = tpu.vector_load_idx %gather3A_486[%add3A_399, %broadcast_in_dim3A_481] : memref<80x16xf32, #tpu.memory_space<vmem>>[vector<16xi32>, vector<16xi32>], vector<16xf32>,
        %add3A_488 = arith.addf %gather3A_479, %gather3A_487 : vector<16xf32>
        %ge3A_489 = arith.constant 0.000000e+00 : f32
        %ge3A_490 = vector.broadcast %ge3A_489 : f32 to vector<16xf32>
        %ge3A_491 = arith.cmpf oge, %add3A_488, %ge3A_490 : vector<16xf32>
        %mul3A_492 = arith.constant 2.000000e-01 : f32
        %mul3A_493 = vector.broadcast %mul3A_492 : f32 to vector<16xf32>
        %mul3A_494 = arith.mulf %mul3A_493, %add3A_488 : vector<16xf32>
        %select_n3A_495 = arith.select %ge3A_491, %add3A_488, %mul3A_494 : vector<16xi1>, vector<16xf32>
        %mul3A_496 = vector.broadcast %sub3A_3 : f32 to vector<16xf32>
        %mul3A_497 = arith.mulf %mul3A_496, %select_n3A_495 : vector<16xf32>
        %exp3A_498 = math.exp %mul3A_497 : vector<16xf32>
        %broadcast_in_dim3A_499 = arith.constant 129 : i32
        %broadcast_in_dim3A_500 = vector.broadcast %broadcast_in_dim3A_499 : i32 to vector<16xi32>
        %scatter3A_501 = arith.constant 0 : i32
        %scatter3A_502 = arith.constant 0 : i32
        %scatter3A_503 = arith.constant 0 : i32
        %scatter3A_504 = tpu.memref_slice %arg26[%scatter3A_501, %scatter3A_502, %scatter3A_503] : memref<2x80x136xf32, #tpu.memory_space<vmem>> -> memref<1x80x136xf32, #tpu.memory_space<vmem>>
        %scatter3A_505 = tpu.memref_squeeze %scatter3A_504 : memref<1x80x136xf32, #tpu.memory_space<vmem>> -> memref<80x136xf32, #tpu.memory_space<vmem>>
        tpu.vector_store_idx %scatter3A_505[%add3A_399, %broadcast_in_dim3A_500], %exp3A_498 : memref<80x136xf32, #tpu.memory_space<vmem>>[vector<16xi32>, vector<16xi32>], vector<16xf32>,
        %broadcast_in_dim3A_506 = arith.constant 1 : i32
        %broadcast_in_dim3A_507 = vector.broadcast %broadcast_in_dim3A_506 : i32 to vector<16xi32>
        %mul3A_508 = arith.mulf %exp3A_498, %add3A_430 : vector<16xf32>
        tpu.vector_store_idx %arg30[%add3A_399, %broadcast_in_dim3A_507], %mul3A_508 : memref<80x16xf32, #tpu.memory_space<vmem>>[vector<16xi32>, vector<16xi32>], vector<16xf32>,
        %broadcast_in_dim3A_509 = arith.constant 2 : i32
        %broadcast_in_dim3A_510 = vector.broadcast %broadcast_in_dim3A_509 : i32 to vector<16xi32>
        %gather3A_511 = arith.constant 0 : i32
        %gather3A_512 = arith.constant 0 : i32
        %gather3A_513 = arith.constant 0 : i32
        %gather3A_514 = tpu.memref_slice %arg28[%gather3A_511, %gather3A_512, %gather3A_513] : memref<2x80x16xf32, #tpu.memory_space<vmem>> -> memref<1x80x16xf32, #tpu.memory_space<vmem>>
        %gather3A_515 = tpu.memref_squeeze %gather3A_514 : memref<1x80x16xf32, #tpu.memory_space<vmem>> -> memref<80x16xf32, #tpu.memory_space<vmem>>
        %gather3A_516 = tpu.vector_load_idx %gather3A_515[%add3A_399, %broadcast_in_dim3A_510] : memref<80x16xf32, #tpu.memory_space<vmem>>[vector<16xi32>, vector<16xi32>], vector<16xf32>,
        %broadcast_in_dim3A_517 = arith.constant 6 : i32
        %broadcast_in_dim3A_518 = vector.broadcast %broadcast_in_dim3A_517 : i32 to vector<16xi32>
        %gather3A_519 = arith.constant 0 : i32
        %gather3A_520 = arith.constant 0 : i32
        %gather3A_521 = arith.constant 0 : i32
        %gather3A_522 = tpu.memref_slice %arg27[%gather3A_519, %gather3A_520, %gather3A_521] : memref<2x80x16xf32, #tpu.memory_space<vmem>> -> memref<1x80x16xf32, #tpu.memory_space<vmem>>
        %gather3A_523 = tpu.memref_squeeze %gather3A_522 : memref<1x80x16xf32, #tpu.memory_space<vmem>> -> memref<80x16xf32, #tpu.memory_space<vmem>>
        %gather3A_524 = tpu.vector_load_idx %gather3A_523[%add3A_399, %broadcast_in_dim3A_518] : memref<80x16xf32, #tpu.memory_space<vmem>>[vector<16xi32>, vector<16xi32>], vector<16xf32>,
        %add3A_525 = arith.addf %gather3A_516, %gather3A_524 : vector<16xf32>
        %ge3A_526 = arith.constant 0.000000e+00 : f32
        %ge3A_527 = vector.broadcast %ge3A_526 : f32 to vector<16xf32>
        %ge3A_528 = arith.cmpf oge, %add3A_525, %ge3A_527 : vector<16xf32>
        %mul3A_529 = arith.constant 2.000000e-01 : f32
        %mul3A_530 = vector.broadcast %mul3A_529 : f32 to vector<16xf32>
        %mul3A_531 = arith.mulf %mul3A_530, %add3A_525 : vector<16xf32>
        %select_n3A_532 = arith.select %ge3A_528, %add3A_525, %mul3A_531 : vector<16xi1>, vector<16xf32>
        %mul3A_533 = vector.broadcast %sub3A_3 : f32 to vector<16xf32>
        %mul3A_534 = arith.mulf %mul3A_533, %select_n3A_532 : vector<16xf32>
        %exp3A_535 = math.exp %mul3A_534 : vector<16xf32>
        %broadcast_in_dim3A_536 = arith.constant 130 : i32
        %broadcast_in_dim3A_537 = vector.broadcast %broadcast_in_dim3A_536 : i32 to vector<16xi32>
        %scatter3A_538 = arith.constant 0 : i32
        %scatter3A_539 = arith.constant 0 : i32
        %scatter3A_540 = arith.constant 0 : i32
        %scatter3A_541 = tpu.memref_slice %arg26[%scatter3A_538, %scatter3A_539, %scatter3A_540] : memref<2x80x136xf32, #tpu.memory_space<vmem>> -> memref<1x80x136xf32, #tpu.memory_space<vmem>>
        %scatter3A_542 = tpu.memref_squeeze %scatter3A_541 : memref<1x80x136xf32, #tpu.memory_space<vmem>> -> memref<80x136xf32, #tpu.memory_space<vmem>>
        tpu.vector_store_idx %scatter3A_542[%add3A_399, %broadcast_in_dim3A_537], %exp3A_535 : memref<80x136xf32, #tpu.memory_space<vmem>>[vector<16xi32>, vector<16xi32>], vector<16xf32>,
        %broadcast_in_dim3A_543 = arith.constant 2 : i32
        %broadcast_in_dim3A_544 = vector.broadcast %broadcast_in_dim3A_543 : i32 to vector<16xi32>
        %mul3A_545 = arith.mulf %exp3A_535, %add3A_430 : vector<16xf32>
        tpu.vector_store_idx %arg30[%add3A_399, %broadcast_in_dim3A_544], %mul3A_545 : memref<80x16xf32, #tpu.memory_space<vmem>>[vector<16xi32>, vector<16xi32>], vector<16xf32>,
        %broadcast_in_dim3A_546 = arith.constant 3 : i32
        %broadcast_in_dim3A_547 = vector.broadcast %broadcast_in_dim3A_546 : i32 to vector<16xi32>
        %gather3A_548 = arith.constant 0 : i32
        %gather3A_549 = arith.constant 0 : i32
        %gather3A_550 = arith.constant 0 : i32
        %gather3A_551 = tpu.memref_slice %arg28[%gather3A_548, %gather3A_549, %gather3A_550] : memref<2x80x16xf32, #tpu.memory_space<vmem>> -> memref<1x80x16xf32, #tpu.memory_space<vmem>>
        %gather3A_552 = tpu.memref_squeeze %gather3A_551 : memref<1x80x16xf32, #tpu.memory_space<vmem>> -> memref<80x16xf32, #tpu.memory_space<vmem>>
        %gather3A_553 = tpu.vector_load_idx %gather3A_552[%add3A_399, %broadcast_in_dim3A_547] : memref<80x16xf32, #tpu.memory_space<vmem>>[vector<16xi32>, vector<16xi32>], vector<16xf32>,
        %broadcast_in_dim3A_554 = arith.constant 7 : i32
        %broadcast_in_dim3A_555 = vector.broadcast %broadcast_in_dim3A_554 : i32 to vector<16xi32>
        %gather3A_556 = arith.constant 0 : i32
        %gather3A_557 = arith.constant 0 : i32
        %gather3A_558 = arith.constant 0 : i32
        %gather3A_559 = tpu.memref_slice %arg27[%gather3A_556, %gather3A_557, %gather3A_558] : memref<2x80x16xf32, #tpu.memory_space<vmem>> -> memref<1x80x16xf32, #tpu.memory_space<vmem>>
        %gather3A_560 = tpu.memref_squeeze %gather3A_559 : memref<1x80x16xf32, #tpu.memory_space<vmem>> -> memref<80x16xf32, #tpu.memory_space<vmem>>
        %gather3A_561 = tpu.vector_load_idx %gather3A_560[%add3A_399, %broadcast_in_dim3A_555] : memref<80x16xf32, #tpu.memory_space<vmem>>[vector<16xi32>, vector<16xi32>], vector<16xf32>,
        %add3A_562 = arith.addf %gather3A_553, %gather3A_561 : vector<16xf32>
        %ge3A_563 = arith.constant 0.000000e+00 : f32
        %ge3A_564 = vector.broadcast %ge3A_563 : f32 to vector<16xf32>
        %ge3A_565 = arith.cmpf oge, %add3A_562, %ge3A_564 : vector<16xf32>
        %mul3A_566 = arith.constant 2.000000e-01 : f32
        %mul3A_567 = vector.broadcast %mul3A_566 : f32 to vector<16xf32>
        %mul3A_568 = arith.mulf %mul3A_567, %add3A_562 : vector<16xf32>
        %select_n3A_569 = arith.select %ge3A_565, %add3A_562, %mul3A_568 : vector<16xi1>, vector<16xf32>
        %mul3A_570 = vector.broadcast %sub3A_3 : f32 to vector<16xf32>
        %mul3A_571 = arith.mulf %mul3A_570, %select_n3A_569 : vector<16xf32>
        %exp3A_572 = math.exp %mul3A_571 : vector<16xf32>
        %broadcast_in_dim3A_573 = arith.constant 131 : i32
        %broadcast_in_dim3A_574 = vector.broadcast %broadcast_in_dim3A_573 : i32 to vector<16xi32>
        %scatter3A_575 = arith.constant 0 : i32
        %scatter3A_576 = arith.constant 0 : i32
        %scatter3A_577 = arith.constant 0 : i32
        %scatter3A_578 = tpu.memref_slice %arg26[%scatter3A_575, %scatter3A_576, %scatter3A_577] : memref<2x80x136xf32, #tpu.memory_space<vmem>> -> memref<1x80x136xf32, #tpu.memory_space<vmem>>
        %scatter3A_579 = tpu.memref_squeeze %scatter3A_578 : memref<1x80x136xf32, #tpu.memory_space<vmem>> -> memref<80x136xf32, #tpu.memory_space<vmem>>
        tpu.vector_store_idx %scatter3A_579[%add3A_399, %broadcast_in_dim3A_574], %exp3A_572 : memref<80x136xf32, #tpu.memory_space<vmem>>[vector<16xi32>, vector<16xi32>], vector<16xf32>,
        %broadcast_in_dim3A_580 = arith.constant 3 : i32
        %broadcast_in_dim3A_581 = vector.broadcast %broadcast_in_dim3A_580 : i32 to vector<16xi32>
        %mul3A_582 = arith.mulf %exp3A_572, %add3A_430 : vector<16xf32>
        tpu.vector_store_idx %arg30[%add3A_399, %broadcast_in_dim3A_581], %mul3A_582 : memref<80x16xf32, #tpu.memory_space<vmem>>[vector<16xi32>, vector<16xi32>], vector<16xf32>,
        %get3A_583 = arith.constant 0 : i32
        %get3A_584 = arith.index_cast %get3A_583 : i32 to index
        %get3A_585 = arith.constant 16 : index
        %get3A_586 = tpu.vector_load %arg12[%get3A_584, %get3A_585] {strides = array<i32>} : memref<2x80xi32, #tpu.memory_space<vmem>>, vector<16xi32>,
        %swap3A_587 = arith.constant 0 : i32
        %swap3A_588 = arith.index_cast %swap3A_587 : i32 to index
        %swap3A_589 = arith.constant 16 : index
        %swap3A_590 = tpu.vector_load %arg15[%swap3A_588, %swap3A_589] {strides = array<i32>} : memref<2x80xi32, #tpu.memory_space<vmem>>, vector<16xi32>,
        tpu.vector_store %arg15[%swap3A_588, %swap3A_589], %get3A_586 {strides = array<i32>} : memref<2x80xi32, #tpu.memory_space<vmem>>, vector<16xi32>,
        %add3A_591 = arith.constant 32 : i32
        %add3A_592 = vector.broadcast %add3A_591 : i32 to vector<16xi32>
        %add3A_593 = arith.addi %add3A_592, %iota3A : vector<16xi32>
        %broadcast_in_dim3A_594 = arith.constant 8 : i32
        %broadcast_in_dim3A_595 = vector.broadcast %broadcast_in_dim3A_594 : i32 to vector<16xi32>
        %gather3A_596 = arith.constant 0 : i32
        %gather3A_597 = arith.constant 0 : i32
        %gather3A_598 = arith.constant 0 : i32
        %gather3A_599 = tpu.memref_slice %arg28[%gather3A_596, %gather3A_597, %gather3A_598] : memref<2x80x16xf32, #tpu.memory_space<vmem>> -> memref<1x80x16xf32, #tpu.memory_space<vmem>>
        %gather3A_600 = tpu.memref_squeeze %gather3A_599 : memref<1x80x16xf32, #tpu.memory_space<vmem>> -> memref<80x16xf32, #tpu.memory_space<vmem>>
        %gather3A_601 = tpu.vector_load_idx %gather3A_600[%add3A_593, %broadcast_in_dim3A_595] : memref<80x16xf32, #tpu.memory_space<vmem>>[vector<16xi32>, vector<16xi32>], vector<16xf32>,
        %broadcast_in_dim3A_602 = arith.constant 8 : i32
        %broadcast_in_dim3A_603 = vector.broadcast %broadcast_in_dim3A_602 : i32 to vector<16xi32>
        %gather3A_604 = arith.constant 0 : i32
        %gather3A_605 = arith.constant 0 : i32
        %gather3A_606 = arith.constant 0 : i32
        %gather3A_607 = tpu.memref_slice %arg27[%gather3A_604, %gather3A_605, %gather3A_606] : memref<2x80x16xf32, #tpu.memory_space<vmem>> -> memref<1x80x16xf32, #tpu.memory_space<vmem>>
        %gather3A_608 = tpu.memref_squeeze %gather3A_607 : memref<1x80x16xf32, #tpu.memory_space<vmem>> -> memref<80x16xf32, #tpu.memory_space<vmem>>
        %gather3A_609 = tpu.vector_load_idx %gather3A_608[%add3A_593, %broadcast_in_dim3A_603] : memref<80x16xf32, #tpu.memory_space<vmem>>[vector<16xi32>, vector<16xi32>], vector<16xf32>,
        %add3A_610 = arith.addf %gather3A_601, %gather3A_609 : vector<16xf32>
        %neg3A_611 = arith.constant 0.000000e+00 : f32
        %neg3A_612 = vector.broadcast %neg3A_611 : f32 to vector<16xf32>
        %neg3A_613 = arith.subf %neg3A_612, %add3A_610 : vector<16xf32>
        %exp3A_614 = math.exp %neg3A_613 : vector<16xf32>
        %add3A_615 = arith.constant 1.000000e+00 : f32
        %add3A_616 = vector.broadcast %add3A_615 : f32 to vector<16xf32>
        %add3A_617 = arith.addf %add3A_616, %exp3A_614 : vector<16xf32>
        %div3A_618 = arith.constant 1.000000e+00 : f32
        %div3A_619 = vector.broadcast %div3A_618 : f32 to vector<16xf32>
        %div3A_620 = arith.divf %div3A_619, %add3A_617 : vector<16xf32>
        %mul3A_621 = vector.broadcast %sub3A_3 : f32 to vector<16xf32>
        %mul3A_622 = arith.mulf %mul3A_621, %div3A_620 : vector<16xf32>
        %add3A_623 = vector.broadcast %convert_element_type3A : f32 to vector<16xf32>
        %add3A_624 = arith.addf %add3A_623, %mul3A_622 : vector<16xf32>
        %swap3A_625 = arith.constant 0 : i32
        %swap3A_626 = arith.index_cast %swap3A_625 : i32 to index
        %swap3A_627 = arith.constant 32 : index
        %swap3A_628 = tpu.vector_load %arg9[%swap3A_626, %swap3A_627] {strides = array<i32>} : memref<2x80xf32, #tpu.memory_space<vmem>>, vector<16xf32>,
        tpu.vector_store %arg9[%swap3A_626, %swap3A_627], %div3A_620 {strides = array<i32>} : memref<2x80xf32, #tpu.memory_space<vmem>>, vector<16xf32>,
        %broadcast_in_dim3A_629 = arith.constant 0 : i32
        %broadcast_in_dim3A_630 = vector.broadcast %broadcast_in_dim3A_629 : i32 to vector<16xi32>
        %gather3A_631 = arith.constant 0 : i32
        %gather3A_632 = arith.constant 0 : i32
        %gather3A_633 = arith.constant 0 : i32
        %gather3A_634 = tpu.memref_slice %arg28[%gather3A_631, %gather3A_632, %gather3A_633] : memref<2x80x16xf32, #tpu.memory_space<vmem>> -> memref<1x80x16xf32, #tpu.memory_space<vmem>>
        %gather3A_635 = tpu.memref_squeeze %gather3A_634 : memref<1x80x16xf32, #tpu.memory_space<vmem>> -> memref<80x16xf32, #tpu.memory_space<vmem>>
        %gather3A_636 = tpu.vector_load_idx %gather3A_635[%add3A_593, %broadcast_in_dim3A_630] : memref<80x16xf32, #tpu.memory_space<vmem>>[vector<16xi32>, vector<16xi32>], vector<16xf32>,
        %broadcast_in_dim3A_637 = arith.constant 4 : i32
        %broadcast_in_dim3A_638 = vector.broadcast %broadcast_in_dim3A_637 : i32 to vector<16xi32>
        %gather3A_639 = arith.constant 0 : i32
        %gather3A_640 = arith.constant 0 : i32
        %gather3A_641 = arith.constant 0 : i32
        %gather3A_642 = tpu.memref_slice %arg27[%gather3A_639, %gather3A_640, %gather3A_641] : memref<2x80x16xf32, #tpu.memory_space<vmem>> -> memref<1x80x16xf32, #tpu.memory_space<vmem>>
        %gather3A_643 = tpu.memref_squeeze %gather3A_642 : memref<1x80x16xf32, #tpu.memory_space<vmem>> -> memref<80x16xf32, #tpu.memory_space<vmem>>
        %gather3A_644 = tpu.vector_load_idx %gather3A_643[%add3A_593, %broadcast_in_dim3A_638] : memref<80x16xf32, #tpu.memory_space<vmem>>[vector<16xi32>, vector<16xi32>], vector<16xf32>,
        %add3A_645 = arith.addf %gather3A_636, %gather3A_644 : vector<16xf32>
        %ge3A_646 = arith.constant 0.000000e+00 : f32
        %ge3A_647 = vector.broadcast %ge3A_646 : f32 to vector<16xf32>
        %ge3A_648 = arith.cmpf oge, %add3A_645, %ge3A_647 : vector<16xf32>
        %mul3A_649 = arith.constant 2.000000e-01 : f32
        %mul3A_650 = vector.broadcast %mul3A_649 : f32 to vector<16xf32>
        %mul3A_651 = arith.mulf %mul3A_650, %add3A_645 : vector<16xf32>
        %select_n3A_652 = arith.select %ge3A_648, %add3A_645, %mul3A_651 : vector<16xi1>, vector<16xf32>
        %mul3A_653 = vector.broadcast %sub3A_3 : f32 to vector<16xf32>
        %mul3A_654 = arith.mulf %mul3A_653, %select_n3A_652 : vector<16xf32>
        %exp3A_655 = math.exp %mul3A_654 : vector<16xf32>
        %broadcast_in_dim3A_656 = arith.constant 128 : i32
        %broadcast_in_dim3A_657 = vector.broadcast %broadcast_in_dim3A_656 : i32 to vector<16xi32>
        %scatter3A_658 = arith.constant 0 : i32
        %scatter3A_659 = arith.constant 0 : i32
        %scatter3A_660 = arith.constant 0 : i32
        %scatter3A_661 = tpu.memref_slice %arg26[%scatter3A_658, %scatter3A_659, %scatter3A_660] : memref<2x80x136xf32, #tpu.memory_space<vmem>> -> memref<1x80x136xf32, #tpu.memory_space<vmem>>
        %scatter3A_662 = tpu.memref_squeeze %scatter3A_661 : memref<1x80x136xf32, #tpu.memory_space<vmem>> -> memref<80x136xf32, #tpu.memory_space<vmem>>
        tpu.vector_store_idx %scatter3A_662[%add3A_593, %broadcast_in_dim3A_657], %exp3A_655 : memref<80x136xf32, #tpu.memory_space<vmem>>[vector<16xi32>, vector<16xi32>], vector<16xf32>,
        %broadcast_in_dim3A_663 = arith.constant 0 : i32
        %broadcast_in_dim3A_664 = vector.broadcast %broadcast_in_dim3A_663 : i32 to vector<16xi32>
        %mul3A_665 = arith.mulf %exp3A_655, %add3A_624 : vector<16xf32>
        tpu.vector_store_idx %arg30[%add3A_593, %broadcast_in_dim3A_664], %mul3A_665 : memref<80x16xf32, #tpu.memory_space<vmem>>[vector<16xi32>, vector<16xi32>], vector<16xf32>,
        %broadcast_in_dim3A_666 = arith.constant 1 : i32
        %broadcast_in_dim3A_667 = vector.broadcast %broadcast_in_dim3A_666 : i32 to vector<16xi32>
        %gather3A_668 = arith.constant 0 : i32
        %gather3A_669 = arith.constant 0 : i32
        %gather3A_670 = arith.constant 0 : i32
        %gather3A_671 = tpu.memref_slice %arg28[%gather3A_668, %gather3A_669, %gather3A_670] : memref<2x80x16xf32, #tpu.memory_space<vmem>> -> memref<1x80x16xf32, #tpu.memory_space<vmem>>
        %gather3A_672 = tpu.memref_squeeze %gather3A_671 : memref<1x80x16xf32, #tpu.memory_space<vmem>> -> memref<80x16xf32, #tpu.memory_space<vmem>>
        %gather3A_673 = tpu.vector_load_idx %gather3A_672[%add3A_593, %broadcast_in_dim3A_667] : memref<80x16xf32, #tpu.memory_space<vmem>>[vector<16xi32>, vector<16xi32>], vector<16xf32>,
        %broadcast_in_dim3A_674 = arith.constant 5 : i32
        %broadcast_in_dim3A_675 = vector.broadcast %broadcast_in_dim3A_674 : i32 to vector<16xi32>
        %gather3A_676 = arith.constant 0 : i32
        %gather3A_677 = arith.constant 0 : i32
        %gather3A_678 = arith.constant 0 : i32
        %gather3A_679 = tpu.memref_slice %arg27[%gather3A_676, %gather3A_677, %gather3A_678] : memref<2x80x16xf32, #tpu.memory_space<vmem>> -> memref<1x80x16xf32, #tpu.memory_space<vmem>>
        %gather3A_680 = tpu.memref_squeeze %gather3A_679 : memref<1x80x16xf32, #tpu.memory_space<vmem>> -> memref<80x16xf32, #tpu.memory_space<vmem>>
        %gather3A_681 = tpu.vector_load_idx %gather3A_680[%add3A_593, %broadcast_in_dim3A_675] : memref<80x16xf32, #tpu.memory_space<vmem>>[vector<16xi32>, vector<16xi32>], vector<16xf32>,
        %add3A_682 = arith.addf %gather3A_673, %gather3A_681 : vector<16xf32>
        %ge3A_683 = arith.constant 0.000000e+00 : f32
        %ge3A_684 = vector.broadcast %ge3A_683 : f32 to vector<16xf32>
        %ge3A_685 = arith.cmpf oge, %add3A_682, %ge3A_684 : vector<16xf32>
        %mul3A_686 = arith.constant 2.000000e-01 : f32
        %mul3A_687 = vector.broadcast %mul3A_686 : f32 to vector<16xf32>
        %mul3A_688 = arith.mulf %mul3A_687, %add3A_682 : vector<16xf32>
        %select_n3A_689 = arith.select %ge3A_685, %add3A_682, %mul3A_688 : vector<16xi1>, vector<16xf32>
        %mul3A_690 = vector.broadcast %sub3A_3 : f32 to vector<16xf32>
        %mul3A_691 = arith.mulf %mul3A_690, %select_n3A_689 : vector<16xf32>
        %exp3A_692 = math.exp %mul3A_691 : vector<16xf32>
        %broadcast_in_dim3A_693 = arith.constant 129 : i32
        %broadcast_in_dim3A_694 = vector.broadcast %broadcast_in_dim3A_693 : i32 to vector<16xi32>
        %scatter3A_695 = arith.constant 0 : i32
        %scatter3A_696 = arith.constant 0 : i32
        %scatter3A_697 = arith.constant 0 : i32
        %scatter3A_698 = tpu.memref_slice %arg26[%scatter3A_695, %scatter3A_696, %scatter3A_697] : memref<2x80x136xf32, #tpu.memory_space<vmem>> -> memref<1x80x136xf32, #tpu.memory_space<vmem>>
        %scatter3A_699 = tpu.memref_squeeze %scatter3A_698 : memref<1x80x136xf32, #tpu.memory_space<vmem>> -> memref<80x136xf32, #tpu.memory_space<vmem>>
        tpu.vector_store_idx %scatter3A_699[%add3A_593, %broadcast_in_dim3A_694], %exp3A_692 : memref<80x136xf32, #tpu.memory_space<vmem>>[vector<16xi32>, vector<16xi32>], vector<16xf32>,
        %broadcast_in_dim3A_700 = arith.constant 1 : i32
        %broadcast_in_dim3A_701 = vector.broadcast %broadcast_in_dim3A_700 : i32 to vector<16xi32>
        %mul3A_702 = arith.mulf %exp3A_692, %add3A_624 : vector<16xf32>
        tpu.vector_store_idx %arg30[%add3A_593, %broadcast_in_dim3A_701], %mul3A_702 : memref<80x16xf32, #tpu.memory_space<vmem>>[vector<16xi32>, vector<16xi32>], vector<16xf32>,
        %broadcast_in_dim3A_703 = arith.constant 2 : i32
        %broadcast_in_dim3A_704 = vector.broadcast %broadcast_in_dim3A_703 : i32 to vector<16xi32>
        %gather3A_705 = arith.constant 0 : i32
        %gather3A_706 = arith.constant 0 : i32
        %gather3A_707 = arith.constant 0 : i32
        %gather3A_708 = tpu.memref_slice %arg28[%gather3A_705, %gather3A_706, %gather3A_707] : memref<2x80x16xf32, #tpu.memory_space<vmem>> -> memref<1x80x16xf32, #tpu.memory_space<vmem>>
        %gather3A_709 = tpu.memref_squeeze %gather3A_708 : memref<1x80x16xf32, #tpu.memory_space<vmem>> -> memref<80x16xf32, #tpu.memory_space<vmem>>
        %gather3A_710 = tpu.vector_load_idx %gather3A_709[%add3A_593, %broadcast_in_dim3A_704] : memref<80x16xf32, #tpu.memory_space<vmem>>[vector<16xi32>, vector<16xi32>], vector<16xf32>,
        %broadcast_in_dim3A_711 = arith.constant 6 : i32
        %broadcast_in_dim3A_712 = vector.broadcast %broadcast_in_dim3A_711 : i32 to vector<16xi32>
        %gather3A_713 = arith.constant 0 : i32
        %gather3A_714 = arith.constant 0 : i32
        %gather3A_715 = arith.constant 0 : i32
        %gather3A_716 = tpu.memref_slice %arg27[%gather3A_713, %gather3A_714, %gather3A_715] : memref<2x80x16xf32, #tpu.memory_space<vmem>> -> memref<1x80x16xf32, #tpu.memory_space<vmem>>
        %gather3A_717 = tpu.memref_squeeze %gather3A_716 : memref<1x80x16xf32, #tpu.memory_space<vmem>> -> memref<80x16xf32, #tpu.memory_space<vmem>>
        %gather3A_718 = tpu.vector_load_idx %gather3A_717[%add3A_593, %broadcast_in_dim3A_712] : memref<80x16xf32, #tpu.memory_space<vmem>>[vector<16xi32>, vector<16xi32>], vector<16xf32>,
        %add3A_719 = arith.addf %gather3A_710, %gather3A_718 : vector<16xf32>
        %ge3A_720 = arith.constant 0.000000e+00 : f32
        %ge3A_721 = vector.broadcast %ge3A_720 : f32 to vector<16xf32>
        %ge3A_722 = arith.cmpf oge, %add3A_719, %ge3A_721 : vector<16xf32>
        %mul3A_723 = arith.constant 2.000000e-01 : f32
        %mul3A_724 = vector.broadcast %mul3A_723 : f32 to vector<16xf32>
        %mul3A_725 = arith.mulf %mul3A_724, %add3A_719 : vector<16xf32>
        %select_n3A_726 = arith.select %ge3A_722, %add3A_719, %mul3A_725 : vector<16xi1>, vector<16xf32>
        %mul3A_727 = vector.broadcast %sub3A_3 : f32 to vector<16xf32>
        %mul3A_728 = arith.mulf %mul3A_727, %select_n3A_726 : vector<16xf32>
        %exp3A_729 = math.exp %mul3A_728 : vector<16xf32>
        %broadcast_in_dim3A_730 = arith.constant 130 : i32
        %broadcast_in_dim3A_731 = vector.broadcast %broadcast_in_dim3A_730 : i32 to vector<16xi32>
        %scatter3A_732 = arith.constant 0 : i32
        %scatter3A_733 = arith.constant 0 : i32
        %scatter3A_734 = arith.constant 0 : i32
        %scatter3A_735 = tpu.memref_slice %arg26[%scatter3A_732, %scatter3A_733, %scatter3A_734] : memref<2x80x136xf32, #tpu.memory_space<vmem>> -> memref<1x80x136xf32, #tpu.memory_space<vmem>>
        %scatter3A_736 = tpu.memref_squeeze %scatter3A_735 : memref<1x80x136xf32, #tpu.memory_space<vmem>> -> memref<80x136xf32, #tpu.memory_space<vmem>>
        tpu.vector_store_idx %scatter3A_736[%add3A_593, %broadcast_in_dim3A_731], %exp3A_729 : memref<80x136xf32, #tpu.memory_space<vmem>>[vector<16xi32>, vector<16xi32>], vector<16xf32>,
        %broadcast_in_dim3A_737 = arith.constant 2 : i32
        %broadcast_in_dim3A_738 = vector.broadcast %broadcast_in_dim3A_737 : i32 to vector<16xi32>
        %mul3A_739 = arith.mulf %exp3A_729, %add3A_624 : vector<16xf32>
        tpu.vector_store_idx %arg30[%add3A_593, %broadcast_in_dim3A_738], %mul3A_739 : memref<80x16xf32, #tpu.memory_space<vmem>>[vector<16xi32>, vector<16xi32>], vector<16xf32>,
        %broadcast_in_dim3A_740 = arith.constant 3 : i32
        %broadcast_in_dim3A_741 = vector.broadcast %broadcast_in_dim3A_740 : i32 to vector<16xi32>
        %gather3A_742 = arith.constant 0 : i32
        %gather3A_743 = arith.constant 0 : i32
        %gather3A_744 = arith.constant 0 : i32
        %gather3A_745 = tpu.memref_slice %arg28[%gather3A_742, %gather3A_743, %gather3A_744] : memref<2x80x16xf32, #tpu.memory_space<vmem>> -> memref<1x80x16xf32, #tpu.memory_space<vmem>>
        %gather3A_746 = tpu.memref_squeeze %gather3A_745 : memref<1x80x16xf32, #tpu.memory_space<vmem>> -> memref<80x16xf32, #tpu.memory_space<vmem>>
        %gather3A_747 = tpu.vector_load_idx %gather3A_746[%add3A_593, %broadcast_in_dim3A_741] : memref<80x16xf32, #tpu.memory_space<vmem>>[vector<16xi32>, vector<16xi32>], vector<16xf32>,
        %broadcast_in_dim3A_748 = arith.constant 7 : i32
        %broadcast_in_dim3A_749 = vector.broadcast %broadcast_in_dim3A_748 : i32 to vector<16xi32>
        %gather3A_750 = arith.constant 0 : i32
        %gather3A_751 = arith.constant 0 : i32
        %gather3A_752 = arith.constant 0 : i32
        %gather3A_753 = tpu.memref_slice %arg27[%gather3A_750, %gather3A_751, %gather3A_752] : memref<2x80x16xf32, #tpu.memory_space<vmem>> -> memref<1x80x16xf32, #tpu.memory_space<vmem>>
        %gather3A_754 = tpu.memref_squeeze %gather3A_753 : memref<1x80x16xf32, #tpu.memory_space<vmem>> -> memref<80x16xf32, #tpu.memory_space<vmem>>
        %gather3A_755 = tpu.vector_load_idx %gather3A_754[%add3A_593, %broadcast_in_dim3A_749] : memref<80x16xf32, #tpu.memory_space<vmem>>[vector<16xi32>, vector<16xi32>], vector<16xf32>,
        %add3A_756 = arith.addf %gather3A_747, %gather3A_755 : vector<16xf32>
        %ge3A_757 = arith.constant 0.000000e+00 : f32
        %ge3A_758 = vector.broadcast %ge3A_757 : f32 to vector<16xf32>
        %ge3A_759 = arith.cmpf oge, %add3A_756, %ge3A_758 : vector<16xf32>
        %mul3A_760 = arith.constant 2.000000e-01 : f32
        %mul3A_761 = vector.broadcast %mul3A_760 : f32 to vector<16xf32>
        %mul3A_762 = arith.mulf %mul3A_761, %add3A_756 : vector<16xf32>
        %select_n3A_763 = arith.select %ge3A_759, %add3A_756, %mul3A_762 : vector<16xi1>, vector<16xf32>
        %mul3A_764 = vector.broadcast %sub3A_3 : f32 to vector<16xf32>
        %mul3A_765 = arith.mulf %mul3A_764, %select_n3A_763 : vector<16xf32>
        %exp3A_766 = math.exp %mul3A_765 : vector<16xf32>
        %broadcast_in_dim3A_767 = arith.constant 131 : i32
        %broadcast_in_dim3A_768 = vector.broadcast %broadcast_in_dim3A_767 : i32 to vector<16xi32>
        %scatter3A_769 = arith.constant 0 : i32
        %scatter3A_770 = arith.constant 0 : i32
        %scatter3A_771 = arith.constant 0 : i32
        %scatter3A_772 = tpu.memref_slice %arg26[%scatter3A_769, %scatter3A_770, %scatter3A_771] : memref<2x80x136xf32, #tpu.memory_space<vmem>> -> memref<1x80x136xf32, #tpu.memory_space<vmem>>
        %scatter3A_773 = tpu.memref_squeeze %scatter3A_772 : memref<1x80x136xf32, #tpu.memory_space<vmem>> -> memref<80x136xf32, #tpu.memory_space<vmem>>
        tpu.vector_store_idx %scatter3A_773[%add3A_593, %broadcast_in_dim3A_768], %exp3A_766 : memref<80x136xf32, #tpu.memory_space<vmem>>[vector<16xi32>, vector<16xi32>], vector<16xf32>,
        %broadcast_in_dim3A_774 = arith.constant 3 : i32
        %broadcast_in_dim3A_775 = vector.broadcast %broadcast_in_dim3A_774 : i32 to vector<16xi32>
        %mul3A_776 = arith.mulf %exp3A_766, %add3A_624 : vector<16xf32>
        tpu.vector_store_idx %arg30[%add3A_593, %broadcast_in_dim3A_775], %mul3A_776 : memref<80x16xf32, #tpu.memory_space<vmem>>[vector<16xi32>, vector<16xi32>], vector<16xf32>,
        %get3A_777 = arith.constant 0 : i32
        %get3A_778 = arith.index_cast %get3A_777 : i32 to index
        %get3A_779 = arith.constant 32 : index
        %get3A_780 = tpu.vector_load %arg12[%get3A_778, %get3A_779] {strides = array<i32>} : memref<2x80xi32, #tpu.memory_space<vmem>>, vector<16xi32>,
        %swap3A_781 = arith.constant 0 : i32
        %swap3A_782 = arith.index_cast %swap3A_781 : i32 to index
        %swap3A_783 = arith.constant 32 : index
        %swap3A_784 = tpu.vector_load %arg15[%swap3A_782, %swap3A_783] {strides = array<i32>} : memref<2x80xi32, #tpu.memory_space<vmem>>, vector<16xi32>,
        tpu.vector_store %arg15[%swap3A_782, %swap3A_783], %get3A_780 {strides = array<i32>} : memref<2x80xi32, #tpu.memory_space<vmem>>, vector<16xi32>,
        %add3A_785 = arith.constant 48 : i32
        %add3A_786 = vector.broadcast %add3A_785 : i32 to vector<16xi32>
        %add3A_787 = arith.addi %add3A_786, %iota3A : vector<16xi32>
        %broadcast_in_dim3A_788 = arith.constant 8 : i32
        %broadcast_in_dim3A_789 = vector.broadcast %broadcast_in_dim3A_788 : i32 to vector<16xi32>
        %gather3A_790 = arith.constant 0 : i32
        %gather3A_791 = arith.constant 0 : i32
        %gather3A_792 = arith.constant 0 : i32
        %gather3A_793 = tpu.memref_slice %arg28[%gather3A_790, %gather3A_791, %gather3A_792] : memref<2x80x16xf32, #tpu.memory_space<vmem>> -> memref<1x80x16xf32, #tpu.memory_space<vmem>>
        %gather3A_794 = tpu.memref_squeeze %gather3A_793 : memref<1x80x16xf32, #tpu.memory_space<vmem>> -> memref<80x16xf32, #tpu.memory_space<vmem>>
        %gather3A_795 = tpu.vector_load_idx %gather3A_794[%add3A_787, %broadcast_in_dim3A_789] : memref<80x16xf32, #tpu.memory_space<vmem>>[vector<16xi32>, vector<16xi32>], vector<16xf32>,
        %broadcast_in_dim3A_796 = arith.constant 8 : i32
        %broadcast_in_dim3A_797 = vector.broadcast %broadcast_in_dim3A_796 : i32 to vector<16xi32>
        %gather3A_798 = arith.constant 0 : i32
        %gather3A_799 = arith.constant 0 : i32
        %gather3A_800 = arith.constant 0 : i32
        %gather3A_801 = tpu.memref_slice %arg27[%gather3A_798, %gather3A_799, %gather3A_800] : memref<2x80x16xf32, #tpu.memory_space<vmem>> -> memref<1x80x16xf32, #tpu.memory_space<vmem>>
        %gather3A_802 = tpu.memref_squeeze %gather3A_801 : memref<1x80x16xf32, #tpu.memory_space<vmem>> -> memref<80x16xf32, #tpu.memory_space<vmem>>
        %gather3A_803 = tpu.vector_load_idx %gather3A_802[%add3A_787, %broadcast_in_dim3A_797] : memref<80x16xf32, #tpu.memory_space<vmem>>[vector<16xi32>, vector<16xi32>], vector<16xf32>,
        %add3A_804 = arith.addf %gather3A_795, %gather3A_803 : vector<16xf32>
        %neg3A_805 = arith.constant 0.000000e+00 : f32
        %neg3A_806 = vector.broadcast %neg3A_805 : f32 to vector<16xf32>
        %neg3A_807 = arith.subf %neg3A_806, %add3A_804 : vector<16xf32>
        %exp3A_808 = math.exp %neg3A_807 : vector<16xf32>
        %add3A_809 = arith.constant 1.000000e+00 : f32
        %add3A_810 = vector.broadcast %add3A_809 : f32 to vector<16xf32>
        %add3A_811 = arith.addf %add3A_810, %exp3A_808 : vector<16xf32>
        %div3A_812 = arith.constant 1.000000e+00 : f32
        %div3A_813 = vector.broadcast %div3A_812 : f32 to vector<16xf32>
        %div3A_814 = arith.divf %div3A_813, %add3A_811 : vector<16xf32>
        %mul3A_815 = vector.broadcast %sub3A_3 : f32 to vector<16xf32>
        %mul3A_816 = arith.mulf %mul3A_815, %div3A_814 : vector<16xf32>
        %add3A_817 = vector.broadcast %convert_element_type3A : f32 to vector<16xf32>
        %add3A_818 = arith.addf %add3A_817, %mul3A_816 : vector<16xf32>
        %swap3A_819 = arith.constant 0 : i32
        %swap3A_820 = arith.index_cast %swap3A_819 : i32 to index
        %swap3A_821 = arith.constant 48 : index
        %swap3A_822 = tpu.vector_load %arg9[%swap3A_820, %swap3A_821] {strides = array<i32>} : memref<2x80xf32, #tpu.memory_space<vmem>>, vector<16xf32>,
        tpu.vector_store %arg9[%swap3A_820, %swap3A_821], %div3A_814 {strides = array<i32>} : memref<2x80xf32, #tpu.memory_space<vmem>>, vector<16xf32>,
        %broadcast_in_dim3A_823 = arith.constant 0 : i32
        %broadcast_in_dim3A_824 = vector.broadcast %broadcast_in_dim3A_823 : i32 to vector<16xi32>
        %gather3A_825 = arith.constant 0 : i32
        %gather3A_826 = arith.constant 0 : i32
        %gather3A_827 = arith.constant 0 : i32
        %gather3A_828 = tpu.memref_slice %arg28[%gather3A_825, %gather3A_826, %gather3A_827] : memref<2x80x16xf32, #tpu.memory_space<vmem>> -> memref<1x80x16xf32, #tpu.memory_space<vmem>>
        %gather3A_829 = tpu.memref_squeeze %gather3A_828 : memref<1x80x16xf32, #tpu.memory_space<vmem>> -> memref<80x16xf32, #tpu.memory_space<vmem>>
        %gather3A_830 = tpu.vector_load_idx %gather3A_829[%add3A_787, %broadcast_in_dim3A_824] : memref<80x16xf32, #tpu.memory_space<vmem>>[vector<16xi32>, vector<16xi32>], vector<16xf32>,
        %broadcast_in_dim3A_831 = arith.constant 4 : i32
        %broadcast_in_dim3A_832 = vector.broadcast %broadcast_in_dim3A_831 : i32 to vector<16xi32>
        %gather3A_833 = arith.constant 0 : i32
        %gather3A_834 = arith.constant 0 : i32
        %gather3A_835 = arith.constant 0 : i32
        %gather3A_836 = tpu.memref_slice %arg27[%gather3A_833, %gather3A_834, %gather3A_835] : memref<2x80x16xf32, #tpu.memory_space<vmem>> -> memref<1x80x16xf32, #tpu.memory_space<vmem>>
        %gather3A_837 = tpu.memref_squeeze %gather3A_836 : memref<1x80x16xf32, #tpu.memory_space<vmem>> -> memref<80x16xf32, #tpu.memory_space<vmem>>
        %gather3A_838 = tpu.vector_load_idx %gather3A_837[%add3A_787, %broadcast_in_dim3A_832] : memref<80x16xf32, #tpu.memory_space<vmem>>[vector<16xi32>, vector<16xi32>], vector<16xf32>,
        %add3A_839 = arith.addf %gather3A_830, %gather3A_838 : vector<16xf32>
        %ge3A_840 = arith.constant 0.000000e+00 : f32
        %ge3A_841 = vector.broadcast %ge3A_840 : f32 to vector<16xf32>
        %ge3A_842 = arith.cmpf oge, %add3A_839, %ge3A_841 : vector<16xf32>
        %mul3A_843 = arith.constant 2.000000e-01 : f32
        %mul3A_844 = vector.broadcast %mul3A_843 : f32 to vector<16xf32>
        %mul3A_845 = arith.mulf %mul3A_844, %add3A_839 : vector<16xf32>
        %select_n3A_846 = arith.select %ge3A_842, %add3A_839, %mul3A_845 : vector<16xi1>, vector<16xf32>
        %mul3A_847 = vector.broadcast %sub3A_3 : f32 to vector<16xf32>
        %mul3A_848 = arith.mulf %mul3A_847, %select_n3A_846 : vector<16xf32>
        %exp3A_849 = math.exp %mul3A_848 : vector<16xf32>
        %broadcast_in_dim3A_850 = arith.constant 128 : i32
        %broadcast_in_dim3A_851 = vector.broadcast %broadcast_in_dim3A_850 : i32 to vector<16xi32>
        %scatter3A_852 = arith.constant 0 : i32
        %scatter3A_853 = arith.constant 0 : i32
        %scatter3A_854 = arith.constant 0 : i32
        %scatter3A_855 = tpu.memref_slice %arg26[%scatter3A_852, %scatter3A_853, %scatter3A_854] : memref<2x80x136xf32, #tpu.memory_space<vmem>> -> memref<1x80x136xf32, #tpu.memory_space<vmem>>
        %scatter3A_856 = tpu.memref_squeeze %scatter3A_855 : memref<1x80x136xf32, #tpu.memory_space<vmem>> -> memref<80x136xf32, #tpu.memory_space<vmem>>
        tpu.vector_store_idx %scatter3A_856[%add3A_787, %broadcast_in_dim3A_851], %exp3A_849 : memref<80x136xf32, #tpu.memory_space<vmem>>[vector<16xi32>, vector<16xi32>], vector<16xf32>,
        %broadcast_in_dim3A_857 = arith.constant 0 : i32
        %broadcast_in_dim3A_858 = vector.broadcast %broadcast_in_dim3A_857 : i32 to vector<16xi32>
        %mul3A_859 = arith.mulf %exp3A_849, %add3A_818 : vector<16xf32>
        tpu.vector_store_idx %arg30[%add3A_787, %broadcast_in_dim3A_858], %mul3A_859 : memref<80x16xf32, #tpu.memory_space<vmem>>[vector<16xi32>, vector<16xi32>], vector<16xf32>,
        %broadcast_in_dim3A_860 = arith.constant 1 : i32
        %broadcast_in_dim3A_861 = vector.broadcast %broadcast_in_dim3A_860 : i32 to vector<16xi32>
        %gather3A_862 = arith.constant 0 : i32
        %gather3A_863 = arith.constant 0 : i32
        %gather3A_864 = arith.constant 0 : i32
        %gather3A_865 = tpu.memref_slice %arg28[%gather3A_862, %gather3A_863, %gather3A_864] : memref<2x80x16xf32, #tpu.memory_space<vmem>> -> memref<1x80x16xf32, #tpu.memory_space<vmem>>
        %gather3A_866 = tpu.memref_squeeze %gather3A_865 : memref<1x80x16xf32, #tpu.memory_space<vmem>> -> memref<80x16xf32, #tpu.memory_space<vmem>>
        %gather3A_867 = tpu.vector_load_idx %gather3A_866[%add3A_787, %broadcast_in_dim3A_861] : memref<80x16xf32, #tpu.memory_space<vmem>>[vector<16xi32>, vector<16xi32>], vector<16xf32>,
        %broadcast_in_dim3A_868 = arith.constant 5 : i32
        %broadcast_in_dim3A_869 = vector.broadcast %broadcast_in_dim3A_868 : i32 to vector<16xi32>
        %gather3A_870 = arith.constant 0 : i32
        %gather3A_871 = arith.constant 0 : i32
        %gather3A_872 = arith.constant 0 : i32
        %gather3A_873 = tpu.memref_slice %arg27[%gather3A_870, %gather3A_871, %gather3A_872] : memref<2x80x16xf32, #tpu.memory_space<vmem>> -> memref<1x80x16xf32, #tpu.memory_space<vmem>>
        %gather3A_874 = tpu.memref_squeeze %gather3A_873 : memref<1x80x16xf32, #tpu.memory_space<vmem>> -> memref<80x16xf32, #tpu.memory_space<vmem>>
        %gather3A_875 = tpu.vector_load_idx %gather3A_874[%add3A_787, %broadcast_in_dim3A_869] : memref<80x16xf32, #tpu.memory_space<vmem>>[vector<16xi32>, vector<16xi32>], vector<16xf32>,
        %add3A_876 = arith.addf %gather3A_867, %gather3A_875 : vector<16xf32>
        %ge3A_877 = arith.constant 0.000000e+00 : f32
        %ge3A_878 = vector.broadcast %ge3A_877 : f32 to vector<16xf32>
        %ge3A_879 = arith.cmpf oge, %add3A_876, %ge3A_878 : vector<16xf32>
        %mul3A_880 = arith.constant 2.000000e-01 : f32
        %mul3A_881 = vector.broadcast %mul3A_880 : f32 to vector<16xf32>
        %mul3A_882 = arith.mulf %mul3A_881, %add3A_876 : vector<16xf32>
        %select_n3A_883 = arith.select %ge3A_879, %add3A_876, %mul3A_882 : vector<16xi1>, vector<16xf32>
        %mul3A_884 = vector.broadcast %sub3A_3 : f32 to vector<16xf32>
        %mul3A_885 = arith.mulf %mul3A_884, %select_n3A_883 : vector<16xf32>
        %exp3A_886 = math.exp %mul3A_885 : vector<16xf32>
        %broadcast_in_dim3A_887 = arith.constant 129 : i32
        %broadcast_in_dim3A_888 = vector.broadcast %broadcast_in_dim3A_887 : i32 to vector<16xi32>
        %scatter3A_889 = arith.constant 0 : i32
        %scatter3A_890 = arith.constant 0 : i32
        %scatter3A_891 = arith.constant 0 : i32
        %scatter3A_892 = tpu.memref_slice %arg26[%scatter3A_889, %scatter3A_890, %scatter3A_891] : memref<2x80x136xf32, #tpu.memory_space<vmem>> -> memref<1x80x136xf32, #tpu.memory_space<vmem>>
        %scatter3A_893 = tpu.memref_squeeze %scatter3A_892 : memref<1x80x136xf32, #tpu.memory_space<vmem>> -> memref<80x136xf32, #tpu.memory_space<vmem>>
        tpu.vector_store_idx %scatter3A_893[%add3A_787, %broadcast_in_dim3A_888], %exp3A_886 : memref<80x136xf32, #tpu.memory_space<vmem>>[vector<16xi32>, vector<16xi32>], vector<16xf32>,
        %broadcast_in_dim3A_894 = arith.constant 1 : i32
        %broadcast_in_dim3A_895 = vector.broadcast %broadcast_in_dim3A_894 : i32 to vector<16xi32>
        %mul3A_896 = arith.mulf %exp3A_886, %add3A_818 : vector<16xf32>
        tpu.vector_store_idx %arg30[%add3A_787, %broadcast_in_dim3A_895], %mul3A_896 : memref<80x16xf32, #tpu.memory_space<vmem>>[vector<16xi32>, vector<16xi32>], vector<16xf32>,
        %broadcast_in_dim3A_897 = arith.constant 2 : i32
        %broadcast_in_dim3A_898 = vector.broadcast %broadcast_in_dim3A_897 : i32 to vector<16xi32>
        %gather3A_899 = arith.constant 0 : i32
        %gather3A_900 = arith.constant 0 : i32
        %gather3A_901 = arith.constant 0 : i32
        %gather3A_902 = tpu.memref_slice %arg28[%gather3A_899, %gather3A_900, %gather3A_901] : memref<2x80x16xf32, #tpu.memory_space<vmem>> -> memref<1x80x16xf32, #tpu.memory_space<vmem>>
        %gather3A_903 = tpu.memref_squeeze %gather3A_902 : memref<1x80x16xf32, #tpu.memory_space<vmem>> -> memref<80x16xf32, #tpu.memory_space<vmem>>
        %gather3A_904 = tpu.vector_load_idx %gather3A_903[%add3A_787, %broadcast_in_dim3A_898] : memref<80x16xf32, #tpu.memory_space<vmem>>[vector<16xi32>, vector<16xi32>], vector<16xf32>,
        %broadcast_in_dim3A_905 = arith.constant 6 : i32
        %broadcast_in_dim3A_906 = vector.broadcast %broadcast_in_dim3A_905 : i32 to vector<16xi32>
        %gather3A_907 = arith.constant 0 : i32
        %gather3A_908 = arith.constant 0 : i32
        %gather3A_909 = arith.constant 0 : i32
        %gather3A_910 = tpu.memref_slice %arg27[%gather3A_907, %gather3A_908, %gather3A_909] : memref<2x80x16xf32, #tpu.memory_space<vmem>> -> memref<1x80x16xf32, #tpu.memory_space<vmem>>
        %gather3A_911 = tpu.memref_squeeze %gather3A_910 : memref<1x80x16xf32, #tpu.memory_space<vmem>> -> memref<80x16xf32, #tpu.memory_space<vmem>>
        %gather3A_912 = tpu.vector_load_idx %gather3A_911[%add3A_787, %broadcast_in_dim3A_906] : memref<80x16xf32, #tpu.memory_space<vmem>>[vector<16xi32>, vector<16xi32>], vector<16xf32>,
        %add3A_913 = arith.addf %gather3A_904, %gather3A_912 : vector<16xf32>
        %ge3A_914 = arith.constant 0.000000e+00 : f32
        %ge3A_915 = vector.broadcast %ge3A_914 : f32 to vector<16xf32>
        %ge3A_916 = arith.cmpf oge, %add3A_913, %ge3A_915 : vector<16xf32>
        %mul3A_917 = arith.constant 2.000000e-01 : f32
        %mul3A_918 = vector.broadcast %mul3A_917 : f32 to vector<16xf32>
        %mul3A_919 = arith.mulf %mul3A_918, %add3A_913 : vector<16xf32>
        %select_n3A_920 = arith.select %ge3A_916, %add3A_913, %mul3A_919 : vector<16xi1>, vector<16xf32>
        %mul3A_921 = vector.broadcast %sub3A_3 : f32 to vector<16xf32>
        %mul3A_922 = arith.mulf %mul3A_921, %select_n3A_920 : vector<16xf32>
        %exp3A_923 = math.exp %mul3A_922 : vector<16xf32>
        %broadcast_in_dim3A_924 = arith.constant 130 : i32
        %broadcast_in_dim3A_925 = vector.broadcast %broadcast_in_dim3A_924 : i32 to vector<16xi32>
        %scatter3A_926 = arith.constant 0 : i32
        %scatter3A_927 = arith.constant 0 : i32
        %scatter3A_928 = arith.constant 0 : i32
        %scatter3A_929 = tpu.memref_slice %arg26[%scatter3A_926, %scatter3A_927, %scatter3A_928] : memref<2x80x136xf32, #tpu.memory_space<vmem>> -> memref<1x80x136xf32, #tpu.memory_space<vmem>>
        %scatter3A_930 = tpu.memref_squeeze %scatter3A_929 : memref<1x80x136xf32, #tpu.memory_space<vmem>> -> memref<80x136xf32, #tpu.memory_space<vmem>>
        tpu.vector_store_idx %scatter3A_930[%add3A_787, %broadcast_in_dim3A_925], %exp3A_923 : memref<80x136xf32, #tpu.memory_space<vmem>>[vector<16xi32>, vector<16xi32>], vector<16xf32>,
        %broadcast_in_dim3A_931 = arith.constant 2 : i32
        %broadcast_in_dim3A_932 = vector.broadcast %broadcast_in_dim3A_931 : i32 to vector<16xi32>
        %mul3A_933 = arith.mulf %exp3A_923, %add3A_818 : vector<16xf32>
        tpu.vector_store_idx %arg30[%add3A_787, %broadcast_in_dim3A_932], %mul3A_933 : memref<80x16xf32, #tpu.memory_space<vmem>>[vector<16xi32>, vector<16xi32>], vector<16xf32>,
        %broadcast_in_dim3A_934 = arith.constant 3 : i32
        %broadcast_in_dim3A_935 = vector.broadcast %broadcast_in_dim3A_934 : i32 to vector<16xi32>
        %gather3A_936 = arith.constant 0 : i32
        %gather3A_937 = arith.constant 0 : i32
        %gather3A_938 = arith.constant 0 : i32
        %gather3A_939 = tpu.memref_slice %arg28[%gather3A_936, %gather3A_937, %gather3A_938] : memref<2x80x16xf32, #tpu.memory_space<vmem>> -> memref<1x80x16xf32, #tpu.memory_space<vmem>>
        %gather3A_940 = tpu.memref_squeeze %gather3A_939 : memref<1x80x16xf32, #tpu.memory_space<vmem>> -> memref<80x16xf32, #tpu.memory_space<vmem>>
        %gather3A_941 = tpu.vector_load_idx %gather3A_940[%add3A_787, %broadcast_in_dim3A_935] : memref<80x16xf32, #tpu.memory_space<vmem>>[vector<16xi32>, vector<16xi32>], vector<16xf32>,
        %broadcast_in_dim3A_942 = arith.constant 7 : i32
        %broadcast_in_dim3A_943 = vector.broadcast %broadcast_in_dim3A_942 : i32 to vector<16xi32>
        %gather3A_944 = arith.constant 0 : i32
        %gather3A_945 = arith.constant 0 : i32
        %gather3A_946 = arith.constant 0 : i32
        %gather3A_947 = tpu.memref_slice %arg27[%gather3A_944, %gather3A_945, %gather3A_946] : memref<2x80x16xf32, #tpu.memory_space<vmem>> -> memref<1x80x16xf32, #tpu.memory_space<vmem>>
        %gather3A_948 = tpu.memref_squeeze %gather3A_947 : memref<1x80x16xf32, #tpu.memory_space<vmem>> -> memref<80x16xf32, #tpu.memory_space<vmem>>
        %gather3A_949 = tpu.vector_load_idx %gather3A_948[%add3A_787, %broadcast_in_dim3A_943] : memref<80x16xf32, #tpu.memory_space<vmem>>[vector<16xi32>, vector<16xi32>], vector<16xf32>,
        %add3A_950 = arith.addf %gather3A_941, %gather3A_949 : vector<16xf32>
        %ge3A_951 = arith.constant 0.000000e+00 : f32
        %ge3A_952 = vector.broadcast %ge3A_951 : f32 to vector<16xf32>
        %ge3A_953 = arith.cmpf oge, %add3A_950, %ge3A_952 : vector<16xf32>
        %mul3A_954 = arith.constant 2.000000e-01 : f32
        %mul3A_955 = vector.broadcast %mul3A_954 : f32 to vector<16xf32>
        %mul3A_956 = arith.mulf %mul3A_955, %add3A_950 : vector<16xf32>
        %select_n3A_957 = arith.select %ge3A_953, %add3A_950, %mul3A_956 : vector<16xi1>, vector<16xf32>
        %mul3A_958 = vector.broadcast %sub3A_3 : f32 to vector<16xf32>
        %mul3A_959 = arith.mulf %mul3A_958, %select_n3A_957 : vector<16xf32>
        %exp3A_960 = math.exp %mul3A_959 : vector<16xf32>
        %broadcast_in_dim3A_961 = arith.constant 131 : i32
        %broadcast_in_dim3A_962 = vector.broadcast %broadcast_in_dim3A_961 : i32 to vector<16xi32>
        %scatter3A_963 = arith.constant 0 : i32
        %scatter3A_964 = arith.constant 0 : i32
        %scatter3A_965 = arith.constant 0 : i32
        %scatter3A_966 = tpu.memref_slice %arg26[%scatter3A_963, %scatter3A_964, %scatter3A_965] : memref<2x80x136xf32, #tpu.memory_space<vmem>> -> memref<1x80x136xf32, #tpu.memory_space<vmem>>
        %scatter3A_967 = tpu.memref_squeeze %scatter3A_966 : memref<1x80x136xf32, #tpu.memory_space<vmem>> -> memref<80x136xf32, #tpu.memory_space<vmem>>
        tpu.vector_store_idx %scatter3A_967[%add3A_787, %broadcast_in_dim3A_962], %exp3A_960 : memref<80x136xf32, #tpu.memory_space<vmem>>[vector<16xi32>, vector<16xi32>], vector<16xf32>,
        %broadcast_in_dim3A_968 = arith.constant 3 : i32
        %broadcast_in_dim3A_969 = vector.broadcast %broadcast_in_dim3A_968 : i32 to vector<16xi32>
        %mul3A_970 = arith.mulf %exp3A_960, %add3A_818 : vector<16xf32>
        tpu.vector_store_idx %arg30[%add3A_787, %broadcast_in_dim3A_969], %mul3A_970 : memref<80x16xf32, #tpu.memory_space<vmem>>[vector<16xi32>, vector<16xi32>], vector<16xf32>,
        %get3A_971 = arith.constant 0 : i32
        %get3A_972 = arith.index_cast %get3A_971 : i32 to index
        %get3A_973 = arith.constant 48 : index
        %get3A_974 = tpu.vector_load %arg12[%get3A_972, %get3A_973] {strides = array<i32>} : memref<2x80xi32, #tpu.memory_space<vmem>>, vector<16xi32>,
        %swap3A_975 = arith.constant 0 : i32
        %swap3A_976 = arith.index_cast %swap3A_975 : i32 to index
        %swap3A_977 = arith.constant 48 : index
        %swap3A_978 = tpu.vector_load %arg15[%swap3A_976, %swap3A_977] {strides = array<i32>} : memref<2x80xi32, #tpu.memory_space<vmem>>, vector<16xi32>,
        tpu.vector_store %arg15[%swap3A_976, %swap3A_977], %get3A_974 {strides = array<i32>} : memref<2x80xi32, #tpu.memory_space<vmem>>, vector<16xi32>,
        %add3A_979 = arith.constant 64 : i32
        %add3A_980 = vector.broadcast %add3A_979 : i32 to vector<16xi32>
        %add3A_981 = arith.addi %add3A_980, %iota3A : vector<16xi32>
        %broadcast_in_dim3A_982 = arith.constant 8 : i32
        %broadcast_in_dim3A_983 = vector.broadcast %broadcast_in_dim3A_982 : i32 to vector<16xi32>
        %gather3A_984 = arith.constant 0 : i32
        %gather3A_985 = arith.constant 0 : i32
        %gather3A_986 = arith.constant 0 : i32
        %gather3A_987 = tpu.memref_slice %arg28[%gather3A_984, %gather3A_985, %gather3A_986] : memref<2x80x16xf32, #tpu.memory_space<vmem>> -> memref<1x80x16xf32, #tpu.memory_space<vmem>>
        %gather3A_988 = tpu.memref_squeeze %gather3A_987 : memref<1x80x16xf32, #tpu.memory_space<vmem>> -> memref<80x16xf32, #tpu.memory_space<vmem>>
        %gather3A_989 = tpu.vector_load_idx %gather3A_988[%add3A_981, %broadcast_in_dim3A_983] : memref<80x16xf32, #tpu.memory_space<vmem>>[vector<16xi32>, vector<16xi32>], vector<16xf32>,
        %broadcast_in_dim3A_990 = arith.constant 8 : i32
        %broadcast_in_dim3A_991 = vector.broadcast %broadcast_in_dim3A_990 : i32 to vector<16xi32>
        %gather3A_992 = arith.constant 0 : i32
        %gather3A_993 = arith.constant 0 : i32
        %gather3A_994 = arith.constant 0 : i32
        %gather3A_995 = tpu.memref_slice %arg27[%gather3A_992, %gather3A_993, %gather3A_994] : memref<2x80x16xf32, #tpu.memory_space<vmem>> -> memref<1x80x16xf32, #tpu.memory_space<vmem>>
        %gather3A_996 = tpu.memref_squeeze %gather3A_995 : memref<1x80x16xf32, #tpu.memory_space<vmem>> -> memref<80x16xf32, #tpu.memory_space<vmem>>
        %gather3A_997 = tpu.vector_load_idx %gather3A_996[%add3A_981, %broadcast_in_dim3A_991] : memref<80x16xf32, #tpu.memory_space<vmem>>[vector<16xi32>, vector<16xi32>], vector<16xf32>,
        %add3A_998 = arith.addf %gather3A_989, %gather3A_997 : vector<16xf32>
        %neg3A_999 = arith.constant 0.000000e+00 : f32
        %neg3A_1000 = vector.broadcast %neg3A_999 : f32 to vector<16xf32>
        %neg3A_1001 = arith.subf %neg3A_1000, %add3A_998 : vector<16xf32>
        %exp3A_1002 = math.exp %neg3A_1001 : vector<16xf32>
        %add3A_1003 = arith.constant 1.000000e+00 : f32
        %add3A_1004 = vector.broadcast %add3A_1003 : f32 to vector<16xf32>
        %add3A_1005 = arith.addf %add3A_1004, %exp3A_1002 : vector<16xf32>
        %div3A_1006 = arith.constant 1.000000e+00 : f32
        %div3A_1007 = vector.broadcast %div3A_1006 : f32 to vector<16xf32>
        %div3A_1008 = arith.divf %div3A_1007, %add3A_1005 : vector<16xf32>
        %mul3A_1009 = vector.broadcast %sub3A_3 : f32 to vector<16xf32>
        %mul3A_1010 = arith.mulf %mul3A_1009, %div3A_1008 : vector<16xf32>
        %add3A_1011 = vector.broadcast %convert_element_type3A : f32 to vector<16xf32>
        %add3A_1012 = arith.addf %add3A_1011, %mul3A_1010 : vector<16xf32>
        %swap3A_1013 = arith.constant 0 : i32
        %swap3A_1014 = arith.index_cast %swap3A_1013 : i32 to index
        %swap3A_1015 = arith.constant 64 : index
        %swap3A_1016 = tpu.vector_load %arg9[%swap3A_1014, %swap3A_1015] {strides = array<i32>} : memref<2x80xf32, #tpu.memory_space<vmem>>, vector<16xf32>,
        tpu.vector_store %arg9[%swap3A_1014, %swap3A_1015], %div3A_1008 {strides = array<i32>} : memref<2x80xf32, #tpu.memory_space<vmem>>, vector<16xf32>,
        %broadcast_in_dim3A_1017 = arith.constant 0 : i32
        %broadcast_in_dim3A_1018 = vector.broadcast %broadcast_in_dim3A_1017 : i32 to vector<16xi32>
        %gather3A_1019 = arith.constant 0 : i32
        %gather3A_1020 = arith.constant 0 : i32
        %gather3A_1021 = arith.constant 0 : i32
        %gather3A_1022 = tpu.memref_slice %arg28[%gather3A_1019, %gather3A_1020, %gather3A_1021] : memref<2x80x16xf32, #tpu.memory_space<vmem>> -> memref<1x80x16xf32, #tpu.memory_space<vmem>>
        %gather3A_1023 = tpu.memref_squeeze %gather3A_1022 : memref<1x80x16xf32, #tpu.memory_space<vmem>> -> memref<80x16xf32, #tpu.memory_space<vmem>>
        %gather3A_1024 = tpu.vector_load_idx %gather3A_1023[%add3A_981, %broadcast_in_dim3A_1018] : memref<80x16xf32, #tpu.memory_space<vmem>>[vector<16xi32>, vector<16xi32>], vector<16xf32>,
        %broadcast_in_dim3A_1025 = arith.constant 4 : i32
        %broadcast_in_dim3A_1026 = vector.broadcast %broadcast_in_dim3A_1025 : i32 to vector<16xi32>
        %gather3A_1027 = arith.constant 0 : i32
        %gather3A_1028 = arith.constant 0 : i32
        %gather3A_1029 = arith.constant 0 : i32
        %gather3A_1030 = tpu.memref_slice %arg27[%gather3A_1027, %gather3A_1028, %gather3A_1029] : memref<2x80x16xf32, #tpu.memory_space<vmem>> -> memref<1x80x16xf32, #tpu.memory_space<vmem>>
        %gather3A_1031 = tpu.memref_squeeze %gather3A_1030 : memref<1x80x16xf32, #tpu.memory_space<vmem>> -> memref<80x16xf32, #tpu.memory_space<vmem>>
        %gather3A_1032 = tpu.vector_load_idx %gather3A_1031[%add3A_981, %broadcast_in_dim3A_1026] : memref<80x16xf32, #tpu.memory_space<vmem>>[vector<16xi32>, vector<16xi32>], vector<16xf32>,
        %add3A_1033 = arith.addf %gather3A_1024, %gather3A_1032 : vector<16xf32>
        %ge3A_1034 = arith.constant 0.000000e+00 : f32
        %ge3A_1035 = vector.broadcast %ge3A_1034 : f32 to vector<16xf32>
        %ge3A_1036 = arith.cmpf oge, %add3A_1033, %ge3A_1035 : vector<16xf32>
        %mul3A_1037 = arith.constant 2.000000e-01 : f32
        %mul3A_1038 = vector.broadcast %mul3A_1037 : f32 to vector<16xf32>
        %mul3A_1039 = arith.mulf %mul3A_1038, %add3A_1033 : vector<16xf32>
        %select_n3A_1040 = arith.select %ge3A_1036, %add3A_1033, %mul3A_1039 : vector<16xi1>, vector<16xf32>
        %mul3A_1041 = vector.broadcast %sub3A_3 : f32 to vector<16xf32>
        %mul3A_1042 = arith.mulf %mul3A_1041, %select_n3A_1040 : vector<16xf32>
        %exp3A_1043 = math.exp %mul3A_1042 : vector<16xf32>
        %broadcast_in_dim3A_1044 = arith.constant 128 : i32
        %broadcast_in_dim3A_1045 = vector.broadcast %broadcast_in_dim3A_1044 : i32 to vector<16xi32>
        %scatter3A_1046 = arith.constant 0 : i32
        %scatter3A_1047 = arith.constant 0 : i32
        %scatter3A_1048 = arith.constant 0 : i32
        %scatter3A_1049 = tpu.memref_slice %arg26[%scatter3A_1046, %scatter3A_1047, %scatter3A_1048] : memref<2x80x136xf32, #tpu.memory_space<vmem>> -> memref<1x80x136xf32, #tpu.memory_space<vmem>>
        %scatter3A_1050 = tpu.memref_squeeze %scatter3A_1049 : memref<1x80x136xf32, #tpu.memory_space<vmem>> -> memref<80x136xf32, #tpu.memory_space<vmem>>
        tpu.vector_store_idx %scatter3A_1050[%add3A_981, %broadcast_in_dim3A_1045], %exp3A_1043 : memref<80x136xf32, #tpu.memory_space<vmem>>[vector<16xi32>, vector<16xi32>], vector<16xf32>,
        %broadcast_in_dim3A_1051 = arith.constant 0 : i32
        %broadcast_in_dim3A_1052 = vector.broadcast %broadcast_in_dim3A_1051 : i32 to vector<16xi32>
        %mul3A_1053 = arith.mulf %exp3A_1043, %add3A_1012 : vector<16xf32>
        tpu.vector_store_idx %arg30[%add3A_981, %broadcast_in_dim3A_1052], %mul3A_1053 : memref<80x16xf32, #tpu.memory_space<vmem>>[vector<16xi32>, vector<16xi32>], vector<16xf32>,
        %broadcast_in_dim3A_1054 = arith.constant 1 : i32
        %broadcast_in_dim3A_1055 = vector.broadcast %broadcast_in_dim3A_1054 : i32 to vector<16xi32>
        %gather3A_1056 = arith.constant 0 : i32
        %gather3A_1057 = arith.constant 0 : i32
        %gather3A_1058 = arith.constant 0 : i32
        %gather3A_1059 = tpu.memref_slice %arg28[%gather3A_1056, %gather3A_1057, %gather3A_1058] : memref<2x80x16xf32, #tpu.memory_space<vmem>> -> memref<1x80x16xf32, #tpu.memory_space<vmem>>
        %gather3A_1060 = tpu.memref_squeeze %gather3A_1059 : memref<1x80x16xf32, #tpu.memory_space<vmem>> -> memref<80x16xf32, #tpu.memory_space<vmem>>
        %gather3A_1061 = tpu.vector_load_idx %gather3A_1060[%add3A_981, %broadcast_in_dim3A_1055] : memref<80x16xf32, #tpu.memory_space<vmem>>[vector<16xi32>, vector<16xi32>], vector<16xf32>,
        %broadcast_in_dim3A_1062 = arith.constant 5 : i32
        %broadcast_in_dim3A_1063 = vector.broadcast %broadcast_in_dim3A_1062 : i32 to vector<16xi32>
        %gather3A_1064 = arith.constant 0 : i32
        %gather3A_1065 = arith.constant 0 : i32
        %gather3A_1066 = arith.constant 0 : i32
        %gather3A_1067 = tpu.memref_slice %arg27[%gather3A_1064, %gather3A_1065, %gather3A_1066] : memref<2x80x16xf32, #tpu.memory_space<vmem>> -> memref<1x80x16xf32, #tpu.memory_space<vmem>>
        %gather3A_1068 = tpu.memref_squeeze %gather3A_1067 : memref<1x80x16xf32, #tpu.memory_space<vmem>> -> memref<80x16xf32, #tpu.memory_space<vmem>>
        %gather3A_1069 = tpu.vector_load_idx %gather3A_1068[%add3A_981, %broadcast_in_dim3A_1063] : memref<80x16xf32, #tpu.memory_space<vmem>>[vector<16xi32>, vector<16xi32>], vector<16xf32>,
        %add3A_1070 = arith.addf %gather3A_1061, %gather3A_1069 : vector<16xf32>
        %ge3A_1071 = arith.constant 0.000000e+00 : f32
        %ge3A_1072 = vector.broadcast %ge3A_1071 : f32 to vector<16xf32>
        %ge3A_1073 = arith.cmpf oge, %add3A_1070, %ge3A_1072 : vector<16xf32>
        %mul3A_1074 = arith.constant 2.000000e-01 : f32
        %mul3A_1075 = vector.broadcast %mul3A_1074 : f32 to vector<16xf32>
        %mul3A_1076 = arith.mulf %mul3A_1075, %add3A_1070 : vector<16xf32>
        %select_n3A_1077 = arith.select %ge3A_1073, %add3A_1070, %mul3A_1076 : vector<16xi1>, vector<16xf32>
        %mul3A_1078 = vector.broadcast %sub3A_3 : f32 to vector<16xf32>
        %mul3A_1079 = arith.mulf %mul3A_1078, %select_n3A_1077 : vector<16xf32>
        %exp3A_1080 = math.exp %mul3A_1079 : vector<16xf32>
        %broadcast_in_dim3A_1081 = arith.constant 129 : i32
        %broadcast_in_dim3A_1082 = vector.broadcast %broadcast_in_dim3A_1081 : i32 to vector<16xi32>
        %scatter3A_1083 = arith.constant 0 : i32
        %scatter3A_1084 = arith.constant 0 : i32
        %scatter3A_1085 = arith.constant 0 : i32
        %scatter3A_1086 = tpu.memref_slice %arg26[%scatter3A_1083, %scatter3A_1084, %scatter3A_1085] : memref<2x80x136xf32, #tpu.memory_space<vmem>> -> memref<1x80x136xf32, #tpu.memory_space<vmem>>
        %scatter3A_1087 = tpu.memref_squeeze %scatter3A_1086 : memref<1x80x136xf32, #tpu.memory_space<vmem>> -> memref<80x136xf32, #tpu.memory_space<vmem>>
        tpu.vector_store_idx %scatter3A_1087[%add3A_981, %broadcast_in_dim3A_1082], %exp3A_1080 : memref<80x136xf32, #tpu.memory_space<vmem>>[vector<16xi32>, vector<16xi32>], vector<16xf32>,
        %broadcast_in_dim3A_1088 = arith.constant 1 : i32
        %broadcast_in_dim3A_1089 = vector.broadcast %broadcast_in_dim3A_1088 : i32 to vector<16xi32>
        %mul3A_1090 = arith.mulf %exp3A_1080, %add3A_1012 : vector<16xf32>
        tpu.vector_store_idx %arg30[%add3A_981, %broadcast_in_dim3A_1089], %mul3A_1090 : memref<80x16xf32, #tpu.memory_space<vmem>>[vector<16xi32>, vector<16xi32>], vector<16xf32>,
        %broadcast_in_dim3A_1091 = arith.constant 2 : i32
        %broadcast_in_dim3A_1092 = vector.broadcast %broadcast_in_dim3A_1091 : i32 to vector<16xi32>
        %gather3A_1093 = arith.constant 0 : i32
        %gather3A_1094 = arith.constant 0 : i32
        %gather3A_1095 = arith.constant 0 : i32
        %gather3A_1096 = tpu.memref_slice %arg28[%gather3A_1093, %gather3A_1094, %gather3A_1095] : memref<2x80x16xf32, #tpu.memory_space<vmem>> -> memref<1x80x16xf32, #tpu.memory_space<vmem>>
        %gather3A_1097 = tpu.memref_squeeze %gather3A_1096 : memref<1x80x16xf32, #tpu.memory_space<vmem>> -> memref<80x16xf32, #tpu.memory_space<vmem>>
        %gather3A_1098 = tpu.vector_load_idx %gather3A_1097[%add3A_981, %broadcast_in_dim3A_1092] : memref<80x16xf32, #tpu.memory_space<vmem>>[vector<16xi32>, vector<16xi32>], vector<16xf32>,
        %broadcast_in_dim3A_1099 = arith.constant 6 : i32
        %broadcast_in_dim3A_1100 = vector.broadcast %broadcast_in_dim3A_1099 : i32 to vector<16xi32>
        %gather3A_1101 = arith.constant 0 : i32
        %gather3A_1102 = arith.constant 0 : i32
        %gather3A_1103 = arith.constant 0 : i32
        %gather3A_1104 = tpu.memref_slice %arg27[%gather3A_1101, %gather3A_1102, %gather3A_1103] : memref<2x80x16xf32, #tpu.memory_space<vmem>> -> memref<1x80x16xf32, #tpu.memory_space<vmem>>
        %gather3A_1105 = tpu.memref_squeeze %gather3A_1104 : memref<1x80x16xf32, #tpu.memory_space<vmem>> -> memref<80x16xf32, #tpu.memory_space<vmem>>
        %gather3A_1106 = tpu.vector_load_idx %gather3A_1105[%add3A_981, %broadcast_in_dim3A_1100] : memref<80x16xf32, #tpu.memory_space<vmem>>[vector<16xi32>, vector<16xi32>], vector<16xf32>,
        %add3A_1107 = arith.addf %gather3A_1098, %gather3A_1106 : vector<16xf32>
        %ge3A_1108 = arith.constant 0.000000e+00 : f32
        %ge3A_1109 = vector.broadcast %ge3A_1108 : f32 to vector<16xf32>
        %ge3A_1110 = arith.cmpf oge, %add3A_1107, %ge3A_1109 : vector<16xf32>
        %mul3A_1111 = arith.constant 2.000000e-01 : f32
        %mul3A_1112 = vector.broadcast %mul3A_1111 : f32 to vector<16xf32>
        %mul3A_1113 = arith.mulf %mul3A_1112, %add3A_1107 : vector<16xf32>
        %select_n3A_1114 = arith.select %ge3A_1110, %add3A_1107, %mul3A_1113 : vector<16xi1>, vector<16xf32>
        %mul3A_1115 = vector.broadcast %sub3A_3 : f32 to vector<16xf32>
        %mul3A_1116 = arith.mulf %mul3A_1115, %select_n3A_1114 : vector<16xf32>
        %exp3A_1117 = math.exp %mul3A_1116 : vector<16xf32>
        %broadcast_in_dim3A_1118 = arith.constant 130 : i32
        %broadcast_in_dim3A_1119 = vector.broadcast %broadcast_in_dim3A_1118 : i32 to vector<16xi32>
        %scatter3A_1120 = arith.constant 0 : i32
        %scatter3A_1121 = arith.constant 0 : i32
        %scatter3A_1122 = arith.constant 0 : i32
        %scatter3A_1123 = tpu.memref_slice %arg26[%scatter3A_1120, %scatter3A_1121, %scatter3A_1122] : memref<2x80x136xf32, #tpu.memory_space<vmem>> -> memref<1x80x136xf32, #tpu.memory_space<vmem>>
        %scatter3A_1124 = tpu.memref_squeeze %scatter3A_1123 : memref<1x80x136xf32, #tpu.memory_space<vmem>> -> memref<80x136xf32, #tpu.memory_space<vmem>>
        tpu.vector_store_idx %scatter3A_1124[%add3A_981, %broadcast_in_dim3A_1119], %exp3A_1117 : memref<80x136xf32, #tpu.memory_space<vmem>>[vector<16xi32>, vector<16xi32>], vector<16xf32>,
        %broadcast_in_dim3A_1125 = arith.constant 2 : i32
        %broadcast_in_dim3A_1126 = vector.broadcast %broadcast_in_dim3A_1125 : i32 to vector<16xi32>
        %mul3A_1127 = arith.mulf %exp3A_1117, %add3A_1012 : vector<16xf32>
        tpu.vector_store_idx %arg30[%add3A_981, %broadcast_in_dim3A_1126], %mul3A_1127 : memref<80x16xf32, #tpu.memory_space<vmem>>[vector<16xi32>, vector<16xi32>], vector<16xf32>,
        %broadcast_in_dim3A_1128 = arith.constant 3 : i32
        %broadcast_in_dim3A_1129 = vector.broadcast %broadcast_in_dim3A_1128 : i32 to vector<16xi32>
        %gather3A_1130 = arith.constant 0 : i32
        %gather3A_1131 = arith.constant 0 : i32
        %gather3A_1132 = arith.constant 0 : i32
        %gather3A_1133 = tpu.memref_slice %arg28[%gather3A_1130, %gather3A_1131, %gather3A_1132] : memref<2x80x16xf32, #tpu.memory_space<vmem>> -> memref<1x80x16xf32, #tpu.memory_space<vmem>>
        %gather3A_1134 = tpu.memref_squeeze %gather3A_1133 : memref<1x80x16xf32, #tpu.memory_space<vmem>> -> memref<80x16xf32, #tpu.memory_space<vmem>>
        %gather3A_1135 = tpu.vector_load_idx %gather3A_1134[%add3A_981, %broadcast_in_dim3A_1129] : memref<80x16xf32, #tpu.memory_space<vmem>>[vector<16xi32>, vector<16xi32>], vector<16xf32>,
        %broadcast_in_dim3A_1136 = arith.constant 7 : i32
        %broadcast_in_dim3A_1137 = vector.broadcast %broadcast_in_dim3A_1136 : i32 to vector<16xi32>
        %gather3A_1138 = arith.constant 0 : i32
        %gather3A_1139 = arith.constant 0 : i32
        %gather3A_1140 = arith.constant 0 : i32
        %gather3A_1141 = tpu.memref_slice %arg27[%gather3A_1138, %gather3A_1139, %gather3A_1140] : memref<2x80x16xf32, #tpu.memory_space<vmem>> -> memref<1x80x16xf32, #tpu.memory_space<vmem>>
        %gather3A_1142 = tpu.memref_squeeze %gather3A_1141 : memref<1x80x16xf32, #tpu.memory_space<vmem>> -> memref<80x16xf32, #tpu.memory_space<vmem>>
        %gather3A_1143 = tpu.vector_load_idx %gather3A_1142[%add3A_981, %broadcast_in_dim3A_1137] : memref<80x16xf32, #tpu.memory_space<vmem>>[vector<16xi32>, vector<16xi32>], vector<16xf32>,
        %add3A_1144 = arith.addf %gather3A_1135, %gather3A_1143 : vector<16xf32>
        %ge3A_1145 = arith.constant 0.000000e+00 : f32
        %ge3A_1146 = vector.broadcast %ge3A_1145 : f32 to vector<16xf32>
        %ge3A_1147 = arith.cmpf oge, %add3A_1144, %ge3A_1146 : vector<16xf32>
        %mul3A_1148 = arith.constant 2.000000e-01 : f32
        %mul3A_1149 = vector.broadcast %mul3A_1148 : f32 to vector<16xf32>
        %mul3A_1150 = arith.mulf %mul3A_1149, %add3A_1144 : vector<16xf32>
        %select_n3A_1151 = arith.select %ge3A_1147, %add3A_1144, %mul3A_1150 : vector<16xi1>, vector<16xf32>
        %mul3A_1152 = vector.broadcast %sub3A_3 : f32 to vector<16xf32>
        %mul3A_1153 = arith.mulf %mul3A_1152, %select_n3A_1151 : vector<16xf32>
        %exp3A_1154 = math.exp %mul3A_1153 : vector<16xf32>
        %broadcast_in_dim3A_1155 = arith.constant 131 : i32
        %broadcast_in_dim3A_1156 = vector.broadcast %broadcast_in_dim3A_1155 : i32 to vector<16xi32>
        %scatter3A_1157 = arith.constant 0 : i32
        %scatter3A_1158 = arith.constant 0 : i32
        %scatter3A_1159 = arith.constant 0 : i32
        %scatter3A_1160 = tpu.memref_slice %arg26[%scatter3A_1157, %scatter3A_1158, %scatter3A_1159] : memref<2x80x136xf32, #tpu.memory_space<vmem>> -> memref<1x80x136xf32, #tpu.memory_space<vmem>>
        %scatter3A_1161 = tpu.memref_squeeze %scatter3A_1160 : memref<1x80x136xf32, #tpu.memory_space<vmem>> -> memref<80x136xf32, #tpu.memory_space<vmem>>
        tpu.vector_store_idx %scatter3A_1161[%add3A_981, %broadcast_in_dim3A_1156], %exp3A_1154 : memref<80x136xf32, #tpu.memory_space<vmem>>[vector<16xi32>, vector<16xi32>], vector<16xf32>,
        %broadcast_in_dim3A_1162 = arith.constant 3 : i32
        %broadcast_in_dim3A_1163 = vector.broadcast %broadcast_in_dim3A_1162 : i32 to vector<16xi32>
        %mul3A_1164 = arith.mulf %exp3A_1154, %add3A_1012 : vector<16xf32>
        tpu.vector_store_idx %arg30[%add3A_981, %broadcast_in_dim3A_1163], %mul3A_1164 : memref<80x16xf32, #tpu.memory_space<vmem>>[vector<16xi32>, vector<16xi32>], vector<16xf32>,
        %get3A_1165 = arith.constant 0 : i32
        %get3A_1166 = arith.index_cast %get3A_1165 : i32 to index
        %get3A_1167 = arith.constant 64 : index
        %get3A_1168 = tpu.vector_load %arg12[%get3A_1166, %get3A_1167] {strides = array<i32>} : memref<2x80xi32, #tpu.memory_space<vmem>>, vector<16xi32>,
        %swap3A_1169 = arith.constant 0 : i32
        %swap3A_1170 = arith.index_cast %swap3A_1169 : i32 to index
        %swap3A_1171 = arith.constant 64 : index
        %swap3A_1172 = tpu.vector_load %arg15[%swap3A_1170, %swap3A_1171] {strides = array<i32>} : memref<2x80xi32, #tpu.memory_space<vmem>>, vector<16xi32>,
        tpu.vector_store %arg15[%swap3A_1170, %swap3A_1171], %get3A_1168 {strides = array<i32>} : memref<2x80xi32, #tpu.memory_space<vmem>>, vector<16xi32>,
      } else {
      }
      %add3A_99 = arith.constant 1 : i32
      %add3A_100 = arith.addi %mul3A_90, %add3A_99 : i32
      %ge3A = arith.constant 2 : i32
      %ge3A_101 = arith.cmpi sge, %add3A_100, %ge3A : i32
      %sub3A_102 = arith.constant 2 : i32
      %sub3A_103 = arith.subi %add3A_100, %sub3A_102 : i32
      %mul3A_104 = arith.constant 16 : i32
      %mul3A_105 = arith.muli %sub3A_103, %mul3A_104 : i32
      %add3A_106 = arith.addi %arg1, %mul3A_105 : i32
      %lt3A_107 = arith.constant 4000 : i32
      %lt3A_108 = arith.cmpi slt, %add3A_106, %lt3A_107 : i32
      %and3A_109 = arith.andi %ge3A_101, %lt3A_108 : i1
      %convert_element_type3A_110 = arith.extui %and3A_109 : i1 to i32
      %cond3A_111 = arith.constant 0 : i32
      %cond3A_112 = arith.cmpi ne, %convert_element_type3A_110, %cond3A_111 : i32
      scf.if %cond3A_112 {
        %dma_wait3A = arith.constant 1 : i32
        %dma_wait3A_187 = arith.constant 1 : i32
        %dma_wait3A_188 = arith.constant 0 : i32
        %dma_wait3A_189 = arith.constant 0 : i32
        %dma_wait3A_190 = tpu.memref_slice %arg26[%dma_wait3A, %dma_wait3A_188, %dma_wait3A_189] : memref<2x80x136xf32, #tpu.memory_space<vmem>> -> memref<1x80x136xf32, #tpu.memory_space<vmem>>
        %dma_wait3A_191 = tpu.memref_squeeze %dma_wait3A_190 : memref<1x80x136xf32, #tpu.memory_space<vmem>> -> memref<80x136xf32, #tpu.memory_space<vmem>>
        %dma_wait3A_192 = arith.constant 0 : i32
        %dma_wait3A_193 = tpu.memref_slice %arg15[%dma_wait3A_187, %dma_wait3A_192] : memref<2x80xi32, #tpu.memory_space<vmem>> -> memref<1x80xi32, #tpu.memory_space<vmem>>
        %dma_wait3A_194 = tpu.memref_squeeze %dma_wait3A_193 : memref<1x80xi32, #tpu.memory_space<vmem>> -> memref<80xi32, #tpu.memory_space<vmem>>
        %dma_wait3A_195 = arith.constant 0 : i32
        %dma_wait3A_196 = arith.constant 0 : i32
        %dma_wait3A_197 = tpu.memref_slice %arg29[%dma_wait3A_195, %dma_wait3A_196] : memref<10000x136xf32, #tpu.memory_space<vmem_shared>> -> memref<10000x136xf32, #tpu.memory_space<vmem_shared>>
        tpu.wait_indirect_dma semaphore(%arg25 : memref<!tpu.dma_semaphore, #tpu.memory_space<semaphore_mem>>) src(%dma_wait3A_191 : memref<80x136xf32, #tpu.memory_space<vmem>>) dst(%dma_wait3A_197 : memref<10000x136xf32, #tpu.memory_space<vmem_shared>>)
        %eq3A = arith.constant 0 : i32
        %eq3A_198 = arith.cmpi eq, %arg0, %eq3A : i32
        %convert_element_type3A_199 = arith.extui %eq3A_198 : i1 to i32
        %cond3A_200 = arith.constant 0 : i32
        %cond3A_201 = arith.cmpi ne, %convert_element_type3A_199, %cond3A_200 : i32
        scf.if %cond3A_201 {
          %sub3A_202 = arith.constant 2 : i32
          %sub3A_203 = arith.subi %add3A_100, %sub3A_202 : i32
          %mul3A_204 = arith.constant 16 : i32
          %mul3A_205 = arith.muli %sub3A_203, %mul3A_204 : i32
          %add3A_206 = arith.addi %arg1, %mul3A_205 : i32
          %mul3A_207 = arith.constant 80 : i32
          %mul3A_208 = arith.muli %add3A_206, %mul3A_207 : i32
          %dma_wait3A_209 = arith.constant 1 : i32
          %dma_wait3A_210 = arith.constant 0 : i32
          %dma_wait3A_211 = tpu.memref_slice %arg9[%dma_wait3A_209, %dma_wait3A_210] : memref<2x80xf32, #tpu.memory_space<vmem>> -> memref<1x80xf32, #tpu.memory_space<vmem>>
          %dma_wait3A_212 = tpu.memref_squeeze %dma_wait3A_211 : memref<1x80xf32, #tpu.memory_space<vmem>> -> memref<80xf32, #tpu.memory_space<vmem>>
          %dma_wait3A_213 = tpu.memref_slice %arg8[%mul3A_208] : memref<320000xf32, #tpu.memory_space<hbm>> -> memref<80xf32, #tpu.memory_space<hbm>>
          %dma_wait3A_214 = tpu.memref_slice %arg8[%mul3A_208] : memref<320000xf32, #tpu.memory_space<hbm>> -> memref<80xf32, #tpu.memory_space<hbm>>
          %dma_wait3A_215 = arith.constant 0 : i32
          %dma_wait3A_216 = tpu.memref_slice %arg9[%dma_wait3A_209, %dma_wait3A_215] : memref<2x80xf32, #tpu.memory_space<vmem>> -> memref<1x80xf32, #tpu.memory_space<vmem>>
          %dma_wait3A_217 = tpu.memref_squeeze %dma_wait3A_216 : memref<1x80xf32, #tpu.memory_space<vmem>> -> memref<80xf32, #tpu.memory_space<vmem>>
          tpu.wait_dma2 semaphore(%arg17 : memref<!tpu.dma_semaphore, #tpu.memory_space<semaphore_mem>>) src(%dma_wait3A_217 : memref<80xf32, #tpu.memory_space<vmem>>) dst(%dma_wait3A_214 : memref<80xf32, #tpu.memory_space<hbm>>)
        } else {
        }
      } else {
      }
      %mul3A_113 = arith.constant 16 : i32
      %mul3A_114 = arith.muli %add3A_100, %mul3A_113 : i32
      %add3A_115 = arith.addi %arg1, %mul3A_114 : i32
      %lt3A_116 = arith.constant 4000 : i32
      %lt3A_117 = arith.cmpi slt, %add3A_115, %lt3A_116 : i32
      %convert_element_type3A_118 = arith.extui %lt3A_117 : i1 to i32
      %cond3A_119 = arith.constant 0 : i32
      %cond3A_120 = arith.cmpi ne, %convert_element_type3A_118, %cond3A_119 : i32
      scf.if %cond3A_120 {
        %mul3A_187 = arith.constant 16 : i32
        %mul3A_188 = arith.muli %add3A_100, %mul3A_187 : i32
        %add3A_189 = arith.addi %arg1, %mul3A_188 : i32
        %mul3A_190 = arith.constant 80 : i32
        %mul3A_191 = arith.muli %add3A_189, %mul3A_190 : i32
        %dma_wait3A = arith.constant 1 : i32
        %dma_wait3A_192 = arith.constant 0 : i32
        %dma_wait3A_193 = tpu.memref_slice %arg14[%dma_wait3A, %dma_wait3A_192] : memref<2x80xi32, #tpu.memory_space<vmem>> -> memref<1x80xi32, #tpu.memory_space<vmem>>
        %dma_wait3A_194 = tpu.memref_squeeze %dma_wait3A_193 : memref<1x80xi32, #tpu.memory_space<vmem>> -> memref<80xi32, #tpu.memory_space<vmem>>
        %dma_wait3A_195 = tpu.memref_slice %arg4[%mul3A_191] : memref<320000xi32, #tpu.memory_space<hbm>> -> memref<80xi32, #tpu.memory_space<hbm>>
        %dma_wait3A_196 = arith.constant 0 : i32
        %dma_wait3A_197 = tpu.memref_slice %arg14[%dma_wait3A, %dma_wait3A_196] : memref<2x80xi32, #tpu.memory_space<vmem>> -> memref<1x80xi32, #tpu.memory_space<vmem>>
        %dma_wait3A_198 = tpu.memref_squeeze %dma_wait3A_197 : memref<1x80xi32, #tpu.memory_space<vmem>> -> memref<80xi32, #tpu.memory_space<vmem>>
        %dma_wait3A_199 = tpu.memref_slice %arg4[%mul3A_191] : memref<320000xi32, #tpu.memory_space<hbm>> -> memref<80xi32, #tpu.memory_space<hbm>>
        tpu.wait_dma2 semaphore(%arg23 : memref<!tpu.dma_semaphore, #tpu.memory_space<semaphore_mem>>) src(%dma_wait3A_199 : memref<80xi32, #tpu.memory_space<hbm>>) dst(%dma_wait3A_198 : memref<80xi32, #tpu.memory_space<vmem>>)
        %dma_wait3A_200 = arith.constant 1 : i32
        %dma_wait3A_201 = arith.constant 0 : i32
        %dma_wait3A_202 = tpu.memref_slice %arg12[%dma_wait3A_200, %dma_wait3A_201] : memref<2x80xi32, #tpu.memory_space<vmem>> -> memref<1x80xi32, #tpu.memory_space<vmem>>
        %dma_wait3A_203 = tpu.memref_squeeze %dma_wait3A_202 : memref<1x80xi32, #tpu.memory_space<vmem>> -> memref<80xi32, #tpu.memory_space<vmem>>
        %dma_wait3A_204 = tpu.memref_slice %arg5[%mul3A_191] : memref<320000xi32, #tpu.memory_space<hbm>> -> memref<80xi32, #tpu.memory_space<hbm>>
        %dma_wait3A_205 = arith.constant 0 : i32
        %dma_wait3A_206 = tpu.memref_slice %arg12[%dma_wait3A_200, %dma_wait3A_205] : memref<2x80xi32, #tpu.memory_space<vmem>> -> memref<1x80xi32, #tpu.memory_space<vmem>>
        %dma_wait3A_207 = tpu.memref_squeeze %dma_wait3A_206 : memref<1x80xi32, #tpu.memory_space<vmem>> -> memref<80xi32, #tpu.memory_space<vmem>>
        %dma_wait3A_208 = tpu.memref_slice %arg5[%mul3A_191] : memref<320000xi32, #tpu.memory_space<hbm>> -> memref<80xi32, #tpu.memory_space<hbm>>
        tpu.wait_dma2 semaphore(%arg23 : memref<!tpu.dma_semaphore, #tpu.memory_space<semaphore_mem>>) src(%dma_wait3A_208 : memref<80xi32, #tpu.memory_space<hbm>>) dst(%dma_wait3A_207 : memref<80xi32, #tpu.memory_space<vmem>>)
        %get3A = arith.constant 1 : i32
        %get3A_209 = arith.index_cast %get3A : i32 to index
        %get3A_210 = arith.constant 0 : index
        %get3A_211 = tpu.vector_load %arg14[%get3A_209, %get3A_210] {strides = array<i32>} : memref<2x80xi32, #tpu.memory_space<vmem>>, vector<16xi32>,
        %add3A_212 = vector.broadcast %mul3A_0 : i32 to vector<16xi32>
        %add3A_213 = arith.addi %get3A_211, %add3A_212 : vector<16xi32>
        %swap3A = arith.constant 1 : i32
        %swap3A_214 = arith.index_cast %swap3A : i32 to index
        %swap3A_215 = arith.constant 0 : index
        %swap3A_216 = tpu.vector_load %arg14[%swap3A_214, %swap3A_215] {strides = array<i32>} : memref<2x80xi32, #tpu.memory_space<vmem>>, vector<16xi32>,
        tpu.vector_store %arg14[%swap3A_214, %swap3A_215], %add3A_213 {strides = array<i32>} : memref<2x80xi32, #tpu.memory_space<vmem>>, vector<16xi32>,
        %get3A_217 = arith.constant 1 : i32
        %get3A_218 = arith.index_cast %get3A_217 : i32 to index
        %get3A_219 = arith.constant 0 : index
        %get3A_220 = tpu.vector_load %arg12[%get3A_218, %get3A_219] {strides = array<i32>} : memref<2x80xi32, #tpu.memory_space<vmem>>, vector<16xi32>,
        %add3A_221 = vector.broadcast %mul3A_0 : i32 to vector<16xi32>
        %add3A_222 = arith.addi %get3A_220, %add3A_221 : vector<16xi32>
        %swap3A_223 = arith.constant 1 : i32
        %swap3A_224 = arith.index_cast %swap3A_223 : i32 to index
        %swap3A_225 = arith.constant 0 : index
        %swap3A_226 = tpu.vector_load %arg13[%swap3A_224, %swap3A_225] {strides = array<i32>} : memref<2x80xi32, #tpu.memory_space<vmem>>, vector<16xi32>,
        tpu.vector_store %arg13[%swap3A_224, %swap3A_225], %add3A_222 {strides = array<i32>} : memref<2x80xi32, #tpu.memory_space<vmem>>, vector<16xi32>,
        %get3A_227 = arith.constant 1 : i32
        %get3A_228 = arith.index_cast %get3A_227 : i32 to index
        %get3A_229 = arith.constant 16 : index
        %get3A_230 = tpu.vector_load %arg14[%get3A_228, %get3A_229] {strides = array<i32>} : memref<2x80xi32, #tpu.memory_space<vmem>>, vector<16xi32>,
        %add3A_231 = vector.broadcast %mul3A_0 : i32 to vector<16xi32>
        %add3A_232 = arith.addi %get3A_230, %add3A_231 : vector<16xi32>
        %swap3A_233 = arith.constant 1 : i32
        %swap3A_234 = arith.index_cast %swap3A_233 : i32 to index
        %swap3A_235 = arith.constant 16 : index
        %swap3A_236 = tpu.vector_load %arg14[%swap3A_234, %swap3A_235] {strides = array<i32>} : memref<2x80xi32, #tpu.memory_space<vmem>>, vector<16xi32>,
        tpu.vector_store %arg14[%swap3A_234, %swap3A_235], %add3A_232 {strides = array<i32>} : memref<2x80xi32, #tpu.memory_space<vmem>>, vector<16xi32>,
        %get3A_237 = arith.constant 1 : i32
        %get3A_238 = arith.index_cast %get3A_237 : i32 to index
        %get3A_239 = arith.constant 16 : index
        %get3A_240 = tpu.vector_load %arg12[%get3A_238, %get3A_239] {strides = array<i32>} : memref<2x80xi32, #tpu.memory_space<vmem>>, vector<16xi32>,
        %add3A_241 = vector.broadcast %mul3A_0 : i32 to vector<16xi32>
        %add3A_242 = arith.addi %get3A_240, %add3A_241 : vector<16xi32>
        %swap3A_243 = arith.constant 1 : i32
        %swap3A_244 = arith.index_cast %swap3A_243 : i32 to index
        %swap3A_245 = arith.constant 16 : index
        %swap3A_246 = tpu.vector_load %arg13[%swap3A_244, %swap3A_245] {strides = array<i32>} : memref<2x80xi32, #tpu.memory_space<vmem>>, vector<16xi32>,
        tpu.vector_store %arg13[%swap3A_244, %swap3A_245], %add3A_242 {strides = array<i32>} : memref<2x80xi32, #tpu.memory_space<vmem>>, vector<16xi32>,
        %get3A_247 = arith.constant 1 : i32
        %get3A_248 = arith.index_cast %get3A_247 : i32 to index
        %get3A_249 = arith.constant 32 : index
        %get3A_250 = tpu.vector_load %arg14[%get3A_248, %get3A_249] {strides = array<i32>} : memref<2x80xi32, #tpu.memory_space<vmem>>, vector<16xi32>,
        %add3A_251 = vector.broadcast %mul3A_0 : i32 to vector<16xi32>
        %add3A_252 = arith.addi %get3A_250, %add3A_251 : vector<16xi32>
        %swap3A_253 = arith.constant 1 : i32
        %swap3A_254 = arith.index_cast %swap3A_253 : i32 to index
        %swap3A_255 = arith.constant 32 : index
        %swap3A_256 = tpu.vector_load %arg14[%swap3A_254, %swap3A_255] {strides = array<i32>} : memref<2x80xi32, #tpu.memory_space<vmem>>, vector<16xi32>,
        tpu.vector_store %arg14[%swap3A_254, %swap3A_255], %add3A_252 {strides = array<i32>} : memref<2x80xi32, #tpu.memory_space<vmem>>, vector<16xi32>,
        %get3A_257 = arith.constant 1 : i32
        %get3A_258 = arith.index_cast %get3A_257 : i32 to index
        %get3A_259 = arith.constant 32 : index
        %get3A_260 = tpu.vector_load %arg12[%get3A_258, %get3A_259] {strides = array<i32>} : memref<2x80xi32, #tpu.memory_space<vmem>>, vector<16xi32>,
        %add3A_261 = vector.broadcast %mul3A_0 : i32 to vector<16xi32>
        %add3A_262 = arith.addi %get3A_260, %add3A_261 : vector<16xi32>
        %swap3A_263 = arith.constant 1 : i32
        %swap3A_264 = arith.index_cast %swap3A_263 : i32 to index
        %swap3A_265 = arith.constant 32 : index
        %swap3A_266 = tpu.vector_load %arg13[%swap3A_264, %swap3A_265] {strides = array<i32>} : memref<2x80xi32, #tpu.memory_space<vmem>>, vector<16xi32>,
        tpu.vector_store %arg13[%swap3A_264, %swap3A_265], %add3A_262 {strides = array<i32>} : memref<2x80xi32, #tpu.memory_space<vmem>>, vector<16xi32>,
        %get3A_267 = arith.constant 1 : i32
        %get3A_268 = arith.index_cast %get3A_267 : i32 to index
        %get3A_269 = arith.constant 48 : index
        %get3A_270 = tpu.vector_load %arg14[%get3A_268, %get3A_269] {strides = array<i32>} : memref<2x80xi32, #tpu.memory_space<vmem>>, vector<16xi32>,
        %add3A_271 = vector.broadcast %mul3A_0 : i32 to vector<16xi32>
        %add3A_272 = arith.addi %get3A_270, %add3A_271 : vector<16xi32>
        %swap3A_273 = arith.constant 1 : i32
        %swap3A_274 = arith.index_cast %swap3A_273 : i32 to index
        %swap3A_275 = arith.constant 48 : index
        %swap3A_276 = tpu.vector_load %arg14[%swap3A_274, %swap3A_275] {strides = array<i32>} : memref<2x80xi32, #tpu.memory_space<vmem>>, vector<16xi32>,
        tpu.vector_store %arg14[%swap3A_274, %swap3A_275], %add3A_272 {strides = array<i32>} : memref<2x80xi32, #tpu.memory_space<vmem>>, vector<16xi32>,
        %get3A_277 = arith.constant 1 : i32
        %get3A_278 = arith.index_cast %get3A_277 : i32 to index
        %get3A_279 = arith.constant 48 : index
        %get3A_280 = tpu.vector_load %arg12[%get3A_278, %get3A_279] {strides = array<i32>} : memref<2x80xi32, #tpu.memory_space<vmem>>, vector<16xi32>,
        %add3A_281 = vector.broadcast %mul3A_0 : i32 to vector<16xi32>
        %add3A_282 = arith.addi %get3A_280, %add3A_281 : vector<16xi32>
        %swap3A_283 = arith.constant 1 : i32
        %swap3A_284 = arith.index_cast %swap3A_283 : i32 to index
        %swap3A_285 = arith.constant 48 : index
        %swap3A_286 = tpu.vector_load %arg13[%swap3A_284, %swap3A_285] {strides = array<i32>} : memref<2x80xi32, #tpu.memory_space<vmem>>, vector<16xi32>,
        tpu.vector_store %arg13[%swap3A_284, %swap3A_285], %add3A_282 {strides = array<i32>} : memref<2x80xi32, #tpu.memory_space<vmem>>, vector<16xi32>,
        %get3A_287 = arith.constant 1 : i32
        %get3A_288 = arith.index_cast %get3A_287 : i32 to index
        %get3A_289 = arith.constant 64 : index
        %get3A_290 = tpu.vector_load %arg14[%get3A_288, %get3A_289] {strides = array<i32>} : memref<2x80xi32, #tpu.memory_space<vmem>>, vector<16xi32>,
        %add3A_291 = vector.broadcast %mul3A_0 : i32 to vector<16xi32>
        %add3A_292 = arith.addi %get3A_290, %add3A_291 : vector<16xi32>
        %swap3A_293 = arith.constant 1 : i32
        %swap3A_294 = arith.index_cast %swap3A_293 : i32 to index
        %swap3A_295 = arith.constant 64 : index
        %swap3A_296 = tpu.vector_load %arg14[%swap3A_294, %swap3A_295] {strides = array<i32>} : memref<2x80xi32, #tpu.memory_space<vmem>>, vector<16xi32>,
        tpu.vector_store %arg14[%swap3A_294, %swap3A_295], %add3A_292 {strides = array<i32>} : memref<2x80xi32, #tpu.memory_space<vmem>>, vector<16xi32>,
        %get3A_297 = arith.constant 1 : i32
        %get3A_298 = arith.index_cast %get3A_297 : i32 to index
        %get3A_299 = arith.constant 64 : index
        %get3A_300 = tpu.vector_load %arg12[%get3A_298, %get3A_299] {strides = array<i32>} : memref<2x80xi32, #tpu.memory_space<vmem>>, vector<16xi32>,
        %add3A_301 = vector.broadcast %mul3A_0 : i32 to vector<16xi32>
        %add3A_302 = arith.addi %get3A_300, %add3A_301 : vector<16xi32>
        %swap3A_303 = arith.constant 1 : i32
        %swap3A_304 = arith.index_cast %swap3A_303 : i32 to index
        %swap3A_305 = arith.constant 64 : index
        %swap3A_306 = tpu.vector_load %arg13[%swap3A_304, %swap3A_305] {strides = array<i32>} : memref<2x80xi32, #tpu.memory_space<vmem>>, vector<16xi32>,
        tpu.vector_store %arg13[%swap3A_304, %swap3A_305], %add3A_302 {strides = array<i32>} : memref<2x80xi32, #tpu.memory_space<vmem>>, vector<16xi32>,
        %dma_start3A_307 = arith.constant 1 : i32
        %dma_start3A_308 = arith.constant 1 : i32
        %dma_start3A_309 = arith.constant 0 : i32
        %dma_start3A_310 = arith.constant 0 : i32
        %dma_start3A_311 = tpu.memref_slice %arg28[%dma_start3A_308, %dma_start3A_309, %dma_start3A_310] : memref<2x80x16xf32, #tpu.memory_space<vmem>> -> memref<1x80x16xf32, #tpu.memory_space<vmem>>
        %dma_start3A_312 = tpu.memref_squeeze %dma_start3A_311 : memref<1x80x16xf32, #tpu.memory_space<vmem>> -> memref<80x16xf32, #tpu.memory_space<vmem>>
        %dma_start3A_313 = arith.constant 0 : i32
        %dma_start3A_314 = tpu.memref_slice %arg14[%dma_start3A_307, %dma_start3A_313] : memref<2x80xi32, #tpu.memory_space<vmem>> -> memref<1x80xi32, #tpu.memory_space<vmem>>
        %dma_start3A_315 = tpu.memref_squeeze %dma_start3A_314 : memref<1x80xi32, #tpu.memory_space<vmem>> -> memref<80xi32, #tpu.memory_space<vmem>>
        %dma_start3A_316 = arith.constant 0 : i32
        %dma_start3A_317 = arith.constant 0 : i32
        %dma_start3A_318 = tpu.memref_slice %arg3[%dma_start3A_316, %dma_start3A_317] : memref<20000x16xf32, #tpu.memory_space<hbm>> -> memref<20000x16xf32, #tpu.memory_space<hbm>>
        tpu.enqueue_indirect_dma source(%dma_start3A_318 : memref<20000x16xf32, #tpu.memory_space<hbm>>) target(%dma_start3A_312 : memref<80x16xf32, #tpu.memory_space<vmem>>) offsets(%dma_start3A_315 : memref<80xi32, #tpu.memory_space<vmem>>) semaphore(%arg21 : memref<!tpu.dma_semaphore, #tpu.memory_space<semaphore_mem>>)
        %dma_start3A_319 = arith.constant 1 : i32
        %dma_start3A_320 = arith.constant 1 : i32
        %dma_start3A_321 = arith.constant 0 : i32
        %dma_start3A_322 = arith.constant 0 : i32
        %dma_start3A_323 = tpu.memref_slice %arg27[%dma_start3A_320, %dma_start3A_321, %dma_start3A_322] : memref<2x80x16xf32, #tpu.memory_space<vmem>> -> memref<1x80x16xf32, #tpu.memory_space<vmem>>
        %dma_start3A_324 = tpu.memref_squeeze %dma_start3A_323 : memref<1x80x16xf32, #tpu.memory_space<vmem>> -> memref<80x16xf32, #tpu.memory_space<vmem>>
        %dma_start3A_325 = arith.constant 0 : i32
        %dma_start3A_326 = tpu.memref_slice %arg13[%dma_start3A_319, %dma_start3A_325] : memref<2x80xi32, #tpu.memory_space<vmem>> -> memref<1x80xi32, #tpu.memory_space<vmem>>
        %dma_start3A_327 = tpu.memref_squeeze %dma_start3A_326 : memref<1x80xi32, #tpu.memory_space<vmem>> -> memref<80xi32, #tpu.memory_space<vmem>>
        %dma_start3A_328 = arith.constant 0 : i32
        %dma_start3A_329 = arith.constant 0 : i32
        %dma_start3A_330 = tpu.memref_slice %arg3[%dma_start3A_328, %dma_start3A_329] : memref<20000x16xf32, #tpu.memory_space<hbm>> -> memref<20000x16xf32, #tpu.memory_space<hbm>>
        tpu.enqueue_indirect_dma source(%dma_start3A_330 : memref<20000x16xf32, #tpu.memory_space<hbm>>) target(%dma_start3A_324 : memref<80x16xf32, #tpu.memory_space<vmem>>) offsets(%dma_start3A_327 : memref<80xi32, #tpu.memory_space<vmem>>) semaphore(%arg21 : memref<!tpu.dma_semaphore, #tpu.memory_space<semaphore_mem>>)
        %dma_start3A_331 = arith.constant 1 : i32
        %dma_start3A_332 = arith.constant 1 : i32
        %dma_start3A_333 = arith.constant 0 : i32
        %dma_start3A_334 = arith.constant 0 : i32
        %dma_start3A_335 = tpu.memref_slice %arg11[%dma_start3A_332, %dma_start3A_333, %dma_start3A_334] : memref<2x80x128xbf16, #tpu.memory_space<vmem>> -> memref<1x80x128xbf16, #tpu.memory_space<vmem>>
        %dma_start3A_336 = tpu.memref_squeeze %dma_start3A_335 : memref<1x80x128xbf16, #tpu.memory_space<vmem>> -> memref<80x128xbf16, #tpu.memory_space<vmem>>
        %dma_start3A_337 = arith.constant 0 : i32
        %dma_start3A_338 = tpu.memref_slice %arg14[%dma_start3A_331, %dma_start3A_337] : memref<2x80xi32, #tpu.memory_space<vmem>> -> memref<1x80xi32, #tpu.memory_space<vmem>>
        %dma_start3A_339 = tpu.memref_squeeze %dma_start3A_338 : memref<1x80xi32, #tpu.memory_space<vmem>> -> memref<80xi32, #tpu.memory_space<vmem>>
        %dma_start3A_340 = arith.constant 0 : i32
        %dma_start3A_341 = arith.constant 0 : i32
        %dma_start3A_342 = tpu.memref_slice %arg2[%dma_start3A_340, %dma_start3A_341] : memref<20000x128xbf16, #tpu.memory_space<hbm>> -> memref<20000x128xbf16, #tpu.memory_space<hbm>>
        tpu.enqueue_indirect_dma source(%dma_start3A_342 : memref<20000x128xbf16, #tpu.memory_space<hbm>>) target(%dma_start3A_336 : memref<80x128xbf16, #tpu.memory_space<vmem>>) offsets(%dma_start3A_339 : memref<80xi32, #tpu.memory_space<vmem>>) semaphore(%arg19 : memref<!tpu.dma_semaphore, #tpu.memory_space<semaphore_mem>>)
      } else {
      }
      %add3A_121 = arith.constant 1 : i32
      %add3A_122 = arith.addi %add3A_100, %add3A_121 : i32
      %mul3A_123 = arith.constant 16 : i32
      %mul3A_124 = arith.muli %add3A_122, %mul3A_123 : i32
      %add3A_125 = arith.addi %arg1, %mul3A_124 : i32
      %lt3A_126 = arith.constant 4000 : i32
      %lt3A_127 = arith.cmpi slt, %add3A_125, %lt3A_126 : i32
      %convert_element_type3A_128 = arith.extui %lt3A_127 : i1 to i32
      %cond3A_129 = arith.constant 0 : i32
      %cond3A_130 = arith.cmpi ne, %convert_element_type3A_128, %cond3A_129 : i32
      scf.if %cond3A_130 {
        %add3A_187 = arith.constant 1 : i32
        %add3A_188 = arith.addi %add3A_100, %add3A_187 : i32
        %mul3A_189 = arith.constant 16 : i32
        %mul3A_190 = arith.muli %add3A_188, %mul3A_189 : i32
        %add3A_191 = arith.addi %arg1, %mul3A_190 : i32
        %mul3A_192 = arith.constant 80 : i32
        %mul3A_193 = arith.muli %add3A_191, %mul3A_192 : i32
        %dma_start3A_194 = arith.constant 0 : i32
        %dma_start3A_195 = arith.constant 0 : i32
        %dma_start3A_196 = tpu.memref_slice %arg14[%dma_start3A_194, %dma_start3A_195] : memref<2x80xi32, #tpu.memory_space<vmem>> -> memref<1x80xi32, #tpu.memory_space<vmem>>
        %dma_start3A_197 = tpu.memref_squeeze %dma_start3A_196 : memref<1x80xi32, #tpu.memory_space<vmem>> -> memref<80xi32, #tpu.memory_space<vmem>>
        %dma_start3A_198 = tpu.memref_slice %arg4[%mul3A_193] : memref<320000xi32, #tpu.memory_space<hbm>> -> memref<80xi32, #tpu.memory_space<hbm>>
        %dma_start3A_199 = arith.constant 0 : i32
        %dma_start3A_200 = tpu.memref_slice %arg14[%dma_start3A_194, %dma_start3A_199] : memref<2x80xi32, #tpu.memory_space<vmem>> -> memref<1x80xi32, #tpu.memory_space<vmem>>
        %dma_start3A_201 = tpu.memref_squeeze %dma_start3A_200 : memref<1x80xi32, #tpu.memory_space<vmem>> -> memref<80xi32, #tpu.memory_space<vmem>>
        %dma_start3A_202 = tpu.memref_slice %arg4[%mul3A_193] : memref<320000xi32, #tpu.memory_space<hbm>> -> memref<80xi32, #tpu.memory_space<hbm>>
        tpu.enqueue_dma source(%dma_start3A_202 : memref<80xi32, #tpu.memory_space<hbm>>) target(%dma_start3A_201 : memref<80xi32, #tpu.memory_space<vmem>>) target_semaphore(%arg22 : memref<!tpu.dma_semaphore, #tpu.memory_space<semaphore_mem>>)
        %dma_start3A_203 = arith.constant 0 : i32
        %dma_start3A_204 = arith.constant 0 : i32
        %dma_start3A_205 = tpu.memref_slice %arg12[%dma_start3A_203, %dma_start3A_204] : memref<2x80xi32, #tpu.memory_space<vmem>> -> memref<1x80xi32, #tpu.memory_space<vmem>>
        %dma_start3A_206 = tpu.memref_squeeze %dma_start3A_205 : memref<1x80xi32, #tpu.memory_space<vmem>> -> memref<80xi32, #tpu.memory_space<vmem>>
        %dma_start3A_207 = tpu.memref_slice %arg5[%mul3A_193] : memref<320000xi32, #tpu.memory_space<hbm>> -> memref<80xi32, #tpu.memory_space<hbm>>
        %dma_start3A_208 = arith.constant 0 : i32
        %dma_start3A_209 = tpu.memref_slice %arg12[%dma_start3A_203, %dma_start3A_208] : memref<2x80xi32, #tpu.memory_space<vmem>> -> memref<1x80xi32, #tpu.memory_space<vmem>>
        %dma_start3A_210 = tpu.memref_squeeze %dma_start3A_209 : memref<1x80xi32, #tpu.memory_space<vmem>> -> memref<80xi32, #tpu.memory_space<vmem>>
        %dma_start3A_211 = tpu.memref_slice %arg5[%mul3A_193] : memref<320000xi32, #tpu.memory_space<hbm>> -> memref<80xi32, #tpu.memory_space<hbm>>
        tpu.enqueue_dma source(%dma_start3A_211 : memref<80xi32, #tpu.memory_space<hbm>>) target(%dma_start3A_210 : memref<80xi32, #tpu.memory_space<vmem>>) target_semaphore(%arg22 : memref<!tpu.dma_semaphore, #tpu.memory_space<semaphore_mem>>)
      } else {
      }
      %lt3A_131 = arith.constant 4000 : i32
      %lt3A_132 = arith.cmpi slt, %add3A_93, %lt3A_131 : i32
      %convert_element_type3A_133 = arith.extui %lt3A_132 : i1 to i32
      %cond3A_134 = arith.constant 0 : i32
      %cond3A_135 = arith.cmpi ne, %convert_element_type3A_133, %cond3A_134 : i32
      scf.if %cond3A_135 {
        %dma_wait3A = arith.constant 0 : i32
        %dma_wait3A_187 = arith.constant 0 : i32
        %dma_wait3A_188 = arith.constant 0 : i32
        %dma_wait3A_189 = arith.constant 0 : i32
        %dma_wait3A_190 = tpu.memref_slice %arg11[%dma_wait3A_187, %dma_wait3A_188, %dma_wait3A_189] : memref<2x80x128xbf16, #tpu.memory_space<vmem>> -> memref<1x80x128xbf16, #tpu.memory_space<vmem>>
        %dma_wait3A_191 = tpu.memref_squeeze %dma_wait3A_190 : memref<1x80x128xbf16, #tpu.memory_space<vmem>> -> memref<80x128xbf16, #tpu.memory_space<vmem>>
        %dma_wait3A_192 = arith.constant 0 : i32
        %dma_wait3A_193 = tpu.memref_slice %arg14[%dma_wait3A, %dma_wait3A_192] : memref<2x80xi32, #tpu.memory_space<vmem>> -> memref<1x80xi32, #tpu.memory_space<vmem>>
        %dma_wait3A_194 = tpu.memref_squeeze %dma_wait3A_193 : memref<1x80xi32, #tpu.memory_space<vmem>> -> memref<80xi32, #tpu.memory_space<vmem>>
        %dma_wait3A_195 = arith.constant 0 : i32
        %dma_wait3A_196 = arith.constant 0 : i32
        %dma_wait3A_197 = tpu.memref_slice %arg2[%dma_wait3A_195, %dma_wait3A_196] : memref<20000x128xbf16, #tpu.memory_space<hbm>> -> memref<20000x128xbf16, #tpu.memory_space<hbm>>
        tpu.wait_indirect_dma semaphore(%arg18 : memref<!tpu.dma_semaphore, #tpu.memory_space<semaphore_mem>>) src(%dma_wait3A_197 : memref<20000x128xbf16, #tpu.memory_space<hbm>>) dst(%dma_wait3A_191 : memref<80x128xbf16, #tpu.memory_space<vmem>>)
        %scan3A_198 = arith.constant 0 : i32
        %scan3A_199 = arith.constant 0 : i32
        %scan3A_200 = arith.constant 40 : i32
        %scan3A_201 = arith.addi %scan3A_199, %scan3A_200 : i32
        %scan3A_202 = arith.constant 1 : i32
        %scan3A_203 = scf.for %scan3A_221 = %scan3A_199 to %scan3A_201 step %scan3A_202 iter_args(%scan3A_222 = %scan3A_198) -> (i32)  : i32 {
          %mul3A_223 = arith.constant 2 : i32
          %mul3A_224 = arith.muli %scan3A_221, %mul3A_223 : i32
          %get3A = arith.index_cast %mul3A_224 : i32 to index
          %get3A_225 = arith.constant 0 : index
          %get3A_226 = tpu.vector_load %arg30[%get3A, %get3A_225] {strides = array<i32>} : memref<80x16xf32, #tpu.memory_space<vmem>>, vector<16xf32>,
          %add3A_227 = arith.constant 1 : i32
          %add3A_228 = arith.addi %mul3A_224, %add3A_227 : i32
          %get3A_229 = arith.index_cast %add3A_228 : i32 to index
          %get3A_230 = arith.constant 0 : index
          %get3A_231 = tpu.vector_load %arg30[%get3A_229, %get3A_230] {strides = array<i32>} : memref<80x16xf32, #tpu.memory_space<vmem>>, vector<16xf32>,
          %get3A_232 = arith.constant 0 : i32
          %get3A_233 = arith.index_cast %get3A_232 : i32 to index
          %get3A_234 = arith.index_cast %mul3A_224 : i32 to index
          %get3A_235 = arith.constant 0 : index
          %get3A_236 = tpu.vector_load %arg11[%get3A_233, %get3A_234, %get3A_235] {strides = array<i32>} : memref<2x80x128xbf16, #tpu.memory_space<vmem>>, vector<32xbf16>,
          %get3A_237 = arith.constant 0 : i32
          %get3A_238 = arith.index_cast %get3A_237 : i32 to index
          %get3A_239 = arith.index_cast %mul3A_224 : i32 to index
          %get3A_240 = arith.constant 32 : index
          %get3A_241 = tpu.vector_load %arg11[%get3A_238, %get3A_239, %get3A_240] {strides = array<i32>} : memref<2x80x128xbf16, #tpu.memory_space<vmem>>, vector<32xbf16>,
          %get3A_242 = arith.constant 0 : i32
          %get3A_243 = arith.index_cast %get3A_242 : i32 to index
          %get3A_244 = arith.index_cast %mul3A_224 : i32 to index
          %get3A_245 = arith.constant 64 : index
          %get3A_246 = tpu.vector_load %arg11[%get3A_243, %get3A_244, %get3A_245] {strides = array<i32>} : memref<2x80x128xbf16, #tpu.memory_space<vmem>>, vector<32xbf16>,
          %get3A_247 = arith.constant 0 : i32
          %get3A_248 = arith.index_cast %get3A_247 : i32 to index
          %get3A_249 = arith.index_cast %mul3A_224 : i32 to index
          %get3A_250 = arith.constant 96 : index
          %get3A_251 = tpu.vector_load %arg11[%get3A_248, %get3A_249, %get3A_250] {strides = array<i32>} : memref<2x80x128xbf16, #tpu.memory_space<vmem>>, vector<32xbf16>,
          %add3A_252 = arith.constant 1 : i32
          %add3A_253 = arith.addi %mul3A_224, %add3A_252 : i32
          %get3A_254 = arith.constant 0 : i32
          %get3A_255 = arith.index_cast %get3A_254 : i32 to index
          %get3A_256 = arith.index_cast %add3A_253 : i32 to index
          %get3A_257 = arith.constant 0 : index
          %get3A_258 = tpu.vector_load %arg11[%get3A_255, %get3A_256, %get3A_257] {strides = array<i32>} : memref<2x80x128xbf16, #tpu.memory_space<vmem>>, vector<32xbf16>,
          %add3A_259 = arith.constant 1 : i32
          %add3A_260 = arith.addi %mul3A_224, %add3A_259 : i32
          %get3A_261 = arith.constant 0 : i32
          %get3A_262 = arith.index_cast %get3A_261 : i32 to index
          %get3A_263 = arith.index_cast %add3A_260 : i32 to index
          %get3A_264 = arith.constant 32 : index
          %get3A_265 = tpu.vector_load %arg11[%get3A_262, %get3A_263, %get3A_264] {strides = array<i32>} : memref<2x80x128xbf16, #tpu.memory_space<vmem>>, vector<32xbf16>,
          %add3A_266 = arith.constant 1 : i32
          %add3A_267 = arith.addi %mul3A_224, %add3A_266 : i32
          %get3A_268 = arith.constant 0 : i32
          %get3A_269 = arith.index_cast %get3A_268 : i32 to index
          %get3A_270 = arith.index_cast %add3A_267 : i32 to index
          %get3A_271 = arith.constant 64 : index
          %get3A_272 = tpu.vector_load %arg11[%get3A_269, %get3A_270, %get3A_271] {strides = array<i32>} : memref<2x80x128xbf16, #tpu.memory_space<vmem>>, vector<32xbf16>,
          %add3A_273 = arith.constant 1 : i32
          %add3A_274 = arith.addi %mul3A_224, %add3A_273 : i32
          %get3A_275 = arith.constant 0 : i32
          %get3A_276 = arith.index_cast %get3A_275 : i32 to index
          %get3A_277 = arith.index_cast %add3A_274 : i32 to index
          %get3A_278 = arith.constant 96 : index
          %get3A_279 = tpu.vector_load %arg11[%get3A_276, %get3A_277, %get3A_278] {strides = array<i32>} : memref<2x80x128xbf16, #tpu.memory_space<vmem>>, vector<32xbf16>,
          %unpack3A = tpu.unpack_subelements %get3A_236, 0 {pack_format = #tpu.pack_format<interleaved>} : vector<32xbf16> -> vector<16xf32>
          %unpack3A_280 = tpu.unpack_subelements %get3A_236, 1 {pack_format = #tpu.pack_format<interleaved>} : vector<32xbf16> -> vector<16xf32>
          %unpack3A_281 = tpu.unpack_subelements %get3A_258, 0 {pack_format = #tpu.pack_format<interleaved>} : vector<32xbf16> -> vector<16xf32>
          %unpack3A_282 = tpu.unpack_subelements %get3A_258, 1 {pack_format = #tpu.pack_format<interleaved>} : vector<32xbf16> -> vector<16xf32>
          %slice3A = vector.extract_strided_slice %get3A_226 {offsets = [0], sizes = [1], strides = [1]} : vector<16xf32> to vector<1xf32>
          %squeeze3A = vector.extract %slice3A[0] : f32 from vector<1xf32>
          %slice3A_283 = vector.extract_strided_slice %get3A_231 {offsets = [0], sizes = [1], strides = [1]} : vector<16xf32> to vector<1xf32>
          %squeeze3A_284 = vector.extract %slice3A_283[0] : f32 from vector<1xf32>
          %mul3A_285 = vector.broadcast %squeeze3A : f32 to vector<16xf32>
          %mul3A_286 = arith.mulf %unpack3A, %mul3A_285 : vector<16xf32>
          %swap3A = arith.constant 0 : i32
          %swap3A_287 = arith.index_cast %swap3A : i32 to index
          %swap3A_288 = arith.index_cast %mul3A_224 : i32 to index
          %swap3A_289 = arith.constant 0 : index
          %swap3A_290 = tpu.vector_load %arg26[%swap3A_287, %swap3A_288, %swap3A_289] {strides = array<i32>} : memref<2x80x136xf32, #tpu.memory_space<vmem>>, vector<16xf32>,
          tpu.vector_store %arg26[%swap3A_287, %swap3A_288, %swap3A_289], %mul3A_286 {strides = array<i32>} : memref<2x80x136xf32, #tpu.memory_space<vmem>>, vector<16xf32>,
          %mul3A_291 = vector.broadcast %squeeze3A : f32 to vector<16xf32>
          %mul3A_292 = arith.mulf %unpack3A_280, %mul3A_291 : vector<16xf32>
          %swap3A_293 = arith.constant 0 : i32
          %swap3A_294 = arith.index_cast %swap3A_293 : i32 to index
          %swap3A_295 = arith.index_cast %mul3A_224 : i32 to index
          %swap3A_296 = arith.constant 16 : index
          %swap3A_297 = tpu.vector_load %arg26[%swap3A_294, %swap3A_295, %swap3A_296] {strides = array<i32>} : memref<2x80x136xf32, #tpu.memory_space<vmem>>, vector<16xf32>,
          tpu.vector_store %arg26[%swap3A_294, %swap3A_295, %swap3A_296], %mul3A_292 {strides = array<i32>} : memref<2x80x136xf32, #tpu.memory_space<vmem>>, vector<16xf32>,
          %mul3A_298 = vector.broadcast %squeeze3A_284 : f32 to vector<16xf32>
          %mul3A_299 = arith.mulf %unpack3A_281, %mul3A_298 : vector<16xf32>
          %add3A_300 = arith.constant 1 : i32
          %add3A_301 = arith.addi %mul3A_224, %add3A_300 : i32
          %swap3A_302 = arith.constant 0 : i32
          %swap3A_303 = arith.index_cast %swap3A_302 : i32 to index
          %swap3A_304 = arith.index_cast %add3A_301 : i32 to index
          %swap3A_305 = arith.constant 0 : index
          %swap3A_306 = tpu.vector_load %arg26[%swap3A_303, %swap3A_304, %swap3A_305] {strides = array<i32>} : memref<2x80x136xf32, #tpu.memory_space<vmem>>, vector<16xf32>,
          tpu.vector_store %arg26[%swap3A_303, %swap3A_304, %swap3A_305], %mul3A_299 {strides = array<i32>} : memref<2x80x136xf32, #tpu.memory_space<vmem>>, vector<16xf32>,
          %mul3A_307 = vector.broadcast %squeeze3A_284 : f32 to vector<16xf32>
          %mul3A_308 = arith.mulf %unpack3A_282, %mul3A_307 : vector<16xf32>
          %add3A_309 = arith.constant 1 : i32
          %add3A_310 = arith.addi %mul3A_224, %add3A_309 : i32
          %swap3A_311 = arith.constant 0 : i32
          %swap3A_312 = arith.index_cast %swap3A_311 : i32 to index
          %swap3A_313 = arith.index_cast %add3A_310 : i32 to index
          %swap3A_314 = arith.constant 16 : index
          %swap3A_315 = tpu.vector_load %arg26[%swap3A_312, %swap3A_313, %swap3A_314] {strides = array<i32>} : memref<2x80x136xf32, #tpu.memory_space<vmem>>, vector<16xf32>,
          tpu.vector_store %arg26[%swap3A_312, %swap3A_313, %swap3A_314], %mul3A_308 {strides = array<i32>} : memref<2x80x136xf32, #tpu.memory_space<vmem>>, vector<16xf32>,
          %unpack3A_316 = tpu.unpack_subelements %get3A_241, 0 {pack_format = #tpu.pack_format<interleaved>} : vector<32xbf16> -> vector<16xf32>
          %unpack3A_317 = tpu.unpack_subelements %get3A_241, 1 {pack_format = #tpu.pack_format<interleaved>} : vector<32xbf16> -> vector<16xf32>
          %unpack3A_318 = tpu.unpack_subelements %get3A_265, 0 {pack_format = #tpu.pack_format<interleaved>} : vector<32xbf16> -> vector<16xf32>
          %unpack3A_319 = tpu.unpack_subelements %get3A_265, 1 {pack_format = #tpu.pack_format<interleaved>} : vector<32xbf16> -> vector<16xf32>
          %slice3A_320 = vector.extract_strided_slice %get3A_226 {offsets = [1], sizes = [1], strides = [1]} : vector<16xf32> to vector<1xf32>
          %squeeze3A_321 = vector.extract %slice3A_320[0] : f32 from vector<1xf32>
          %slice3A_322 = vector.extract_strided_slice %get3A_231 {offsets = [1], sizes = [1], strides = [1]} : vector<16xf32> to vector<1xf32>
          %squeeze3A_323 = vector.extract %slice3A_322[0] : f32 from vector<1xf32>
          %mul3A_324 = vector.broadcast %squeeze3A_321 : f32 to vector<16xf32>
          %mul3A_325 = arith.mulf %unpack3A_316, %mul3A_324 : vector<16xf32>
          %swap3A_326 = arith.constant 0 : i32
          %swap3A_327 = arith.index_cast %swap3A_326 : i32 to index
          %swap3A_328 = arith.index_cast %mul3A_224 : i32 to index
          %swap3A_329 = arith.constant 32 : index
          %swap3A_330 = tpu.vector_load %arg26[%swap3A_327, %swap3A_328, %swap3A_329] {strides = array<i32>} : memref<2x80x136xf32, #tpu.memory_space<vmem>>, vector<16xf32>,
          tpu.vector_store %arg26[%swap3A_327, %swap3A_328, %swap3A_329], %mul3A_325 {strides = array<i32>} : memref<2x80x136xf32, #tpu.memory_space<vmem>>, vector<16xf32>,
          %mul3A_331 = vector.broadcast %squeeze3A_321 : f32 to vector<16xf32>
          %mul3A_332 = arith.mulf %unpack3A_317, %mul3A_331 : vector<16xf32>
          %swap3A_333 = arith.constant 0 : i32
          %swap3A_334 = arith.index_cast %swap3A_333 : i32 to index
          %swap3A_335 = arith.index_cast %mul3A_224 : i32 to index
          %swap3A_336 = arith.constant 48 : index
          %swap3A_337 = tpu.vector_load %arg26[%swap3A_334, %swap3A_335, %swap3A_336] {strides = array<i32>} : memref<2x80x136xf32, #tpu.memory_space<vmem>>, vector<16xf32>,
          tpu.vector_store %arg26[%swap3A_334, %swap3A_335, %swap3A_336], %mul3A_332 {strides = array<i32>} : memref<2x80x136xf32, #tpu.memory_space<vmem>>, vector<16xf32>,
          %mul3A_338 = vector.broadcast %squeeze3A_323 : f32 to vector<16xf32>
          %mul3A_339 = arith.mulf %unpack3A_318, %mul3A_338 : vector<16xf32>
          %add3A_340 = arith.constant 1 : i32
          %add3A_341 = arith.addi %mul3A_224, %add3A_340 : i32
          %swap3A_342 = arith.constant 0 : i32
          %swap3A_343 = arith.index_cast %swap3A_342 : i32 to index
          %swap3A_344 = arith.index_cast %add3A_341 : i32 to index
          %swap3A_345 = arith.constant 32 : index
          %swap3A_346 = tpu.vector_load %arg26[%swap3A_343, %swap3A_344, %swap3A_345] {strides = array<i32>} : memref<2x80x136xf32, #tpu.memory_space<vmem>>, vector<16xf32>,
          tpu.vector_store %arg26[%swap3A_343, %swap3A_344, %swap3A_345], %mul3A_339 {strides = array<i32>} : memref<2x80x136xf32, #tpu.memory_space<vmem>>, vector<16xf32>,
          %mul3A_347 = vector.broadcast %squeeze3A_323 : f32 to vector<16xf32>
          %mul3A_348 = arith.mulf %unpack3A_319, %mul3A_347 : vector<16xf32>
          %add3A_349 = arith.constant 1 : i32
          %add3A_350 = arith.addi %mul3A_224, %add3A_349 : i32
          %swap3A_351 = arith.constant 0 : i32
          %swap3A_352 = arith.index_cast %swap3A_351 : i32 to index
          %swap3A_353 = arith.index_cast %add3A_350 : i32 to index
          %swap3A_354 = arith.constant 48 : index
          %swap3A_355 = tpu.vector_load %arg26[%swap3A_352, %swap3A_353, %swap3A_354] {strides = array<i32>} : memref<2x80x136xf32, #tpu.memory_space<vmem>>, vector<16xf32>,
          tpu.vector_store %arg26[%swap3A_352, %swap3A_353, %swap3A_354], %mul3A_348 {strides = array<i32>} : memref<2x80x136xf32, #tpu.memory_space<vmem>>, vector<16xf32>,
          %unpack3A_356 = tpu.unpack_subelements %get3A_246, 0 {pack_format = #tpu.pack_format<interleaved>} : vector<32xbf16> -> vector<16xf32>
          %unpack3A_357 = tpu.unpack_subelements %get3A_246, 1 {pack_format = #tpu.pack_format<interleaved>} : vector<32xbf16> -> vector<16xf32>
          %unpack3A_358 = tpu.unpack_subelements %get3A_272, 0 {pack_format = #tpu.pack_format<interleaved>} : vector<32xbf16> -> vector<16xf32>
          %unpack3A_359 = tpu.unpack_subelements %get3A_272, 1 {pack_format = #tpu.pack_format<interleaved>} : vector<32xbf16> -> vector<16xf32>
          %slice3A_360 = vector.extract_strided_slice %get3A_226 {offsets = [2], sizes = [1], strides = [1]} : vector<16xf32> to vector<1xf32>
          %squeeze3A_361 = vector.extract %slice3A_360[0] : f32 from vector<1xf32>
          %slice3A_362 = vector.extract_strided_slice %get3A_231 {offsets = [2], sizes = [1], strides = [1]} : vector<16xf32> to vector<1xf32>
          %squeeze3A_363 = vector.extract %slice3A_362[0] : f32 from vector<1xf32>
          %mul3A_364 = vector.broadcast %squeeze3A_361 : f32 to vector<16xf32>
          %mul3A_365 = arith.mulf %unpack3A_356, %mul3A_364 : vector<16xf32>
          %swap3A_366 = arith.constant 0 : i32
          %swap3A_367 = arith.index_cast %swap3A_366 : i32 to index
          %swap3A_368 = arith.index_cast %mul3A_224 : i32 to index
          %swap3A_369 = arith.constant 64 : index
          %swap3A_370 = tpu.vector_load %arg26[%swap3A_367, %swap3A_368, %swap3A_369] {strides = array<i32>} : memref<2x80x136xf32, #tpu.memory_space<vmem>>, vector<16xf32>,
          tpu.vector_store %arg26[%swap3A_367, %swap3A_368, %swap3A_369], %mul3A_365 {strides = array<i32>} : memref<2x80x136xf32, #tpu.memory_space<vmem>>, vector<16xf32>,
          %mul3A_371 = vector.broadcast %squeeze3A_361 : f32 to vector<16xf32>
          %mul3A_372 = arith.mulf %unpack3A_357, %mul3A_371 : vector<16xf32>
          %swap3A_373 = arith.constant 0 : i32
          %swap3A_374 = arith.index_cast %swap3A_373 : i32 to index
          %swap3A_375 = arith.index_cast %mul3A_224 : i32 to index
          %swap3A_376 = arith.constant 80 : index
          %swap3A_377 = tpu.vector_load %arg26[%swap3A_374, %swap3A_375, %swap3A_376] {strides = array<i32>} : memref<2x80x136xf32, #tpu.memory_space<vmem>>, vector<16xf32>,
          tpu.vector_store %arg26[%swap3A_374, %swap3A_375, %swap3A_376], %mul3A_372 {strides = array<i32>} : memref<2x80x136xf32, #tpu.memory_space<vmem>>, vector<16xf32>,
          %mul3A_378 = vector.broadcast %squeeze3A_363 : f32 to vector<16xf32>
          %mul3A_379 = arith.mulf %unpack3A_358, %mul3A_378 : vector<16xf32>
          %add3A_380 = arith.constant 1 : i32
          %add3A_381 = arith.addi %mul3A_224, %add3A_380 : i32
          %swap3A_382 = arith.constant 0 : i32
          %swap3A_383 = arith.index_cast %swap3A_382 : i32 to index
          %swap3A_384 = arith.index_cast %add3A_381 : i32 to index
          %swap3A_385 = arith.constant 64 : index
          %swap3A_386 = tpu.vector_load %arg26[%swap3A_383, %swap3A_384, %swap3A_385] {strides = array<i32>} : memref<2x80x136xf32, #tpu.memory_space<vmem>>, vector<16xf32>,
          tpu.vector_store %arg26[%swap3A_383, %swap3A_384, %swap3A_385], %mul3A_379 {strides = array<i32>} : memref<2x80x136xf32, #tpu.memory_space<vmem>>, vector<16xf32>,
          %mul3A_387 = vector.broadcast %squeeze3A_363 : f32 to vector<16xf32>
          %mul3A_388 = arith.mulf %unpack3A_359, %mul3A_387 : vector<16xf32>
          %add3A_389 = arith.constant 1 : i32
          %add3A_390 = arith.addi %mul3A_224, %add3A_389 : i32
          %swap3A_391 = arith.constant 0 : i32
          %swap3A_392 = arith.index_cast %swap3A_391 : i32 to index
          %swap3A_393 = arith.index_cast %add3A_390 : i32 to index
          %swap3A_394 = arith.constant 80 : index
          %swap3A_395 = tpu.vector_load %arg26[%swap3A_392, %swap3A_393, %swap3A_394] {strides = array<i32>} : memref<2x80x136xf32, #tpu.memory_space<vmem>>, vector<16xf32>,
          tpu.vector_store %arg26[%swap3A_392, %swap3A_393, %swap3A_394], %mul3A_388 {strides = array<i32>} : memref<2x80x136xf32, #tpu.memory_space<vmem>>, vector<16xf32>,
          %unpack3A_396 = tpu.unpack_subelements %get3A_251, 0 {pack_format = #tpu.pack_format<interleaved>} : vector<32xbf16> -> vector<16xf32>
          %unpack3A_397 = tpu.unpack_subelements %get3A_251, 1 {pack_format = #tpu.pack_format<interleaved>} : vector<32xbf16> -> vector<16xf32>
          %unpack3A_398 = tpu.unpack_subelements %get3A_279, 0 {pack_format = #tpu.pack_format<interleaved>} : vector<32xbf16> -> vector<16xf32>
          %unpack3A_399 = tpu.unpack_subelements %get3A_279, 1 {pack_format = #tpu.pack_format<interleaved>} : vector<32xbf16> -> vector<16xf32>
          %slice3A_400 = vector.extract_strided_slice %get3A_226 {offsets = [3], sizes = [1], strides = [1]} : vector<16xf32> to vector<1xf32>
          %squeeze3A_401 = vector.extract %slice3A_400[0] : f32 from vector<1xf32>
          %slice3A_402 = vector.extract_strided_slice %get3A_231 {offsets = [3], sizes = [1], strides = [1]} : vector<16xf32> to vector<1xf32>
          %squeeze3A_403 = vector.extract %slice3A_402[0] : f32 from vector<1xf32>
          %mul3A_404 = vector.broadcast %squeeze3A_401 : f32 to vector<16xf32>
          %mul3A_405 = arith.mulf %unpack3A_396, %mul3A_404 : vector<16xf32>
          %swap3A_406 = arith.constant 0 : i32
          %swap3A_407 = arith.index_cast %swap3A_406 : i32 to index
          %swap3A_408 = arith.index_cast %mul3A_224 : i32 to index
          %swap3A_409 = arith.constant 96 : index
          %swap3A_410 = tpu.vector_load %arg26[%swap3A_407, %swap3A_408, %swap3A_409] {strides = array<i32>} : memref<2x80x136xf32, #tpu.memory_space<vmem>>, vector<16xf32>,
          tpu.vector_store %arg26[%swap3A_407, %swap3A_408, %swap3A_409], %mul3A_405 {strides = array<i32>} : memref<2x80x136xf32, #tpu.memory_space<vmem>>, vector<16xf32>,
          %mul3A_411 = vector.broadcast %squeeze3A_401 : f32 to vector<16xf32>
          %mul3A_412 = arith.mulf %unpack3A_397, %mul3A_411 : vector<16xf32>
          %swap3A_413 = arith.constant 0 : i32
          %swap3A_414 = arith.index_cast %swap3A_413 : i32 to index
          %swap3A_415 = arith.index_cast %mul3A_224 : i32 to index
          %swap3A_416 = arith.constant 112 : index
          %swap3A_417 = tpu.vector_load %arg26[%swap3A_414, %swap3A_415, %swap3A_416] {strides = array<i32>} : memref<2x80x136xf32, #tpu.memory_space<vmem>>, vector<16xf32>,
          tpu.vector_store %arg26[%swap3A_414, %swap3A_415, %swap3A_416], %mul3A_412 {strides = array<i32>} : memref<2x80x136xf32, #tpu.memory_space<vmem>>, vector<16xf32>,
          %mul3A_418 = vector.broadcast %squeeze3A_403 : f32 to vector<16xf32>
          %mul3A_419 = arith.mulf %unpack3A_398, %mul3A_418 : vector<16xf32>
          %add3A_420 = arith.constant 1 : i32
          %add3A_421 = arith.addi %mul3A_224, %add3A_420 : i32
          %swap3A_422 = arith.constant 0 : i32
          %swap3A_423 = arith.index_cast %swap3A_422 : i32 to index
          %swap3A_424 = arith.index_cast %add3A_421 : i32 to index
          %swap3A_425 = arith.constant 96 : index
          %swap3A_426 = tpu.vector_load %arg26[%swap3A_423, %swap3A_424, %swap3A_425] {strides = array<i32>} : memref<2x80x136xf32, #tpu.memory_space<vmem>>, vector<16xf32>,
          tpu.vector_store %arg26[%swap3A_423, %swap3A_424, %swap3A_425], %mul3A_419 {strides = array<i32>} : memref<2x80x136xf32, #tpu.memory_space<vmem>>, vector<16xf32>,
          %mul3A_427 = vector.broadcast %squeeze3A_403 : f32 to vector<16xf32>
          %mul3A_428 = arith.mulf %unpack3A_399, %mul3A_427 : vector<16xf32>
          %add3A_429 = arith.constant 1 : i32
          %add3A_430 = arith.addi %mul3A_224, %add3A_429 : i32
          %swap3A_431 = arith.constant 0 : i32
          %swap3A_432 = arith.index_cast %swap3A_431 : i32 to index
          %swap3A_433 = arith.index_cast %add3A_430 : i32 to index
          %swap3A_434 = arith.constant 112 : index
          %swap3A_435 = tpu.vector_load %arg26[%swap3A_432, %swap3A_433, %swap3A_434] {strides = array<i32>} : memref<2x80x136xf32, #tpu.memory_space<vmem>>, vector<16xf32>,
          tpu.vector_store %arg26[%swap3A_432, %swap3A_433, %swap3A_434], %mul3A_428 {strides = array<i32>} : memref<2x80x136xf32, #tpu.memory_space<vmem>>, vector<16xf32>,
          %scan3A_436 = arith.constant 0 : i32
          scf.yield %scan3A_436 : i32
        }
        %scan3A_204 = arith.constant 40 : i32
        %dma_start3A_205 = arith.constant 0 : i32
        %dma_start3A_206 = arith.constant 0 : i32
        %dma_start3A_207 = arith.constant 0 : i32
        %dma_start3A_208 = arith.constant 0 : i32
        %dma_start3A_209 = tpu.memref_slice %arg26[%dma_start3A_205, %dma_start3A_207, %dma_start3A_208] : memref<2x80x136xf32, #tpu.memory_space<vmem>> -> memref<1x80x136xf32, #tpu.memory_space<vmem>>
        %dma_start3A_210 = tpu.memref_squeeze %dma_start3A_209 : memref<1x80x136xf32, #tpu.memory_space<vmem>> -> memref<80x136xf32, #tpu.memory_space<vmem>>
        %dma_start3A_211 = arith.constant 0 : i32
        %dma_start3A_212 = tpu.memref_slice %arg15[%dma_start3A_206, %dma_start3A_211] : memref<2x80xi32, #tpu.memory_space<vmem>> -> memref<1x80xi32, #tpu.memory_space<vmem>>
        %dma_start3A_213 = tpu.memref_squeeze %dma_start3A_212 : memref<1x80xi32, #tpu.memory_space<vmem>> -> memref<80xi32, #tpu.memory_space<vmem>>
        %dma_start3A_214 = arith.constant 0 : i32
        %dma_start3A_215 = arith.constant 0 : i32
        %dma_start3A_216 = tpu.memref_slice %arg29[%dma_start3A_214, %dma_start3A_215] : memref<10000x136xf32, #tpu.memory_space<vmem_shared>> -> memref<10000x136xf32, #tpu.memory_space<vmem_shared>>
        tpu.enqueue_indirect_dma source(%dma_start3A_210 : memref<80x136xf32, #tpu.memory_space<vmem>>) target(%dma_start3A_216 : memref<10000x136xf32, #tpu.memory_space<vmem_shared>>) offsets(%dma_start3A_213 : memref<80xi32, #tpu.memory_space<vmem>>) semaphore(%arg24 : memref<!tpu.dma_semaphore, #tpu.memory_space<semaphore_mem>>) {add = true}
        %eq3A = arith.constant 0 : i32
        %eq3A_217 = arith.cmpi eq, %arg0, %eq3A : i32
        %convert_element_type3A_218 = arith.extui %eq3A_217 : i1 to i32
        %cond3A_219 = arith.constant 0 : i32
        %cond3A_220 = arith.cmpi ne, %convert_element_type3A_218, %cond3A_219 : i32
        scf.if %cond3A_220 {
          %mul3A_221 = arith.constant 80 : i32
          %mul3A_222 = arith.muli %add3A_93, %mul3A_221 : i32
          %dma_start3A_223 = arith.constant 0 : i32
          %dma_start3A_224 = arith.constant 0 : i32
          %dma_start3A_225 = tpu.memref_slice %arg9[%dma_start3A_223, %dma_start3A_224] : memref<2x80xf32, #tpu.memory_space<vmem>> -> memref<1x80xf32, #tpu.memory_space<vmem>>
          %dma_start3A_226 = tpu.memref_squeeze %dma_start3A_225 : memref<1x80xf32, #tpu.memory_space<vmem>> -> memref<80xf32, #tpu.memory_space<vmem>>
          %dma_start3A_227 = tpu.memref_slice %arg8[%mul3A_222] : memref<320000xf32, #tpu.memory_space<hbm>> -> memref<80xf32, #tpu.memory_space<hbm>>
          %dma_start3A_228 = tpu.memref_slice %arg8[%mul3A_222] : memref<320000xf32, #tpu.memory_space<hbm>> -> memref<80xf32, #tpu.memory_space<hbm>>
          %dma_start3A_229 = arith.constant 0 : i32
          %dma_start3A_230 = tpu.memref_slice %arg9[%dma_start3A_223, %dma_start3A_229] : memref<2x80xf32, #tpu.memory_space<vmem>> -> memref<1x80xf32, #tpu.memory_space<vmem>>
          %dma_start3A_231 = tpu.memref_squeeze %dma_start3A_230 : memref<1x80xf32, #tpu.memory_space<vmem>> -> memref<80xf32, #tpu.memory_space<vmem>>
          tpu.enqueue_dma source(%dma_start3A_231 : memref<80xf32, #tpu.memory_space<vmem>>) target(%dma_start3A_228 : memref<80xf32, #tpu.memory_space<hbm>>) target_semaphore(%arg16 : memref<!tpu.dma_semaphore, #tpu.memory_space<semaphore_mem>>)
        } else {
        }
      } else {
      }
      %mul3A_136 = arith.constant 2 : i32
      %mul3A_137 = arith.muli %mul3A_136, %scan3A_87 : i32
      %add3A_138 = arith.constant 1 : i32
      %add3A_139 = arith.addi %mul3A_137, %add3A_138 : i32
      %mul3A_140 = arith.constant 16 : i32
      %mul3A_141 = arith.muli %add3A_139, %mul3A_140 : i32
      %add3A_142 = arith.addi %arg1, %mul3A_141 : i32
      %lt3A_143 = arith.constant 4000 : i32
      %lt3A_144 = arith.cmpi slt, %add3A_142, %lt3A_143 : i32
      %convert_element_type3A_145 = arith.extui %lt3A_144 : i1 to i32
      %cond3A_146 = arith.constant 0 : i32
      %cond3A_147 = arith.cmpi ne, %convert_element_type3A_145, %cond3A_146 : i32
      scf.if %cond3A_147 {
        %dma_wait3A = arith.constant 1 : i32
        %dma_wait3A_187 = arith.constant 1 : i32
        %dma_wait3A_188 = arith.constant 0 : i32
        %dma_wait3A_189 = arith.constant 0 : i32
        %dma_wait3A_190 = tpu.memref_slice %arg28[%dma_wait3A_187, %dma_wait3A_188, %dma_wait3A_189] : memref<2x80x16xf32, #tpu.memory_space<vmem>> -> memref<1x80x16xf32, #tpu.memory_space<vmem>>
        %dma_wait3A_191 = tpu.memref_squeeze %dma_wait3A_190 : memref<1x80x16xf32, #tpu.memory_space<vmem>> -> memref<80x16xf32, #tpu.memory_space<vmem>>
        %dma_wait3A_192 = arith.constant 0 : i32
        %dma_wait3A_193 = tpu.memref_slice %arg14[%dma_wait3A, %dma_wait3A_192] : memref<2x80xi32, #tpu.memory_space<vmem>> -> memref<1x80xi32, #tpu.memory_space<vmem>>
        %dma_wait3A_194 = tpu.memref_squeeze %dma_wait3A_193 : memref<1x80xi32, #tpu.memory_space<vmem>> -> memref<80xi32, #tpu.memory_space<vmem>>
        %dma_wait3A_195 = arith.constant 0 : i32
        %dma_wait3A_196 = arith.constant 0 : i32
        %dma_wait3A_197 = tpu.memref_slice %arg3[%dma_wait3A_195, %dma_wait3A_196] : memref<20000x16xf32, #tpu.memory_space<hbm>> -> memref<20000x16xf32, #tpu.memory_space<hbm>>
        tpu.wait_indirect_dma semaphore(%arg21 : memref<!tpu.dma_semaphore, #tpu.memory_space<semaphore_mem>>) src(%dma_wait3A_197 : memref<20000x16xf32, #tpu.memory_space<hbm>>) dst(%dma_wait3A_191 : memref<80x16xf32, #tpu.memory_space<vmem>>)
        %dma_wait3A_198 = arith.constant 1 : i32
        %dma_wait3A_199 = arith.constant 1 : i32
        %dma_wait3A_200 = arith.constant 0 : i32
        %dma_wait3A_201 = arith.constant 0 : i32
        %dma_wait3A_202 = tpu.memref_slice %arg27[%dma_wait3A_199, %dma_wait3A_200, %dma_wait3A_201] : memref<2x80x16xf32, #tpu.memory_space<vmem>> -> memref<1x80x16xf32, #tpu.memory_space<vmem>>
        %dma_wait3A_203 = tpu.memref_squeeze %dma_wait3A_202 : memref<1x80x16xf32, #tpu.memory_space<vmem>> -> memref<80x16xf32, #tpu.memory_space<vmem>>
        %dma_wait3A_204 = arith.constant 0 : i32
        %dma_wait3A_205 = tpu.memref_slice %arg13[%dma_wait3A_198, %dma_wait3A_204] : memref<2x80xi32, #tpu.memory_space<vmem>> -> memref<1x80xi32, #tpu.memory_space<vmem>>
        %dma_wait3A_206 = tpu.memref_squeeze %dma_wait3A_205 : memref<1x80xi32, #tpu.memory_space<vmem>> -> memref<80xi32, #tpu.memory_space<vmem>>
        %dma_wait3A_207 = arith.constant 0 : i32
        %dma_wait3A_208 = arith.constant 0 : i32
        %dma_wait3A_209 = tpu.memref_slice %arg3[%dma_wait3A_207, %dma_wait3A_208] : memref<20000x16xf32, #tpu.memory_space<hbm>> -> memref<20000x16xf32, #tpu.memory_space<hbm>>
        tpu.wait_indirect_dma semaphore(%arg21 : memref<!tpu.dma_semaphore, #tpu.memory_space<semaphore_mem>>) src(%dma_wait3A_209 : memref<20000x16xf32, #tpu.memory_space<hbm>>) dst(%dma_wait3A_203 : memref<80x16xf32, #tpu.memory_space<vmem>>)
        %add3A_210 = arith.constant 0 : i32
        %add3A_211 = vector.broadcast %add3A_210 : i32 to vector<16xi32>
        %add3A_212 = arith.addi %add3A_211, %iota3A : vector<16xi32>
        %broadcast_in_dim3A_213 = arith.constant 8 : i32
        %broadcast_in_dim3A_214 = vector.broadcast %broadcast_in_dim3A_213 : i32 to vector<16xi32>
        %gather3A = arith.constant 1 : i32
        %gather3A_215 = arith.constant 0 : i32
        %gather3A_216 = arith.constant 0 : i32
        %gather3A_217 = tpu.memref_slice %arg28[%gather3A, %gather3A_215, %gather3A_216] : memref<2x80x16xf32, #tpu.memory_space<vmem>> -> memref<1x80x16xf32, #tpu.memory_space<vmem>>
        %gather3A_218 = tpu.memref_squeeze %gather3A_217 : memref<1x80x16xf32, #tpu.memory_space<vmem>> -> memref<80x16xf32, #tpu.memory_space<vmem>>
        %gather3A_219 = tpu.vector_load_idx %gather3A_218[%add3A_212, %broadcast_in_dim3A_214] : memref<80x16xf32, #tpu.memory_space<vmem>>[vector<16xi32>, vector<16xi32>], vector<16xf32>,
        %broadcast_in_dim3A_220 = arith.constant 8 : i32
        %broadcast_in_dim3A_221 = vector.broadcast %broadcast_in_dim3A_220 : i32 to vector<16xi32>
        %gather3A_222 = arith.constant 1 : i32
        %gather3A_223 = arith.constant 0 : i32
        %gather3A_224 = arith.constant 0 : i32
        %gather3A_225 = tpu.memref_slice %arg27[%gather3A_222, %gather3A_223, %gather3A_224] : memref<2x80x16xf32, #tpu.memory_space<vmem>> -> memref<1x80x16xf32, #tpu.memory_space<vmem>>
        %gather3A_226 = tpu.memref_squeeze %gather3A_225 : memref<1x80x16xf32, #tpu.memory_space<vmem>> -> memref<80x16xf32, #tpu.memory_space<vmem>>
        %gather3A_227 = tpu.vector_load_idx %gather3A_226[%add3A_212, %broadcast_in_dim3A_221] : memref<80x16xf32, #tpu.memory_space<vmem>>[vector<16xi32>, vector<16xi32>], vector<16xf32>,
        %add3A_228 = arith.addf %gather3A_219, %gather3A_227 : vector<16xf32>
        %neg3A = arith.constant 0.000000e+00 : f32
        %neg3A_229 = vector.broadcast %neg3A : f32 to vector<16xf32>
        %neg3A_230 = arith.subf %neg3A_229, %add3A_228 : vector<16xf32>
        %exp3A = math.exp %neg3A_230 : vector<16xf32>
        %add3A_231 = arith.constant 1.000000e+00 : f32
        %add3A_232 = vector.broadcast %add3A_231 : f32 to vector<16xf32>
        %add3A_233 = arith.addf %add3A_232, %exp3A : vector<16xf32>
        %div3A = arith.constant 1.000000e+00 : f32
        %div3A_234 = vector.broadcast %div3A : f32 to vector<16xf32>
        %div3A_235 = arith.divf %div3A_234, %add3A_233 : vector<16xf32>
        %mul3A_236 = vector.broadcast %sub3A_3 : f32 to vector<16xf32>
        %mul3A_237 = arith.mulf %mul3A_236, %div3A_235 : vector<16xf32>
        %add3A_238 = vector.broadcast %convert_element_type3A : f32 to vector<16xf32>
        %add3A_239 = arith.addf %add3A_238, %mul3A_237 : vector<16xf32>
        %swap3A = arith.constant 1 : i32
        %swap3A_240 = arith.index_cast %swap3A : i32 to index
        %swap3A_241 = arith.constant 0 : index
        %swap3A_242 = tpu.vector_load %arg9[%swap3A_240, %swap3A_241] {strides = array<i32>} : memref<2x80xf32, #tpu.memory_space<vmem>>, vector<16xf32>,
        tpu.vector_store %arg9[%swap3A_240, %swap3A_241], %div3A_235 {strides = array<i32>} : memref<2x80xf32, #tpu.memory_space<vmem>>, vector<16xf32>,
        %broadcast_in_dim3A_243 = arith.constant 0 : i32
        %broadcast_in_dim3A_244 = vector.broadcast %broadcast_in_dim3A_243 : i32 to vector<16xi32>
        %gather3A_245 = arith.constant 1 : i32
        %gather3A_246 = arith.constant 0 : i32
        %gather3A_247 = arith.constant 0 : i32
        %gather3A_248 = tpu.memref_slice %arg28[%gather3A_245, %gather3A_246, %gather3A_247] : memref<2x80x16xf32, #tpu.memory_space<vmem>> -> memref<1x80x16xf32, #tpu.memory_space<vmem>>
        %gather3A_249 = tpu.memref_squeeze %gather3A_248 : memref<1x80x16xf32, #tpu.memory_space<vmem>> -> memref<80x16xf32, #tpu.memory_space<vmem>>
        %gather3A_250 = tpu.vector_load_idx %gather3A_249[%add3A_212, %broadcast_in_dim3A_244] : memref<80x16xf32, #tpu.memory_space<vmem>>[vector<16xi32>, vector<16xi32>], vector<16xf32>,
        %broadcast_in_dim3A_251 = arith.constant 4 : i32
        %broadcast_in_dim3A_252 = vector.broadcast %broadcast_in_dim3A_251 : i32 to vector<16xi32>
        %gather3A_253 = arith.constant 1 : i32
        %gather3A_254 = arith.constant 0 : i32
        %gather3A_255 = arith.constant 0 : i32
        %gather3A_256 = tpu.memref_slice %arg27[%gather3A_253, %gather3A_254, %gather3A_255] : memref<2x80x16xf32, #tpu.memory_space<vmem>> -> memref<1x80x16xf32, #tpu.memory_space<vmem>>
        %gather3A_257 = tpu.memref_squeeze %gather3A_256 : memref<1x80x16xf32, #tpu.memory_space<vmem>> -> memref<80x16xf32, #tpu.memory_space<vmem>>
        %gather3A_258 = tpu.vector_load_idx %gather3A_257[%add3A_212, %broadcast_in_dim3A_252] : memref<80x16xf32, #tpu.memory_space<vmem>>[vector<16xi32>, vector<16xi32>], vector<16xf32>,
        %add3A_259 = arith.addf %gather3A_250, %gather3A_258 : vector<16xf32>
        %ge3A_260 = arith.constant 0.000000e+00 : f32
        %ge3A_261 = vector.broadcast %ge3A_260 : f32 to vector<16xf32>
        %ge3A_262 = arith.cmpf oge, %add3A_259, %ge3A_261 : vector<16xf32>
        %mul3A_263 = arith.constant 2.000000e-01 : f32
        %mul3A_264 = vector.broadcast %mul3A_263 : f32 to vector<16xf32>
        %mul3A_265 = arith.mulf %mul3A_264, %add3A_259 : vector<16xf32>
        %select_n3A_266 = arith.select %ge3A_262, %add3A_259, %mul3A_265 : vector<16xi1>, vector<16xf32>
        %mul3A_267 = vector.broadcast %sub3A_3 : f32 to vector<16xf32>
        %mul3A_268 = arith.mulf %mul3A_267, %select_n3A_266 : vector<16xf32>
        %exp3A_269 = math.exp %mul3A_268 : vector<16xf32>
        %broadcast_in_dim3A_270 = arith.constant 128 : i32
        %broadcast_in_dim3A_271 = vector.broadcast %broadcast_in_dim3A_270 : i32 to vector<16xi32>
        %scatter3A = arith.constant 1 : i32
        %scatter3A_272 = arith.constant 0 : i32
        %scatter3A_273 = arith.constant 0 : i32
        %scatter3A_274 = tpu.memref_slice %arg26[%scatter3A, %scatter3A_272, %scatter3A_273] : memref<2x80x136xf32, #tpu.memory_space<vmem>> -> memref<1x80x136xf32, #tpu.memory_space<vmem>>
        %scatter3A_275 = tpu.memref_squeeze %scatter3A_274 : memref<1x80x136xf32, #tpu.memory_space<vmem>> -> memref<80x136xf32, #tpu.memory_space<vmem>>
        tpu.vector_store_idx %scatter3A_275[%add3A_212, %broadcast_in_dim3A_271], %exp3A_269 : memref<80x136xf32, #tpu.memory_space<vmem>>[vector<16xi32>, vector<16xi32>], vector<16xf32>,
        %broadcast_in_dim3A_276 = arith.constant 0 : i32
        %broadcast_in_dim3A_277 = vector.broadcast %broadcast_in_dim3A_276 : i32 to vector<16xi32>
        %mul3A_278 = arith.mulf %exp3A_269, %add3A_239 : vector<16xf32>
        tpu.vector_store_idx %arg30[%add3A_212, %broadcast_in_dim3A_277], %mul3A_278 : memref<80x16xf32, #tpu.memory_space<vmem>>[vector<16xi32>, vector<16xi32>], vector<16xf32>,
        %broadcast_in_dim3A_279 = arith.constant 1 : i32
        %broadcast_in_dim3A_280 = vector.broadcast %broadcast_in_dim3A_279 : i32 to vector<16xi32>
        %gather3A_281 = arith.constant 1 : i32
        %gather3A_282 = arith.constant 0 : i32
        %gather3A_283 = arith.constant 0 : i32
        %gather3A_284 = tpu.memref_slice %arg28[%gather3A_281, %gather3A_282, %gather3A_283] : memref<2x80x16xf32, #tpu.memory_space<vmem>> -> memref<1x80x16xf32, #tpu.memory_space<vmem>>
        %gather3A_285 = tpu.memref_squeeze %gather3A_284 : memref<1x80x16xf32, #tpu.memory_space<vmem>> -> memref<80x16xf32, #tpu.memory_space<vmem>>
        %gather3A_286 = tpu.vector_load_idx %gather3A_285[%add3A_212, %broadcast_in_dim3A_280] : memref<80x16xf32, #tpu.memory_space<vmem>>[vector<16xi32>, vector<16xi32>], vector<16xf32>,
        %broadcast_in_dim3A_287 = arith.constant 5 : i32
        %broadcast_in_dim3A_288 = vector.broadcast %broadcast_in_dim3A_287 : i32 to vector<16xi32>
        %gather3A_289 = arith.constant 1 : i32
        %gather3A_290 = arith.constant 0 : i32
        %gather3A_291 = arith.constant 0 : i32
        %gather3A_292 = tpu.memref_slice %arg27[%gather3A_289, %gather3A_290, %gather3A_291] : memref<2x80x16xf32, #tpu.memory_space<vmem>> -> memref<1x80x16xf32, #tpu.memory_space<vmem>>
        %gather3A_293 = tpu.memref_squeeze %gather3A_292 : memref<1x80x16xf32, #tpu.memory_space<vmem>> -> memref<80x16xf32, #tpu.memory_space<vmem>>
        %gather3A_294 = tpu.vector_load_idx %gather3A_293[%add3A_212, %broadcast_in_dim3A_288] : memref<80x16xf32, #tpu.memory_space<vmem>>[vector<16xi32>, vector<16xi32>], vector<16xf32>,
        %add3A_295 = arith.addf %gather3A_286, %gather3A_294 : vector<16xf32>
        %ge3A_296 = arith.constant 0.000000e+00 : f32
        %ge3A_297 = vector.broadcast %ge3A_296 : f32 to vector<16xf32>
        %ge3A_298 = arith.cmpf oge, %add3A_295, %ge3A_297 : vector<16xf32>
        %mul3A_299 = arith.constant 2.000000e-01 : f32
        %mul3A_300 = vector.broadcast %mul3A_299 : f32 to vector<16xf32>
        %mul3A_301 = arith.mulf %mul3A_300, %add3A_295 : vector<16xf32>
        %select_n3A_302 = arith.select %ge3A_298, %add3A_295, %mul3A_301 : vector<16xi1>, vector<16xf32>
        %mul3A_303 = vector.broadcast %sub3A_3 : f32 to vector<16xf32>
        %mul3A_304 = arith.mulf %mul3A_303, %select_n3A_302 : vector<16xf32>
        %exp3A_305 = math.exp %mul3A_304 : vector<16xf32>
        %broadcast_in_dim3A_306 = arith.constant 129 : i32
        %broadcast_in_dim3A_307 = vector.broadcast %broadcast_in_dim3A_306 : i32 to vector<16xi32>
        %scatter3A_308 = arith.constant 1 : i32
        %scatter3A_309 = arith.constant 0 : i32
        %scatter3A_310 = arith.constant 0 : i32
        %scatter3A_311 = tpu.memref_slice %arg26[%scatter3A_308, %scatter3A_309, %scatter3A_310] : memref<2x80x136xf32, #tpu.memory_space<vmem>> -> memref<1x80x136xf32, #tpu.memory_space<vmem>>
        %scatter3A_312 = tpu.memref_squeeze %scatter3A_311 : memref<1x80x136xf32, #tpu.memory_space<vmem>> -> memref<80x136xf32, #tpu.memory_space<vmem>>
        tpu.vector_store_idx %scatter3A_312[%add3A_212, %broadcast_in_dim3A_307], %exp3A_305 : memref<80x136xf32, #tpu.memory_space<vmem>>[vector<16xi32>, vector<16xi32>], vector<16xf32>,
        %broadcast_in_dim3A_313 = arith.constant 1 : i32
        %broadcast_in_dim3A_314 = vector.broadcast %broadcast_in_dim3A_313 : i32 to vector<16xi32>
        %mul3A_315 = arith.mulf %exp3A_305, %add3A_239 : vector<16xf32>
        tpu.vector_store_idx %arg30[%add3A_212, %broadcast_in_dim3A_314], %mul3A_315 : memref<80x16xf32, #tpu.memory_space<vmem>>[vector<16xi32>, vector<16xi32>], vector<16xf32>,
        %broadcast_in_dim3A_316 = arith.constant 2 : i32
        %broadcast_in_dim3A_317 = vector.broadcast %broadcast_in_dim3A_316 : i32 to vector<16xi32>
        %gather3A_318 = arith.constant 1 : i32
        %gather3A_319 = arith.constant 0 : i32
        %gather3A_320 = arith.constant 0 : i32
        %gather3A_321 = tpu.memref_slice %arg28[%gather3A_318, %gather3A_319, %gather3A_320] : memref<2x80x16xf32, #tpu.memory_space<vmem>> -> memref<1x80x16xf32, #tpu.memory_space<vmem>>
        %gather3A_322 = tpu.memref_squeeze %gather3A_321 : memref<1x80x16xf32, #tpu.memory_space<vmem>> -> memref<80x16xf32, #tpu.memory_space<vmem>>
        %gather3A_323 = tpu.vector_load_idx %gather3A_322[%add3A_212, %broadcast_in_dim3A_317] : memref<80x16xf32, #tpu.memory_space<vmem>>[vector<16xi32>, vector<16xi32>], vector<16xf32>,
        %broadcast_in_dim3A_324 = arith.constant 6 : i32
        %broadcast_in_dim3A_325 = vector.broadcast %broadcast_in_dim3A_324 : i32 to vector<16xi32>
        %gather3A_326 = arith.constant 1 : i32
        %gather3A_327 = arith.constant 0 : i32
        %gather3A_328 = arith.constant 0 : i32
        %gather3A_329 = tpu.memref_slice %arg27[%gather3A_326, %gather3A_327, %gather3A_328] : memref<2x80x16xf32, #tpu.memory_space<vmem>> -> memref<1x80x16xf32, #tpu.memory_space<vmem>>
        %gather3A_330 = tpu.memref_squeeze %gather3A_329 : memref<1x80x16xf32, #tpu.memory_space<vmem>> -> memref<80x16xf32, #tpu.memory_space<vmem>>
        %gather3A_331 = tpu.vector_load_idx %gather3A_330[%add3A_212, %broadcast_in_dim3A_325] : memref<80x16xf32, #tpu.memory_space<vmem>>[vector<16xi32>, vector<16xi32>], vector<16xf32>,
        %add3A_332 = arith.addf %gather3A_323, %gather3A_331 : vector<16xf32>
        %ge3A_333 = arith.constant 0.000000e+00 : f32
        %ge3A_334 = vector.broadcast %ge3A_333 : f32 to vector<16xf32>
        %ge3A_335 = arith.cmpf oge, %add3A_332, %ge3A_334 : vector<16xf32>
        %mul3A_336 = arith.constant 2.000000e-01 : f32
        %mul3A_337 = vector.broadcast %mul3A_336 : f32 to vector<16xf32>
        %mul3A_338 = arith.mulf %mul3A_337, %add3A_332 : vector<16xf32>
        %select_n3A_339 = arith.select %ge3A_335, %add3A_332, %mul3A_338 : vector<16xi1>, vector<16xf32>
        %mul3A_340 = vector.broadcast %sub3A_3 : f32 to vector<16xf32>
        %mul3A_341 = arith.mulf %mul3A_340, %select_n3A_339 : vector<16xf32>
        %exp3A_342 = math.exp %mul3A_341 : vector<16xf32>
        %broadcast_in_dim3A_343 = arith.constant 130 : i32
        %broadcast_in_dim3A_344 = vector.broadcast %broadcast_in_dim3A_343 : i32 to vector<16xi32>
        %scatter3A_345 = arith.constant 1 : i32
        %scatter3A_346 = arith.constant 0 : i32
        %scatter3A_347 = arith.constant 0 : i32
        %scatter3A_348 = tpu.memref_slice %arg26[%scatter3A_345, %scatter3A_346, %scatter3A_347] : memref<2x80x136xf32, #tpu.memory_space<vmem>> -> memref<1x80x136xf32, #tpu.memory_space<vmem>>
        %scatter3A_349 = tpu.memref_squeeze %scatter3A_348 : memref<1x80x136xf32, #tpu.memory_space<vmem>> -> memref<80x136xf32, #tpu.memory_space<vmem>>
        tpu.vector_store_idx %scatter3A_349[%add3A_212, %broadcast_in_dim3A_344], %exp3A_342 : memref<80x136xf32, #tpu.memory_space<vmem>>[vector<16xi32>, vector<16xi32>], vector<16xf32>,
        %broadcast_in_dim3A_350 = arith.constant 2 : i32
        %broadcast_in_dim3A_351 = vector.broadcast %broadcast_in_dim3A_350 : i32 to vector<16xi32>
        %mul3A_352 = arith.mulf %exp3A_342, %add3A_239 : vector<16xf32>
        tpu.vector_store_idx %arg30[%add3A_212, %broadcast_in_dim3A_351], %mul3A_352 : memref<80x16xf32, #tpu.memory_space<vmem>>[vector<16xi32>, vector<16xi32>], vector<16xf32>,
        %broadcast_in_dim3A_353 = arith.constant 3 : i32
        %broadcast_in_dim3A_354 = vector.broadcast %broadcast_in_dim3A_353 : i32 to vector<16xi32>
        %gather3A_355 = arith.constant 1 : i32
        %gather3A_356 = arith.constant 0 : i32
        %gather3A_357 = arith.constant 0 : i32
        %gather3A_358 = tpu.memref_slice %arg28[%gather3A_355, %gather3A_356, %gather3A_357] : memref<2x80x16xf32, #tpu.memory_space<vmem>> -> memref<1x80x16xf32, #tpu.memory_space<vmem>>
        %gather3A_359 = tpu.memref_squeeze %gather3A_358 : memref<1x80x16xf32, #tpu.memory_space<vmem>> -> memref<80x16xf32, #tpu.memory_space<vmem>>
        %gather3A_360 = tpu.vector_load_idx %gather3A_359[%add3A_212, %broadcast_in_dim3A_354] : memref<80x16xf32, #tpu.memory_space<vmem>>[vector<16xi32>, vector<16xi32>], vector<16xf32>,
        %broadcast_in_dim3A_361 = arith.constant 7 : i32
        %broadcast_in_dim3A_362 = vector.broadcast %broadcast_in_dim3A_361 : i32 to vector<16xi32>
        %gather3A_363 = arith.constant 1 : i32
        %gather3A_364 = arith.constant 0 : i32
        %gather3A_365 = arith.constant 0 : i32
        %gather3A_366 = tpu.memref_slice %arg27[%gather3A_363, %gather3A_364, %gather3A_365] : memref<2x80x16xf32, #tpu.memory_space<vmem>> -> memref<1x80x16xf32, #tpu.memory_space<vmem>>
        %gather3A_367 = tpu.memref_squeeze %gather3A_366 : memref<1x80x16xf32, #tpu.memory_space<vmem>> -> memref<80x16xf32, #tpu.memory_space<vmem>>
        %gather3A_368 = tpu.vector_load_idx %gather3A_367[%add3A_212, %broadcast_in_dim3A_362] : memref<80x16xf32, #tpu.memory_space<vmem>>[vector<16xi32>, vector<16xi32>], vector<16xf32>,
        %add3A_369 = arith.addf %gather3A_360, %gather3A_368 : vector<16xf32>
        %ge3A_370 = arith.constant 0.000000e+00 : f32
        %ge3A_371 = vector.broadcast %ge3A_370 : f32 to vector<16xf32>
        %ge3A_372 = arith.cmpf oge, %add3A_369, %ge3A_371 : vector<16xf32>
        %mul3A_373 = arith.constant 2.000000e-01 : f32
        %mul3A_374 = vector.broadcast %mul3A_373 : f32 to vector<16xf32>
        %mul3A_375 = arith.mulf %mul3A_374, %add3A_369 : vector<16xf32>
        %select_n3A_376 = arith.select %ge3A_372, %add3A_369, %mul3A_375 : vector<16xi1>, vector<16xf32>
        %mul3A_377 = vector.broadcast %sub3A_3 : f32 to vector<16xf32>
        %mul3A_378 = arith.mulf %mul3A_377, %select_n3A_376 : vector<16xf32>
        %exp3A_379 = math.exp %mul3A_378 : vector<16xf32>
        %broadcast_in_dim3A_380 = arith.constant 131 : i32
        %broadcast_in_dim3A_381 = vector.broadcast %broadcast_in_dim3A_380 : i32 to vector<16xi32>
        %scatter3A_382 = arith.constant 1 : i32
        %scatter3A_383 = arith.constant 0 : i32
        %scatter3A_384 = arith.constant 0 : i32
        %scatter3A_385 = tpu.memref_slice %arg26[%scatter3A_382, %scatter3A_383, %scatter3A_384] : memref<2x80x136xf32, #tpu.memory_space<vmem>> -> memref<1x80x136xf32, #tpu.memory_space<vmem>>
        %scatter3A_386 = tpu.memref_squeeze %scatter3A_385 : memref<1x80x136xf32, #tpu.memory_space<vmem>> -> memref<80x136xf32, #tpu.memory_space<vmem>>
        tpu.vector_store_idx %scatter3A_386[%add3A_212, %broadcast_in_dim3A_381], %exp3A_379 : memref<80x136xf32, #tpu.memory_space<vmem>>[vector<16xi32>, vector<16xi32>], vector<16xf32>,
        %broadcast_in_dim3A_387 = arith.constant 3 : i32
        %broadcast_in_dim3A_388 = vector.broadcast %broadcast_in_dim3A_387 : i32 to vector<16xi32>
        %mul3A_389 = arith.mulf %exp3A_379, %add3A_239 : vector<16xf32>
        tpu.vector_store_idx %arg30[%add3A_212, %broadcast_in_dim3A_388], %mul3A_389 : memref<80x16xf32, #tpu.memory_space<vmem>>[vector<16xi32>, vector<16xi32>], vector<16xf32>,
        %get3A = arith.constant 1 : i32
        %get3A_390 = arith.index_cast %get3A : i32 to index
        %get3A_391 = arith.constant 0 : index
        %get3A_392 = tpu.vector_load %arg12[%get3A_390, %get3A_391] {strides = array<i32>} : memref<2x80xi32, #tpu.memory_space<vmem>>, vector<16xi32>,
        %swap3A_393 = arith.constant 1 : i32
        %swap3A_394 = arith.index_cast %swap3A_393 : i32 to index
        %swap3A_395 = arith.constant 0 : index
        %swap3A_396 = tpu.vector_load %arg15[%swap3A_394, %swap3A_395] {strides = array<i32>} : memref<2x80xi32, #tpu.memory_space<vmem>>, vector<16xi32>,
        tpu.vector_store %arg15[%swap3A_394, %swap3A_395], %get3A_392 {strides = array<i32>} : memref<2x80xi32, #tpu.memory_space<vmem>>, vector<16xi32>,
        %add3A_397 = arith.constant 16 : i32
        %add3A_398 = vector.broadcast %add3A_397 : i32 to vector<16xi32>
        %add3A_399 = arith.addi %add3A_398, %iota3A : vector<16xi32>
        %broadcast_in_dim3A_400 = arith.constant 8 : i32
        %broadcast_in_dim3A_401 = vector.broadcast %broadcast_in_dim3A_400 : i32 to vector<16xi32>
        %gather3A_402 = arith.constant 1 : i32
        %gather3A_403 = arith.constant 0 : i32
        %gather3A_404 = arith.constant 0 : i32
        %gather3A_405 = tpu.memref_slice %arg28[%gather3A_402, %gather3A_403, %gather3A_404] : memref<2x80x16xf32, #tpu.memory_space<vmem>> -> memref<1x80x16xf32, #tpu.memory_space<vmem>>
        %gather3A_406 = tpu.memref_squeeze %gather3A_405 : memref<1x80x16xf32, #tpu.memory_space<vmem>> -> memref<80x16xf32, #tpu.memory_space<vmem>>
        %gather3A_407 = tpu.vector_load_idx %gather3A_406[%add3A_399, %broadcast_in_dim3A_401] : memref<80x16xf32, #tpu.memory_space<vmem>>[vector<16xi32>, vector<16xi32>], vector<16xf32>,
        %broadcast_in_dim3A_408 = arith.constant 8 : i32
        %broadcast_in_dim3A_409 = vector.broadcast %broadcast_in_dim3A_408 : i32 to vector<16xi32>
        %gather3A_410 = arith.constant 1 : i32
        %gather3A_411 = arith.constant 0 : i32
        %gather3A_412 = arith.constant 0 : i32
        %gather3A_413 = tpu.memref_slice %arg27[%gather3A_410, %gather3A_411, %gather3A_412] : memref<2x80x16xf32, #tpu.memory_space<vmem>> -> memref<1x80x16xf32, #tpu.memory_space<vmem>>
        %gather3A_414 = tpu.memref_squeeze %gather3A_413 : memref<1x80x16xf32, #tpu.memory_space<vmem>> -> memref<80x16xf32, #tpu.memory_space<vmem>>
        %gather3A_415 = tpu.vector_load_idx %gather3A_414[%add3A_399, %broadcast_in_dim3A_409] : memref<80x16xf32, #tpu.memory_space<vmem>>[vector<16xi32>, vector<16xi32>], vector<16xf32>,
        %add3A_416 = arith.addf %gather3A_407, %gather3A_415 : vector<16xf32>
        %neg3A_417 = arith.constant 0.000000e+00 : f32
        %neg3A_418 = vector.broadcast %neg3A_417 : f32 to vector<16xf32>
        %neg3A_419 = arith.subf %neg3A_418, %add3A_416 : vector<16xf32>
        %exp3A_420 = math.exp %neg3A_419 : vector<16xf32>
        %add3A_421 = arith.constant 1.000000e+00 : f32
        %add3A_422 = vector.broadcast %add3A_421 : f32 to vector<16xf32>
        %add3A_423 = arith.addf %add3A_422, %exp3A_420 : vector<16xf32>
        %div3A_424 = arith.constant 1.000000e+00 : f32
        %div3A_425 = vector.broadcast %div3A_424 : f32 to vector<16xf32>
        %div3A_426 = arith.divf %div3A_425, %add3A_423 : vector<16xf32>
        %mul3A_427 = vector.broadcast %sub3A_3 : f32 to vector<16xf32>
        %mul3A_428 = arith.mulf %mul3A_427, %div3A_426 : vector<16xf32>
        %add3A_429 = vector.broadcast %convert_element_type3A : f32 to vector<16xf32>
        %add3A_430 = arith.addf %add3A_429, %mul3A_428 : vector<16xf32>
        %swap3A_431 = arith.constant 1 : i32
        %swap3A_432 = arith.index_cast %swap3A_431 : i32 to index
        %swap3A_433 = arith.constant 16 : index
        %swap3A_434 = tpu.vector_load %arg9[%swap3A_432, %swap3A_433] {strides = array<i32>} : memref<2x80xf32, #tpu.memory_space<vmem>>, vector<16xf32>,
        tpu.vector_store %arg9[%swap3A_432, %swap3A_433], %div3A_426 {strides = array<i32>} : memref<2x80xf32, #tpu.memory_space<vmem>>, vector<16xf32>,
        %broadcast_in_dim3A_435 = arith.constant 0 : i32
        %broadcast_in_dim3A_436 = vector.broadcast %broadcast_in_dim3A_435 : i32 to vector<16xi32>
        %gather3A_437 = arith.constant 1 : i32
        %gather3A_438 = arith.constant 0 : i32
        %gather3A_439 = arith.constant 0 : i32
        %gather3A_440 = tpu.memref_slice %arg28[%gather3A_437, %gather3A_438, %gather3A_439] : memref<2x80x16xf32, #tpu.memory_space<vmem>> -> memref<1x80x16xf32, #tpu.memory_space<vmem>>
        %gather3A_441 = tpu.memref_squeeze %gather3A_440 : memref<1x80x16xf32, #tpu.memory_space<vmem>> -> memref<80x16xf32, #tpu.memory_space<vmem>>
        %gather3A_442 = tpu.vector_load_idx %gather3A_441[%add3A_399, %broadcast_in_dim3A_436] : memref<80x16xf32, #tpu.memory_space<vmem>>[vector<16xi32>, vector<16xi32>], vector<16xf32>,
        %broadcast_in_dim3A_443 = arith.constant 4 : i32
        %broadcast_in_dim3A_444 = vector.broadcast %broadcast_in_dim3A_443 : i32 to vector<16xi32>
        %gather3A_445 = arith.constant 1 : i32
        %gather3A_446 = arith.constant 0 : i32
        %gather3A_447 = arith.constant 0 : i32
        %gather3A_448 = tpu.memref_slice %arg27[%gather3A_445, %gather3A_446, %gather3A_447] : memref<2x80x16xf32, #tpu.memory_space<vmem>> -> memref<1x80x16xf32, #tpu.memory_space<vmem>>
        %gather3A_449 = tpu.memref_squeeze %gather3A_448 : memref<1x80x16xf32, #tpu.memory_space<vmem>> -> memref<80x16xf32, #tpu.memory_space<vmem>>
        %gather3A_450 = tpu.vector_load_idx %gather3A_449[%add3A_399, %broadcast_in_dim3A_444] : memref<80x16xf32, #tpu.memory_space<vmem>>[vector<16xi32>, vector<16xi32>], vector<16xf32>,
        %add3A_451 = arith.addf %gather3A_442, %gather3A_450 : vector<16xf32>
        %ge3A_452 = arith.constant 0.000000e+00 : f32
        %ge3A_453 = vector.broadcast %ge3A_452 : f32 to vector<16xf32>
        %ge3A_454 = arith.cmpf oge, %add3A_451, %ge3A_453 : vector<16xf32>
        %mul3A_455 = arith.constant 2.000000e-01 : f32
        %mul3A_456 = vector.broadcast %mul3A_455 : f32 to vector<16xf32>
        %mul3A_457 = arith.mulf %mul3A_456, %add3A_451 : vector<16xf32>
        %select_n3A_458 = arith.select %ge3A_454, %add3A_451, %mul3A_457 : vector<16xi1>, vector<16xf32>
        %mul3A_459 = vector.broadcast %sub3A_3 : f32 to vector<16xf32>
        %mul3A_460 = arith.mulf %mul3A_459, %select_n3A_458 : vector<16xf32>
        %exp3A_461 = math.exp %mul3A_460 : vector<16xf32>
        %broadcast_in_dim3A_462 = arith.constant 128 : i32
        %broadcast_in_dim3A_463 = vector.broadcast %broadcast_in_dim3A_462 : i32 to vector<16xi32>
        %scatter3A_464 = arith.constant 1 : i32
        %scatter3A_465 = arith.constant 0 : i32
        %scatter3A_466 = arith.constant 0 : i32
        %scatter3A_467 = tpu.memref_slice %arg26[%scatter3A_464, %scatter3A_465, %scatter3A_466] : memref<2x80x136xf32, #tpu.memory_space<vmem>> -> memref<1x80x136xf32, #tpu.memory_space<vmem>>
        %scatter3A_468 = tpu.memref_squeeze %scatter3A_467 : memref<1x80x136xf32, #tpu.memory_space<vmem>> -> memref<80x136xf32, #tpu.memory_space<vmem>>
        tpu.vector_store_idx %scatter3A_468[%add3A_399, %broadcast_in_dim3A_463], %exp3A_461 : memref<80x136xf32, #tpu.memory_space<vmem>>[vector<16xi32>, vector<16xi32>], vector<16xf32>,
        %broadcast_in_dim3A_469 = arith.constant 0 : i32
        %broadcast_in_dim3A_470 = vector.broadcast %broadcast_in_dim3A_469 : i32 to vector<16xi32>
        %mul3A_471 = arith.mulf %exp3A_461, %add3A_430 : vector<16xf32>
        tpu.vector_store_idx %arg30[%add3A_399, %broadcast_in_dim3A_470], %mul3A_471 : memref<80x16xf32, #tpu.memory_space<vmem>>[vector<16xi32>, vector<16xi32>], vector<16xf32>,
        %broadcast_in_dim3A_472 = arith.constant 1 : i32
        %broadcast_in_dim3A_473 = vector.broadcast %broadcast_in_dim3A_472 : i32 to vector<16xi32>
        %gather3A_474 = arith.constant 1 : i32
        %gather3A_475 = arith.constant 0 : i32
        %gather3A_476 = arith.constant 0 : i32
        %gather3A_477 = tpu.memref_slice %arg28[%gather3A_474, %gather3A_475, %gather3A_476] : memref<2x80x16xf32, #tpu.memory_space<vmem>> -> memref<1x80x16xf32, #tpu.memory_space<vmem>>
        %gather3A_478 = tpu.memref_squeeze %gather3A_477 : memref<1x80x16xf32, #tpu.memory_space<vmem>> -> memref<80x16xf32, #tpu.memory_space<vmem>>
        %gather3A_479 = tpu.vector_load_idx %gather3A_478[%add3A_399, %broadcast_in_dim3A_473] : memref<80x16xf32, #tpu.memory_space<vmem>>[vector<16xi32>, vector<16xi32>], vector<16xf32>,
        %broadcast_in_dim3A_480 = arith.constant 5 : i32
        %broadcast_in_dim3A_481 = vector.broadcast %broadcast_in_dim3A_480 : i32 to vector<16xi32>
        %gather3A_482 = arith.constant 1 : i32
        %gather3A_483 = arith.constant 0 : i32
        %gather3A_484 = arith.constant 0 : i32
        %gather3A_485 = tpu.memref_slice %arg27[%gather3A_482, %gather3A_483, %gather3A_484] : memref<2x80x16xf32, #tpu.memory_space<vmem>> -> memref<1x80x16xf32, #tpu.memory_space<vmem>>
        %gather3A_486 = tpu.memref_squeeze %gather3A_485 : memref<1x80x16xf32, #tpu.memory_space<vmem>> -> memref<80x16xf32, #tpu.memory_space<vmem>>
        %gather3A_487 = tpu.vector_load_idx %gather3A_486[%add3A_399, %broadcast_in_dim3A_481] : memref<80x16xf32, #tpu.memory_space<vmem>>[vector<16xi32>, vector<16xi32>], vector<16xf32>,
        %add3A_488 = arith.addf %gather3A_479, %gather3A_487 : vector<16xf32>
        %ge3A_489 = arith.constant 0.000000e+00 : f32
        %ge3A_490 = vector.broadcast %ge3A_489 : f32 to vector<16xf32>
        %ge3A_491 = arith.cmpf oge, %add3A_488, %ge3A_490 : vector<16xf32>
        %mul3A_492 = arith.constant 2.000000e-01 : f32
        %mul3A_493 = vector.broadcast %mul3A_492 : f32 to vector<16xf32>
        %mul3A_494 = arith.mulf %mul3A_493, %add3A_488 : vector<16xf32>
        %select_n3A_495 = arith.select %ge3A_491, %add3A_488, %mul3A_494 : vector<16xi1>, vector<16xf32>
        %mul3A_496 = vector.broadcast %sub3A_3 : f32 to vector<16xf32>
        %mul3A_497 = arith.mulf %mul3A_496, %select_n3A_495 : vector<16xf32>
        %exp3A_498 = math.exp %mul3A_497 : vector<16xf32>
        %broadcast_in_dim3A_499 = arith.constant 129 : i32
        %broadcast_in_dim3A_500 = vector.broadcast %broadcast_in_dim3A_499 : i32 to vector<16xi32>
        %scatter3A_501 = arith.constant 1 : i32
        %scatter3A_502 = arith.constant 0 : i32
        %scatter3A_503 = arith.constant 0 : i32
        %scatter3A_504 = tpu.memref_slice %arg26[%scatter3A_501, %scatter3A_502, %scatter3A_503] : memref<2x80x136xf32, #tpu.memory_space<vmem>> -> memref<1x80x136xf32, #tpu.memory_space<vmem>>
        %scatter3A_505 = tpu.memref_squeeze %scatter3A_504 : memref<1x80x136xf32, #tpu.memory_space<vmem>> -> memref<80x136xf32, #tpu.memory_space<vmem>>
        tpu.vector_store_idx %scatter3A_505[%add3A_399, %broadcast_in_dim3A_500], %exp3A_498 : memref<80x136xf32, #tpu.memory_space<vmem>>[vector<16xi32>, vector<16xi32>], vector<16xf32>,
        %broadcast_in_dim3A_506 = arith.constant 1 : i32
        %broadcast_in_dim3A_507 = vector.broadcast %broadcast_in_dim3A_506 : i32 to vector<16xi32>
        %mul3A_508 = arith.mulf %exp3A_498, %add3A_430 : vector<16xf32>
        tpu.vector_store_idx %arg30[%add3A_399, %broadcast_in_dim3A_507], %mul3A_508 : memref<80x16xf32, #tpu.memory_space<vmem>>[vector<16xi32>, vector<16xi32>], vector<16xf32>,
        %broadcast_in_dim3A_509 = arith.constant 2 : i32
        %broadcast_in_dim3A_510 = vector.broadcast %broadcast_in_dim3A_509 : i32 to vector<16xi32>
        %gather3A_511 = arith.constant 1 : i32
        %gather3A_512 = arith.constant 0 : i32
        %gather3A_513 = arith.constant 0 : i32
        %gather3A_514 = tpu.memref_slice %arg28[%gather3A_511, %gather3A_512, %gather3A_513] : memref<2x80x16xf32, #tpu.memory_space<vmem>> -> memref<1x80x16xf32, #tpu.memory_space<vmem>>
        %gather3A_515 = tpu.memref_squeeze %gather3A_514 : memref<1x80x16xf32, #tpu.memory_space<vmem>> -> memref<80x16xf32, #tpu.memory_space<vmem>>
        %gather3A_516 = tpu.vector_load_idx %gather3A_515[%add3A_399, %broadcast_in_dim3A_510] : memref<80x16xf32, #tpu.memory_space<vmem>>[vector<16xi32>, vector<16xi32>], vector<16xf32>,
        %broadcast_in_dim3A_517 = arith.constant 6 : i32
        %broadcast_in_dim3A_518 = vector.broadcast %broadcast_in_dim3A_517 : i32 to vector<16xi32>
        %gather3A_519 = arith.constant 1 : i32
        %gather3A_520 = arith.constant 0 : i32
        %gather3A_521 = arith.constant 0 : i32
        %gather3A_522 = tpu.memref_slice %arg27[%gather3A_519, %gather3A_520, %gather3A_521] : memref<2x80x16xf32, #tpu.memory_space<vmem>> -> memref<1x80x16xf32, #tpu.memory_space<vmem>>
        %gather3A_523 = tpu.memref_squeeze %gather3A_522 : memref<1x80x16xf32, #tpu.memory_space<vmem>> -> memref<80x16xf32, #tpu.memory_space<vmem>>
        %gather3A_524 = tpu.vector_load_idx %gather3A_523[%add3A_399, %broadcast_in_dim3A_518] : memref<80x16xf32, #tpu.memory_space<vmem>>[vector<16xi32>, vector<16xi32>], vector<16xf32>,
        %add3A_525 = arith.addf %gather3A_516, %gather3A_524 : vector<16xf32>
        %ge3A_526 = arith.constant 0.000000e+00 : f32
        %ge3A_527 = vector.broadcast %ge3A_526 : f32 to vector<16xf32>
        %ge3A_528 = arith.cmpf oge, %add3A_525, %ge3A_527 : vector<16xf32>
        %mul3A_529 = arith.constant 2.000000e-01 : f32
        %mul3A_530 = vector.broadcast %mul3A_529 : f32 to vector<16xf32>
        %mul3A_531 = arith.mulf %mul3A_530, %add3A_525 : vector<16xf32>
        %select_n3A_532 = arith.select %ge3A_528, %add3A_525, %mul3A_531 : vector<16xi1>, vector<16xf32>
        %mul3A_533 = vector.broadcast %sub3A_3 : f32 to vector<16xf32>
        %mul3A_534 = arith.mulf %mul3A_533, %select_n3A_532 : vector<16xf32>
        %exp3A_535 = math.exp %mul3A_534 : vector<16xf32>
        %broadcast_in_dim3A_536 = arith.constant 130 : i32
        %broadcast_in_dim3A_537 = vector.broadcast %broadcast_in_dim3A_536 : i32 to vector<16xi32>
        %scatter3A_538 = arith.constant 1 : i32
        %scatter3A_539 = arith.constant 0 : i32
        %scatter3A_540 = arith.constant 0 : i32
        %scatter3A_541 = tpu.memref_slice %arg26[%scatter3A_538, %scatter3A_539, %scatter3A_540] : memref<2x80x136xf32, #tpu.memory_space<vmem>> -> memref<1x80x136xf32, #tpu.memory_space<vmem>>
        %scatter3A_542 = tpu.memref_squeeze %scatter3A_541 : memref<1x80x136xf32, #tpu.memory_space<vmem>> -> memref<80x136xf32, #tpu.memory_space<vmem>>
        tpu.vector_store_idx %scatter3A_542[%add3A_399, %broadcast_in_dim3A_537], %exp3A_535 : memref<80x136xf32, #tpu.memory_space<vmem>>[vector<16xi32>, vector<16xi32>], vector<16xf32>,
        %broadcast_in_dim3A_543 = arith.constant 2 : i32
        %broadcast_in_dim3A_544 = vector.broadcast %broadcast_in_dim3A_543 : i32 to vector<16xi32>
        %mul3A_545 = arith.mulf %exp3A_535, %add3A_430 : vector<16xf32>
        tpu.vector_store_idx %arg30[%add3A_399, %broadcast_in_dim3A_544], %mul3A_545 : memref<80x16xf32, #tpu.memory_space<vmem>>[vector<16xi32>, vector<16xi32>], vector<16xf32>,
        %broadcast_in_dim3A_546 = arith.constant 3 : i32
        %broadcast_in_dim3A_547 = vector.broadcast %broadcast_in_dim3A_546 : i32 to vector<16xi32>
        %gather3A_548 = arith.constant 1 : i32
        %gather3A_549 = arith.constant 0 : i32
        %gather3A_550 = arith.constant 0 : i32
        %gather3A_551 = tpu.memref_slice %arg28[%gather3A_548, %gather3A_549, %gather3A_550] : memref<2x80x16xf32, #tpu.memory_space<vmem>> -> memref<1x80x16xf32, #tpu.memory_space<vmem>>
        %gather3A_552 = tpu.memref_squeeze %gather3A_551 : memref<1x80x16xf32, #tpu.memory_space<vmem>> -> memref<80x16xf32, #tpu.memory_space<vmem>>
        %gather3A_553 = tpu.vector_load_idx %gather3A_552[%add3A_399, %broadcast_in_dim3A_547] : memref<80x16xf32, #tpu.memory_space<vmem>>[vector<16xi32>, vector<16xi32>], vector<16xf32>,
        %broadcast_in_dim3A_554 = arith.constant 7 : i32
        %broadcast_in_dim3A_555 = vector.broadcast %broadcast_in_dim3A_554 : i32 to vector<16xi32>
        %gather3A_556 = arith.constant 1 : i32
        %gather3A_557 = arith.constant 0 : i32
        %gather3A_558 = arith.constant 0 : i32
        %gather3A_559 = tpu.memref_slice %arg27[%gather3A_556, %gather3A_557, %gather3A_558] : memref<2x80x16xf32, #tpu.memory_space<vmem>> -> memref<1x80x16xf32, #tpu.memory_space<vmem>>
        %gather3A_560 = tpu.memref_squeeze %gather3A_559 : memref<1x80x16xf32, #tpu.memory_space<vmem>> -> memref<80x16xf32, #tpu.memory_space<vmem>>
        %gather3A_561 = tpu.vector_load_idx %gather3A_560[%add3A_399, %broadcast_in_dim3A_555] : memref<80x16xf32, #tpu.memory_space<vmem>>[vector<16xi32>, vector<16xi32>], vector<16xf32>,
        %add3A_562 = arith.addf %gather3A_553, %gather3A_561 : vector<16xf32>
        %ge3A_563 = arith.constant 0.000000e+00 : f32
        %ge3A_564 = vector.broadcast %ge3A_563 : f32 to vector<16xf32>
        %ge3A_565 = arith.cmpf oge, %add3A_562, %ge3A_564 : vector<16xf32>
        %mul3A_566 = arith.constant 2.000000e-01 : f32
        %mul3A_567 = vector.broadcast %mul3A_566 : f32 to vector<16xf32>
        %mul3A_568 = arith.mulf %mul3A_567, %add3A_562 : vector<16xf32>
        %select_n3A_569 = arith.select %ge3A_565, %add3A_562, %mul3A_568 : vector<16xi1>, vector<16xf32>
        %mul3A_570 = vector.broadcast %sub3A_3 : f32 to vector<16xf32>
        %mul3A_571 = arith.mulf %mul3A_570, %select_n3A_569 : vector<16xf32>
        %exp3A_572 = math.exp %mul3A_571 : vector<16xf32>
        %broadcast_in_dim3A_573 = arith.constant 131 : i32
        %broadcast_in_dim3A_574 = vector.broadcast %broadcast_in_dim3A_573 : i32 to vector<16xi32>
        %scatter3A_575 = arith.constant 1 : i32
        %scatter3A_576 = arith.constant 0 : i32
        %scatter3A_577 = arith.constant 0 : i32
        %scatter3A_578 = tpu.memref_slice %arg26[%scatter3A_575, %scatter3A_576, %scatter3A_577] : memref<2x80x136xf32, #tpu.memory_space<vmem>> -> memref<1x80x136xf32, #tpu.memory_space<vmem>>
        %scatter3A_579 = tpu.memref_squeeze %scatter3A_578 : memref<1x80x136xf32, #tpu.memory_space<vmem>> -> memref<80x136xf32, #tpu.memory_space<vmem>>
        tpu.vector_store_idx %scatter3A_579[%add3A_399, %broadcast_in_dim3A_574], %exp3A_572 : memref<80x136xf32, #tpu.memory_space<vmem>>[vector<16xi32>, vector<16xi32>], vector<16xf32>,
        %broadcast_in_dim3A_580 = arith.constant 3 : i32
        %broadcast_in_dim3A_581 = vector.broadcast %broadcast_in_dim3A_580 : i32 to vector<16xi32>
        %mul3A_582 = arith.mulf %exp3A_572, %add3A_430 : vector<16xf32>
        tpu.vector_store_idx %arg30[%add3A_399, %broadcast_in_dim3A_581], %mul3A_582 : memref<80x16xf32, #tpu.memory_space<vmem>>[vector<16xi32>, vector<16xi32>], vector<16xf32>,
        %get3A_583 = arith.constant 1 : i32
        %get3A_584 = arith.index_cast %get3A_583 : i32 to index
        %get3A_585 = arith.constant 16 : index
        %get3A_586 = tpu.vector_load %arg12[%get3A_584, %get3A_585] {strides = array<i32>} : memref<2x80xi32, #tpu.memory_space<vmem>>, vector<16xi32>,
        %swap3A_587 = arith.constant 1 : i32
        %swap3A_588 = arith.index_cast %swap3A_587 : i32 to index
        %swap3A_589 = arith.constant 16 : index
        %swap3A_590 = tpu.vector_load %arg15[%swap3A_588, %swap3A_589] {strides = array<i32>} : memref<2x80xi32, #tpu.memory_space<vmem>>, vector<16xi32>,
        tpu.vector_store %arg15[%swap3A_588, %swap3A_589], %get3A_586 {strides = array<i32>} : memref<2x80xi32, #tpu.memory_space<vmem>>, vector<16xi32>,
        %add3A_591 = arith.constant 32 : i32
        %add3A_592 = vector.broadcast %add3A_591 : i32 to vector<16xi32>
        %add3A_593 = arith.addi %add3A_592, %iota3A : vector<16xi32>
        %broadcast_in_dim3A_594 = arith.constant 8 : i32
        %broadcast_in_dim3A_595 = vector.broadcast %broadcast_in_dim3A_594 : i32 to vector<16xi32>
        %gather3A_596 = arith.constant 1 : i32
        %gather3A_597 = arith.constant 0 : i32
        %gather3A_598 = arith.constant 0 : i32
        %gather3A_599 = tpu.memref_slice %arg28[%gather3A_596, %gather3A_597, %gather3A_598] : memref<2x80x16xf32, #tpu.memory_space<vmem>> -> memref<1x80x16xf32, #tpu.memory_space<vmem>>
        %gather3A_600 = tpu.memref_squeeze %gather3A_599 : memref<1x80x16xf32, #tpu.memory_space<vmem>> -> memref<80x16xf32, #tpu.memory_space<vmem>>
        %gather3A_601 = tpu.vector_load_idx %gather3A_600[%add3A_593, %broadcast_in_dim3A_595] : memref<80x16xf32, #tpu.memory_space<vmem>>[vector<16xi32>, vector<16xi32>], vector<16xf32>,
        %broadcast_in_dim3A_602 = arith.constant 8 : i32
        %broadcast_in_dim3A_603 = vector.broadcast %broadcast_in_dim3A_602 : i32 to vector<16xi32>
        %gather3A_604 = arith.constant 1 : i32
        %gather3A_605 = arith.constant 0 : i32
        %gather3A_606 = arith.constant 0 : i32
        %gather3A_607 = tpu.memref_slice %arg27[%gather3A_604, %gather3A_605, %gather3A_606] : memref<2x80x16xf32, #tpu.memory_space<vmem>> -> memref<1x80x16xf32, #tpu.memory_space<vmem>>
        %gather3A_608 = tpu.memref_squeeze %gather3A_607 : memref<1x80x16xf32, #tpu.memory_space<vmem>> -> memref<80x16xf32, #tpu.memory_space<vmem>>
        %gather3A_609 = tpu.vector_load_idx %gather3A_608[%add3A_593, %broadcast_in_dim3A_603] : memref<80x16xf32, #tpu.memory_space<vmem>>[vector<16xi32>, vector<16xi32>], vector<16xf32>,
        %add3A_610 = arith.addf %gather3A_601, %gather3A_609 : vector<16xf32>
        %neg3A_611 = arith.constant 0.000000e+00 : f32
        %neg3A_612 = vector.broadcast %neg3A_611 : f32 to vector<16xf32>
        %neg3A_613 = arith.subf %neg3A_612, %add3A_610 : vector<16xf32>
        %exp3A_614 = math.exp %neg3A_613 : vector<16xf32>
        %add3A_615 = arith.constant 1.000000e+00 : f32
        %add3A_616 = vector.broadcast %add3A_615 : f32 to vector<16xf32>
        %add3A_617 = arith.addf %add3A_616, %exp3A_614 : vector<16xf32>
        %div3A_618 = arith.constant 1.000000e+00 : f32
        %div3A_619 = vector.broadcast %div3A_618 : f32 to vector<16xf32>
        %div3A_620 = arith.divf %div3A_619, %add3A_617 : vector<16xf32>
        %mul3A_621 = vector.broadcast %sub3A_3 : f32 to vector<16xf32>
        %mul3A_622 = arith.mulf %mul3A_621, %div3A_620 : vector<16xf32>
        %add3A_623 = vector.broadcast %convert_element_type3A : f32 to vector<16xf32>
        %add3A_624 = arith.addf %add3A_623, %mul3A_622 : vector<16xf32>
        %swap3A_625 = arith.constant 1 : i32
        %swap3A_626 = arith.index_cast %swap3A_625 : i32 to index
        %swap3A_627 = arith.constant 32 : index
        %swap3A_628 = tpu.vector_load %arg9[%swap3A_626, %swap3A_627] {strides = array<i32>} : memref<2x80xf32, #tpu.memory_space<vmem>>, vector<16xf32>,
        tpu.vector_store %arg9[%swap3A_626, %swap3A_627], %div3A_620 {strides = array<i32>} : memref<2x80xf32, #tpu.memory_space<vmem>>, vector<16xf32>,
        %broadcast_in_dim3A_629 = arith.constant 0 : i32
        %broadcast_in_dim3A_630 = vector.broadcast %broadcast_in_dim3A_629 : i32 to vector<16xi32>
        %gather3A_631 = arith.constant 1 : i32
        %gather3A_632 = arith.constant 0 : i32
        %gather3A_633 = arith.constant 0 : i32
        %gather3A_634 = tpu.memref_slice %arg28[%gather3A_631, %gather3A_632, %gather3A_633] : memref<2x80x16xf32, #tpu.memory_space<vmem>> -> memref<1x80x16xf32, #tpu.memory_space<vmem>>
        %gather3A_635 = tpu.memref_squeeze %gather3A_634 : memref<1x80x16xf32, #tpu.memory_space<vmem>> -> memref<80x16xf32, #tpu.memory_space<vmem>>
        %gather3A_636 = tpu.vector_load_idx %gather3A_635[%add3A_593, %broadcast_in_dim3A_630] : memref<80x16xf32, #tpu.memory_space<vmem>>[vector<16xi32>, vector<16xi32>], vector<16xf32>,
        %broadcast_in_dim3A_637 = arith.constant 4 : i32
        %broadcast_in_dim3A_638 = vector.broadcast %broadcast_in_dim3A_637 : i32 to vector<16xi32>
        %gather3A_639 = arith.constant 1 : i32
        %gather3A_640 = arith.constant 0 : i32
        %gather3A_641 = arith.constant 0 : i32
        %gather3A_642 = tpu.memref_slice %arg27[%gather3A_639, %gather3A_640, %gather3A_641] : memref<2x80x16xf32, #tpu.memory_space<vmem>> -> memref<1x80x16xf32, #tpu.memory_space<vmem>>
        %gather3A_643 = tpu.memref_squeeze %gather3A_642 : memref<1x80x16xf32, #tpu.memory_space<vmem>> -> memref<80x16xf32, #tpu.memory_space<vmem>>
        %gather3A_644 = tpu.vector_load_idx %gather3A_643[%add3A_593, %broadcast_in_dim3A_638] : memref<80x16xf32, #tpu.memory_space<vmem>>[vector<16xi32>, vector<16xi32>], vector<16xf32>,
        %add3A_645 = arith.addf %gather3A_636, %gather3A_644 : vector<16xf32>
        %ge3A_646 = arith.constant 0.000000e+00 : f32
        %ge3A_647 = vector.broadcast %ge3A_646 : f32 to vector<16xf32>
        %ge3A_648 = arith.cmpf oge, %add3A_645, %ge3A_647 : vector<16xf32>
        %mul3A_649 = arith.constant 2.000000e-01 : f32
        %mul3A_650 = vector.broadcast %mul3A_649 : f32 to vector<16xf32>
        %mul3A_651 = arith.mulf %mul3A_650, %add3A_645 : vector<16xf32>
        %select_n3A_652 = arith.select %ge3A_648, %add3A_645, %mul3A_651 : vector<16xi1>, vector<16xf32>
        %mul3A_653 = vector.broadcast %sub3A_3 : f32 to vector<16xf32>
        %mul3A_654 = arith.mulf %mul3A_653, %select_n3A_652 : vector<16xf32>
        %exp3A_655 = math.exp %mul3A_654 : vector<16xf32>
        %broadcast_in_dim3A_656 = arith.constant 128 : i32
        %broadcast_in_dim3A_657 = vector.broadcast %broadcast_in_dim3A_656 : i32 to vector<16xi32>
        %scatter3A_658 = arith.constant 1 : i32
        %scatter3A_659 = arith.constant 0 : i32
        %scatter3A_660 = arith.constant 0 : i32
        %scatter3A_661 = tpu.memref_slice %arg26[%scatter3A_658, %scatter3A_659, %scatter3A_660] : memref<2x80x136xf32, #tpu.memory_space<vmem>> -> memref<1x80x136xf32, #tpu.memory_space<vmem>>
        %scatter3A_662 = tpu.memref_squeeze %scatter3A_661 : memref<1x80x136xf32, #tpu.memory_space<vmem>> -> memref<80x136xf32, #tpu.memory_space<vmem>>
        tpu.vector_store_idx %scatter3A_662[%add3A_593, %broadcast_in_dim3A_657], %exp3A_655 : memref<80x136xf32, #tpu.memory_space<vmem>>[vector<16xi32>, vector<16xi32>], vector<16xf32>,
        %broadcast_in_dim3A_663 = arith.constant 0 : i32
        %broadcast_in_dim3A_664 = vector.broadcast %broadcast_in_dim3A_663 : i32 to vector<16xi32>
        %mul3A_665 = arith.mulf %exp3A_655, %add3A_624 : vector<16xf32>
        tpu.vector_store_idx %arg30[%add3A_593, %broadcast_in_dim3A_664], %mul3A_665 : memref<80x16xf32, #tpu.memory_space<vmem>>[vector<16xi32>, vector<16xi32>], vector<16xf32>,
        %broadcast_in_dim3A_666 = arith.constant 1 : i32
        %broadcast_in_dim3A_667 = vector.broadcast %broadcast_in_dim3A_666 : i32 to vector<16xi32>
        %gather3A_668 = arith.constant 1 : i32
        %gather3A_669 = arith.constant 0 : i32
        %gather3A_670 = arith.constant 0 : i32
        %gather3A_671 = tpu.memref_slice %arg28[%gather3A_668, %gather3A_669, %gather3A_670] : memref<2x80x16xf32, #tpu.memory_space<vmem>> -> memref<1x80x16xf32, #tpu.memory_space<vmem>>
        %gather3A_672 = tpu.memref_squeeze %gather3A_671 : memref<1x80x16xf32, #tpu.memory_space<vmem>> -> memref<80x16xf32, #tpu.memory_space<vmem>>
        %gather3A_673 = tpu.vector_load_idx %gather3A_672[%add3A_593, %broadcast_in_dim3A_667] : memref<80x16xf32, #tpu.memory_space<vmem>>[vector<16xi32>, vector<16xi32>], vector<16xf32>,
        %broadcast_in_dim3A_674 = arith.constant 5 : i32
        %broadcast_in_dim3A_675 = vector.broadcast %broadcast_in_dim3A_674 : i32 to vector<16xi32>
        %gather3A_676 = arith.constant 1 : i32
        %gather3A_677 = arith.constant 0 : i32
        %gather3A_678 = arith.constant 0 : i32
        %gather3A_679 = tpu.memref_slice %arg27[%gather3A_676, %gather3A_677, %gather3A_678] : memref<2x80x16xf32, #tpu.memory_space<vmem>> -> memref<1x80x16xf32, #tpu.memory_space<vmem>>
        %gather3A_680 = tpu.memref_squeeze %gather3A_679 : memref<1x80x16xf32, #tpu.memory_space<vmem>> -> memref<80x16xf32, #tpu.memory_space<vmem>>
        %gather3A_681 = tpu.vector_load_idx %gather3A_680[%add3A_593, %broadcast_in_dim3A_675] : memref<80x16xf32, #tpu.memory_space<vmem>>[vector<16xi32>, vector<16xi32>], vector<16xf32>,
        %add3A_682 = arith.addf %gather3A_673, %gather3A_681 : vector<16xf32>
        %ge3A_683 = arith.constant 0.000000e+00 : f32
        %ge3A_684 = vector.broadcast %ge3A_683 : f32 to vector<16xf32>
        %ge3A_685 = arith.cmpf oge, %add3A_682, %ge3A_684 : vector<16xf32>
        %mul3A_686 = arith.constant 2.000000e-01 : f32
        %mul3A_687 = vector.broadcast %mul3A_686 : f32 to vector<16xf32>
        %mul3A_688 = arith.mulf %mul3A_687, %add3A_682 : vector<16xf32>
        %select_n3A_689 = arith.select %ge3A_685, %add3A_682, %mul3A_688 : vector<16xi1>, vector<16xf32>
        %mul3A_690 = vector.broadcast %sub3A_3 : f32 to vector<16xf32>
        %mul3A_691 = arith.mulf %mul3A_690, %select_n3A_689 : vector<16xf32>
        %exp3A_692 = math.exp %mul3A_691 : vector<16xf32>
        %broadcast_in_dim3A_693 = arith.constant 129 : i32
        %broadcast_in_dim3A_694 = vector.broadcast %broadcast_in_dim3A_693 : i32 to vector<16xi32>
        %scatter3A_695 = arith.constant 1 : i32
        %scatter3A_696 = arith.constant 0 : i32
        %scatter3A_697 = arith.constant 0 : i32
        %scatter3A_698 = tpu.memref_slice %arg26[%scatter3A_695, %scatter3A_696, %scatter3A_697] : memref<2x80x136xf32, #tpu.memory_space<vmem>> -> memref<1x80x136xf32, #tpu.memory_space<vmem>>
        %scatter3A_699 = tpu.memref_squeeze %scatter3A_698 : memref<1x80x136xf32, #tpu.memory_space<vmem>> -> memref<80x136xf32, #tpu.memory_space<vmem>>
        tpu.vector_store_idx %scatter3A_699[%add3A_593, %broadcast_in_dim3A_694], %exp3A_692 : memref<80x136xf32, #tpu.memory_space<vmem>>[vector<16xi32>, vector<16xi32>], vector<16xf32>,
        %broadcast_in_dim3A_700 = arith.constant 1 : i32
        %broadcast_in_dim3A_701 = vector.broadcast %broadcast_in_dim3A_700 : i32 to vector<16xi32>
        %mul3A_702 = arith.mulf %exp3A_692, %add3A_624 : vector<16xf32>
        tpu.vector_store_idx %arg30[%add3A_593, %broadcast_in_dim3A_701], %mul3A_702 : memref<80x16xf32, #tpu.memory_space<vmem>>[vector<16xi32>, vector<16xi32>], vector<16xf32>,
        %broadcast_in_dim3A_703 = arith.constant 2 : i32
        %broadcast_in_dim3A_704 = vector.broadcast %broadcast_in_dim3A_703 : i32 to vector<16xi32>
        %gather3A_705 = arith.constant 1 : i32
        %gather3A_706 = arith.constant 0 : i32
        %gather3A_707 = arith.constant 0 : i32
        %gather3A_708 = tpu.memref_slice %arg28[%gather3A_705, %gather3A_706, %gather3A_707] : memref<2x80x16xf32, #tpu.memory_space<vmem>> -> memref<1x80x16xf32, #tpu.memory_space<vmem>>
        %gather3A_709 = tpu.memref_squeeze %gather3A_708 : memref<1x80x16xf32, #tpu.memory_space<vmem>> -> memref<80x16xf32, #tpu.memory_space<vmem>>
        %gather3A_710 = tpu.vector_load_idx %gather3A_709[%add3A_593, %broadcast_in_dim3A_704] : memref<80x16xf32, #tpu.memory_space<vmem>>[vector<16xi32>, vector<16xi32>], vector<16xf32>,
        %broadcast_in_dim3A_711 = arith.constant 6 : i32
        %broadcast_in_dim3A_712 = vector.broadcast %broadcast_in_dim3A_711 : i32 to vector<16xi32>
        %gather3A_713 = arith.constant 1 : i32
        %gather3A_714 = arith.constant 0 : i32
        %gather3A_715 = arith.constant 0 : i32
        %gather3A_716 = tpu.memref_slice %arg27[%gather3A_713, %gather3A_714, %gather3A_715] : memref<2x80x16xf32, #tpu.memory_space<vmem>> -> memref<1x80x16xf32, #tpu.memory_space<vmem>>
        %gather3A_717 = tpu.memref_squeeze %gather3A_716 : memref<1x80x16xf32, #tpu.memory_space<vmem>> -> memref<80x16xf32, #tpu.memory_space<vmem>>
        %gather3A_718 = tpu.vector_load_idx %gather3A_717[%add3A_593, %broadcast_in_dim3A_712] : memref<80x16xf32, #tpu.memory_space<vmem>>[vector<16xi32>, vector<16xi32>], vector<16xf32>,
        %add3A_719 = arith.addf %gather3A_710, %gather3A_718 : vector<16xf32>
        %ge3A_720 = arith.constant 0.000000e+00 : f32
        %ge3A_721 = vector.broadcast %ge3A_720 : f32 to vector<16xf32>
        %ge3A_722 = arith.cmpf oge, %add3A_719, %ge3A_721 : vector<16xf32>
        %mul3A_723 = arith.constant 2.000000e-01 : f32
        %mul3A_724 = vector.broadcast %mul3A_723 : f32 to vector<16xf32>
        %mul3A_725 = arith.mulf %mul3A_724, %add3A_719 : vector<16xf32>
        %select_n3A_726 = arith.select %ge3A_722, %add3A_719, %mul3A_725 : vector<16xi1>, vector<16xf32>
        %mul3A_727 = vector.broadcast %sub3A_3 : f32 to vector<16xf32>
        %mul3A_728 = arith.mulf %mul3A_727, %select_n3A_726 : vector<16xf32>
        %exp3A_729 = math.exp %mul3A_728 : vector<16xf32>
        %broadcast_in_dim3A_730 = arith.constant 130 : i32
        %broadcast_in_dim3A_731 = vector.broadcast %broadcast_in_dim3A_730 : i32 to vector<16xi32>
        %scatter3A_732 = arith.constant 1 : i32
        %scatter3A_733 = arith.constant 0 : i32
        %scatter3A_734 = arith.constant 0 : i32
        %scatter3A_735 = tpu.memref_slice %arg26[%scatter3A_732, %scatter3A_733, %scatter3A_734] : memref<2x80x136xf32, #tpu.memory_space<vmem>> -> memref<1x80x136xf32, #tpu.memory_space<vmem>>
        %scatter3A_736 = tpu.memref_squeeze %scatter3A_735 : memref<1x80x136xf32, #tpu.memory_space<vmem>> -> memref<80x136xf32, #tpu.memory_space<vmem>>
        tpu.vector_store_idx %scatter3A_736[%add3A_593, %broadcast_in_dim3A_731], %exp3A_729 : memref<80x136xf32, #tpu.memory_space<vmem>>[vector<16xi32>, vector<16xi32>], vector<16xf32>,
        %broadcast_in_dim3A_737 = arith.constant 2 : i32
        %broadcast_in_dim3A_738 = vector.broadcast %broadcast_in_dim3A_737 : i32 to vector<16xi32>
        %mul3A_739 = arith.mulf %exp3A_729, %add3A_624 : vector<16xf32>
        tpu.vector_store_idx %arg30[%add3A_593, %broadcast_in_dim3A_738], %mul3A_739 : memref<80x16xf32, #tpu.memory_space<vmem>>[vector<16xi32>, vector<16xi32>], vector<16xf32>,
        %broadcast_in_dim3A_740 = arith.constant 3 : i32
        %broadcast_in_dim3A_741 = vector.broadcast %broadcast_in_dim3A_740 : i32 to vector<16xi32>
        %gather3A_742 = arith.constant 1 : i32
        %gather3A_743 = arith.constant 0 : i32
        %gather3A_744 = arith.constant 0 : i32
        %gather3A_745 = tpu.memref_slice %arg28[%gather3A_742, %gather3A_743, %gather3A_744] : memref<2x80x16xf32, #tpu.memory_space<vmem>> -> memref<1x80x16xf32, #tpu.memory_space<vmem>>
        %gather3A_746 = tpu.memref_squeeze %gather3A_745 : memref<1x80x16xf32, #tpu.memory_space<vmem>> -> memref<80x16xf32, #tpu.memory_space<vmem>>
        %gather3A_747 = tpu.vector_load_idx %gather3A_746[%add3A_593, %broadcast_in_dim3A_741] : memref<80x16xf32, #tpu.memory_space<vmem>>[vector<16xi32>, vector<16xi32>], vector<16xf32>,
        %broadcast_in_dim3A_748 = arith.constant 7 : i32
        %broadcast_in_dim3A_749 = vector.broadcast %broadcast_in_dim3A_748 : i32 to vector<16xi32>
        %gather3A_750 = arith.constant 1 : i32
        %gather3A_751 = arith.constant 0 : i32
        %gather3A_752 = arith.constant 0 : i32
        %gather3A_753 = tpu.memref_slice %arg27[%gather3A_750, %gather3A_751, %gather3A_752] : memref<2x80x16xf32, #tpu.memory_space<vmem>> -> memref<1x80x16xf32, #tpu.memory_space<vmem>>
        %gather3A_754 = tpu.memref_squeeze %gather3A_753 : memref<1x80x16xf32, #tpu.memory_space<vmem>> -> memref<80x16xf32, #tpu.memory_space<vmem>>
        %gather3A_755 = tpu.vector_load_idx %gather3A_754[%add3A_593, %broadcast_in_dim3A_749] : memref<80x16xf32, #tpu.memory_space<vmem>>[vector<16xi32>, vector<16xi32>], vector<16xf32>,
        %add3A_756 = arith.addf %gather3A_747, %gather3A_755 : vector<16xf32>
        %ge3A_757 = arith.constant 0.000000e+00 : f32
        %ge3A_758 = vector.broadcast %ge3A_757 : f32 to vector<16xf32>
        %ge3A_759 = arith.cmpf oge, %add3A_756, %ge3A_758 : vector<16xf32>
        %mul3A_760 = arith.constant 2.000000e-01 : f32
        %mul3A_761 = vector.broadcast %mul3A_760 : f32 to vector<16xf32>
        %mul3A_762 = arith.mulf %mul3A_761, %add3A_756 : vector<16xf32>
        %select_n3A_763 = arith.select %ge3A_759, %add3A_756, %mul3A_762 : vector<16xi1>, vector<16xf32>
        %mul3A_764 = vector.broadcast %sub3A_3 : f32 to vector<16xf32>
        %mul3A_765 = arith.mulf %mul3A_764, %select_n3A_763 : vector<16xf32>
        %exp3A_766 = math.exp %mul3A_765 : vector<16xf32>
        %broadcast_in_dim3A_767 = arith.constant 131 : i32
        %broadcast_in_dim3A_768 = vector.broadcast %broadcast_in_dim3A_767 : i32 to vector<16xi32>
        %scatter3A_769 = arith.constant 1 : i32
        %scatter3A_770 = arith.constant 0 : i32
        %scatter3A_771 = arith.constant 0 : i32
        %scatter3A_772 = tpu.memref_slice %arg26[%scatter3A_769, %scatter3A_770, %scatter3A_771] : memref<2x80x136xf32, #tpu.memory_space<vmem>> -> memref<1x80x136xf32, #tpu.memory_space<vmem>>
        %scatter3A_773 = tpu.memref_squeeze %scatter3A_772 : memref<1x80x136xf32, #tpu.memory_space<vmem>> -> memref<80x136xf32, #tpu.memory_space<vmem>>
        tpu.vector_store_idx %scatter3A_773[%add3A_593, %broadcast_in_dim3A_768], %exp3A_766 : memref<80x136xf32, #tpu.memory_space<vmem>>[vector<16xi32>, vector<16xi32>], vector<16xf32>,
        %broadcast_in_dim3A_774 = arith.constant 3 : i32
        %broadcast_in_dim3A_775 = vector.broadcast %broadcast_in_dim3A_774 : i32 to vector<16xi32>
        %mul3A_776 = arith.mulf %exp3A_766, %add3A_624 : vector<16xf32>
        tpu.vector_store_idx %arg30[%add3A_593, %broadcast_in_dim3A_775], %mul3A_776 : memref<80x16xf32, #tpu.memory_space<vmem>>[vector<16xi32>, vector<16xi32>], vector<16xf32>,
        %get3A_777 = arith.constant 1 : i32
        %get3A_778 = arith.index_cast %get3A_777 : i32 to index
        %get3A_779 = arith.constant 32 : index
        %get3A_780 = tpu.vector_load %arg12[%get3A_778, %get3A_779] {strides = array<i32>} : memref<2x80xi32, #tpu.memory_space<vmem>>, vector<16xi32>,
        %swap3A_781 = arith.constant 1 : i32
        %swap3A_782 = arith.index_cast %swap3A_781 : i32 to index
        %swap3A_783 = arith.constant 32 : index
        %swap3A_784 = tpu.vector_load %arg15[%swap3A_782, %swap3A_783] {strides = array<i32>} : memref<2x80xi32, #tpu.memory_space<vmem>>, vector<16xi32>,
        tpu.vector_store %arg15[%swap3A_782, %swap3A_783], %get3A_780 {strides = array<i32>} : memref<2x80xi32, #tpu.memory_space<vmem>>, vector<16xi32>,
        %add3A_785 = arith.constant 48 : i32
        %add3A_786 = vector.broadcast %add3A_785 : i32 to vector<16xi32>
        %add3A_787 = arith.addi %add3A_786, %iota3A : vector<16xi32>
        %broadcast_in_dim3A_788 = arith.constant 8 : i32
        %broadcast_in_dim3A_789 = vector.broadcast %broadcast_in_dim3A_788 : i32 to vector<16xi32>
        %gather3A_790 = arith.constant 1 : i32
        %gather3A_791 = arith.constant 0 : i32
        %gather3A_792 = arith.constant 0 : i32
        %gather3A_793 = tpu.memref_slice %arg28[%gather3A_790, %gather3A_791, %gather3A_792] : memref<2x80x16xf32, #tpu.memory_space<vmem>> -> memref<1x80x16xf32, #tpu.memory_space<vmem>>
        %gather3A_794 = tpu.memref_squeeze %gather3A_793 : memref<1x80x16xf32, #tpu.memory_space<vmem>> -> memref<80x16xf32, #tpu.memory_space<vmem>>
        %gather3A_795 = tpu.vector_load_idx %gather3A_794[%add3A_787, %broadcast_in_dim3A_789] : memref<80x16xf32, #tpu.memory_space<vmem>>[vector<16xi32>, vector<16xi32>], vector<16xf32>,
        %broadcast_in_dim3A_796 = arith.constant 8 : i32
        %broadcast_in_dim3A_797 = vector.broadcast %broadcast_in_dim3A_796 : i32 to vector<16xi32>
        %gather3A_798 = arith.constant 1 : i32
        %gather3A_799 = arith.constant 0 : i32
        %gather3A_800 = arith.constant 0 : i32
        %gather3A_801 = tpu.memref_slice %arg27[%gather3A_798, %gather3A_799, %gather3A_800] : memref<2x80x16xf32, #tpu.memory_space<vmem>> -> memref<1x80x16xf32, #tpu.memory_space<vmem>>
        %gather3A_802 = tpu.memref_squeeze %gather3A_801 : memref<1x80x16xf32, #tpu.memory_space<vmem>> -> memref<80x16xf32, #tpu.memory_space<vmem>>
        %gather3A_803 = tpu.vector_load_idx %gather3A_802[%add3A_787, %broadcast_in_dim3A_797] : memref<80x16xf32, #tpu.memory_space<vmem>>[vector<16xi32>, vector<16xi32>], vector<16xf32>,
        %add3A_804 = arith.addf %gather3A_795, %gather3A_803 : vector<16xf32>
        %neg3A_805 = arith.constant 0.000000e+00 : f32
        %neg3A_806 = vector.broadcast %neg3A_805 : f32 to vector<16xf32>
        %neg3A_807 = arith.subf %neg3A_806, %add3A_804 : vector<16xf32>
        %exp3A_808 = math.exp %neg3A_807 : vector<16xf32>
        %add3A_809 = arith.constant 1.000000e+00 : f32
        %add3A_810 = vector.broadcast %add3A_809 : f32 to vector<16xf32>
        %add3A_811 = arith.addf %add3A_810, %exp3A_808 : vector<16xf32>
        %div3A_812 = arith.constant 1.000000e+00 : f32
        %div3A_813 = vector.broadcast %div3A_812 : f32 to vector<16xf32>
        %div3A_814 = arith.divf %div3A_813, %add3A_811 : vector<16xf32>
        %mul3A_815 = vector.broadcast %sub3A_3 : f32 to vector<16xf32>
        %mul3A_816 = arith.mulf %mul3A_815, %div3A_814 : vector<16xf32>
        %add3A_817 = vector.broadcast %convert_element_type3A : f32 to vector<16xf32>
        %add3A_818 = arith.addf %add3A_817, %mul3A_816 : vector<16xf32>
        %swap3A_819 = arith.constant 1 : i32
        %swap3A_820 = arith.index_cast %swap3A_819 : i32 to index
        %swap3A_821 = arith.constant 48 : index
        %swap3A_822 = tpu.vector_load %arg9[%swap3A_820, %swap3A_821] {strides = array<i32>} : memref<2x80xf32, #tpu.memory_space<vmem>>, vector<16xf32>,
        tpu.vector_store %arg9[%swap3A_820, %swap3A_821], %div3A_814 {strides = array<i32>} : memref<2x80xf32, #tpu.memory_space<vmem>>, vector<16xf32>,
        %broadcast_in_dim3A_823 = arith.constant 0 : i32
        %broadcast_in_dim3A_824 = vector.broadcast %broadcast_in_dim3A_823 : i32 to vector<16xi32>
        %gather3A_825 = arith.constant 1 : i32
        %gather3A_826 = arith.constant 0 : i32
        %gather3A_827 = arith.constant 0 : i32
        %gather3A_828 = tpu.memref_slice %arg28[%gather3A_825, %gather3A_826, %gather3A_827] : memref<2x80x16xf32, #tpu.memory_space<vmem>> -> memref<1x80x16xf32, #tpu.memory_space<vmem>>
        %gather3A_829 = tpu.memref_squeeze %gather3A_828 : memref<1x80x16xf32, #tpu.memory_space<vmem>> -> memref<80x16xf32, #tpu.memory_space<vmem>>
        %gather3A_830 = tpu.vector_load_idx %gather3A_829[%add3A_787, %broadcast_in_dim3A_824] : memref<80x16xf32, #tpu.memory_space<vmem>>[vector<16xi32>, vector<16xi32>], vector<16xf32>,
        %broadcast_in_dim3A_831 = arith.constant 4 : i32
        %broadcast_in_dim3A_832 = vector.broadcast %broadcast_in_dim3A_831 : i32 to vector<16xi32>
        %gather3A_833 = arith.constant 1 : i32
        %gather3A_834 = arith.constant 0 : i32
        %gather3A_835 = arith.constant 0 : i32
        %gather3A_836 = tpu.memref_slice %arg27[%gather3A_833, %gather3A_834, %gather3A_835] : memref<2x80x16xf32, #tpu.memory_space<vmem>> -> memref<1x80x16xf32, #tpu.memory_space<vmem>>
        %gather3A_837 = tpu.memref_squeeze %gather3A_836 : memref<1x80x16xf32, #tpu.memory_space<vmem>> -> memref<80x16xf32, #tpu.memory_space<vmem>>
        %gather3A_838 = tpu.vector_load_idx %gather3A_837[%add3A_787, %broadcast_in_dim3A_832] : memref<80x16xf32, #tpu.memory_space<vmem>>[vector<16xi32>, vector<16xi32>], vector<16xf32>,
        %add3A_839 = arith.addf %gather3A_830, %gather3A_838 : vector<16xf32>
        %ge3A_840 = arith.constant 0.000000e+00 : f32
        %ge3A_841 = vector.broadcast %ge3A_840 : f32 to vector<16xf32>
        %ge3A_842 = arith.cmpf oge, %add3A_839, %ge3A_841 : vector<16xf32>
        %mul3A_843 = arith.constant 2.000000e-01 : f32
        %mul3A_844 = vector.broadcast %mul3A_843 : f32 to vector<16xf32>
        %mul3A_845 = arith.mulf %mul3A_844, %add3A_839 : vector<16xf32>
        %select_n3A_846 = arith.select %ge3A_842, %add3A_839, %mul3A_845 : vector<16xi1>, vector<16xf32>
        %mul3A_847 = vector.broadcast %sub3A_3 : f32 to vector<16xf32>
        %mul3A_848 = arith.mulf %mul3A_847, %select_n3A_846 : vector<16xf32>
        %exp3A_849 = math.exp %mul3A_848 : vector<16xf32>
        %broadcast_in_dim3A_850 = arith.constant 128 : i32
        %broadcast_in_dim3A_851 = vector.broadcast %broadcast_in_dim3A_850 : i32 to vector<16xi32>
        %scatter3A_852 = arith.constant 1 : i32
        %scatter3A_853 = arith.constant 0 : i32
        %scatter3A_854 = arith.constant 0 : i32
        %scatter3A_855 = tpu.memref_slice %arg26[%scatter3A_852, %scatter3A_853, %scatter3A_854] : memref<2x80x136xf32, #tpu.memory_space<vmem>> -> memref<1x80x136xf32, #tpu.memory_space<vmem>>
        %scatter3A_856 = tpu.memref_squeeze %scatter3A_855 : memref<1x80x136xf32, #tpu.memory_space<vmem>> -> memref<80x136xf32, #tpu.memory_space<vmem>>
        tpu.vector_store_idx %scatter3A_856[%add3A_787, %broadcast_in_dim3A_851], %exp3A_849 : memref<80x136xf32, #tpu.memory_space<vmem>>[vector<16xi32>, vector<16xi32>], vector<16xf32>,
        %broadcast_in_dim3A_857 = arith.constant 0 : i32
        %broadcast_in_dim3A_858 = vector.broadcast %broadcast_in_dim3A_857 : i32 to vector<16xi32>
        %mul3A_859 = arith.mulf %exp3A_849, %add3A_818 : vector<16xf32>
        tpu.vector_store_idx %arg30[%add3A_787, %broadcast_in_dim3A_858], %mul3A_859 : memref<80x16xf32, #tpu.memory_space<vmem>>[vector<16xi32>, vector<16xi32>], vector<16xf32>,
        %broadcast_in_dim3A_860 = arith.constant 1 : i32
        %broadcast_in_dim3A_861 = vector.broadcast %broadcast_in_dim3A_860 : i32 to vector<16xi32>
        %gather3A_862 = arith.constant 1 : i32
        %gather3A_863 = arith.constant 0 : i32
        %gather3A_864 = arith.constant 0 : i32
        %gather3A_865 = tpu.memref_slice %arg28[%gather3A_862, %gather3A_863, %gather3A_864] : memref<2x80x16xf32, #tpu.memory_space<vmem>> -> memref<1x80x16xf32, #tpu.memory_space<vmem>>
        %gather3A_866 = tpu.memref_squeeze %gather3A_865 : memref<1x80x16xf32, #tpu.memory_space<vmem>> -> memref<80x16xf32, #tpu.memory_space<vmem>>
        %gather3A_867 = tpu.vector_load_idx %gather3A_866[%add3A_787, %broadcast_in_dim3A_861] : memref<80x16xf32, #tpu.memory_space<vmem>>[vector<16xi32>, vector<16xi32>], vector<16xf32>,
        %broadcast_in_dim3A_868 = arith.constant 5 : i32
        %broadcast_in_dim3A_869 = vector.broadcast %broadcast_in_dim3A_868 : i32 to vector<16xi32>
        %gather3A_870 = arith.constant 1 : i32
        %gather3A_871 = arith.constant 0 : i32
        %gather3A_872 = arith.constant 0 : i32
        %gather3A_873 = tpu.memref_slice %arg27[%gather3A_870, %gather3A_871, %gather3A_872] : memref<2x80x16xf32, #tpu.memory_space<vmem>> -> memref<1x80x16xf32, #tpu.memory_space<vmem>>
        %gather3A_874 = tpu.memref_squeeze %gather3A_873 : memref<1x80x16xf32, #tpu.memory_space<vmem>> -> memref<80x16xf32, #tpu.memory_space<vmem>>
        %gather3A_875 = tpu.vector_load_idx %gather3A_874[%add3A_787, %broadcast_in_dim3A_869] : memref<80x16xf32, #tpu.memory_space<vmem>>[vector<16xi32>, vector<16xi32>], vector<16xf32>,
        %add3A_876 = arith.addf %gather3A_867, %gather3A_875 : vector<16xf32>
        %ge3A_877 = arith.constant 0.000000e+00 : f32
        %ge3A_878 = vector.broadcast %ge3A_877 : f32 to vector<16xf32>
        %ge3A_879 = arith.cmpf oge, %add3A_876, %ge3A_878 : vector<16xf32>
        %mul3A_880 = arith.constant 2.000000e-01 : f32
        %mul3A_881 = vector.broadcast %mul3A_880 : f32 to vector<16xf32>
        %mul3A_882 = arith.mulf %mul3A_881, %add3A_876 : vector<16xf32>
        %select_n3A_883 = arith.select %ge3A_879, %add3A_876, %mul3A_882 : vector<16xi1>, vector<16xf32>
        %mul3A_884 = vector.broadcast %sub3A_3 : f32 to vector<16xf32>
        %mul3A_885 = arith.mulf %mul3A_884, %select_n3A_883 : vector<16xf32>
        %exp3A_886 = math.exp %mul3A_885 : vector<16xf32>
        %broadcast_in_dim3A_887 = arith.constant 129 : i32
        %broadcast_in_dim3A_888 = vector.broadcast %broadcast_in_dim3A_887 : i32 to vector<16xi32>
        %scatter3A_889 = arith.constant 1 : i32
        %scatter3A_890 = arith.constant 0 : i32
        %scatter3A_891 = arith.constant 0 : i32
        %scatter3A_892 = tpu.memref_slice %arg26[%scatter3A_889, %scatter3A_890, %scatter3A_891] : memref<2x80x136xf32, #tpu.memory_space<vmem>> -> memref<1x80x136xf32, #tpu.memory_space<vmem>>
        %scatter3A_893 = tpu.memref_squeeze %scatter3A_892 : memref<1x80x136xf32, #tpu.memory_space<vmem>> -> memref<80x136xf32, #tpu.memory_space<vmem>>
        tpu.vector_store_idx %scatter3A_893[%add3A_787, %broadcast_in_dim3A_888], %exp3A_886 : memref<80x136xf32, #tpu.memory_space<vmem>>[vector<16xi32>, vector<16xi32>], vector<16xf32>,
        %broadcast_in_dim3A_894 = arith.constant 1 : i32
        %broadcast_in_dim3A_895 = vector.broadcast %broadcast_in_dim3A_894 : i32 to vector<16xi32>
        %mul3A_896 = arith.mulf %exp3A_886, %add3A_818 : vector<16xf32>
        tpu.vector_store_idx %arg30[%add3A_787, %broadcast_in_dim3A_895], %mul3A_896 : memref<80x16xf32, #tpu.memory_space<vmem>>[vector<16xi32>, vector<16xi32>], vector<16xf32>,
        %broadcast_in_dim3A_897 = arith.constant 2 : i32
        %broadcast_in_dim3A_898 = vector.broadcast %broadcast_in_dim3A_897 : i32 to vector<16xi32>
        %gather3A_899 = arith.constant 1 : i32
        %gather3A_900 = arith.constant 0 : i32
        %gather3A_901 = arith.constant 0 : i32
        %gather3A_902 = tpu.memref_slice %arg28[%gather3A_899, %gather3A_900, %gather3A_901] : memref<2x80x16xf32, #tpu.memory_space<vmem>> -> memref<1x80x16xf32, #tpu.memory_space<vmem>>
        %gather3A_903 = tpu.memref_squeeze %gather3A_902 : memref<1x80x16xf32, #tpu.memory_space<vmem>> -> memref<80x16xf32, #tpu.memory_space<vmem>>
        %gather3A_904 = tpu.vector_load_idx %gather3A_903[%add3A_787, %broadcast_in_dim3A_898] : memref<80x16xf32, #tpu.memory_space<vmem>>[vector<16xi32>, vector<16xi32>], vector<16xf32>,
        %broadcast_in_dim3A_905 = arith.constant 6 : i32
        %broadcast_in_dim3A_906 = vector.broadcast %broadcast_in_dim3A_905 : i32 to vector<16xi32>
        %gather3A_907 = arith.constant 1 : i32
        %gather3A_908 = arith.constant 0 : i32
        %gather3A_909 = arith.constant 0 : i32
        %gather3A_910 = tpu.memref_slice %arg27[%gather3A_907, %gather3A_908, %gather3A_909] : memref<2x80x16xf32, #tpu.memory_space<vmem>> -> memref<1x80x16xf32, #tpu.memory_space<vmem>>
        %gather3A_911 = tpu.memref_squeeze %gather3A_910 : memref<1x80x16xf32, #tpu.memory_space<vmem>> -> memref<80x16xf32, #tpu.memory_space<vmem>>
        %gather3A_912 = tpu.vector_load_idx %gather3A_911[%add3A_787, %broadcast_in_dim3A_906] : memref<80x16xf32, #tpu.memory_space<vmem>>[vector<16xi32>, vector<16xi32>], vector<16xf32>,
        %add3A_913 = arith.addf %gather3A_904, %gather3A_912 : vector<16xf32>
        %ge3A_914 = arith.constant 0.000000e+00 : f32
        %ge3A_915 = vector.broadcast %ge3A_914 : f32 to vector<16xf32>
        %ge3A_916 = arith.cmpf oge, %add3A_913, %ge3A_915 : vector<16xf32>
        %mul3A_917 = arith.constant 2.000000e-01 : f32
        %mul3A_918 = vector.broadcast %mul3A_917 : f32 to vector<16xf32>
        %mul3A_919 = arith.mulf %mul3A_918, %add3A_913 : vector<16xf32>
        %select_n3A_920 = arith.select %ge3A_916, %add3A_913, %mul3A_919 : vector<16xi1>, vector<16xf32>
        %mul3A_921 = vector.broadcast %sub3A_3 : f32 to vector<16xf32>
        %mul3A_922 = arith.mulf %mul3A_921, %select_n3A_920 : vector<16xf32>
        %exp3A_923 = math.exp %mul3A_922 : vector<16xf32>
        %broadcast_in_dim3A_924 = arith.constant 130 : i32
        %broadcast_in_dim3A_925 = vector.broadcast %broadcast_in_dim3A_924 : i32 to vector<16xi32>
        %scatter3A_926 = arith.constant 1 : i32
        %scatter3A_927 = arith.constant 0 : i32
        %scatter3A_928 = arith.constant 0 : i32
        %scatter3A_929 = tpu.memref_slice %arg26[%scatter3A_926, %scatter3A_927, %scatter3A_928] : memref<2x80x136xf32, #tpu.memory_space<vmem>> -> memref<1x80x136xf32, #tpu.memory_space<vmem>>
        %scatter3A_930 = tpu.memref_squeeze %scatter3A_929 : memref<1x80x136xf32, #tpu.memory_space<vmem>> -> memref<80x136xf32, #tpu.memory_space<vmem>>
        tpu.vector_store_idx %scatter3A_930[%add3A_787, %broadcast_in_dim3A_925], %exp3A_923 : memref<80x136xf32, #tpu.memory_space<vmem>>[vector<16xi32>, vector<16xi32>], vector<16xf32>,
        %broadcast_in_dim3A_931 = arith.constant 2 : i32
        %broadcast_in_dim3A_932 = vector.broadcast %broadcast_in_dim3A_931 : i32 to vector<16xi32>
        %mul3A_933 = arith.mulf %exp3A_923, %add3A_818 : vector<16xf32>
        tpu.vector_store_idx %arg30[%add3A_787, %broadcast_in_dim3A_932], %mul3A_933 : memref<80x16xf32, #tpu.memory_space<vmem>>[vector<16xi32>, vector<16xi32>], vector<16xf32>,
        %broadcast_in_dim3A_934 = arith.constant 3 : i32
        %broadcast_in_dim3A_935 = vector.broadcast %broadcast_in_dim3A_934 : i32 to vector<16xi32>
        %gather3A_936 = arith.constant 1 : i32
        %gather3A_937 = arith.constant 0 : i32
        %gather3A_938 = arith.constant 0 : i32
        %gather3A_939 = tpu.memref_slice %arg28[%gather3A_936, %gather3A_937, %gather3A_938] : memref<2x80x16xf32, #tpu.memory_space<vmem>> -> memref<1x80x16xf32, #tpu.memory_space<vmem>>
        %gather3A_940 = tpu.memref_squeeze %gather3A_939 : memref<1x80x16xf32, #tpu.memory_space<vmem>> -> memref<80x16xf32, #tpu.memory_space<vmem>>
        %gather3A_941 = tpu.vector_load_idx %gather3A_940[%add3A_787, %broadcast_in_dim3A_935] : memref<80x16xf32, #tpu.memory_space<vmem>>[vector<16xi32>, vector<16xi32>], vector<16xf32>,
        %broadcast_in_dim3A_942 = arith.constant 7 : i32
        %broadcast_in_dim3A_943 = vector.broadcast %broadcast_in_dim3A_942 : i32 to vector<16xi32>
        %gather3A_944 = arith.constant 1 : i32
        %gather3A_945 = arith.constant 0 : i32
        %gather3A_946 = arith.constant 0 : i32
        %gather3A_947 = tpu.memref_slice %arg27[%gather3A_944, %gather3A_945, %gather3A_946] : memref<2x80x16xf32, #tpu.memory_space<vmem>> -> memref<1x80x16xf32, #tpu.memory_space<vmem>>
        %gather3A_948 = tpu.memref_squeeze %gather3A_947 : memref<1x80x16xf32, #tpu.memory_space<vmem>> -> memref<80x16xf32, #tpu.memory_space<vmem>>
        %gather3A_949 = tpu.vector_load_idx %gather3A_948[%add3A_787, %broadcast_in_dim3A_943] : memref<80x16xf32, #tpu.memory_space<vmem>>[vector<16xi32>, vector<16xi32>], vector<16xf32>,
        %add3A_950 = arith.addf %gather3A_941, %gather3A_949 : vector<16xf32>
        %ge3A_951 = arith.constant 0.000000e+00 : f32
        %ge3A_952 = vector.broadcast %ge3A_951 : f32 to vector<16xf32>
        %ge3A_953 = arith.cmpf oge, %add3A_950, %ge3A_952 : vector<16xf32>
        %mul3A_954 = arith.constant 2.000000e-01 : f32
        %mul3A_955 = vector.broadcast %mul3A_954 : f32 to vector<16xf32>
        %mul3A_956 = arith.mulf %mul3A_955, %add3A_950 : vector<16xf32>
        %select_n3A_957 = arith.select %ge3A_953, %add3A_950, %mul3A_956 : vector<16xi1>, vector<16xf32>
        %mul3A_958 = vector.broadcast %sub3A_3 : f32 to vector<16xf32>
        %mul3A_959 = arith.mulf %mul3A_958, %select_n3A_957 : vector<16xf32>
        %exp3A_960 = math.exp %mul3A_959 : vector<16xf32>
        %broadcast_in_dim3A_961 = arith.constant 131 : i32
        %broadcast_in_dim3A_962 = vector.broadcast %broadcast_in_dim3A_961 : i32 to vector<16xi32>
        %scatter3A_963 = arith.constant 1 : i32
        %scatter3A_964 = arith.constant 0 : i32
        %scatter3A_965 = arith.constant 0 : i32
        %scatter3A_966 = tpu.memref_slice %arg26[%scatter3A_963, %scatter3A_964, %scatter3A_965] : memref<2x80x136xf32, #tpu.memory_space<vmem>> -> memref<1x80x136xf32, #tpu.memory_space<vmem>>
        %scatter3A_967 = tpu.memref_squeeze %scatter3A_966 : memref<1x80x136xf32, #tpu.memory_space<vmem>> -> memref<80x136xf32, #tpu.memory_space<vmem>>
        tpu.vector_store_idx %scatter3A_967[%add3A_787, %broadcast_in_dim3A_962], %exp3A_960 : memref<80x136xf32, #tpu.memory_space<vmem>>[vector<16xi32>, vector<16xi32>], vector<16xf32>,
        %broadcast_in_dim3A_968 = arith.constant 3 : i32
        %broadcast_in_dim3A_969 = vector.broadcast %broadcast_in_dim3A_968 : i32 to vector<16xi32>
        %mul3A_970 = arith.mulf %exp3A_960, %add3A_818 : vector<16xf32>
        tpu.vector_store_idx %arg30[%add3A_787, %broadcast_in_dim3A_969], %mul3A_970 : memref<80x16xf32, #tpu.memory_space<vmem>>[vector<16xi32>, vector<16xi32>], vector<16xf32>,
        %get3A_971 = arith.constant 1 : i32
        %get3A_972 = arith.index_cast %get3A_971 : i32 to index
        %get3A_973 = arith.constant 48 : index
        %get3A_974 = tpu.vector_load %arg12[%get3A_972, %get3A_973] {strides = array<i32>} : memref<2x80xi32, #tpu.memory_space<vmem>>, vector<16xi32>,
        %swap3A_975 = arith.constant 1 : i32
        %swap3A_976 = arith.index_cast %swap3A_975 : i32 to index
        %swap3A_977 = arith.constant 48 : index
        %swap3A_978 = tpu.vector_load %arg15[%swap3A_976, %swap3A_977] {strides = array<i32>} : memref<2x80xi32, #tpu.memory_space<vmem>>, vector<16xi32>,
        tpu.vector_store %arg15[%swap3A_976, %swap3A_977], %get3A_974 {strides = array<i32>} : memref<2x80xi32, #tpu.memory_space<vmem>>, vector<16xi32>,
        %add3A_979 = arith.constant 64 : i32
        %add3A_980 = vector.broadcast %add3A_979 : i32 to vector<16xi32>
        %add3A_981 = arith.addi %add3A_980, %iota3A : vector<16xi32>
        %broadcast_in_dim3A_982 = arith.constant 8 : i32
        %broadcast_in_dim3A_983 = vector.broadcast %broadcast_in_dim3A_982 : i32 to vector<16xi32>
        %gather3A_984 = arith.constant 1 : i32
        %gather3A_985 = arith.constant 0 : i32
        %gather3A_986 = arith.constant 0 : i32
        %gather3A_987 = tpu.memref_slice %arg28[%gather3A_984, %gather3A_985, %gather3A_986] : memref<2x80x16xf32, #tpu.memory_space<vmem>> -> memref<1x80x16xf32, #tpu.memory_space<vmem>>
        %gather3A_988 = tpu.memref_squeeze %gather3A_987 : memref<1x80x16xf32, #tpu.memory_space<vmem>> -> memref<80x16xf32, #tpu.memory_space<vmem>>
        %gather3A_989 = tpu.vector_load_idx %gather3A_988[%add3A_981, %broadcast_in_dim3A_983] : memref<80x16xf32, #tpu.memory_space<vmem>>[vector<16xi32>, vector<16xi32>], vector<16xf32>,
        %broadcast_in_dim3A_990 = arith.constant 8 : i32
        %broadcast_in_dim3A_991 = vector.broadcast %broadcast_in_dim3A_990 : i32 to vector<16xi32>
        %gather3A_992 = arith.constant 1 : i32
        %gather3A_993 = arith.constant 0 : i32
        %gather3A_994 = arith.constant 0 : i32
        %gather3A_995 = tpu.memref_slice %arg27[%gather3A_992, %gather3A_993, %gather3A_994] : memref<2x80x16xf32, #tpu.memory_space<vmem>> -> memref<1x80x16xf32, #tpu.memory_space<vmem>>
        %gather3A_996 = tpu.memref_squeeze %gather3A_995 : memref<1x80x16xf32, #tpu.memory_space<vmem>> -> memref<80x16xf32, #tpu.memory_space<vmem>>
        %gather3A_997 = tpu.vector_load_idx %gather3A_996[%add3A_981, %broadcast_in_dim3A_991] : memref<80x16xf32, #tpu.memory_space<vmem>>[vector<16xi32>, vector<16xi32>], vector<16xf32>,
        %add3A_998 = arith.addf %gather3A_989, %gather3A_997 : vector<16xf32>
        %neg3A_999 = arith.constant 0.000000e+00 : f32
        %neg3A_1000 = vector.broadcast %neg3A_999 : f32 to vector<16xf32>
        %neg3A_1001 = arith.subf %neg3A_1000, %add3A_998 : vector<16xf32>
        %exp3A_1002 = math.exp %neg3A_1001 : vector<16xf32>
        %add3A_1003 = arith.constant 1.000000e+00 : f32
        %add3A_1004 = vector.broadcast %add3A_1003 : f32 to vector<16xf32>
        %add3A_1005 = arith.addf %add3A_1004, %exp3A_1002 : vector<16xf32>
        %div3A_1006 = arith.constant 1.000000e+00 : f32
        %div3A_1007 = vector.broadcast %div3A_1006 : f32 to vector<16xf32>
        %div3A_1008 = arith.divf %div3A_1007, %add3A_1005 : vector<16xf32>
        %mul3A_1009 = vector.broadcast %sub3A_3 : f32 to vector<16xf32>
        %mul3A_1010 = arith.mulf %mul3A_1009, %div3A_1008 : vector<16xf32>
        %add3A_1011 = vector.broadcast %convert_element_type3A : f32 to vector<16xf32>
        %add3A_1012 = arith.addf %add3A_1011, %mul3A_1010 : vector<16xf32>
        %swap3A_1013 = arith.constant 1 : i32
        %swap3A_1014 = arith.index_cast %swap3A_1013 : i32 to index
        %swap3A_1015 = arith.constant 64 : index
        %swap3A_1016 = tpu.vector_load %arg9[%swap3A_1014, %swap3A_1015] {strides = array<i32>} : memref<2x80xf32, #tpu.memory_space<vmem>>, vector<16xf32>,
        tpu.vector_store %arg9[%swap3A_1014, %swap3A_1015], %div3A_1008 {strides = array<i32>} : memref<2x80xf32, #tpu.memory_space<vmem>>, vector<16xf32>,
        %broadcast_in_dim3A_1017 = arith.constant 0 : i32
        %broadcast_in_dim3A_1018 = vector.broadcast %broadcast_in_dim3A_1017 : i32 to vector<16xi32>
        %gather3A_1019 = arith.constant 1 : i32
        %gather3A_1020 = arith.constant 0 : i32
        %gather3A_1021 = arith.constant 0 : i32
        %gather3A_1022 = tpu.memref_slice %arg28[%gather3A_1019, %gather3A_1020, %gather3A_1021] : memref<2x80x16xf32, #tpu.memory_space<vmem>> -> memref<1x80x16xf32, #tpu.memory_space<vmem>>
        %gather3A_1023 = tpu.memref_squeeze %gather3A_1022 : memref<1x80x16xf32, #tpu.memory_space<vmem>> -> memref<80x16xf32, #tpu.memory_space<vmem>>
        %gather3A_1024 = tpu.vector_load_idx %gather3A_1023[%add3A_981, %broadcast_in_dim3A_1018] : memref<80x16xf32, #tpu.memory_space<vmem>>[vector<16xi32>, vector<16xi32>], vector<16xf32>,
        %broadcast_in_dim3A_1025 = arith.constant 4 : i32
        %broadcast_in_dim3A_1026 = vector.broadcast %broadcast_in_dim3A_1025 : i32 to vector<16xi32>
        %gather3A_1027 = arith.constant 1 : i32
        %gather3A_1028 = arith.constant 0 : i32
        %gather3A_1029 = arith.constant 0 : i32
        %gather3A_1030 = tpu.memref_slice %arg27[%gather3A_1027, %gather3A_1028, %gather3A_1029] : memref<2x80x16xf32, #tpu.memory_space<vmem>> -> memref<1x80x16xf32, #tpu.memory_space<vmem>>
        %gather3A_1031 = tpu.memref_squeeze %gather3A_1030 : memref<1x80x16xf32, #tpu.memory_space<vmem>> -> memref<80x16xf32, #tpu.memory_space<vmem>>
        %gather3A_1032 = tpu.vector_load_idx %gather3A_1031[%add3A_981, %broadcast_in_dim3A_1026] : memref<80x16xf32, #tpu.memory_space<vmem>>[vector<16xi32>, vector<16xi32>], vector<16xf32>,
        %add3A_1033 = arith.addf %gather3A_1024, %gather3A_1032 : vector<16xf32>
        %ge3A_1034 = arith.constant 0.000000e+00 : f32
        %ge3A_1035 = vector.broadcast %ge3A_1034 : f32 to vector<16xf32>
        %ge3A_1036 = arith.cmpf oge, %add3A_1033, %ge3A_1035 : vector<16xf32>
        %mul3A_1037 = arith.constant 2.000000e-01 : f32
        %mul3A_1038 = vector.broadcast %mul3A_1037 : f32 to vector<16xf32>
        %mul3A_1039 = arith.mulf %mul3A_1038, %add3A_1033 : vector<16xf32>
        %select_n3A_1040 = arith.select %ge3A_1036, %add3A_1033, %mul3A_1039 : vector<16xi1>, vector<16xf32>
        %mul3A_1041 = vector.broadcast %sub3A_3 : f32 to vector<16xf32>
        %mul3A_1042 = arith.mulf %mul3A_1041, %select_n3A_1040 : vector<16xf32>
        %exp3A_1043 = math.exp %mul3A_1042 : vector<16xf32>
        %broadcast_in_dim3A_1044 = arith.constant 128 : i32
        %broadcast_in_dim3A_1045 = vector.broadcast %broadcast_in_dim3A_1044 : i32 to vector<16xi32>
        %scatter3A_1046 = arith.constant 1 : i32
        %scatter3A_1047 = arith.constant 0 : i32
        %scatter3A_1048 = arith.constant 0 : i32
        %scatter3A_1049 = tpu.memref_slice %arg26[%scatter3A_1046, %scatter3A_1047, %scatter3A_1048] : memref<2x80x136xf32, #tpu.memory_space<vmem>> -> memref<1x80x136xf32, #tpu.memory_space<vmem>>
        %scatter3A_1050 = tpu.memref_squeeze %scatter3A_1049 : memref<1x80x136xf32, #tpu.memory_space<vmem>> -> memref<80x136xf32, #tpu.memory_space<vmem>>
        tpu.vector_store_idx %scatter3A_1050[%add3A_981, %broadcast_in_dim3A_1045], %exp3A_1043 : memref<80x136xf32, #tpu.memory_space<vmem>>[vector<16xi32>, vector<16xi32>], vector<16xf32>,
        %broadcast_in_dim3A_1051 = arith.constant 0 : i32
        %broadcast_in_dim3A_1052 = vector.broadcast %broadcast_in_dim3A_1051 : i32 to vector<16xi32>
        %mul3A_1053 = arith.mulf %exp3A_1043, %add3A_1012 : vector<16xf32>
        tpu.vector_store_idx %arg30[%add3A_981, %broadcast_in_dim3A_1052], %mul3A_1053 : memref<80x16xf32, #tpu.memory_space<vmem>>[vector<16xi32>, vector<16xi32>], vector<16xf32>,
        %broadcast_in_dim3A_1054 = arith.constant 1 : i32
        %broadcast_in_dim3A_1055 = vector.broadcast %broadcast_in_dim3A_1054 : i32 to vector<16xi32>
        %gather3A_1056 = arith.constant 1 : i32
        %gather3A_1057 = arith.constant 0 : i32
        %gather3A_1058 = arith.constant 0 : i32
        %gather3A_1059 = tpu.memref_slice %arg28[%gather3A_1056, %gather3A_1057, %gather3A_1058] : memref<2x80x16xf32, #tpu.memory_space<vmem>> -> memref<1x80x16xf32, #tpu.memory_space<vmem>>
        %gather3A_1060 = tpu.memref_squeeze %gather3A_1059 : memref<1x80x16xf32, #tpu.memory_space<vmem>> -> memref<80x16xf32, #tpu.memory_space<vmem>>
        %gather3A_1061 = tpu.vector_load_idx %gather3A_1060[%add3A_981, %broadcast_in_dim3A_1055] : memref<80x16xf32, #tpu.memory_space<vmem>>[vector<16xi32>, vector<16xi32>], vector<16xf32>,
        %broadcast_in_dim3A_1062 = arith.constant 5 : i32
        %broadcast_in_dim3A_1063 = vector.broadcast %broadcast_in_dim3A_1062 : i32 to vector<16xi32>
        %gather3A_1064 = arith.constant 1 : i32
        %gather3A_1065 = arith.constant 0 : i32
        %gather3A_1066 = arith.constant 0 : i32
        %gather3A_1067 = tpu.memref_slice %arg27[%gather3A_1064, %gather3A_1065, %gather3A_1066] : memref<2x80x16xf32, #tpu.memory_space<vmem>> -> memref<1x80x16xf32, #tpu.memory_space<vmem>>
        %gather3A_1068 = tpu.memref_squeeze %gather3A_1067 : memref<1x80x16xf32, #tpu.memory_space<vmem>> -> memref<80x16xf32, #tpu.memory_space<vmem>>
        %gather3A_1069 = tpu.vector_load_idx %gather3A_1068[%add3A_981, %broadcast_in_dim3A_1063] : memref<80x16xf32, #tpu.memory_space<vmem>>[vector<16xi32>, vector<16xi32>], vector<16xf32>,
        %add3A_1070 = arith.addf %gather3A_1061, %gather3A_1069 : vector<16xf32>
        %ge3A_1071 = arith.constant 0.000000e+00 : f32
        %ge3A_1072 = vector.broadcast %ge3A_1071 : f32 to vector<16xf32>
        %ge3A_1073 = arith.cmpf oge, %add3A_1070, %ge3A_1072 : vector<16xf32>
        %mul3A_1074 = arith.constant 2.000000e-01 : f32
        %mul3A_1075 = vector.broadcast %mul3A_1074 : f32 to vector<16xf32>
        %mul3A_1076 = arith.mulf %mul3A_1075, %add3A_1070 : vector<16xf32>
        %select_n3A_1077 = arith.select %ge3A_1073, %add3A_1070, %mul3A_1076 : vector<16xi1>, vector<16xf32>
        %mul3A_1078 = vector.broadcast %sub3A_3 : f32 to vector<16xf32>
        %mul3A_1079 = arith.mulf %mul3A_1078, %select_n3A_1077 : vector<16xf32>
        %exp3A_1080 = math.exp %mul3A_1079 : vector<16xf32>
        %broadcast_in_dim3A_1081 = arith.constant 129 : i32
        %broadcast_in_dim3A_1082 = vector.broadcast %broadcast_in_dim3A_1081 : i32 to vector<16xi32>
        %scatter3A_1083 = arith.constant 1 : i32
        %scatter3A_1084 = arith.constant 0 : i32
        %scatter3A_1085 = arith.constant 0 : i32
        %scatter3A_1086 = tpu.memref_slice %arg26[%scatter3A_1083, %scatter3A_1084, %scatter3A_1085] : memref<2x80x136xf32, #tpu.memory_space<vmem>> -> memref<1x80x136xf32, #tpu.memory_space<vmem>>
        %scatter3A_1087 = tpu.memref_squeeze %scatter3A_1086 : memref<1x80x136xf32, #tpu.memory_space<vmem>> -> memref<80x136xf32, #tpu.memory_space<vmem>>
        tpu.vector_store_idx %scatter3A_1087[%add3A_981, %broadcast_in_dim3A_1082], %exp3A_1080 : memref<80x136xf32, #tpu.memory_space<vmem>>[vector<16xi32>, vector<16xi32>], vector<16xf32>,
        %broadcast_in_dim3A_1088 = arith.constant 1 : i32
        %broadcast_in_dim3A_1089 = vector.broadcast %broadcast_in_dim3A_1088 : i32 to vector<16xi32>
        %mul3A_1090 = arith.mulf %exp3A_1080, %add3A_1012 : vector<16xf32>
        tpu.vector_store_idx %arg30[%add3A_981, %broadcast_in_dim3A_1089], %mul3A_1090 : memref<80x16xf32, #tpu.memory_space<vmem>>[vector<16xi32>, vector<16xi32>], vector<16xf32>,
        %broadcast_in_dim3A_1091 = arith.constant 2 : i32
        %broadcast_in_dim3A_1092 = vector.broadcast %broadcast_in_dim3A_1091 : i32 to vector<16xi32>
        %gather3A_1093 = arith.constant 1 : i32
        %gather3A_1094 = arith.constant 0 : i32
        %gather3A_1095 = arith.constant 0 : i32
        %gather3A_1096 = tpu.memref_slice %arg28[%gather3A_1093, %gather3A_1094, %gather3A_1095] : memref<2x80x16xf32, #tpu.memory_space<vmem>> -> memref<1x80x16xf32, #tpu.memory_space<vmem>>
        %gather3A_1097 = tpu.memref_squeeze %gather3A_1096 : memref<1x80x16xf32, #tpu.memory_space<vmem>> -> memref<80x16xf32, #tpu.memory_space<vmem>>
        %gather3A_1098 = tpu.vector_load_idx %gather3A_1097[%add3A_981, %broadcast_in_dim3A_1092] : memref<80x16xf32, #tpu.memory_space<vmem>>[vector<16xi32>, vector<16xi32>], vector<16xf32>,
        %broadcast_in_dim3A_1099 = arith.constant 6 : i32
        %broadcast_in_dim3A_1100 = vector.broadcast %broadcast_in_dim3A_1099 : i32 to vector<16xi32>
        %gather3A_1101 = arith.constant 1 : i32
        %gather3A_1102 = arith.constant 0 : i32
        %gather3A_1103 = arith.constant 0 : i32
        %gather3A_1104 = tpu.memref_slice %arg27[%gather3A_1101, %gather3A_1102, %gather3A_1103] : memref<2x80x16xf32, #tpu.memory_space<vmem>> -> memref<1x80x16xf32, #tpu.memory_space<vmem>>
        %gather3A_1105 = tpu.memref_squeeze %gather3A_1104 : memref<1x80x16xf32, #tpu.memory_space<vmem>> -> memref<80x16xf32, #tpu.memory_space<vmem>>
        %gather3A_1106 = tpu.vector_load_idx %gather3A_1105[%add3A_981, %broadcast_in_dim3A_1100] : memref<80x16xf32, #tpu.memory_space<vmem>>[vector<16xi32>, vector<16xi32>], vector<16xf32>,
        %add3A_1107 = arith.addf %gather3A_1098, %gather3A_1106 : vector<16xf32>
        %ge3A_1108 = arith.constant 0.000000e+00 : f32
        %ge3A_1109 = vector.broadcast %ge3A_1108 : f32 to vector<16xf32>
        %ge3A_1110 = arith.cmpf oge, %add3A_1107, %ge3A_1109 : vector<16xf32>
        %mul3A_1111 = arith.constant 2.000000e-01 : f32
        %mul3A_1112 = vector.broadcast %mul3A_1111 : f32 to vector<16xf32>
        %mul3A_1113 = arith.mulf %mul3A_1112, %add3A_1107 : vector<16xf32>
        %select_n3A_1114 = arith.select %ge3A_1110, %add3A_1107, %mul3A_1113 : vector<16xi1>, vector<16xf32>
        %mul3A_1115 = vector.broadcast %sub3A_3 : f32 to vector<16xf32>
        %mul3A_1116 = arith.mulf %mul3A_1115, %select_n3A_1114 : vector<16xf32>
        %exp3A_1117 = math.exp %mul3A_1116 : vector<16xf32>
        %broadcast_in_dim3A_1118 = arith.constant 130 : i32
        %broadcast_in_dim3A_1119 = vector.broadcast %broadcast_in_dim3A_1118 : i32 to vector<16xi32>
        %scatter3A_1120 = arith.constant 1 : i32
        %scatter3A_1121 = arith.constant 0 : i32
        %scatter3A_1122 = arith.constant 0 : i32
        %scatter3A_1123 = tpu.memref_slice %arg26[%scatter3A_1120, %scatter3A_1121, %scatter3A_1122] : memref<2x80x136xf32, #tpu.memory_space<vmem>> -> memref<1x80x136xf32, #tpu.memory_space<vmem>>
        %scatter3A_1124 = tpu.memref_squeeze %scatter3A_1123 : memref<1x80x136xf32, #tpu.memory_space<vmem>> -> memref<80x136xf32, #tpu.memory_space<vmem>>
        tpu.vector_store_idx %scatter3A_1124[%add3A_981, %broadcast_in_dim3A_1119], %exp3A_1117 : memref<80x136xf32, #tpu.memory_space<vmem>>[vector<16xi32>, vector<16xi32>], vector<16xf32>,
        %broadcast_in_dim3A_1125 = arith.constant 2 : i32
        %broadcast_in_dim3A_1126 = vector.broadcast %broadcast_in_dim3A_1125 : i32 to vector<16xi32>
        %mul3A_1127 = arith.mulf %exp3A_1117, %add3A_1012 : vector<16xf32>
        tpu.vector_store_idx %arg30[%add3A_981, %broadcast_in_dim3A_1126], %mul3A_1127 : memref<80x16xf32, #tpu.memory_space<vmem>>[vector<16xi32>, vector<16xi32>], vector<16xf32>,
        %broadcast_in_dim3A_1128 = arith.constant 3 : i32
        %broadcast_in_dim3A_1129 = vector.broadcast %broadcast_in_dim3A_1128 : i32 to vector<16xi32>
        %gather3A_1130 = arith.constant 1 : i32
        %gather3A_1131 = arith.constant 0 : i32
        %gather3A_1132 = arith.constant 0 : i32
        %gather3A_1133 = tpu.memref_slice %arg28[%gather3A_1130, %gather3A_1131, %gather3A_1132] : memref<2x80x16xf32, #tpu.memory_space<vmem>> -> memref<1x80x16xf32, #tpu.memory_space<vmem>>
        %gather3A_1134 = tpu.memref_squeeze %gather3A_1133 : memref<1x80x16xf32, #tpu.memory_space<vmem>> -> memref<80x16xf32, #tpu.memory_space<vmem>>
        %gather3A_1135 = tpu.vector_load_idx %gather3A_1134[%add3A_981, %broadcast_in_dim3A_1129] : memref<80x16xf32, #tpu.memory_space<vmem>>[vector<16xi32>, vector<16xi32>], vector<16xf32>,
        %broadcast_in_dim3A_1136 = arith.constant 7 : i32
        %broadcast_in_dim3A_1137 = vector.broadcast %broadcast_in_dim3A_1136 : i32 to vector<16xi32>
        %gather3A_1138 = arith.constant 1 : i32
        %gather3A_1139 = arith.constant 0 : i32
        %gather3A_1140 = arith.constant 0 : i32
        %gather3A_1141 = tpu.memref_slice %arg27[%gather3A_1138, %gather3A_1139, %gather3A_1140] : memref<2x80x16xf32, #tpu.memory_space<vmem>> -> memref<1x80x16xf32, #tpu.memory_space<vmem>>
        %gather3A_1142 = tpu.memref_squeeze %gather3A_1141 : memref<1x80x16xf32, #tpu.memory_space<vmem>> -> memref<80x16xf32, #tpu.memory_space<vmem>>
        %gather3A_1143 = tpu.vector_load_idx %gather3A_1142[%add3A_981, %broadcast_in_dim3A_1137] : memref<80x16xf32, #tpu.memory_space<vmem>>[vector<16xi32>, vector<16xi32>], vector<16xf32>,
        %add3A_1144 = arith.addf %gather3A_1135, %gather3A_1143 : vector<16xf32>
        %ge3A_1145 = arith.constant 0.000000e+00 : f32
        %ge3A_1146 = vector.broadcast %ge3A_1145 : f32 to vector<16xf32>
        %ge3A_1147 = arith.cmpf oge, %add3A_1144, %ge3A_1146 : vector<16xf32>
        %mul3A_1148 = arith.constant 2.000000e-01 : f32
        %mul3A_1149 = vector.broadcast %mul3A_1148 : f32 to vector<16xf32>
        %mul3A_1150 = arith.mulf %mul3A_1149, %add3A_1144 : vector<16xf32>
        %select_n3A_1151 = arith.select %ge3A_1147, %add3A_1144, %mul3A_1150 : vector<16xi1>, vector<16xf32>
        %mul3A_1152 = vector.broadcast %sub3A_3 : f32 to vector<16xf32>
        %mul3A_1153 = arith.mulf %mul3A_1152, %select_n3A_1151 : vector<16xf32>
        %exp3A_1154 = math.exp %mul3A_1153 : vector<16xf32>
        %broadcast_in_dim3A_1155 = arith.constant 131 : i32
        %broadcast_in_dim3A_1156 = vector.broadcast %broadcast_in_dim3A_1155 : i32 to vector<16xi32>
        %scatter3A_1157 = arith.constant 1 : i32
        %scatter3A_1158 = arith.constant 0 : i32
        %scatter3A_1159 = arith.constant 0 : i32
        %scatter3A_1160 = tpu.memref_slice %arg26[%scatter3A_1157, %scatter3A_1158, %scatter3A_1159] : memref<2x80x136xf32, #tpu.memory_space<vmem>> -> memref<1x80x136xf32, #tpu.memory_space<vmem>>
        %scatter3A_1161 = tpu.memref_squeeze %scatter3A_1160 : memref<1x80x136xf32, #tpu.memory_space<vmem>> -> memref<80x136xf32, #tpu.memory_space<vmem>>
        tpu.vector_store_idx %scatter3A_1161[%add3A_981, %broadcast_in_dim3A_1156], %exp3A_1154 : memref<80x136xf32, #tpu.memory_space<vmem>>[vector<16xi32>, vector<16xi32>], vector<16xf32>,
        %broadcast_in_dim3A_1162 = arith.constant 3 : i32
        %broadcast_in_dim3A_1163 = vector.broadcast %broadcast_in_dim3A_1162 : i32 to vector<16xi32>
        %mul3A_1164 = arith.mulf %exp3A_1154, %add3A_1012 : vector<16xf32>
        tpu.vector_store_idx %arg30[%add3A_981, %broadcast_in_dim3A_1163], %mul3A_1164 : memref<80x16xf32, #tpu.memory_space<vmem>>[vector<16xi32>, vector<16xi32>], vector<16xf32>,
        %get3A_1165 = arith.constant 1 : i32
        %get3A_1166 = arith.index_cast %get3A_1165 : i32 to index
        %get3A_1167 = arith.constant 64 : index
        %get3A_1168 = tpu.vector_load %arg12[%get3A_1166, %get3A_1167] {strides = array<i32>} : memref<2x80xi32, #tpu.memory_space<vmem>>, vector<16xi32>,
        %swap3A_1169 = arith.constant 1 : i32
        %swap3A_1170 = arith.index_cast %swap3A_1169 : i32 to index
        %swap3A_1171 = arith.constant 64 : index
        %swap3A_1172 = tpu.vector_load %arg15[%swap3A_1170, %swap3A_1171] {strides = array<i32>} : memref<2x80xi32, #tpu.memory_space<vmem>>, vector<16xi32>,
        tpu.vector_store %arg15[%swap3A_1170, %swap3A_1171], %get3A_1168 {strides = array<i32>} : memref<2x80xi32, #tpu.memory_space<vmem>>, vector<16xi32>,
      } else {
      }
      %add3A_148 = arith.constant 1 : i32
      %add3A_149 = arith.addi %add3A_139, %add3A_148 : i32
      %ge3A_150 = arith.constant 2 : i32
      %ge3A_151 = arith.cmpi sge, %add3A_149, %ge3A_150 : i32
      %sub3A_152 = arith.constant 2 : i32
      %sub3A_153 = arith.subi %add3A_149, %sub3A_152 : i32
      %mul3A_154 = arith.constant 16 : i32
      %mul3A_155 = arith.muli %sub3A_153, %mul3A_154 : i32
      %add3A_156 = arith.addi %arg1, %mul3A_155 : i32
      %lt3A_157 = arith.constant 4000 : i32
      %lt3A_158 = arith.cmpi slt, %add3A_156, %lt3A_157 : i32
      %and3A_159 = arith.andi %ge3A_151, %lt3A_158 : i1
      %convert_element_type3A_160 = arith.extui %and3A_159 : i1 to i32
      %cond3A_161 = arith.constant 0 : i32
      %cond3A_162 = arith.cmpi ne, %convert_element_type3A_160, %cond3A_161 : i32
      scf.if %cond3A_162 {
        %dma_wait3A = arith.constant 0 : i32
        %dma_wait3A_187 = arith.constant 0 : i32
        %dma_wait3A_188 = arith.constant 0 : i32
        %dma_wait3A_189 = arith.constant 0 : i32
        %dma_wait3A_190 = tpu.memref_slice %arg26[%dma_wait3A, %dma_wait3A_188, %dma_wait3A_189] : memref<2x80x136xf32, #tpu.memory_space<vmem>> -> memref<1x80x136xf32, #tpu.memory_space<vmem>>
        %dma_wait3A_191 = tpu.memref_squeeze %dma_wait3A_190 : memref<1x80x136xf32, #tpu.memory_space<vmem>> -> memref<80x136xf32, #tpu.memory_space<vmem>>
        %dma_wait3A_192 = arith.constant 0 : i32
        %dma_wait3A_193 = tpu.memref_slice %arg15[%dma_wait3A_187, %dma_wait3A_192] : memref<2x80xi32, #tpu.memory_space<vmem>> -> memref<1x80xi32, #tpu.memory_space<vmem>>
        %dma_wait3A_194 = tpu.memref_squeeze %dma_wait3A_193 : memref<1x80xi32, #tpu.memory_space<vmem>> -> memref<80xi32, #tpu.memory_space<vmem>>
        %dma_wait3A_195 = arith.constant 0 : i32
        %dma_wait3A_196 = arith.constant 0 : i32
        %dma_wait3A_197 = tpu.memref_slice %arg29[%dma_wait3A_195, %dma_wait3A_196] : memref<10000x136xf32, #tpu.memory_space<vmem_shared>> -> memref<10000x136xf32, #tpu.memory_space<vmem_shared>>
        tpu.wait_indirect_dma semaphore(%arg24 : memref<!tpu.dma_semaphore, #tpu.memory_space<semaphore_mem>>) src(%dma_wait3A_191 : memref<80x136xf32, #tpu.memory_space<vmem>>) dst(%dma_wait3A_197 : memref<10000x136xf32, #tpu.memory_space<vmem_shared>>)
        %eq3A = arith.constant 0 : i32
        %eq3A_198 = arith.cmpi eq, %arg0, %eq3A : i32
        %convert_element_type3A_199 = arith.extui %eq3A_198 : i1 to i32
        %cond3A_200 = arith.constant 0 : i32
        %cond3A_201 = arith.cmpi ne, %convert_element_type3A_199, %cond3A_200 : i32
        scf.if %cond3A_201 {
          %sub3A_202 = arith.constant 2 : i32
          %sub3A_203 = arith.subi %add3A_149, %sub3A_202 : i32
          %mul3A_204 = arith.constant 16 : i32
          %mul3A_205 = arith.muli %sub3A_203, %mul3A_204 : i32
          %add3A_206 = arith.addi %arg1, %mul3A_205 : i32
          %mul3A_207 = arith.constant 80 : i32
          %mul3A_208 = arith.muli %add3A_206, %mul3A_207 : i32
          %dma_wait3A_209 = arith.constant 0 : i32
          %dma_wait3A_210 = arith.constant 0 : i32
          %dma_wait3A_211 = tpu.memref_slice %arg9[%dma_wait3A_209, %dma_wait3A_210] : memref<2x80xf32, #tpu.memory_space<vmem>> -> memref<1x80xf32, #tpu.memory_space<vmem>>
          %dma_wait3A_212 = tpu.memref_squeeze %dma_wait3A_211 : memref<1x80xf32, #tpu.memory_space<vmem>> -> memref<80xf32, #tpu.memory_space<vmem>>
          %dma_wait3A_213 = tpu.memref_slice %arg8[%mul3A_208] : memref<320000xf32, #tpu.memory_space<hbm>> -> memref<80xf32, #tpu.memory_space<hbm>>
          %dma_wait3A_214 = tpu.memref_slice %arg8[%mul3A_208] : memref<320000xf32, #tpu.memory_space<hbm>> -> memref<80xf32, #tpu.memory_space<hbm>>
          %dma_wait3A_215 = arith.constant 0 : i32
          %dma_wait3A_216 = tpu.memref_slice %arg9[%dma_wait3A_209, %dma_wait3A_215] : memref<2x80xf32, #tpu.memory_space<vmem>> -> memref<1x80xf32, #tpu.memory_space<vmem>>
          %dma_wait3A_217 = tpu.memref_squeeze %dma_wait3A_216 : memref<1x80xf32, #tpu.memory_space<vmem>> -> memref<80xf32, #tpu.memory_space<vmem>>
          tpu.wait_dma2 semaphore(%arg16 : memref<!tpu.dma_semaphore, #tpu.memory_space<semaphore_mem>>) src(%dma_wait3A_217 : memref<80xf32, #tpu.memory_space<vmem>>) dst(%dma_wait3A_214 : memref<80xf32, #tpu.memory_space<hbm>>)
        } else {
        }
      } else {
      }
      %mul3A_163 = arith.constant 16 : i32
      %mul3A_164 = arith.muli %add3A_149, %mul3A_163 : i32
      %add3A_165 = arith.addi %arg1, %mul3A_164 : i32
      %lt3A_166 = arith.constant 4000 : i32
      %lt3A_167 = arith.cmpi slt, %add3A_165, %lt3A_166 : i32
      %convert_element_type3A_168 = arith.extui %lt3A_167 : i1 to i32
      %cond3A_169 = arith.constant 0 : i32
      %cond3A_170 = arith.cmpi ne, %convert_element_type3A_168, %cond3A_169 : i32
      scf.if %cond3A_170 {
        %mul3A_187 = arith.constant 16 : i32
        %mul3A_188 = arith.muli %add3A_149, %mul3A_187 : i32
        %add3A_189 = arith.addi %arg1, %mul3A_188 : i32
        %mul3A_190 = arith.constant 80 : i32
        %mul3A_191 = arith.muli %add3A_189, %mul3A_190 : i32
        %dma_wait3A = arith.constant 0 : i32
        %dma_wait3A_192 = arith.constant 0 : i32
        %dma_wait3A_193 = tpu.memref_slice %arg14[%dma_wait3A, %dma_wait3A_192] : memref<2x80xi32, #tpu.memory_space<vmem>> -> memref<1x80xi32, #tpu.memory_space<vmem>>
        %dma_wait3A_194 = tpu.memref_squeeze %dma_wait3A_193 : memref<1x80xi32, #tpu.memory_space<vmem>> -> memref<80xi32, #tpu.memory_space<vmem>>
        %dma_wait3A_195 = tpu.memref_slice %arg4[%mul3A_191] : memref<320000xi32, #tpu.memory_space<hbm>> -> memref<80xi32, #tpu.memory_space<hbm>>
        %dma_wait3A_196 = arith.constant 0 : i32
        %dma_wait3A_197 = tpu.memref_slice %arg14[%dma_wait3A, %dma_wait3A_196] : memref<2x80xi32, #tpu.memory_space<vmem>> -> memref<1x80xi32, #tpu.memory_space<vmem>>
        %dma_wait3A_198 = tpu.memref_squeeze %dma_wait3A_197 : memref<1x80xi32, #tpu.memory_space<vmem>> -> memref<80xi32, #tpu.memory_space<vmem>>
        %dma_wait3A_199 = tpu.memref_slice %arg4[%mul3A_191] : memref<320000xi32, #tpu.memory_space<hbm>> -> memref<80xi32, #tpu.memory_space<hbm>>
        tpu.wait_dma2 semaphore(%arg22 : memref<!tpu.dma_semaphore, #tpu.memory_space<semaphore_mem>>) src(%dma_wait3A_199 : memref<80xi32, #tpu.memory_space<hbm>>) dst(%dma_wait3A_198 : memref<80xi32, #tpu.memory_space<vmem>>)
        %dma_wait3A_200 = arith.constant 0 : i32
        %dma_wait3A_201 = arith.constant 0 : i32
        %dma_wait3A_202 = tpu.memref_slice %arg12[%dma_wait3A_200, %dma_wait3A_201] : memref<2x80xi32, #tpu.memory_space<vmem>> -> memref<1x80xi32, #tpu.memory_space<vmem>>
        %dma_wait3A_203 = tpu.memref_squeeze %dma_wait3A_202 : memref<1x80xi32, #tpu.memory_space<vmem>> -> memref<80xi32, #tpu.memory_space<vmem>>
        %dma_wait3A_204 = tpu.memref_slice %arg5[%mul3A_191] : memref<320000xi32, #tpu.memory_space<hbm>> -> memref<80xi32, #tpu.memory_space<hbm>>
        %dma_wait3A_205 = arith.constant 0 : i32
        %dma_wait3A_206 = tpu.memref_slice %arg12[%dma_wait3A_200, %dma_wait3A_205] : memref<2x80xi32, #tpu.memory_space<vmem>> -> memref<1x80xi32, #tpu.memory_space<vmem>>
        %dma_wait3A_207 = tpu.memref_squeeze %dma_wait3A_206 : memref<1x80xi32, #tpu.memory_space<vmem>> -> memref<80xi32, #tpu.memory_space<vmem>>
        %dma_wait3A_208 = tpu.memref_slice %arg5[%mul3A_191] : memref<320000xi32, #tpu.memory_space<hbm>> -> memref<80xi32, #tpu.memory_space<hbm>>
        tpu.wait_dma2 semaphore(%arg22 : memref<!tpu.dma_semaphore, #tpu.memory_space<semaphore_mem>>) src(%dma_wait3A_208 : memref<80xi32, #tpu.memory_space<hbm>>) dst(%dma_wait3A_207 : memref<80xi32, #tpu.memory_space<vmem>>)
        %get3A = arith.constant 0 : i32
        %get3A_209 = arith.index_cast %get3A : i32 to index
        %get3A_210 = arith.constant 0 : index
        %get3A_211 = tpu.vector_load %arg14[%get3A_209, %get3A_210] {strides = array<i32>} : memref<2x80xi32, #tpu.memory_space<vmem>>, vector<16xi32>,
        %add3A_212 = vector.broadcast %mul3A_0 : i32 to vector<16xi32>
        %add3A_213 = arith.addi %get3A_211, %add3A_212 : vector<16xi32>
        %swap3A = arith.constant 0 : i32
        %swap3A_214 = arith.index_cast %swap3A : i32 to index
        %swap3A_215 = arith.constant 0 : index
        %swap3A_216 = tpu.vector_load %arg14[%swap3A_214, %swap3A_215] {strides = array<i32>} : memref<2x80xi32, #tpu.memory_space<vmem>>, vector<16xi32>,
        tpu.vector_store %arg14[%swap3A_214, %swap3A_215], %add3A_213 {strides = array<i32>} : memref<2x80xi32, #tpu.memory_space<vmem>>, vector<16xi32>,
        %get3A_217 = arith.constant 0 : i32
        %get3A_218 = arith.index_cast %get3A_217 : i32 to index
        %get3A_219 = arith.constant 0 : index
        %get3A_220 = tpu.vector_load %arg12[%get3A_218, %get3A_219] {strides = array<i32>} : memref<2x80xi32, #tpu.memory_space<vmem>>, vector<16xi32>,
        %add3A_221 = vector.broadcast %mul3A_0 : i32 to vector<16xi32>
        %add3A_222 = arith.addi %get3A_220, %add3A_221 : vector<16xi32>
        %swap3A_223 = arith.constant 0 : i32
        %swap3A_224 = arith.index_cast %swap3A_223 : i32 to index
        %swap3A_225 = arith.constant 0 : index
        %swap3A_226 = tpu.vector_load %arg13[%swap3A_224, %swap3A_225] {strides = array<i32>} : memref<2x80xi32, #tpu.memory_space<vmem>>, vector<16xi32>,
        tpu.vector_store %arg13[%swap3A_224, %swap3A_225], %add3A_222 {strides = array<i32>} : memref<2x80xi32, #tpu.memory_space<vmem>>, vector<16xi32>,
        %get3A_227 = arith.constant 0 : i32
        %get3A_228 = arith.index_cast %get3A_227 : i32 to index
        %get3A_229 = arith.constant 16 : index
        %get3A_230 = tpu.vector_load %arg14[%get3A_228, %get3A_229] {strides = array<i32>} : memref<2x80xi32, #tpu.memory_space<vmem>>, vector<16xi32>,
        %add3A_231 = vector.broadcast %mul3A_0 : i32 to vector<16xi32>
        %add3A_232 = arith.addi %get3A_230, %add3A_231 : vector<16xi32>
        %swap3A_233 = arith.constant 0 : i32
        %swap3A_234 = arith.index_cast %swap3A_233 : i32 to index
        %swap3A_235 = arith.constant 16 : index
        %swap3A_236 = tpu.vector_load %arg14[%swap3A_234, %swap3A_235] {strides = array<i32>} : memref<2x80xi32, #tpu.memory_space<vmem>>, vector<16xi32>,
        tpu.vector_store %arg14[%swap3A_234, %swap3A_235], %add3A_232 {strides = array<i32>} : memref<2x80xi32, #tpu.memory_space<vmem>>, vector<16xi32>,
        %get3A_237 = arith.constant 0 : i32
        %get3A_238 = arith.index_cast %get3A_237 : i32 to index
        %get3A_239 = arith.constant 16 : index
        %get3A_240 = tpu.vector_load %arg12[%get3A_238, %get3A_239] {strides = array<i32>} : memref<2x80xi32, #tpu.memory_space<vmem>>, vector<16xi32>,
        %add3A_241 = vector.broadcast %mul3A_0 : i32 to vector<16xi32>
        %add3A_242 = arith.addi %get3A_240, %add3A_241 : vector<16xi32>
        %swap3A_243 = arith.constant 0 : i32
        %swap3A_244 = arith.index_cast %swap3A_243 : i32 to index
        %swap3A_245 = arith.constant 16 : index
        %swap3A_246 = tpu.vector_load %arg13[%swap3A_244, %swap3A_245] {strides = array<i32>} : memref<2x80xi32, #tpu.memory_space<vmem>>, vector<16xi32>,
        tpu.vector_store %arg13[%swap3A_244, %swap3A_245], %add3A_242 {strides = array<i32>} : memref<2x80xi32, #tpu.memory_space<vmem>>, vector<16xi32>,
        %get3A_247 = arith.constant 0 : i32
        %get3A_248 = arith.index_cast %get3A_247 : i32 to index
        %get3A_249 = arith.constant 32 : index
        %get3A_250 = tpu.vector_load %arg14[%get3A_248, %get3A_249] {strides = array<i32>} : memref<2x80xi32, #tpu.memory_space<vmem>>, vector<16xi32>,
        %add3A_251 = vector.broadcast %mul3A_0 : i32 to vector<16xi32>
        %add3A_252 = arith.addi %get3A_250, %add3A_251 : vector<16xi32>
        %swap3A_253 = arith.constant 0 : i32
        %swap3A_254 = arith.index_cast %swap3A_253 : i32 to index
        %swap3A_255 = arith.constant 32 : index
        %swap3A_256 = tpu.vector_load %arg14[%swap3A_254, %swap3A_255] {strides = array<i32>} : memref<2x80xi32, #tpu.memory_space<vmem>>, vector<16xi32>,
        tpu.vector_store %arg14[%swap3A_254, %swap3A_255], %add3A_252 {strides = array<i32>} : memref<2x80xi32, #tpu.memory_space<vmem>>, vector<16xi32>,
        %get3A_257 = arith.constant 0 : i32
        %get3A_258 = arith.index_cast %get3A_257 : i32 to index
        %get3A_259 = arith.constant 32 : index
        %get3A_260 = tpu.vector_load %arg12[%get3A_258, %get3A_259] {strides = array<i32>} : memref<2x80xi32, #tpu.memory_space<vmem>>, vector<16xi32>,
        %add3A_261 = vector.broadcast %mul3A_0 : i32 to vector<16xi32>
        %add3A_262 = arith.addi %get3A_260, %add3A_261 : vector<16xi32>
        %swap3A_263 = arith.constant 0 : i32
        %swap3A_264 = arith.index_cast %swap3A_263 : i32 to index
        %swap3A_265 = arith.constant 32 : index
        %swap3A_266 = tpu.vector_load %arg13[%swap3A_264, %swap3A_265] {strides = array<i32>} : memref<2x80xi32, #tpu.memory_space<vmem>>, vector<16xi32>,
        tpu.vector_store %arg13[%swap3A_264, %swap3A_265], %add3A_262 {strides = array<i32>} : memref<2x80xi32, #tpu.memory_space<vmem>>, vector<16xi32>,
        %get3A_267 = arith.constant 0 : i32
        %get3A_268 = arith.index_cast %get3A_267 : i32 to index
        %get3A_269 = arith.constant 48 : index
        %get3A_270 = tpu.vector_load %arg14[%get3A_268, %get3A_269] {strides = array<i32>} : memref<2x80xi32, #tpu.memory_space<vmem>>, vector<16xi32>,
        %add3A_271 = vector.broadcast %mul3A_0 : i32 to vector<16xi32>
        %add3A_272 = arith.addi %get3A_270, %add3A_271 : vector<16xi32>
        %swap3A_273 = arith.constant 0 : i32
        %swap3A_274 = arith.index_cast %swap3A_273 : i32 to index
        %swap3A_275 = arith.constant 48 : index
        %swap3A_276 = tpu.vector_load %arg14[%swap3A_274, %swap3A_275] {strides = array<i32>} : memref<2x80xi32, #tpu.memory_space<vmem>>, vector<16xi32>,
        tpu.vector_store %arg14[%swap3A_274, %swap3A_275], %add3A_272 {strides = array<i32>} : memref<2x80xi32, #tpu.memory_space<vmem>>, vector<16xi32>,
        %get3A_277 = arith.constant 0 : i32
        %get3A_278 = arith.index_cast %get3A_277 : i32 to index
        %get3A_279 = arith.constant 48 : index
        %get3A_280 = tpu.vector_load %arg12[%get3A_278, %get3A_279] {strides = array<i32>} : memref<2x80xi32, #tpu.memory_space<vmem>>, vector<16xi32>,
        %add3A_281 = vector.broadcast %mul3A_0 : i32 to vector<16xi32>
        %add3A_282 = arith.addi %get3A_280, %add3A_281 : vector<16xi32>
        %swap3A_283 = arith.constant 0 : i32
        %swap3A_284 = arith.index_cast %swap3A_283 : i32 to index
        %swap3A_285 = arith.constant 48 : index
        %swap3A_286 = tpu.vector_load %arg13[%swap3A_284, %swap3A_285] {strides = array<i32>} : memref<2x80xi32, #tpu.memory_space<vmem>>, vector<16xi32>,
        tpu.vector_store %arg13[%swap3A_284, %swap3A_285], %add3A_282 {strides = array<i32>} : memref<2x80xi32, #tpu.memory_space<vmem>>, vector<16xi32>,
        %get3A_287 = arith.constant 0 : i32
        %get3A_288 = arith.index_cast %get3A_287 : i32 to index
        %get3A_289 = arith.constant 64 : index
        %get3A_290 = tpu.vector_load %arg14[%get3A_288, %get3A_289] {strides = array<i32>} : memref<2x80xi32, #tpu.memory_space<vmem>>, vector<16xi32>,
        %add3A_291 = vector.broadcast %mul3A_0 : i32 to vector<16xi32>
        %add3A_292 = arith.addi %get3A_290, %add3A_291 : vector<16xi32>
        %swap3A_293 = arith.constant 0 : i32
        %swap3A_294 = arith.index_cast %swap3A_293 : i32 to index
        %swap3A_295 = arith.constant 64 : index
        %swap3A_296 = tpu.vector_load %arg14[%swap3A_294, %swap3A_295] {strides = array<i32>} : memref<2x80xi32, #tpu.memory_space<vmem>>, vector<16xi32>,
        tpu.vector_store %arg14[%swap3A_294, %swap3A_295], %add3A_292 {strides = array<i32>} : memref<2x80xi32, #tpu.memory_space<vmem>>, vector<16xi32>,
        %get3A_297 = arith.constant 0 : i32
        %get3A_298 = arith.index_cast %get3A_297 : i32 to index
        %get3A_299 = arith.constant 64 : index
        %get3A_300 = tpu.vector_load %arg12[%get3A_298, %get3A_299] {strides = array<i32>} : memref<2x80xi32, #tpu.memory_space<vmem>>, vector<16xi32>,
        %add3A_301 = vector.broadcast %mul3A_0 : i32 to vector<16xi32>
        %add3A_302 = arith.addi %get3A_300, %add3A_301 : vector<16xi32>
        %swap3A_303 = arith.constant 0 : i32
        %swap3A_304 = arith.index_cast %swap3A_303 : i32 to index
        %swap3A_305 = arith.constant 64 : index
        %swap3A_306 = tpu.vector_load %arg13[%swap3A_304, %swap3A_305] {strides = array<i32>} : memref<2x80xi32, #tpu.memory_space<vmem>>, vector<16xi32>,
        tpu.vector_store %arg13[%swap3A_304, %swap3A_305], %add3A_302 {strides = array<i32>} : memref<2x80xi32, #tpu.memory_space<vmem>>, vector<16xi32>,
        %dma_start3A_307 = arith.constant 0 : i32
        %dma_start3A_308 = arith.constant 0 : i32
        %dma_start3A_309 = arith.constant 0 : i32
        %dma_start3A_310 = arith.constant 0 : i32
        %dma_start3A_311 = tpu.memref_slice %arg28[%dma_start3A_308, %dma_start3A_309, %dma_start3A_310] : memref<2x80x16xf32, #tpu.memory_space<vmem>> -> memref<1x80x16xf32, #tpu.memory_space<vmem>>
        %dma_start3A_312 = tpu.memref_squeeze %dma_start3A_311 : memref<1x80x16xf32, #tpu.memory_space<vmem>> -> memref<80x16xf32, #tpu.memory_space<vmem>>
        %dma_start3A_313 = arith.constant 0 : i32
        %dma_start3A_314 = tpu.memref_slice %arg14[%dma_start3A_307, %dma_start3A_313] : memref<2x80xi32, #tpu.memory_space<vmem>> -> memref<1x80xi32, #tpu.memory_space<vmem>>
        %dma_start3A_315 = tpu.memref_squeeze %dma_start3A_314 : memref<1x80xi32, #tpu.memory_space<vmem>> -> memref<80xi32, #tpu.memory_space<vmem>>
        %dma_start3A_316 = arith.constant 0 : i32
        %dma_start3A_317 = arith.constant 0 : i32
        %dma_start3A_318 = tpu.memref_slice %arg3[%dma_start3A_316, %dma_start3A_317] : memref<20000x16xf32, #tpu.memory_space<hbm>> -> memref<20000x16xf32, #tpu.memory_space<hbm>>
        tpu.enqueue_indirect_dma source(%dma_start3A_318 : memref<20000x16xf32, #tpu.memory_space<hbm>>) target(%dma_start3A_312 : memref<80x16xf32, #tpu.memory_space<vmem>>) offsets(%dma_start3A_315 : memref<80xi32, #tpu.memory_space<vmem>>) semaphore(%arg20 : memref<!tpu.dma_semaphore, #tpu.memory_space<semaphore_mem>>)
        %dma_start3A_319 = arith.constant 0 : i32
        %dma_start3A_320 = arith.constant 0 : i32
        %dma_start3A_321 = arith.constant 0 : i32
        %dma_start3A_322 = arith.constant 0 : i32
        %dma_start3A_323 = tpu.memref_slice %arg27[%dma_start3A_320, %dma_start3A_321, %dma_start3A_322] : memref<2x80x16xf32, #tpu.memory_space<vmem>> -> memref<1x80x16xf32, #tpu.memory_space<vmem>>
        %dma_start3A_324 = tpu.memref_squeeze %dma_start3A_323 : memref<1x80x16xf32, #tpu.memory_space<vmem>> -> memref<80x16xf32, #tpu.memory_space<vmem>>
        %dma_start3A_325 = arith.constant 0 : i32
        %dma_start3A_326 = tpu.memref_slice %arg13[%dma_start3A_319, %dma_start3A_325] : memref<2x80xi32, #tpu.memory_space<vmem>> -> memref<1x80xi32, #tpu.memory_space<vmem>>
        %dma_start3A_327 = tpu.memref_squeeze %dma_start3A_326 : memref<1x80xi32, #tpu.memory_space<vmem>> -> memref<80xi32, #tpu.memory_space<vmem>>
        %dma_start3A_328 = arith.constant 0 : i32
        %dma_start3A_329 = arith.constant 0 : i32
        %dma_start3A_330 = tpu.memref_slice %arg3[%dma_start3A_328, %dma_start3A_329] : memref<20000x16xf32, #tpu.memory_space<hbm>> -> memref<20000x16xf32, #tpu.memory_space<hbm>>
        tpu.enqueue_indirect_dma source(%dma_start3A_330 : memref<20000x16xf32, #tpu.memory_space<hbm>>) target(%dma_start3A_324 : memref<80x16xf32, #tpu.memory_space<vmem>>) offsets(%dma_start3A_327 : memref<80xi32, #tpu.memory_space<vmem>>) semaphore(%arg20 : memref<!tpu.dma_semaphore, #tpu.memory_space<semaphore_mem>>)
        %dma_start3A_331 = arith.constant 0 : i32
        %dma_start3A_332 = arith.constant 0 : i32
        %dma_start3A_333 = arith.constant 0 : i32
        %dma_start3A_334 = arith.constant 0 : i32
        %dma_start3A_335 = tpu.memref_slice %arg11[%dma_start3A_332, %dma_start3A_333, %dma_start3A_334] : memref<2x80x128xbf16, #tpu.memory_space<vmem>> -> memref<1x80x128xbf16, #tpu.memory_space<vmem>>
        %dma_start3A_336 = tpu.memref_squeeze %dma_start3A_335 : memref<1x80x128xbf16, #tpu.memory_space<vmem>> -> memref<80x128xbf16, #tpu.memory_space<vmem>>
        %dma_start3A_337 = arith.constant 0 : i32
        %dma_start3A_338 = tpu.memref_slice %arg14[%dma_start3A_331, %dma_start3A_337] : memref<2x80xi32, #tpu.memory_space<vmem>> -> memref<1x80xi32, #tpu.memory_space<vmem>>
        %dma_start3A_339 = tpu.memref_squeeze %dma_start3A_338 : memref<1x80xi32, #tpu.memory_space<vmem>> -> memref<80xi32, #tpu.memory_space<vmem>>
        %dma_start3A_340 = arith.constant 0 : i32
        %dma_start3A_341 = arith.constant 0 : i32
        %dma_start3A_342 = tpu.memref_slice %arg2[%dma_start3A_340, %dma_start3A_341] : memref<20000x128xbf16, #tpu.memory_space<hbm>> -> memref<20000x128xbf16, #tpu.memory_space<hbm>>
        tpu.enqueue_indirect_dma source(%dma_start3A_342 : memref<20000x128xbf16, #tpu.memory_space<hbm>>) target(%dma_start3A_336 : memref<80x128xbf16, #tpu.memory_space<vmem>>) offsets(%dma_start3A_339 : memref<80xi32, #tpu.memory_space<vmem>>) semaphore(%arg18 : memref<!tpu.dma_semaphore, #tpu.memory_space<semaphore_mem>>)
      } else {
      }
      %add3A_171 = arith.constant 1 : i32
      %add3A_172 = arith.addi %add3A_149, %add3A_171 : i32
      %mul3A_173 = arith.constant 16 : i32
      %mul3A_174 = arith.muli %add3A_172, %mul3A_173 : i32
      %add3A_175 = arith.addi %arg1, %mul3A_174 : i32
      %lt3A_176 = arith.constant 4000 : i32
      %lt3A_177 = arith.cmpi slt, %add3A_175, %lt3A_176 : i32
      %convert_element_type3A_178 = arith.extui %lt3A_177 : i1 to i32
      %cond3A_179 = arith.constant 0 : i32
      %cond3A_180 = arith.cmpi ne, %convert_element_type3A_178, %cond3A_179 : i32
      scf.if %cond3A_180 {
        %add3A_187 = arith.constant 1 : i32
        %add3A_188 = arith.addi %add3A_149, %add3A_187 : i32
        %mul3A_189 = arith.constant 16 : i32
        %mul3A_190 = arith.muli %add3A_188, %mul3A_189 : i32
        %add3A_191 = arith.addi %arg1, %mul3A_190 : i32
        %mul3A_192 = arith.constant 80 : i32
        %mul3A_193 = arith.muli %add3A_191, %mul3A_192 : i32
        %dma_start3A_194 = arith.constant 1 : i32
        %dma_start3A_195 = arith.constant 0 : i32
        %dma_start3A_196 = tpu.memref_slice %arg14[%dma_start3A_194, %dma_start3A_195] : memref<2x80xi32, #tpu.memory_space<vmem>> -> memref<1x80xi32, #tpu.memory_space<vmem>>
        %dma_start3A_197 = tpu.memref_squeeze %dma_start3A_196 : memref<1x80xi32, #tpu.memory_space<vmem>> -> memref<80xi32, #tpu.memory_space<vmem>>
        %dma_start3A_198 = tpu.memref_slice %arg4[%mul3A_193] : memref<320000xi32, #tpu.memory_space<hbm>> -> memref<80xi32, #tpu.memory_space<hbm>>
        %dma_start3A_199 = arith.constant 0 : i32
        %dma_start3A_200 = tpu.memref_slice %arg14[%dma_start3A_194, %dma_start3A_199] : memref<2x80xi32, #tpu.memory_space<vmem>> -> memref<1x80xi32, #tpu.memory_space<vmem>>
        %dma_start3A_201 = tpu.memref_squeeze %dma_start3A_200 : memref<1x80xi32, #tpu.memory_space<vmem>> -> memref<80xi32, #tpu.memory_space<vmem>>
        %dma_start3A_202 = tpu.memref_slice %arg4[%mul3A_193] : memref<320000xi32, #tpu.memory_space<hbm>> -> memref<80xi32, #tpu.memory_space<hbm>>
        tpu.enqueue_dma source(%dma_start3A_202 : memref<80xi32, #tpu.memory_space<hbm>>) target(%dma_start3A_201 : memref<80xi32, #tpu.memory_space<vmem>>) target_semaphore(%arg23 : memref<!tpu.dma_semaphore, #tpu.memory_space<semaphore_mem>>)
        %dma_start3A_203 = arith.constant 1 : i32
        %dma_start3A_204 = arith.constant 0 : i32
        %dma_start3A_205 = tpu.memref_slice %arg12[%dma_start3A_203, %dma_start3A_204] : memref<2x80xi32, #tpu.memory_space<vmem>> -> memref<1x80xi32, #tpu.memory_space<vmem>>
        %dma_start3A_206 = tpu.memref_squeeze %dma_start3A_205 : memref<1x80xi32, #tpu.memory_space<vmem>> -> memref<80xi32, #tpu.memory_space<vmem>>
        %dma_start3A_207 = tpu.memref_slice %arg5[%mul3A_193] : memref<320000xi32, #tpu.memory_space<hbm>> -> memref<80xi32, #tpu.memory_space<hbm>>
        %dma_start3A_208 = arith.constant 0 : i32
        %dma_start3A_209 = tpu.memref_slice %arg12[%dma_start3A_203, %dma_start3A_208] : memref<2x80xi32, #tpu.memory_space<vmem>> -> memref<1x80xi32, #tpu.memory_space<vmem>>
        %dma_start3A_210 = tpu.memref_squeeze %dma_start3A_209 : memref<1x80xi32, #tpu.memory_space<vmem>> -> memref<80xi32, #tpu.memory_space<vmem>>
        %dma_start3A_211 = tpu.memref_slice %arg5[%mul3A_193] : memref<320000xi32, #tpu.memory_space<hbm>> -> memref<80xi32, #tpu.memory_space<hbm>>
        tpu.enqueue_dma source(%dma_start3A_211 : memref<80xi32, #tpu.memory_space<hbm>>) target(%dma_start3A_210 : memref<80xi32, #tpu.memory_space<vmem>>) target_semaphore(%arg23 : memref<!tpu.dma_semaphore, #tpu.memory_space<semaphore_mem>>)
      } else {
      }
      %lt3A_181 = arith.constant 4000 : i32
      %lt3A_182 = arith.cmpi slt, %add3A_142, %lt3A_181 : i32
      %convert_element_type3A_183 = arith.extui %lt3A_182 : i1 to i32
      %cond3A_184 = arith.constant 0 : i32
      %cond3A_185 = arith.cmpi ne, %convert_element_type3A_183, %cond3A_184 : i32
      scf.if %cond3A_185 {
        %dma_wait3A = arith.constant 1 : i32
        %dma_wait3A_187 = arith.constant 1 : i32
        %dma_wait3A_188 = arith.constant 0 : i32
        %dma_wait3A_189 = arith.constant 0 : i32
        %dma_wait3A_190 = tpu.memref_slice %arg11[%dma_wait3A_187, %dma_wait3A_188, %dma_wait3A_189] : memref<2x80x128xbf16, #tpu.memory_space<vmem>> -> memref<1x80x128xbf16, #tpu.memory_space<vmem>>
        %dma_wait3A_191 = tpu.memref_squeeze %dma_wait3A_190 : memref<1x80x128xbf16, #tpu.memory_space<vmem>> -> memref<80x128xbf16, #tpu.memory_space<vmem>>
        %dma_wait3A_192 = arith.constant 0 : i32
        %dma_wait3A_193 = tpu.memref_slice %arg14[%dma_wait3A, %dma_wait3A_192] : memref<2x80xi32, #tpu.memory_space<vmem>> -> memref<1x80xi32, #tpu.memory_space<vmem>>
        %dma_wait3A_194 = tpu.memref_squeeze %dma_wait3A_193 : memref<1x80xi32, #tpu.memory_space<vmem>> -> memref<80xi32, #tpu.memory_space<vmem>>
        %dma_wait3A_195 = arith.constant 0 : i32
        %dma_wait3A_196 = arith.constant 0 : i32
        %dma_wait3A_197 = tpu.memref_slice %arg2[%dma_wait3A_195, %dma_wait3A_196] : memref<20000x128xbf16, #tpu.memory_space<hbm>> -> memref<20000x128xbf16, #tpu.memory_space<hbm>>
        tpu.wait_indirect_dma semaphore(%arg19 : memref<!tpu.dma_semaphore, #tpu.memory_space<semaphore_mem>>) src(%dma_wait3A_197 : memref<20000x128xbf16, #tpu.memory_space<hbm>>) dst(%dma_wait3A_191 : memref<80x128xbf16, #tpu.memory_space<vmem>>)
        %scan3A_198 = arith.constant 0 : i32
        %scan3A_199 = arith.constant 0 : i32
        %scan3A_200 = arith.constant 40 : i32
        %scan3A_201 = arith.addi %scan3A_199, %scan3A_200 : i32
        %scan3A_202 = arith.constant 1 : i32
        %scan3A_203 = scf.for %scan3A_221 = %scan3A_199 to %scan3A_201 step %scan3A_202 iter_args(%scan3A_222 = %scan3A_198) -> (i32)  : i32 {
          %mul3A_223 = arith.constant 2 : i32
          %mul3A_224 = arith.muli %scan3A_221, %mul3A_223 : i32
          %get3A = arith.index_cast %mul3A_224 : i32 to index
          %get3A_225 = arith.constant 0 : index
          %get3A_226 = tpu.vector_load %arg30[%get3A, %get3A_225] {strides = array<i32>} : memref<80x16xf32, #tpu.memory_space<vmem>>, vector<16xf32>,
          %add3A_227 = arith.constant 1 : i32
          %add3A_228 = arith.addi %mul3A_224, %add3A_227 : i32
          %get3A_229 = arith.index_cast %add3A_228 : i32 to index
          %get3A_230 = arith.constant 0 : index
          %get3A_231 = tpu.vector_load %arg30[%get3A_229, %get3A_230] {strides = array<i32>} : memref<80x16xf32, #tpu.memory_space<vmem>>, vector<16xf32>,
          %get3A_232 = arith.constant 1 : i32
          %get3A_233 = arith.index_cast %get3A_232 : i32 to index
          %get3A_234 = arith.index_cast %mul3A_224 : i32 to index
          %get3A_235 = arith.constant 0 : index
          %get3A_236 = tpu.vector_load %arg11[%get3A_233, %get3A_234, %get3A_235] {strides = array<i32>} : memref<2x80x128xbf16, #tpu.memory_space<vmem>>, vector<32xbf16>,
          %get3A_237 = arith.constant 1 : i32
          %get3A_238 = arith.index_cast %get3A_237 : i32 to index
          %get3A_239 = arith.index_cast %mul3A_224 : i32 to index
          %get3A_240 = arith.constant 32 : index
          %get3A_241 = tpu.vector_load %arg11[%get3A_238, %get3A_239, %get3A_240] {strides = array<i32>} : memref<2x80x128xbf16, #tpu.memory_space<vmem>>, vector<32xbf16>,
          %get3A_242 = arith.constant 1 : i32
          %get3A_243 = arith.index_cast %get3A_242 : i32 to index
          %get3A_244 = arith.index_cast %mul3A_224 : i32 to index
          %get3A_245 = arith.constant 64 : index
          %get3A_246 = tpu.vector_load %arg11[%get3A_243, %get3A_244, %get3A_245] {strides = array<i32>} : memref<2x80x128xbf16, #tpu.memory_space<vmem>>, vector<32xbf16>,
          %get3A_247 = arith.constant 1 : i32
          %get3A_248 = arith.index_cast %get3A_247 : i32 to index
          %get3A_249 = arith.index_cast %mul3A_224 : i32 to index
          %get3A_250 = arith.constant 96 : index
          %get3A_251 = tpu.vector_load %arg11[%get3A_248, %get3A_249, %get3A_250] {strides = array<i32>} : memref<2x80x128xbf16, #tpu.memory_space<vmem>>, vector<32xbf16>,
          %add3A_252 = arith.constant 1 : i32
          %add3A_253 = arith.addi %mul3A_224, %add3A_252 : i32
          %get3A_254 = arith.constant 1 : i32
          %get3A_255 = arith.index_cast %get3A_254 : i32 to index
          %get3A_256 = arith.index_cast %add3A_253 : i32 to index
          %get3A_257 = arith.constant 0 : index
          %get3A_258 = tpu.vector_load %arg11[%get3A_255, %get3A_256, %get3A_257] {strides = array<i32>} : memref<2x80x128xbf16, #tpu.memory_space<vmem>>, vector<32xbf16>,
          %add3A_259 = arith.constant 1 : i32
          %add3A_260 = arith.addi %mul3A_224, %add3A_259 : i32
          %get3A_261 = arith.constant 1 : i32
          %get3A_262 = arith.index_cast %get3A_261 : i32 to index
          %get3A_263 = arith.index_cast %add3A_260 : i32 to index
          %get3A_264 = arith.constant 32 : index
          %get3A_265 = tpu.vector_load %arg11[%get3A_262, %get3A_263, %get3A_264] {strides = array<i32>} : memref<2x80x128xbf16, #tpu.memory_space<vmem>>, vector<32xbf16>,
          %add3A_266 = arith.constant 1 : i32
          %add3A_267 = arith.addi %mul3A_224, %add3A_266 : i32
          %get3A_268 = arith.constant 1 : i32
          %get3A_269 = arith.index_cast %get3A_268 : i32 to index
          %get3A_270 = arith.index_cast %add3A_267 : i32 to index
          %get3A_271 = arith.constant 64 : index
          %get3A_272 = tpu.vector_load %arg11[%get3A_269, %get3A_270, %get3A_271] {strides = array<i32>} : memref<2x80x128xbf16, #tpu.memory_space<vmem>>, vector<32xbf16>,
          %add3A_273 = arith.constant 1 : i32
          %add3A_274 = arith.addi %mul3A_224, %add3A_273 : i32
          %get3A_275 = arith.constant 1 : i32
          %get3A_276 = arith.index_cast %get3A_275 : i32 to index
          %get3A_277 = arith.index_cast %add3A_274 : i32 to index
          %get3A_278 = arith.constant 96 : index
          %get3A_279 = tpu.vector_load %arg11[%get3A_276, %get3A_277, %get3A_278] {strides = array<i32>} : memref<2x80x128xbf16, #tpu.memory_space<vmem>>, vector<32xbf16>,
          %unpack3A = tpu.unpack_subelements %get3A_236, 0 {pack_format = #tpu.pack_format<interleaved>} : vector<32xbf16> -> vector<16xf32>
          %unpack3A_280 = tpu.unpack_subelements %get3A_236, 1 {pack_format = #tpu.pack_format<interleaved>} : vector<32xbf16> -> vector<16xf32>
          %unpack3A_281 = tpu.unpack_subelements %get3A_258, 0 {pack_format = #tpu.pack_format<interleaved>} : vector<32xbf16> -> vector<16xf32>
          %unpack3A_282 = tpu.unpack_subelements %get3A_258, 1 {pack_format = #tpu.pack_format<interleaved>} : vector<32xbf16> -> vector<16xf32>
          %slice3A = vector.extract_strided_slice %get3A_226 {offsets = [0], sizes = [1], strides = [1]} : vector<16xf32> to vector<1xf32>
          %squeeze3A = vector.extract %slice3A[0] : f32 from vector<1xf32>
          %slice3A_283 = vector.extract_strided_slice %get3A_231 {offsets = [0], sizes = [1], strides = [1]} : vector<16xf32> to vector<1xf32>
          %squeeze3A_284 = vector.extract %slice3A_283[0] : f32 from vector<1xf32>
          %mul3A_285 = vector.broadcast %squeeze3A : f32 to vector<16xf32>
          %mul3A_286 = arith.mulf %unpack3A, %mul3A_285 : vector<16xf32>
          %swap3A = arith.constant 1 : i32
          %swap3A_287 = arith.index_cast %swap3A : i32 to index
          %swap3A_288 = arith.index_cast %mul3A_224 : i32 to index
          %swap3A_289 = arith.constant 0 : index
          %swap3A_290 = tpu.vector_load %arg26[%swap3A_287, %swap3A_288, %swap3A_289] {strides = array<i32>} : memref<2x80x136xf32, #tpu.memory_space<vmem>>, vector<16xf32>,
          tpu.vector_store %arg26[%swap3A_287, %swap3A_288, %swap3A_289], %mul3A_286 {strides = array<i32>} : memref<2x80x136xf32, #tpu.memory_space<vmem>>, vector<16xf32>,
          %mul3A_291 = vector.broadcast %squeeze3A : f32 to vector<16xf32>
          %mul3A_292 = arith.mulf %unpack3A_280, %mul3A_291 : vector<16xf32>
          %swap3A_293 = arith.constant 1 : i32
          %swap3A_294 = arith.index_cast %swap3A_293 : i32 to index
          %swap3A_295 = arith.index_cast %mul3A_224 : i32 to index
          %swap3A_296 = arith.constant 16 : index
          %swap3A_297 = tpu.vector_load %arg26[%swap3A_294, %swap3A_295, %swap3A_296] {strides = array<i32>} : memref<2x80x136xf32, #tpu.memory_space<vmem>>, vector<16xf32>,
          tpu.vector_store %arg26[%swap3A_294, %swap3A_295, %swap3A_296], %mul3A_292 {strides = array<i32>} : memref<2x80x136xf32, #tpu.memory_space<vmem>>, vector<16xf32>,
          %mul3A_298 = vector.broadcast %squeeze3A_284 : f32 to vector<16xf32>
          %mul3A_299 = arith.mulf %unpack3A_281, %mul3A_298 : vector<16xf32>
          %add3A_300 = arith.constant 1 : i32
          %add3A_301 = arith.addi %mul3A_224, %add3A_300 : i32
          %swap3A_302 = arith.constant 1 : i32
          %swap3A_303 = arith.index_cast %swap3A_302 : i32 to index
          %swap3A_304 = arith.index_cast %add3A_301 : i32 to index
          %swap3A_305 = arith.constant 0 : index
          %swap3A_306 = tpu.vector_load %arg26[%swap3A_303, %swap3A_304, %swap3A_305] {strides = array<i32>} : memref<2x80x136xf32, #tpu.memory_space<vmem>>, vector<16xf32>,
          tpu.vector_store %arg26[%swap3A_303, %swap3A_304, %swap3A_305], %mul3A_299 {strides = array<i32>} : memref<2x80x136xf32, #tpu.memory_space<vmem>>, vector<16xf32>,
          %mul3A_307 = vector.broadcast %squeeze3A_284 : f32 to vector<16xf32>
          %mul3A_308 = arith.mulf %unpack3A_282, %mul3A_307 : vector<16xf32>
          %add3A_309 = arith.constant 1 : i32
          %add3A_310 = arith.addi %mul3A_224, %add3A_309 : i32
          %swap3A_311 = arith.constant 1 : i32
          %swap3A_312 = arith.index_cast %swap3A_311 : i32 to index
          %swap3A_313 = arith.index_cast %add3A_310 : i32 to index
          %swap3A_314 = arith.constant 16 : index
          %swap3A_315 = tpu.vector_load %arg26[%swap3A_312, %swap3A_313, %swap3A_314] {strides = array<i32>} : memref<2x80x136xf32, #tpu.memory_space<vmem>>, vector<16xf32>,
          tpu.vector_store %arg26[%swap3A_312, %swap3A_313, %swap3A_314], %mul3A_308 {strides = array<i32>} : memref<2x80x136xf32, #tpu.memory_space<vmem>>, vector<16xf32>,
          %unpack3A_316 = tpu.unpack_subelements %get3A_241, 0 {pack_format = #tpu.pack_format<interleaved>} : vector<32xbf16> -> vector<16xf32>
          %unpack3A_317 = tpu.unpack_subelements %get3A_241, 1 {pack_format = #tpu.pack_format<interleaved>} : vector<32xbf16> -> vector<16xf32>
          %unpack3A_318 = tpu.unpack_subelements %get3A_265, 0 {pack_format = #tpu.pack_format<interleaved>} : vector<32xbf16> -> vector<16xf32>
          %unpack3A_319 = tpu.unpack_subelements %get3A_265, 1 {pack_format = #tpu.pack_format<interleaved>} : vector<32xbf16> -> vector<16xf32>
          %slice3A_320 = vector.extract_strided_slice %get3A_226 {offsets = [1], sizes = [1], strides = [1]} : vector<16xf32> to vector<1xf32>
          %squeeze3A_321 = vector.extract %slice3A_320[0] : f32 from vector<1xf32>
          %slice3A_322 = vector.extract_strided_slice %get3A_231 {offsets = [1], sizes = [1], strides = [1]} : vector<16xf32> to vector<1xf32>
          %squeeze3A_323 = vector.extract %slice3A_322[0] : f32 from vector<1xf32>
          %mul3A_324 = vector.broadcast %squeeze3A_321 : f32 to vector<16xf32>
          %mul3A_325 = arith.mulf %unpack3A_316, %mul3A_324 : vector<16xf32>
          %swap3A_326 = arith.constant 1 : i32
          %swap3A_327 = arith.index_cast %swap3A_326 : i32 to index
          %swap3A_328 = arith.index_cast %mul3A_224 : i32 to index
          %swap3A_329 = arith.constant 32 : index
          %swap3A_330 = tpu.vector_load %arg26[%swap3A_327, %swap3A_328, %swap3A_329] {strides = array<i32>} : memref<2x80x136xf32, #tpu.memory_space<vmem>>, vector<16xf32>,
          tpu.vector_store %arg26[%swap3A_327, %swap3A_328, %swap3A_329], %mul3A_325 {strides = array<i32>} : memref<2x80x136xf32, #tpu.memory_space<vmem>>, vector<16xf32>,
          %mul3A_331 = vector.broadcast %squeeze3A_321 : f32 to vector<16xf32>
          %mul3A_332 = arith.mulf %unpack3A_317, %mul3A_331 : vector<16xf32>
          %swap3A_333 = arith.constant 1 : i32
          %swap3A_334 = arith.index_cast %swap3A_333 : i32 to index
          %swap3A_335 = arith.index_cast %mul3A_224 : i32 to index
          %swap3A_336 = arith.constant 48 : index
          %swap3A_337 = tpu.vector_load %arg26[%swap3A_334, %swap3A_335, %swap3A_336] {strides = array<i32>} : memref<2x80x136xf32, #tpu.memory_space<vmem>>, vector<16xf32>,
          tpu.vector_store %arg26[%swap3A_334, %swap3A_335, %swap3A_336], %mul3A_332 {strides = array<i32>} : memref<2x80x136xf32, #tpu.memory_space<vmem>>, vector<16xf32>,
          %mul3A_338 = vector.broadcast %squeeze3A_323 : f32 to vector<16xf32>
          %mul3A_339 = arith.mulf %unpack3A_318, %mul3A_338 : vector<16xf32>
          %add3A_340 = arith.constant 1 : i32
          %add3A_341 = arith.addi %mul3A_224, %add3A_340 : i32
          %swap3A_342 = arith.constant 1 : i32
          %swap3A_343 = arith.index_cast %swap3A_342 : i32 to index
          %swap3A_344 = arith.index_cast %add3A_341 : i32 to index
          %swap3A_345 = arith.constant 32 : index
          %swap3A_346 = tpu.vector_load %arg26[%swap3A_343, %swap3A_344, %swap3A_345] {strides = array<i32>} : memref<2x80x136xf32, #tpu.memory_space<vmem>>, vector<16xf32>,
          tpu.vector_store %arg26[%swap3A_343, %swap3A_344, %swap3A_345], %mul3A_339 {strides = array<i32>} : memref<2x80x136xf32, #tpu.memory_space<vmem>>, vector<16xf32>,
          %mul3A_347 = vector.broadcast %squeeze3A_323 : f32 to vector<16xf32>
          %mul3A_348 = arith.mulf %unpack3A_319, %mul3A_347 : vector<16xf32>
          %add3A_349 = arith.constant 1 : i32
          %add3A_350 = arith.addi %mul3A_224, %add3A_349 : i32
          %swap3A_351 = arith.constant 1 : i32
          %swap3A_352 = arith.index_cast %swap3A_351 : i32 to index
          %swap3A_353 = arith.index_cast %add3A_350 : i32 to index
          %swap3A_354 = arith.constant 48 : index
          %swap3A_355 = tpu.vector_load %arg26[%swap3A_352, %swap3A_353, %swap3A_354] {strides = array<i32>} : memref<2x80x136xf32, #tpu.memory_space<vmem>>, vector<16xf32>,
          tpu.vector_store %arg26[%swap3A_352, %swap3A_353, %swap3A_354], %mul3A_348 {strides = array<i32>} : memref<2x80x136xf32, #tpu.memory_space<vmem>>, vector<16xf32>,
          %unpack3A_356 = tpu.unpack_subelements %get3A_246, 0 {pack_format = #tpu.pack_format<interleaved>} : vector<32xbf16> -> vector<16xf32>
          %unpack3A_357 = tpu.unpack_subelements %get3A_246, 1 {pack_format = #tpu.pack_format<interleaved>} : vector<32xbf16> -> vector<16xf32>
          %unpack3A_358 = tpu.unpack_subelements %get3A_272, 0 {pack_format = #tpu.pack_format<interleaved>} : vector<32xbf16> -> vector<16xf32>
          %unpack3A_359 = tpu.unpack_subelements %get3A_272, 1 {pack_format = #tpu.pack_format<interleaved>} : vector<32xbf16> -> vector<16xf32>
          %slice3A_360 = vector.extract_strided_slice %get3A_226 {offsets = [2], sizes = [1], strides = [1]} : vector<16xf32> to vector<1xf32>
          %squeeze3A_361 = vector.extract %slice3A_360[0] : f32 from vector<1xf32>
          %slice3A_362 = vector.extract_strided_slice %get3A_231 {offsets = [2], sizes = [1], strides = [1]} : vector<16xf32> to vector<1xf32>
          %squeeze3A_363 = vector.extract %slice3A_362[0] : f32 from vector<1xf32>
          %mul3A_364 = vector.broadcast %squeeze3A_361 : f32 to vector<16xf32>
          %mul3A_365 = arith.mulf %unpack3A_356, %mul3A_364 : vector<16xf32>
          %swap3A_366 = arith.constant 1 : i32
          %swap3A_367 = arith.index_cast %swap3A_366 : i32 to index
          %swap3A_368 = arith.index_cast %mul3A_224 : i32 to index
          %swap3A_369 = arith.constant 64 : index
          %swap3A_370 = tpu.vector_load %arg26[%swap3A_367, %swap3A_368, %swap3A_369] {strides = array<i32>} : memref<2x80x136xf32, #tpu.memory_space<vmem>>, vector<16xf32>,
          tpu.vector_store %arg26[%swap3A_367, %swap3A_368, %swap3A_369], %mul3A_365 {strides = array<i32>} : memref<2x80x136xf32, #tpu.memory_space<vmem>>, vector<16xf32>,
          %mul3A_371 = vector.broadcast %squeeze3A_361 : f32 to vector<16xf32>
          %mul3A_372 = arith.mulf %unpack3A_357, %mul3A_371 : vector<16xf32>
          %swap3A_373 = arith.constant 1 : i32
          %swap3A_374 = arith.index_cast %swap3A_373 : i32 to index
          %swap3A_375 = arith.index_cast %mul3A_224 : i32 to index
          %swap3A_376 = arith.constant 80 : index
          %swap3A_377 = tpu.vector_load %arg26[%swap3A_374, %swap3A_375, %swap3A_376] {strides = array<i32>} : memref<2x80x136xf32, #tpu.memory_space<vmem>>, vector<16xf32>,
          tpu.vector_store %arg26[%swap3A_374, %swap3A_375, %swap3A_376], %mul3A_372 {strides = array<i32>} : memref<2x80x136xf32, #tpu.memory_space<vmem>>, vector<16xf32>,
          %mul3A_378 = vector.broadcast %squeeze3A_363 : f32 to vector<16xf32>
          %mul3A_379 = arith.mulf %unpack3A_358, %mul3A_378 : vector<16xf32>
          %add3A_380 = arith.constant 1 : i32
          %add3A_381 = arith.addi %mul3A_224, %add3A_380 : i32
          %swap3A_382 = arith.constant 1 : i32
          %swap3A_383 = arith.index_cast %swap3A_382 : i32 to index
          %swap3A_384 = arith.index_cast %add3A_381 : i32 to index
          %swap3A_385 = arith.constant 64 : index
          %swap3A_386 = tpu.vector_load %arg26[%swap3A_383, %swap3A_384, %swap3A_385] {strides = array<i32>} : memref<2x80x136xf32, #tpu.memory_space<vmem>>, vector<16xf32>,
          tpu.vector_store %arg26[%swap3A_383, %swap3A_384, %swap3A_385], %mul3A_379 {strides = array<i32>} : memref<2x80x136xf32, #tpu.memory_space<vmem>>, vector<16xf32>,
          %mul3A_387 = vector.broadcast %squeeze3A_363 : f32 to vector<16xf32>
          %mul3A_388 = arith.mulf %unpack3A_359, %mul3A_387 : vector<16xf32>
          %add3A_389 = arith.constant 1 : i32
          %add3A_390 = arith.addi %mul3A_224, %add3A_389 : i32
          %swap3A_391 = arith.constant 1 : i32
          %swap3A_392 = arith.index_cast %swap3A_391 : i32 to index
          %swap3A_393 = arith.index_cast %add3A_390 : i32 to index
          %swap3A_394 = arith.constant 80 : index
          %swap3A_395 = tpu.vector_load %arg26[%swap3A_392, %swap3A_393, %swap3A_394] {strides = array<i32>} : memref<2x80x136xf32, #tpu.memory_space<vmem>>, vector<16xf32>,
          tpu.vector_store %arg26[%swap3A_392, %swap3A_393, %swap3A_394], %mul3A_388 {strides = array<i32>} : memref<2x80x136xf32, #tpu.memory_space<vmem>>, vector<16xf32>,
          %unpack3A_396 = tpu.unpack_subelements %get3A_251, 0 {pack_format = #tpu.pack_format<interleaved>} : vector<32xbf16> -> vector<16xf32>
          %unpack3A_397 = tpu.unpack_subelements %get3A_251, 1 {pack_format = #tpu.pack_format<interleaved>} : vector<32xbf16> -> vector<16xf32>
          %unpack3A_398 = tpu.unpack_subelements %get3A_279, 0 {pack_format = #tpu.pack_format<interleaved>} : vector<32xbf16> -> vector<16xf32>
          %unpack3A_399 = tpu.unpack_subelements %get3A_279, 1 {pack_format = #tpu.pack_format<interleaved>} : vector<32xbf16> -> vector<16xf32>
          %slice3A_400 = vector.extract_strided_slice %get3A_226 {offsets = [3], sizes = [1], strides = [1]} : vector<16xf32> to vector<1xf32>
          %squeeze3A_401 = vector.extract %slice3A_400[0] : f32 from vector<1xf32>
          %slice3A_402 = vector.extract_strided_slice %get3A_231 {offsets = [3], sizes = [1], strides = [1]} : vector<16xf32> to vector<1xf32>
          %squeeze3A_403 = vector.extract %slice3A_402[0] : f32 from vector<1xf32>
          %mul3A_404 = vector.broadcast %squeeze3A_401 : f32 to vector<16xf32>
          %mul3A_405 = arith.mulf %unpack3A_396, %mul3A_404 : vector<16xf32>
          %swap3A_406 = arith.constant 1 : i32
          %swap3A_407 = arith.index_cast %swap3A_406 : i32 to index
          %swap3A_408 = arith.index_cast %mul3A_224 : i32 to index
          %swap3A_409 = arith.constant 96 : index
          %swap3A_410 = tpu.vector_load %arg26[%swap3A_407, %swap3A_408, %swap3A_409] {strides = array<i32>} : memref<2x80x136xf32, #tpu.memory_space<vmem>>, vector<16xf32>,
          tpu.vector_store %arg26[%swap3A_407, %swap3A_408, %swap3A_409], %mul3A_405 {strides = array<i32>} : memref<2x80x136xf32, #tpu.memory_space<vmem>>, vector<16xf32>,
          %mul3A_411 = vector.broadcast %squeeze3A_401 : f32 to vector<16xf32>
          %mul3A_412 = arith.mulf %unpack3A_397, %mul3A_411 : vector<16xf32>
          %swap3A_413 = arith.constant 1 : i32
          %swap3A_414 = arith.index_cast %swap3A_413 : i32 to index
          %swap3A_415 = arith.index_cast %mul3A_224 : i32 to index
          %swap3A_416 = arith.constant 112 : index
          %swap3A_417 = tpu.vector_load %arg26[%swap3A_414, %swap3A_415, %swap3A_416] {strides = array<i32>} : memref<2x80x136xf32, #tpu.memory_space<vmem>>, vector<16xf32>,
          tpu.vector_store %arg26[%swap3A_414, %swap3A_415, %swap3A_416], %mul3A_412 {strides = array<i32>} : memref<2x80x136xf32, #tpu.memory_space<vmem>>, vector<16xf32>,
          %mul3A_418 = vector.broadcast %squeeze3A_403 : f32 to vector<16xf32>
          %mul3A_419 = arith.mulf %unpack3A_398, %mul3A_418 : vector<16xf32>
          %add3A_420 = arith.constant 1 : i32
          %add3A_421 = arith.addi %mul3A_224, %add3A_420 : i32
          %swap3A_422 = arith.constant 1 : i32
          %swap3A_423 = arith.index_cast %swap3A_422 : i32 to index
          %swap3A_424 = arith.index_cast %add3A_421 : i32 to index
          %swap3A_425 = arith.constant 96 : index
          %swap3A_426 = tpu.vector_load %arg26[%swap3A_423, %swap3A_424, %swap3A_425] {strides = array<i32>} : memref<2x80x136xf32, #tpu.memory_space<vmem>>, vector<16xf32>,
          tpu.vector_store %arg26[%swap3A_423, %swap3A_424, %swap3A_425], %mul3A_419 {strides = array<i32>} : memref<2x80x136xf32, #tpu.memory_space<vmem>>, vector<16xf32>,
          %mul3A_427 = vector.broadcast %squeeze3A_403 : f32 to vector<16xf32>
          %mul3A_428 = arith.mulf %unpack3A_399, %mul3A_427 : vector<16xf32>
          %add3A_429 = arith.constant 1 : i32
          %add3A_430 = arith.addi %mul3A_224, %add3A_429 : i32
          %swap3A_431 = arith.constant 1 : i32
          %swap3A_432 = arith.index_cast %swap3A_431 : i32 to index
          %swap3A_433 = arith.index_cast %add3A_430 : i32 to index
          %swap3A_434 = arith.constant 112 : index
          %swap3A_435 = tpu.vector_load %arg26[%swap3A_432, %swap3A_433, %swap3A_434] {strides = array<i32>} : memref<2x80x136xf32, #tpu.memory_space<vmem>>, vector<16xf32>,
          tpu.vector_store %arg26[%swap3A_432, %swap3A_433, %swap3A_434], %mul3A_428 {strides = array<i32>} : memref<2x80x136xf32, #tpu.memory_space<vmem>>, vector<16xf32>,
          %scan3A_436 = arith.constant 0 : i32
          scf.yield %scan3A_436 : i32
        }
        %scan3A_204 = arith.constant 40 : i32
        %dma_start3A_205 = arith.constant 1 : i32
        %dma_start3A_206 = arith.constant 1 : i32
        %dma_start3A_207 = arith.constant 0 : i32
        %dma_start3A_208 = arith.constant 0 : i32
        %dma_start3A_209 = tpu.memref_slice %arg26[%dma_start3A_205, %dma_start3A_207, %dma_start3A_208] : memref<2x80x136xf32, #tpu.memory_space<vmem>> -> memref<1x80x136xf32, #tpu.memory_space<vmem>>
        %dma_start3A_210 = tpu.memref_squeeze %dma_start3A_209 : memref<1x80x136xf32, #tpu.memory_space<vmem>> -> memref<80x136xf32, #tpu.memory_space<vmem>>
        %dma_start3A_211 = arith.constant 0 : i32
        %dma_start3A_212 = tpu.memref_slice %arg15[%dma_start3A_206, %dma_start3A_211] : memref<2x80xi32, #tpu.memory_space<vmem>> -> memref<1x80xi32, #tpu.memory_space<vmem>>
        %dma_start3A_213 = tpu.memref_squeeze %dma_start3A_212 : memref<1x80xi32, #tpu.memory_space<vmem>> -> memref<80xi32, #tpu.memory_space<vmem>>
        %dma_start3A_214 = arith.constant 0 : i32
        %dma_start3A_215 = arith.constant 0 : i32
        %dma_start3A_216 = tpu.memref_slice %arg29[%dma_start3A_214, %dma_start3A_215] : memref<10000x136xf32, #tpu.memory_space<vmem_shared>> -> memref<10000x136xf32, #tpu.memory_space<vmem_shared>>
        tpu.enqueue_indirect_dma source(%dma_start3A_210 : memref<80x136xf32, #tpu.memory_space<vmem>>) target(%dma_start3A_216 : memref<10000x136xf32, #tpu.memory_space<vmem_shared>>) offsets(%dma_start3A_213 : memref<80xi32, #tpu.memory_space<vmem>>) semaphore(%arg25 : memref<!tpu.dma_semaphore, #tpu.memory_space<semaphore_mem>>) {add = true}
        %eq3A = arith.constant 0 : i32
        %eq3A_217 = arith.cmpi eq, %arg0, %eq3A : i32
        %convert_element_type3A_218 = arith.extui %eq3A_217 : i1 to i32
        %cond3A_219 = arith.constant 0 : i32
        %cond3A_220 = arith.cmpi ne, %convert_element_type3A_218, %cond3A_219 : i32
        scf.if %cond3A_220 {
          %mul3A_221 = arith.constant 80 : i32
          %mul3A_222 = arith.muli %add3A_142, %mul3A_221 : i32
          %dma_start3A_223 = arith.constant 1 : i32
          %dma_start3A_224 = arith.constant 0 : i32
          %dma_start3A_225 = tpu.memref_slice %arg9[%dma_start3A_223, %dma_start3A_224] : memref<2x80xf32, #tpu.memory_space<vmem>> -> memref<1x80xf32, #tpu.memory_space<vmem>>
          %dma_start3A_226 = tpu.memref_squeeze %dma_start3A_225 : memref<1x80xf32, #tpu.memory_space<vmem>> -> memref<80xf32, #tpu.memory_space<vmem>>
          %dma_start3A_227 = tpu.memref_slice %arg8[%mul3A_222] : memref<320000xf32, #tpu.memory_space<hbm>> -> memref<80xf32, #tpu.memory_space<hbm>>
          %dma_start3A_228 = tpu.memref_slice %arg8[%mul3A_222] : memref<320000xf32, #tpu.memory_space<hbm>> -> memref<80xf32, #tpu.memory_space<hbm>>
          %dma_start3A_229 = arith.constant 0 : i32
          %dma_start3A_230 = tpu.memref_slice %arg9[%dma_start3A_223, %dma_start3A_229] : memref<2x80xf32, #tpu.memory_space<vmem>> -> memref<1x80xf32, #tpu.memory_space<vmem>>
          %dma_start3A_231 = tpu.memref_squeeze %dma_start3A_230 : memref<1x80xf32, #tpu.memory_space<vmem>> -> memref<80xf32, #tpu.memory_space<vmem>>
          tpu.enqueue_dma source(%dma_start3A_231 : memref<80xf32, #tpu.memory_space<vmem>>) target(%dma_start3A_228 : memref<80xf32, #tpu.memory_space<hbm>>) target_semaphore(%arg17 : memref<!tpu.dma_semaphore, #tpu.memory_space<semaphore_mem>>)
        } else {
        }
      } else {
      }
      %scan3A_186 = arith.constant 0 : i32
      scf.yield %scan3A_186 : i32
    }
    %scan3A_73 = arith.constant 126 : i32
    %barrier3A_74 = arith.constant 0 : index
    tpu.barrier barrier_id(%barrier3A_74)
    %while3A_75 = arith.constant 0 : i32
    %while3A_76 = arith.constant 0 : i32
    %while3A_77 = arith.subi %select_n3A, %while3A_75 : i32
    %while3A_78 = arith.addi %while3A_75, %while3A_77 : i32
    %while3A_79 = arith.constant 1 : i32
    %while3A_80 = arith.divsi %while3A_77, %while3A_79 : i32
    %while3A_81 = arith.muli %while3A_80, %while3A_79 : i32
    %while3A_82 = arith.addi %while3A_75, %while3A_81 : i32
    %while3A_83 = arith.constant 1 : i32
    %while3A_84 = scf.for %while3A_87 = %while3A_75 to %while3A_82 step %while3A_83 iter_args(%while3A_88 = %while3A_76) -> (i32)  : i32 {
      %mul3A_89 = arith.constant 16 : i32
      %mul3A_90 = arith.muli %while3A_87, %mul3A_89 : i32
      %add3A_91 = arith.addi %arg1, %mul3A_90 : i32
      %mul3A_92 = arith.constant 50 : i32
      %mul3A_93 = arith.muli %add3A_91, %mul3A_92 : i32
      %run_scoped3A = arith.constant 0 : i32
      "tpu.region"() ({
        %run_scoped3A_105 = tpu.sem_alloc : memref<!tpu.dma_semaphore, #tpu.memory_space<semaphore_mem>>
        %dma_start3A_106 = arith.constant 0 : i32
        %dma_start3A_107 = arith.constant 0 : i32
        %dma_start3A_108 = tpu.memref_slice %arg26[%run_scoped3A, %dma_start3A_106, %dma_start3A_107] : memref<2x80x136xf32, #tpu.memory_space<vmem>> -> memref<1x50x136xf32, #tpu.memory_space<vmem>>
        %dma_start3A_109 = tpu.memref_squeeze %dma_start3A_108 : memref<1x50x136xf32, #tpu.memory_space<vmem>> -> memref<50x136xf32, #tpu.memory_space<vmem>>
        %dma_start3A_110 = arith.constant 0 : i32
        %dma_start3A_111 = tpu.memref_slice %arg29[%mul3A_93, %dma_start3A_110] : memref<10000x136xf32, #tpu.memory_space<vmem_shared>> -> memref<50x136xf32, #tpu.memory_space<vmem_shared>>
        %dma_start3A_112 = arith.constant 0 : i32
        %dma_start3A_113 = arith.constant 0 : i32
        %dma_start3A_114 = tpu.memref_slice %arg26[%run_scoped3A, %dma_start3A_112, %dma_start3A_113] : memref<2x80x136xf32, #tpu.memory_space<vmem>> -> memref<1x50x136xf32, #tpu.memory_space<vmem>>
        %dma_start3A_115 = tpu.memref_squeeze %dma_start3A_114 : memref<1x50x136xf32, #tpu.memory_space<vmem>> -> memref<50x136xf32, #tpu.memory_space<vmem>>
        %dma_start3A_116 = arith.constant 0 : i32
        %dma_start3A_117 = tpu.memref_slice %arg29[%mul3A_93, %dma_start3A_116] : memref<10000x136xf32, #tpu.memory_space<vmem_shared>> -> memref<50x136xf32, #tpu.memory_space<vmem_shared>>
        tpu.enqueue_dma source(%dma_start3A_117 : memref<50x136xf32, #tpu.memory_space<vmem_shared>>) target(%dma_start3A_115 : memref<50x136xf32, #tpu.memory_space<vmem>>) target_semaphore(%run_scoped3A_105 : memref<!tpu.dma_semaphore, #tpu.memory_space<semaphore_mem>>)
        %dma_wait3A = arith.constant 0 : i32
        %dma_wait3A_118 = arith.constant 0 : i32
        %dma_wait3A_119 = tpu.memref_slice %arg26[%run_scoped3A, %dma_wait3A, %dma_wait3A_118] : memref<2x80x136xf32, #tpu.memory_space<vmem>> -> memref<1x50x136xf32, #tpu.memory_space<vmem>>
        %dma_wait3A_120 = tpu.memref_squeeze %dma_wait3A_119 : memref<1x50x136xf32, #tpu.memory_space<vmem>> -> memref<50x136xf32, #tpu.memory_space<vmem>>
        %dma_wait3A_121 = arith.constant 0 : i32
        %dma_wait3A_122 = tpu.memref_slice %arg29[%mul3A_93, %dma_wait3A_121] : memref<10000x136xf32, #tpu.memory_space<vmem_shared>> -> memref<50x136xf32, #tpu.memory_space<vmem_shared>>
        %dma_wait3A_123 = arith.constant 0 : i32
        %dma_wait3A_124 = arith.constant 0 : i32
        %dma_wait3A_125 = tpu.memref_slice %arg26[%run_scoped3A, %dma_wait3A_123, %dma_wait3A_124] : memref<2x80x136xf32, #tpu.memory_space<vmem>> -> memref<1x50x136xf32, #tpu.memory_space<vmem>>
        %dma_wait3A_126 = tpu.memref_squeeze %dma_wait3A_125 : memref<1x50x136xf32, #tpu.memory_space<vmem>> -> memref<50x136xf32, #tpu.memory_space<vmem>>
        %dma_wait3A_127 = arith.constant 0 : i32
        %dma_wait3A_128 = tpu.memref_slice %arg29[%mul3A_93, %dma_wait3A_127] : memref<10000x136xf32, #tpu.memory_space<vmem_shared>> -> memref<50x136xf32, #tpu.memory_space<vmem_shared>>
        tpu.wait_dma2 semaphore(%run_scoped3A_105 : memref<!tpu.dma_semaphore, #tpu.memory_space<semaphore_mem>>) src(%dma_wait3A_128 : memref<50x136xf32, #tpu.memory_space<vmem_shared>>) dst(%dma_wait3A_126 : memref<50x136xf32, #tpu.memory_space<vmem>>)
        tpu.yield
      }) : () -> ()
      %scan3A_94 = arith.constant 0 : i32
      %scan3A_95 = arith.constant 0 : i32
      %scan3A_96 = arith.constant 50 : i32
      %scan3A_97 = arith.addi %scan3A_95, %scan3A_96 : i32
      %scan3A_98 = arith.constant 1 : i32
      %scan3A_99 = scf.for %scan3A_105 = %scan3A_95 to %scan3A_97 step %scan3A_98 iter_args(%scan3A_106 = %scan3A_94) -> (i32)  : i32 {
        %get3A = arith.constant 0 : i32
        %get3A_107 = arith.index_cast %get3A : i32 to index
        %get3A_108 = arith.index_cast %scan3A_105 : i32 to index
        %get3A_109 = arith.constant 120 : index
        %get3A_110 = tpu.vector_load %arg26[%get3A_107, %get3A_108, %get3A_109] {strides = array<i32>} : memref<2x80x136xf32, #tpu.memory_space<vmem>>, vector<16xf32>,
        %gt3A = arith.constant 0.000000e+00 : f32
        %gt3A_111 = vector.broadcast %gt3A : f32 to vector<16xf32>
        %gt3A_112 = arith.cmpf ogt, %get3A_110, %gt3A_111 : vector<16xf32>
        %div3A = arith.constant 1.000000e+00 : f32
        %div3A_113 = vector.broadcast %div3A : f32 to vector<16xf32>
        %div3A_114 = arith.divf %div3A_113, %get3A_110 : vector<16xf32>
        %jit3A_115 = arith.constant 0.000000e+00 : f32
        %broadcast_in_dim3A_116 = vector.broadcast %jit3A_115 : f32 to vector<16xf32>
        %select_n3A_117 = arith.select %gt3A_112, %div3A_114, %broadcast_in_dim3A_116 : vector<16xi1>, vector<16xf32>
        %get3A_118 = arith.constant 0 : i32
        %get3A_119 = arith.index_cast %get3A_118 : i32 to index
        %get3A_120 = arith.index_cast %scan3A_105 : i32 to index
        %get3A_121 = arith.constant 0 : index
        %get3A_122 = tpu.vector_load %arg26[%get3A_119, %get3A_120, %get3A_121] {strides = array<i32>} : memref<2x80x136xf32, #tpu.memory_space<vmem>>, vector<16xf32>,
        %get3A_123 = arith.constant 0 : i32
        %get3A_124 = arith.index_cast %get3A_123 : i32 to index
        %get3A_125 = arith.index_cast %scan3A_105 : i32 to index
        %get3A_126 = arith.constant 16 : index
        %get3A_127 = tpu.vector_load %arg26[%get3A_124, %get3A_125, %get3A_126] {strides = array<i32>} : memref<2x80x136xf32, #tpu.memory_space<vmem>>, vector<16xf32>,
        %get3A_128 = arith.constant 0 : i32
        %get3A_129 = arith.index_cast %get3A_128 : i32 to index
        %get3A_130 = arith.index_cast %scan3A_105 : i32 to index
        %get3A_131 = arith.constant 32 : index
        %get3A_132 = tpu.vector_load %arg26[%get3A_129, %get3A_130, %get3A_131] {strides = array<i32>} : memref<2x80x136xf32, #tpu.memory_space<vmem>>, vector<16xf32>,
        %get3A_133 = arith.constant 0 : i32
        %get3A_134 = arith.index_cast %get3A_133 : i32 to index
        %get3A_135 = arith.index_cast %scan3A_105 : i32 to index
        %get3A_136 = arith.constant 48 : index
        %get3A_137 = tpu.vector_load %arg26[%get3A_134, %get3A_135, %get3A_136] {strides = array<i32>} : memref<2x80x136xf32, #tpu.memory_space<vmem>>, vector<16xf32>,
        %get3A_138 = arith.constant 0 : i32
        %get3A_139 = arith.index_cast %get3A_138 : i32 to index
        %get3A_140 = arith.index_cast %scan3A_105 : i32 to index
        %get3A_141 = arith.constant 64 : index
        %get3A_142 = tpu.vector_load %arg26[%get3A_139, %get3A_140, %get3A_141] {strides = array<i32>} : memref<2x80x136xf32, #tpu.memory_space<vmem>>, vector<16xf32>,
        %get3A_143 = arith.constant 0 : i32
        %get3A_144 = arith.index_cast %get3A_143 : i32 to index
        %get3A_145 = arith.index_cast %scan3A_105 : i32 to index
        %get3A_146 = arith.constant 80 : index
        %get3A_147 = tpu.vector_load %arg26[%get3A_144, %get3A_145, %get3A_146] {strides = array<i32>} : memref<2x80x136xf32, #tpu.memory_space<vmem>>, vector<16xf32>,
        %get3A_148 = arith.constant 0 : i32
        %get3A_149 = arith.index_cast %get3A_148 : i32 to index
        %get3A_150 = arith.index_cast %scan3A_105 : i32 to index
        %get3A_151 = arith.constant 96 : index
        %get3A_152 = tpu.vector_load %arg26[%get3A_149, %get3A_150, %get3A_151] {strides = array<i32>} : memref<2x80x136xf32, #tpu.memory_space<vmem>>, vector<16xf32>,
        %get3A_153 = arith.constant 0 : i32
        %get3A_154 = arith.index_cast %get3A_153 : i32 to index
        %get3A_155 = arith.index_cast %scan3A_105 : i32 to index
        %get3A_156 = arith.constant 112 : index
        %get3A_157 = tpu.vector_load %arg26[%get3A_154, %get3A_155, %get3A_156] {strides = array<i32>} : memref<2x80x136xf32, #tpu.memory_space<vmem>>, vector<16xf32>,
        %slice3A = vector.extract_strided_slice %select_n3A_117 {offsets = [8], sizes = [1], strides = [1]} : vector<16xf32> to vector<1xf32>
        %squeeze3A = vector.extract %slice3A[0] : f32 from vector<1xf32>
        %mul3A_158 = vector.broadcast %squeeze3A : f32 to vector<16xf32>
        %mul3A_159 = arith.mulf %get3A_122, %mul3A_158 : vector<16xf32>
        %get3A_160 = arith.constant 0 : index
        %get3A_161 = tpu.vector_load %arg10[%get3A_160] {strides = array<i32>} : memref<128xf32, #tpu.memory_space<vmem>>, vector<16xf32>,
        %add3A_162 = arith.addf %mul3A_159, %get3A_161 : vector<16xf32>
        %swap3A = arith.constant 1 : i32
        %swap3A_163 = arith.index_cast %swap3A : i32 to index
        %swap3A_164 = arith.index_cast %scan3A_105 : i32 to index
        %swap3A_165 = arith.constant 0 : index
        %swap3A_166 = tpu.vector_load %arg26[%swap3A_163, %swap3A_164, %swap3A_165] {strides = array<i32>} : memref<2x80x136xf32, #tpu.memory_space<vmem>>, vector<16xf32>,
        tpu.vector_store %arg26[%swap3A_163, %swap3A_164, %swap3A_165], %add3A_162 {strides = array<i32>} : memref<2x80x136xf32, #tpu.memory_space<vmem>>, vector<16xf32>,
        %mul3A_167 = vector.broadcast %squeeze3A : f32 to vector<16xf32>
        %mul3A_168 = arith.mulf %get3A_127, %mul3A_167 : vector<16xf32>
        %get3A_169 = arith.constant 16 : index
        %get3A_170 = tpu.vector_load %arg10[%get3A_169] {strides = array<i32>} : memref<128xf32, #tpu.memory_space<vmem>>, vector<16xf32>,
        %add3A_171 = arith.addf %mul3A_168, %get3A_170 : vector<16xf32>
        %swap3A_172 = arith.constant 1 : i32
        %swap3A_173 = arith.index_cast %swap3A_172 : i32 to index
        %swap3A_174 = arith.index_cast %scan3A_105 : i32 to index
        %swap3A_175 = arith.constant 16 : index
        %swap3A_176 = tpu.vector_load %arg26[%swap3A_173, %swap3A_174, %swap3A_175] {strides = array<i32>} : memref<2x80x136xf32, #tpu.memory_space<vmem>>, vector<16xf32>,
        tpu.vector_store %arg26[%swap3A_173, %swap3A_174, %swap3A_175], %add3A_171 {strides = array<i32>} : memref<2x80x136xf32, #tpu.memory_space<vmem>>, vector<16xf32>,
        %slice3A_177 = vector.extract_strided_slice %select_n3A_117 {offsets = [9], sizes = [1], strides = [1]} : vector<16xf32> to vector<1xf32>
        %squeeze3A_178 = vector.extract %slice3A_177[0] : f32 from vector<1xf32>
        %mul3A_179 = vector.broadcast %squeeze3A_178 : f32 to vector<16xf32>
        %mul3A_180 = arith.mulf %get3A_132, %mul3A_179 : vector<16xf32>
        %get3A_181 = arith.constant 32 : index
        %get3A_182 = tpu.vector_load %arg10[%get3A_181] {strides = array<i32>} : memref<128xf32, #tpu.memory_space<vmem>>, vector<16xf32>,
        %add3A_183 = arith.addf %mul3A_180, %get3A_182 : vector<16xf32>
        %swap3A_184 = arith.constant 1 : i32
        %swap3A_185 = arith.index_cast %swap3A_184 : i32 to index
        %swap3A_186 = arith.index_cast %scan3A_105 : i32 to index
        %swap3A_187 = arith.constant 32 : index
        %swap3A_188 = tpu.vector_load %arg26[%swap3A_185, %swap3A_186, %swap3A_187] {strides = array<i32>} : memref<2x80x136xf32, #tpu.memory_space<vmem>>, vector<16xf32>,
        tpu.vector_store %arg26[%swap3A_185, %swap3A_186, %swap3A_187], %add3A_183 {strides = array<i32>} : memref<2x80x136xf32, #tpu.memory_space<vmem>>, vector<16xf32>,
        %mul3A_189 = vector.broadcast %squeeze3A_178 : f32 to vector<16xf32>
        %mul3A_190 = arith.mulf %get3A_137, %mul3A_189 : vector<16xf32>
        %get3A_191 = arith.constant 48 : index
        %get3A_192 = tpu.vector_load %arg10[%get3A_191] {strides = array<i32>} : memref<128xf32, #tpu.memory_space<vmem>>, vector<16xf32>,
        %add3A_193 = arith.addf %mul3A_190, %get3A_192 : vector<16xf32>
        %swap3A_194 = arith.constant 1 : i32
        %swap3A_195 = arith.index_cast %swap3A_194 : i32 to index
        %swap3A_196 = arith.index_cast %scan3A_105 : i32 to index
        %swap3A_197 = arith.constant 48 : index
        %swap3A_198 = tpu.vector_load %arg26[%swap3A_195, %swap3A_196, %swap3A_197] {strides = array<i32>} : memref<2x80x136xf32, #tpu.memory_space<vmem>>, vector<16xf32>,
        tpu.vector_store %arg26[%swap3A_195, %swap3A_196, %swap3A_197], %add3A_193 {strides = array<i32>} : memref<2x80x136xf32, #tpu.memory_space<vmem>>, vector<16xf32>,
        %slice3A_199 = vector.extract_strided_slice %select_n3A_117 {offsets = [10], sizes = [1], strides = [1]} : vector<16xf32> to vector<1xf32>
        %squeeze3A_200 = vector.extract %slice3A_199[0] : f32 from vector<1xf32>
        %mul3A_201 = vector.broadcast %squeeze3A_200 : f32 to vector<16xf32>
        %mul3A_202 = arith.mulf %get3A_142, %mul3A_201 : vector<16xf32>
        %get3A_203 = arith.constant 64 : index
        %get3A_204 = tpu.vector_load %arg10[%get3A_203] {strides = array<i32>} : memref<128xf32, #tpu.memory_space<vmem>>, vector<16xf32>,
        %add3A_205 = arith.addf %mul3A_202, %get3A_204 : vector<16xf32>
        %swap3A_206 = arith.constant 1 : i32
        %swap3A_207 = arith.index_cast %swap3A_206 : i32 to index
        %swap3A_208 = arith.index_cast %scan3A_105 : i32 to index
        %swap3A_209 = arith.constant 64 : index
        %swap3A_210 = tpu.vector_load %arg26[%swap3A_207, %swap3A_208, %swap3A_209] {strides = array<i32>} : memref<2x80x136xf32, #tpu.memory_space<vmem>>, vector<16xf32>,
        tpu.vector_store %arg26[%swap3A_207, %swap3A_208, %swap3A_209], %add3A_205 {strides = array<i32>} : memref<2x80x136xf32, #tpu.memory_space<vmem>>, vector<16xf32>,
        %mul3A_211 = vector.broadcast %squeeze3A_200 : f32 to vector<16xf32>
        %mul3A_212 = arith.mulf %get3A_147, %mul3A_211 : vector<16xf32>
        %get3A_213 = arith.constant 80 : index
        %get3A_214 = tpu.vector_load %arg10[%get3A_213] {strides = array<i32>} : memref<128xf32, #tpu.memory_space<vmem>>, vector<16xf32>,
        %add3A_215 = arith.addf %mul3A_212, %get3A_214 : vector<16xf32>
        %swap3A_216 = arith.constant 1 : i32
        %swap3A_217 = arith.index_cast %swap3A_216 : i32 to index
        %swap3A_218 = arith.index_cast %scan3A_105 : i32 to index
        %swap3A_219 = arith.constant 80 : index
        %swap3A_220 = tpu.vector_load %arg26[%swap3A_217, %swap3A_218, %swap3A_219] {strides = array<i32>} : memref<2x80x136xf32, #tpu.memory_space<vmem>>, vector<16xf32>,
        tpu.vector_store %arg26[%swap3A_217, %swap3A_218, %swap3A_219], %add3A_215 {strides = array<i32>} : memref<2x80x136xf32, #tpu.memory_space<vmem>>, vector<16xf32>,
        %slice3A_221 = vector.extract_strided_slice %select_n3A_117 {offsets = [11], sizes = [1], strides = [1]} : vector<16xf32> to vector<1xf32>
        %squeeze3A_222 = vector.extract %slice3A_221[0] : f32 from vector<1xf32>
        %mul3A_223 = vector.broadcast %squeeze3A_222 : f32 to vector<16xf32>
        %mul3A_224 = arith.mulf %get3A_152, %mul3A_223 : vector<16xf32>
        %get3A_225 = arith.constant 96 : index
        %get3A_226 = tpu.vector_load %arg10[%get3A_225] {strides = array<i32>} : memref<128xf32, #tpu.memory_space<vmem>>, vector<16xf32>,
        %add3A_227 = arith.addf %mul3A_224, %get3A_226 : vector<16xf32>
        %swap3A_228 = arith.constant 1 : i32
        %swap3A_229 = arith.index_cast %swap3A_228 : i32 to index
        %swap3A_230 = arith.index_cast %scan3A_105 : i32 to index
        %swap3A_231 = arith.constant 96 : index
        %swap3A_232 = tpu.vector_load %arg26[%swap3A_229, %swap3A_230, %swap3A_231] {strides = array<i32>} : memref<2x80x136xf32, #tpu.memory_space<vmem>>, vector<16xf32>,
        tpu.vector_store %arg26[%swap3A_229, %swap3A_230, %swap3A_231], %add3A_227 {strides = array<i32>} : memref<2x80x136xf32, #tpu.memory_space<vmem>>, vector<16xf32>,
        %mul3A_233 = vector.broadcast %squeeze3A_222 : f32 to vector<16xf32>
        %mul3A_234 = arith.mulf %get3A_157, %mul3A_233 : vector<16xf32>
        %get3A_235 = arith.constant 112 : index
        %get3A_236 = tpu.vector_load %arg10[%get3A_235] {strides = array<i32>} : memref<128xf32, #tpu.memory_space<vmem>>, vector<16xf32>,
        %add3A_237 = arith.addf %mul3A_234, %get3A_236 : vector<16xf32>
        %swap3A_238 = arith.constant 1 : i32
        %swap3A_239 = arith.index_cast %swap3A_238 : i32 to index
        %swap3A_240 = arith.index_cast %scan3A_105 : i32 to index
        %swap3A_241 = arith.constant 112 : index
        %swap3A_242 = tpu.vector_load %arg26[%swap3A_239, %swap3A_240, %swap3A_241] {strides = array<i32>} : memref<2x80x136xf32, #tpu.memory_space<vmem>>, vector<16xf32>,
        tpu.vector_store %arg26[%swap3A_239, %swap3A_240, %swap3A_241], %add3A_237 {strides = array<i32>} : memref<2x80x136xf32, #tpu.memory_space<vmem>>, vector<16xf32>,
        %scan3A_243 = arith.constant 0 : i32
        scf.yield %scan3A_243 : i32
      }
      %scan3A_100 = arith.constant 50 : i32
      %mul3A_101 = arith.constant 128 : i32
      %mul3A_102 = arith.muli %arg0, %mul3A_101 : i32
      %run_scoped3A_103 = arith.constant 1 : i32
      "tpu.region"() ({
        %run_scoped3A_105 = tpu.sem_alloc : memref<!tpu.dma_semaphore, #tpu.memory_space<semaphore_mem>>
        %dma_start3A_106 = arith.constant 0 : i32
        %dma_start3A_107 = arith.constant 0 : i32
        %dma_start3A_108 = tpu.memref_slice %arg26[%run_scoped3A_103, %dma_start3A_106, %dma_start3A_107] : memref<2x80x136xf32, #tpu.memory_space<vmem>> -> memref<1x50x128xf32, #tpu.memory_space<vmem>>
        %dma_start3A_109 = tpu.memref_squeeze %dma_start3A_108 : memref<1x50x128xf32, #tpu.memory_space<vmem>> -> memref<50x128xf32, #tpu.memory_space<vmem>>
        %dma_start3A_110 = tpu.memref_slice %arg7[%mul3A_93, %mul3A_102] : memref<10000x256xf32, #tpu.memory_space<hbm>> -> memref<50x128xf32, #tpu.memory_space<hbm>>
        %dma_start3A_111 = tpu.memref_slice %arg7[%mul3A_93, %mul3A_102] : memref<10000x256xf32, #tpu.memory_space<hbm>> -> memref<50x128xf32, #tpu.memory_space<hbm>>
        %dma_start3A_112 = arith.constant 0 : i32
        %dma_start3A_113 = arith.constant 0 : i32
        %dma_start3A_114 = tpu.memref_slice %arg26[%run_scoped3A_103, %dma_start3A_112, %dma_start3A_113] : memref<2x80x136xf32, #tpu.memory_space<vmem>> -> memref<1x50x128xf32, #tpu.memory_space<vmem>>
        %dma_start3A_115 = tpu.memref_squeeze %dma_start3A_114 : memref<1x50x128xf32, #tpu.memory_space<vmem>> -> memref<50x128xf32, #tpu.memory_space<vmem>>
        tpu.enqueue_dma source(%dma_start3A_115 : memref<50x128xf32, #tpu.memory_space<vmem>>) target(%dma_start3A_111 : memref<50x128xf32, #tpu.memory_space<hbm>>) target_semaphore(%run_scoped3A_105 : memref<!tpu.dma_semaphore, #tpu.memory_space<semaphore_mem>>)
        %dma_wait3A = arith.constant 0 : i32
        %dma_wait3A_116 = arith.constant 0 : i32
        %dma_wait3A_117 = tpu.memref_slice %arg26[%run_scoped3A_103, %dma_wait3A, %dma_wait3A_116] : memref<2x80x136xf32, #tpu.memory_space<vmem>> -> memref<1x50x128xf32, #tpu.memory_space<vmem>>
        %dma_wait3A_118 = tpu.memref_squeeze %dma_wait3A_117 : memref<1x50x128xf32, #tpu.memory_space<vmem>> -> memref<50x128xf32, #tpu.memory_space<vmem>>
        %dma_wait3A_119 = tpu.memref_slice %arg7[%mul3A_93, %mul3A_102] : memref<10000x256xf32, #tpu.memory_space<hbm>> -> memref<50x128xf32, #tpu.memory_space<hbm>>
        %dma_wait3A_120 = tpu.memref_slice %arg7[%mul3A_93, %mul3A_102] : memref<10000x256xf32, #tpu.memory_space<hbm>> -> memref<50x128xf32, #tpu.memory_space<hbm>>
        %dma_wait3A_121 = arith.constant 0 : i32
        %dma_wait3A_122 = arith.constant 0 : i32
        %dma_wait3A_123 = tpu.memref_slice %arg26[%run_scoped3A_103, %dma_wait3A_121, %dma_wait3A_122] : memref<2x80x136xf32, #tpu.memory_space<vmem>> -> memref<1x50x128xf32, #tpu.memory_space<vmem>>
        %dma_wait3A_124 = tpu.memref_squeeze %dma_wait3A_123 : memref<1x50x128xf32, #tpu.memory_space<vmem>> -> memref<50x128xf32, #tpu.memory_space<vmem>>
        tpu.wait_dma2 semaphore(%run_scoped3A_105 : memref<!tpu.dma_semaphore, #tpu.memory_space<semaphore_mem>>) src(%dma_wait3A_124 : memref<50x128xf32, #tpu.memory_space<vmem>>) dst(%dma_wait3A_120 : memref<50x128xf32, #tpu.memory_space<hbm>>)
        tpu.yield
      }) : () -> ()
      %while3A_104 = arith.constant 0 : i32
      scf.yield %while3A_104 : i32
    }
    %while3A_85 = arith.constant 1 : i32
    %while3A_86 = scf.for %while3A_87 = %while3A_82 to %while3A_78 step %while3A_85 iter_args(%while3A_88 = %while3A_84) -> (i32)  : i32 {
      %mul3A_89 = arith.constant 16 : i32
      %mul3A_90 = arith.muli %while3A_87, %mul3A_89 : i32
      %add3A_91 = arith.addi %arg1, %mul3A_90 : i32
      %mul3A_92 = arith.constant 50 : i32
      %mul3A_93 = arith.muli %add3A_91, %mul3A_92 : i32
      %run_scoped3A = arith.constant 0 : i32
      "tpu.region"() ({
        %run_scoped3A_105 = tpu.sem_alloc : memref<!tpu.dma_semaphore, #tpu.memory_space<semaphore_mem>>
        %dma_start3A_106 = arith.constant 0 : i32
        %dma_start3A_107 = arith.constant 0 : i32
        %dma_start3A_108 = tpu.memref_slice %arg26[%run_scoped3A, %dma_start3A_106, %dma_start3A_107] : memref<2x80x136xf32, #tpu.memory_space<vmem>> -> memref<1x50x136xf32, #tpu.memory_space<vmem>>
        %dma_start3A_109 = tpu.memref_squeeze %dma_start3A_108 : memref<1x50x136xf32, #tpu.memory_space<vmem>> -> memref<50x136xf32, #tpu.memory_space<vmem>>
        %dma_start3A_110 = arith.constant 0 : i32
        %dma_start3A_111 = tpu.memref_slice %arg29[%mul3A_93, %dma_start3A_110] : memref<10000x136xf32, #tpu.memory_space<vmem_shared>> -> memref<50x136xf32, #tpu.memory_space<vmem_shared>>
        %dma_start3A_112 = arith.constant 0 : i32
        %dma_start3A_113 = arith.constant 0 : i32
        %dma_start3A_114 = tpu.memref_slice %arg26[%run_scoped3A, %dma_start3A_112, %dma_start3A_113] : memref<2x80x136xf32, #tpu.memory_space<vmem>> -> memref<1x50x136xf32, #tpu.memory_space<vmem>>
        %dma_start3A_115 = tpu.memref_squeeze %dma_start3A_114 : memref<1x50x136xf32, #tpu.memory_space<vmem>> -> memref<50x136xf32, #tpu.memory_space<vmem>>
        %dma_start3A_116 = arith.constant 0 : i32
        %dma_start3A_117 = tpu.memref_slice %arg29[%mul3A_93, %dma_start3A_116] : memref<10000x136xf32, #tpu.memory_space<vmem_shared>> -> memref<50x136xf32, #tpu.memory_space<vmem_shared>>
        tpu.enqueue_dma source(%dma_start3A_117 : memref<50x136xf32, #tpu.memory_space<vmem_shared>>) target(%dma_start3A_115 : memref<50x136xf32, #tpu.memory_space<vmem>>) target_semaphore(%run_scoped3A_105 : memref<!tpu.dma_semaphore, #tpu.memory_space<semaphore_mem>>)
        %dma_wait3A = arith.constant 0 : i32
        %dma_wait3A_118 = arith.constant 0 : i32
        %dma_wait3A_119 = tpu.memref_slice %arg26[%run_scoped3A, %dma_wait3A, %dma_wait3A_118] : memref<2x80x136xf32, #tpu.memory_space<vmem>> -> memref<1x50x136xf32, #tpu.memory_space<vmem>>
        %dma_wait3A_120 = tpu.memref_squeeze %dma_wait3A_119 : memref<1x50x136xf32, #tpu.memory_space<vmem>> -> memref<50x136xf32, #tpu.memory_space<vmem>>
        %dma_wait3A_121 = arith.constant 0 : i32
        %dma_wait3A_122 = tpu.memref_slice %arg29[%mul3A_93, %dma_wait3A_121] : memref<10000x136xf32, #tpu.memory_space<vmem_shared>> -> memref<50x136xf32, #tpu.memory_space<vmem_shared>>
        %dma_wait3A_123 = arith.constant 0 : i32
        %dma_wait3A_124 = arith.constant 0 : i32
        %dma_wait3A_125 = tpu.memref_slice %arg26[%run_scoped3A, %dma_wait3A_123, %dma_wait3A_124] : memref<2x80x136xf32, #tpu.memory_space<vmem>> -> memref<1x50x136xf32, #tpu.memory_space<vmem>>
        %dma_wait3A_126 = tpu.memref_squeeze %dma_wait3A_125 : memref<1x50x136xf32, #tpu.memory_space<vmem>> -> memref<50x136xf32, #tpu.memory_space<vmem>>
        %dma_wait3A_127 = arith.constant 0 : i32
        %dma_wait3A_128 = tpu.memref_slice %arg29[%mul3A_93, %dma_wait3A_127] : memref<10000x136xf32, #tpu.memory_space<vmem_shared>> -> memref<50x136xf32, #tpu.memory_space<vmem_shared>>
        tpu.wait_dma2 semaphore(%run_scoped3A_105 : memref<!tpu.dma_semaphore, #tpu.memory_space<semaphore_mem>>) src(%dma_wait3A_128 : memref<50x136xf32, #tpu.memory_space<vmem_shared>>) dst(%dma_wait3A_126 : memref<50x136xf32, #tpu.memory_space<vmem>>)
        tpu.yield
      }) : () -> ()
      %scan3A_94 = arith.constant 0 : i32
      %scan3A_95 = arith.constant 0 : i32
      %scan3A_96 = arith.constant 50 : i32
      %scan3A_97 = arith.addi %scan3A_95, %scan3A_96 : i32
      %scan3A_98 = arith.constant 1 : i32
      %scan3A_99 = scf.for %scan3A_105 = %scan3A_95 to %scan3A_97 step %scan3A_98 iter_args(%scan3A_106 = %scan3A_94) -> (i32)  : i32 {
        %get3A = arith.constant 0 : i32
        %get3A_107 = arith.index_cast %get3A : i32 to index
        %get3A_108 = arith.index_cast %scan3A_105 : i32 to index
        %get3A_109 = arith.constant 120 : index
        %get3A_110 = tpu.vector_load %arg26[%get3A_107, %get3A_108, %get3A_109] {strides = array<i32>} : memref<2x80x136xf32, #tpu.memory_space<vmem>>, vector<16xf32>,
        %gt3A = arith.constant 0.000000e+00 : f32
        %gt3A_111 = vector.broadcast %gt3A : f32 to vector<16xf32>
        %gt3A_112 = arith.cmpf ogt, %get3A_110, %gt3A_111 : vector<16xf32>
        %div3A = arith.constant 1.000000e+00 : f32
        %div3A_113 = vector.broadcast %div3A : f32 to vector<16xf32>
        %div3A_114 = arith.divf %div3A_113, %get3A_110 : vector<16xf32>
        %jit3A_115 = arith.constant 0.000000e+00 : f32
        %broadcast_in_dim3A_116 = vector.broadcast %jit3A_115 : f32 to vector<16xf32>
        %select_n3A_117 = arith.select %gt3A_112, %div3A_114, %broadcast_in_dim3A_116 : vector<16xi1>, vector<16xf32>
        %get3A_118 = arith.constant 0 : i32
        %get3A_119 = arith.index_cast %get3A_118 : i32 to index
        %get3A_120 = arith.index_cast %scan3A_105 : i32 to index
        %get3A_121 = arith.constant 0 : index
        %get3A_122 = tpu.vector_load %arg26[%get3A_119, %get3A_120, %get3A_121] {strides = array<i32>} : memref<2x80x136xf32, #tpu.memory_space<vmem>>, vector<16xf32>,
        %get3A_123 = arith.constant 0 : i32
        %get3A_124 = arith.index_cast %get3A_123 : i32 to index
        %get3A_125 = arith.index_cast %scan3A_105 : i32 to index
        %get3A_126 = arith.constant 16 : index
        %get3A_127 = tpu.vector_load %arg26[%get3A_124, %get3A_125, %get3A_126] {strides = array<i32>} : memref<2x80x136xf32, #tpu.memory_space<vmem>>, vector<16xf32>,
        %get3A_128 = arith.constant 0 : i32
        %get3A_129 = arith.index_cast %get3A_128 : i32 to index
        %get3A_130 = arith.index_cast %scan3A_105 : i32 to index
        %get3A_131 = arith.constant 32 : index
        %get3A_132 = tpu.vector_load %arg26[%get3A_129, %get3A_130, %get3A_131] {strides = array<i32>} : memref<2x80x136xf32, #tpu.memory_space<vmem>>, vector<16xf32>,
        %get3A_133 = arith.constant 0 : i32
        %get3A_134 = arith.index_cast %get3A_133 : i32 to index
        %get3A_135 = arith.index_cast %scan3A_105 : i32 to index
        %get3A_136 = arith.constant 48 : index
        %get3A_137 = tpu.vector_load %arg26[%get3A_134, %get3A_135, %get3A_136] {strides = array<i32>} : memref<2x80x136xf32, #tpu.memory_space<vmem>>, vector<16xf32>,
        %get3A_138 = arith.constant 0 : i32
        %get3A_139 = arith.index_cast %get3A_138 : i32 to index
        %get3A_140 = arith.index_cast %scan3A_105 : i32 to index
        %get3A_141 = arith.constant 64 : index
        %get3A_142 = tpu.vector_load %arg26[%get3A_139, %get3A_140, %get3A_141] {strides = array<i32>} : memref<2x80x136xf32, #tpu.memory_space<vmem>>, vector<16xf32>,
        %get3A_143 = arith.constant 0 : i32
        %get3A_144 = arith.index_cast %get3A_143 : i32 to index
        %get3A_145 = arith.index_cast %scan3A_105 : i32 to index
        %get3A_146 = arith.constant 80 : index
        %get3A_147 = tpu.vector_load %arg26[%get3A_144, %get3A_145, %get3A_146] {strides = array<i32>} : memref<2x80x136xf32, #tpu.memory_space<vmem>>, vector<16xf32>,
        %get3A_148 = arith.constant 0 : i32
        %get3A_149 = arith.index_cast %get3A_148 : i32 to index
        %get3A_150 = arith.index_cast %scan3A_105 : i32 to index
        %get3A_151 = arith.constant 96 : index
        %get3A_152 = tpu.vector_load %arg26[%get3A_149, %get3A_150, %get3A_151] {strides = array<i32>} : memref<2x80x136xf32, #tpu.memory_space<vmem>>, vector<16xf32>,
        %get3A_153 = arith.constant 0 : i32
        %get3A_154 = arith.index_cast %get3A_153 : i32 to index
        %get3A_155 = arith.index_cast %scan3A_105 : i32 to index
        %get3A_156 = arith.constant 112 : index
        %get3A_157 = tpu.vector_load %arg26[%get3A_154, %get3A_155, %get3A_156] {strides = array<i32>} : memref<2x80x136xf32, #tpu.memory_space<vmem>>, vector<16xf32>,
        %slice3A = vector.extract_strided_slice %select_n3A_117 {offsets = [8], sizes = [1], strides = [1]} : vector<16xf32> to vector<1xf32>
        %squeeze3A = vector.extract %slice3A[0] : f32 from vector<1xf32>
        %mul3A_158 = vector.broadcast %squeeze3A : f32 to vector<16xf32>
        %mul3A_159 = arith.mulf %get3A_122, %mul3A_158 : vector<16xf32>
        %get3A_160 = arith.constant 0 : index
        %get3A_161 = tpu.vector_load %arg10[%get3A_160] {strides = array<i32>} : memref<128xf32, #tpu.memory_space<vmem>>, vector<16xf32>,
        %add3A_162 = arith.addf %mul3A_159, %get3A_161 : vector<16xf32>
        %swap3A = arith.constant 1 : i32
        %swap3A_163 = arith.index_cast %swap3A : i32 to index
        %swap3A_164 = arith.index_cast %scan3A_105 : i32 to index
        %swap3A_165 = arith.constant 0 : index
        %swap3A_166 = tpu.vector_load %arg26[%swap3A_163, %swap3A_164, %swap3A_165] {strides = array<i32>} : memref<2x80x136xf32, #tpu.memory_space<vmem>>, vector<16xf32>,
        tpu.vector_store %arg26[%swap3A_163, %swap3A_164, %swap3A_165], %add3A_162 {strides = array<i32>} : memref<2x80x136xf32, #tpu.memory_space<vmem>>, vector<16xf32>,
        %mul3A_167 = vector.broadcast %squeeze3A : f32 to vector<16xf32>
        %mul3A_168 = arith.mulf %get3A_127, %mul3A_167 : vector<16xf32>
        %get3A_169 = arith.constant 16 : index
        %get3A_170 = tpu.vector_load %arg10[%get3A_169] {strides = array<i32>} : memref<128xf32, #tpu.memory_space<vmem>>, vector<16xf32>,
        %add3A_171 = arith.addf %mul3A_168, %get3A_170 : vector<16xf32>
        %swap3A_172 = arith.constant 1 : i32
        %swap3A_173 = arith.index_cast %swap3A_172 : i32 to index
        %swap3A_174 = arith.index_cast %scan3A_105 : i32 to index
        %swap3A_175 = arith.constant 16 : index
        %swap3A_176 = tpu.vector_load %arg26[%swap3A_173, %swap3A_174, %swap3A_175] {strides = array<i32>} : memref<2x80x136xf32, #tpu.memory_space<vmem>>, vector<16xf32>,
        tpu.vector_store %arg26[%swap3A_173, %swap3A_174, %swap3A_175], %add3A_171 {strides = array<i32>} : memref<2x80x136xf32, #tpu.memory_space<vmem>>, vector<16xf32>,
        %slice3A_177 = vector.extract_strided_slice %select_n3A_117 {offsets = [9], sizes = [1], strides = [1]} : vector<16xf32> to vector<1xf32>
        %squeeze3A_178 = vector.extract %slice3A_177[0] : f32 from vector<1xf32>
        %mul3A_179 = vector.broadcast %squeeze3A_178 : f32 to vector<16xf32>
        %mul3A_180 = arith.mulf %get3A_132, %mul3A_179 : vector<16xf32>
        %get3A_181 = arith.constant 32 : index
        %get3A_182 = tpu.vector_load %arg10[%get3A_181] {strides = array<i32>} : memref<128xf32, #tpu.memory_space<vmem>>, vector<16xf32>,
        %add3A_183 = arith.addf %mul3A_180, %get3A_182 : vector<16xf32>
        %swap3A_184 = arith.constant 1 : i32
        %swap3A_185 = arith.index_cast %swap3A_184 : i32 to index
        %swap3A_186 = arith.index_cast %scan3A_105 : i32 to index
        %swap3A_187 = arith.constant 32 : index
        %swap3A_188 = tpu.vector_load %arg26[%swap3A_185, %swap3A_186, %swap3A_187] {strides = array<i32>} : memref<2x80x136xf32, #tpu.memory_space<vmem>>, vector<16xf32>,
        tpu.vector_store %arg26[%swap3A_185, %swap3A_186, %swap3A_187], %add3A_183 {strides = array<i32>} : memref<2x80x136xf32, #tpu.memory_space<vmem>>, vector<16xf32>,
        %mul3A_189 = vector.broadcast %squeeze3A_178 : f32 to vector<16xf32>
        %mul3A_190 = arith.mulf %get3A_137, %mul3A_189 : vector<16xf32>
        %get3A_191 = arith.constant 48 : index
        %get3A_192 = tpu.vector_load %arg10[%get3A_191] {strides = array<i32>} : memref<128xf32, #tpu.memory_space<vmem>>, vector<16xf32>,
        %add3A_193 = arith.addf %mul3A_190, %get3A_192 : vector<16xf32>
        %swap3A_194 = arith.constant 1 : i32
        %swap3A_195 = arith.index_cast %swap3A_194 : i32 to index
        %swap3A_196 = arith.index_cast %scan3A_105 : i32 to index
        %swap3A_197 = arith.constant 48 : index
        %swap3A_198 = tpu.vector_load %arg26[%swap3A_195, %swap3A_196, %swap3A_197] {strides = array<i32>} : memref<2x80x136xf32, #tpu.memory_space<vmem>>, vector<16xf32>,
        tpu.vector_store %arg26[%swap3A_195, %swap3A_196, %swap3A_197], %add3A_193 {strides = array<i32>} : memref<2x80x136xf32, #tpu.memory_space<vmem>>, vector<16xf32>,
        %slice3A_199 = vector.extract_strided_slice %select_n3A_117 {offsets = [10], sizes = [1], strides = [1]} : vector<16xf32> to vector<1xf32>
        %squeeze3A_200 = vector.extract %slice3A_199[0] : f32 from vector<1xf32>
        %mul3A_201 = vector.broadcast %squeeze3A_200 : f32 to vector<16xf32>
        %mul3A_202 = arith.mulf %get3A_142, %mul3A_201 : vector<16xf32>
        %get3A_203 = arith.constant 64 : index
        %get3A_204 = tpu.vector_load %arg10[%get3A_203] {strides = array<i32>} : memref<128xf32, #tpu.memory_space<vmem>>, vector<16xf32>,
        %add3A_205 = arith.addf %mul3A_202, %get3A_204 : vector<16xf32>
        %swap3A_206 = arith.constant 1 : i32
        %swap3A_207 = arith.index_cast %swap3A_206 : i32 to index
        %swap3A_208 = arith.index_cast %scan3A_105 : i32 to index
        %swap3A_209 = arith.constant 64 : index
        %swap3A_210 = tpu.vector_load %arg26[%swap3A_207, %swap3A_208, %swap3A_209] {strides = array<i32>} : memref<2x80x136xf32, #tpu.memory_space<vmem>>, vector<16xf32>,
        tpu.vector_store %arg26[%swap3A_207, %swap3A_208, %swap3A_209], %add3A_205 {strides = array<i32>} : memref<2x80x136xf32, #tpu.memory_space<vmem>>, vector<16xf32>,
        %mul3A_211 = vector.broadcast %squeeze3A_200 : f32 to vector<16xf32>
        %mul3A_212 = arith.mulf %get3A_147, %mul3A_211 : vector<16xf32>
        %get3A_213 = arith.constant 80 : index
        %get3A_214 = tpu.vector_load %arg10[%get3A_213] {strides = array<i32>} : memref<128xf32, #tpu.memory_space<vmem>>, vector<16xf32>,
        %add3A_215 = arith.addf %mul3A_212, %get3A_214 : vector<16xf32>
        %swap3A_216 = arith.constant 1 : i32
        %swap3A_217 = arith.index_cast %swap3A_216 : i32 to index
        %swap3A_218 = arith.index_cast %scan3A_105 : i32 to index
        %swap3A_219 = arith.constant 80 : index
        %swap3A_220 = tpu.vector_load %arg26[%swap3A_217, %swap3A_218, %swap3A_219] {strides = array<i32>} : memref<2x80x136xf32, #tpu.memory_space<vmem>>, vector<16xf32>,
        tpu.vector_store %arg26[%swap3A_217, %swap3A_218, %swap3A_219], %add3A_215 {strides = array<i32>} : memref<2x80x136xf32, #tpu.memory_space<vmem>>, vector<16xf32>,
        %slice3A_221 = vector.extract_strided_slice %select_n3A_117 {offsets = [11], sizes = [1], strides = [1]} : vector<16xf32> to vector<1xf32>
        %squeeze3A_222 = vector.extract %slice3A_221[0] : f32 from vector<1xf32>
        %mul3A_223 = vector.broadcast %squeeze3A_222 : f32 to vector<16xf32>
        %mul3A_224 = arith.mulf %get3A_152, %mul3A_223 : vector<16xf32>
        %get3A_225 = arith.constant 96 : index
        %get3A_226 = tpu.vector_load %arg10[%get3A_225] {strides = array<i32>} : memref<128xf32, #tpu.memory_space<vmem>>, vector<16xf32>,
        %add3A_227 = arith.addf %mul3A_224, %get3A_226 : vector<16xf32>
        %swap3A_228 = arith.constant 1 : i32
        %swap3A_229 = arith.index_cast %swap3A_228 : i32 to index
        %swap3A_230 = arith.index_cast %scan3A_105 : i32 to index
        %swap3A_231 = arith.constant 96 : index
        %swap3A_232 = tpu.vector_load %arg26[%swap3A_229, %swap3A_230, %swap3A_231] {strides = array<i32>} : memref<2x80x136xf32, #tpu.memory_space<vmem>>, vector<16xf32>,
        tpu.vector_store %arg26[%swap3A_229, %swap3A_230, %swap3A_231], %add3A_227 {strides = array<i32>} : memref<2x80x136xf32, #tpu.memory_space<vmem>>, vector<16xf32>,
        %mul3A_233 = vector.broadcast %squeeze3A_222 : f32 to vector<16xf32>
        %mul3A_234 = arith.mulf %get3A_157, %mul3A_233 : vector<16xf32>
        %get3A_235 = arith.constant 112 : index
        %get3A_236 = tpu.vector_load %arg10[%get3A_235] {strides = array<i32>} : memref<128xf32, #tpu.memory_space<vmem>>, vector<16xf32>,
        %add3A_237 = arith.addf %mul3A_234, %get3A_236 : vector<16xf32>
        %swap3A_238 = arith.constant 1 : i32
        %swap3A_239 = arith.index_cast %swap3A_238 : i32 to index
        %swap3A_240 = arith.index_cast %scan3A_105 : i32 to index
        %swap3A_241 = arith.constant 112 : index
        %swap3A_242 = tpu.vector_load %arg26[%swap3A_239, %swap3A_240, %swap3A_241] {strides = array<i32>} : memref<2x80x136xf32, #tpu.memory_space<vmem>>, vector<16xf32>,
        tpu.vector_store %arg26[%swap3A_239, %swap3A_240, %swap3A_241], %add3A_237 {strides = array<i32>} : memref<2x80x136xf32, #tpu.memory_space<vmem>>, vector<16xf32>,
        %scan3A_243 = arith.constant 0 : i32
        scf.yield %scan3A_243 : i32
      }
      %scan3A_100 = arith.constant 50 : i32
      %mul3A_101 = arith.constant 128 : i32
      %mul3A_102 = arith.muli %arg0, %mul3A_101 : i32
      %run_scoped3A_103 = arith.constant 1 : i32
      "tpu.region"() ({
        %run_scoped3A_105 = tpu.sem_alloc : memref<!tpu.dma_semaphore, #tpu.memory_space<semaphore_mem>>
        %dma_start3A_106 = arith.constant 0 : i32
        %dma_start3A_107 = arith.constant 0 : i32
        %dma_start3A_108 = tpu.memref_slice %arg26[%run_scoped3A_103, %dma_start3A_106, %dma_start3A_107] : memref<2x80x136xf32, #tpu.memory_space<vmem>> -> memref<1x50x128xf32, #tpu.memory_space<vmem>>
        %dma_start3A_109 = tpu.memref_squeeze %dma_start3A_108 : memref<1x50x128xf32, #tpu.memory_space<vmem>> -> memref<50x128xf32, #tpu.memory_space<vmem>>
        %dma_start3A_110 = tpu.memref_slice %arg7[%mul3A_93, %mul3A_102] : memref<10000x256xf32, #tpu.memory_space<hbm>> -> memref<50x128xf32, #tpu.memory_space<hbm>>
        %dma_start3A_111 = tpu.memref_slice %arg7[%mul3A_93, %mul3A_102] : memref<10000x256xf32, #tpu.memory_space<hbm>> -> memref<50x128xf32, #tpu.memory_space<hbm>>
        %dma_start3A_112 = arith.constant 0 : i32
        %dma_start3A_113 = arith.constant 0 : i32
        %dma_start3A_114 = tpu.memref_slice %arg26[%run_scoped3A_103, %dma_start3A_112, %dma_start3A_113] : memref<2x80x136xf32, #tpu.memory_space<vmem>> -> memref<1x50x128xf32, #tpu.memory_space<vmem>>
        %dma_start3A_115 = tpu.memref_squeeze %dma_start3A_114 : memref<1x50x128xf32, #tpu.memory_space<vmem>> -> memref<50x128xf32, #tpu.memory_space<vmem>>
        tpu.enqueue_dma source(%dma_start3A_115 : memref<50x128xf32, #tpu.memory_space<vmem>>) target(%dma_start3A_111 : memref<50x128xf32, #tpu.memory_space<hbm>>) target_semaphore(%run_scoped3A_105 : memref<!tpu.dma_semaphore, #tpu.memory_space<semaphore_mem>>)
        %dma_wait3A = arith.constant 0 : i32
        %dma_wait3A_116 = arith.constant 0 : i32
        %dma_wait3A_117 = tpu.memref_slice %arg26[%run_scoped3A_103, %dma_wait3A, %dma_wait3A_116] : memref<2x80x136xf32, #tpu.memory_space<vmem>> -> memref<1x50x128xf32, #tpu.memory_space<vmem>>
        %dma_wait3A_118 = tpu.memref_squeeze %dma_wait3A_117 : memref<1x50x128xf32, #tpu.memory_space<vmem>> -> memref<50x128xf32, #tpu.memory_space<vmem>>
        %dma_wait3A_119 = tpu.memref_slice %arg7[%mul3A_93, %mul3A_102] : memref<10000x256xf32, #tpu.memory_space<hbm>> -> memref<50x128xf32, #tpu.memory_space<hbm>>
        %dma_wait3A_120 = tpu.memref_slice %arg7[%mul3A_93, %mul3A_102] : memref<10000x256xf32, #tpu.memory_space<hbm>> -> memref<50x128xf32, #tpu.memory_space<hbm>>
        %dma_wait3A_121 = arith.constant 0 : i32
        %dma_wait3A_122 = arith.constant 0 : i32
        %dma_wait3A_123 = tpu.memref_slice %arg26[%run_scoped3A_103, %dma_wait3A_121, %dma_wait3A_122] : memref<2x80x136xf32, #tpu.memory_space<vmem>> -> memref<1x50x128xf32, #tpu.memory_space<vmem>>
        %dma_wait3A_124 = tpu.memref_squeeze %dma_wait3A_123 : memref<1x50x128xf32, #tpu.memory_space<vmem>> -> memref<50x128xf32, #tpu.memory_space<vmem>>
        tpu.wait_dma2 semaphore(%run_scoped3A_105 : memref<!tpu.dma_semaphore, #tpu.memory_space<semaphore_mem>>) src(%dma_wait3A_124 : memref<50x128xf32, #tpu.memory_space<vmem>>) dst(%dma_wait3A_120 : memref<50x128xf32, #tpu.memory_space<hbm>>)
        tpu.yield
      }) : () -> ()
      %while3A_104 = arith.constant 0 : i32
      scf.yield %while3A_104 : i32
    }
    return
  }
}

module attributes {stable_mosaic.version = 14 : i64} {
  func.func @_tc_body(%arg0: i32, %arg1: memref<400x128xf32, #tpu.memory_space<vmem>>, %arg2: memref<400x128xf32, #tpu.memory_space<vmem>>, %arg3: memref<256x128xf32, #tpu.memory_space<vmem>>, %arg4: memref<256x16xf32, #tpu.memory_space<vmem>>, %arg5: memref<256x16xf32, #tpu.memory_space<vmem>>, %arg6: memref<32x128xf32, #tpu.memory_space<vmem>>, %arg7: memref<32x16xf32, #tpu.memory_space<vmem>>, %arg8: memref<1x32xf32, #tpu.memory_space<vmem>>, %arg9: memref<1x16xf32, #tpu.memory_space<vmem>>, %arg10: memref<2x400x128xbf16, #tpu.memory_space<vmem>>, %arg11: memref<2x400x16xf32, #tpu.memory_space<vmem>>) attributes {dimension_semantics = [#tpu.dimension_semantics<arbitrary>], iteration_bounds = array<i64: 25>, scalar_prefetch = 0 : i64, scratch_operands = 0 : i64, tpu.core_type = #tpu.core_type<tc>, window_params = [{transform_indices = @transform_0, window_bounds = array<i64: 400, 128>}, {transform_indices = @transform_1, window_bounds = array<i64: 400, 128>}, {pipeline_mode = #tpu.pipeline_mode<synchronous>, transform_indices = @transform_2, window_bounds = array<i64: 256, 128>}, {pipeline_mode = #tpu.pipeline_mode<synchronous>, transform_indices = @transform_3, window_bounds = array<i64: 256, 16>}, {pipeline_mode = #tpu.pipeline_mode<synchronous>, transform_indices = @transform_4, window_bounds = array<i64: 256, 16>}, {pipeline_mode = #tpu.pipeline_mode<synchronous>, transform_indices = @transform_5, window_bounds = array<i64: 32, 128>}, {pipeline_mode = #tpu.pipeline_mode<synchronous>, transform_indices = @transform_6, window_bounds = array<i64: 32, 16>}, {pipeline_mode = #tpu.pipeline_mode<synchronous>, transform_indices = @transform_7, window_bounds = array<i64: 1, 32>}, {pipeline_mode = #tpu.pipeline_mode<synchronous>, transform_indices = @transform_8, window_bounds = array<i64: 1, 16>}, {transform_indices = @transform_9, window_bounds = array<i64: 2, 400, 128>}, {transform_indices = @transform_10, window_bounds = array<i64: 2, 400, 16>}]} {
    %get3A = arith.constant 0 : index
    %get3A_0 = arith.constant 0 : index
    %get3A_1 = vector.load %arg1[%get3A, %get3A_0] : memref<400x128xf32, #tpu.memory_space<vmem>>, vector<400x128xf32>
    %get3A_2 = arith.constant 0 : index
    %get3A_3 = arith.constant 0 : index
    %get3A_4 = vector.load %arg3[%get3A_2, %get3A_3] : memref<256x128xf32, #tpu.memory_space<vmem>>, vector<256x128xf32>
    %dot_general3A = arith.constant dense<0.000000e+00> : vector<400x256xf32>
    %dot_general3A_5 = tpu.matmul %get3A_1, %get3A_4, %dot_general3A {dimension_numbers = #tpu.dot_dimension_numbers<[1], [1], [0], [0], [0, 0, 1, 0], [], []>, transpose_lhs_hint = false} : vector<400x128xf32>, vector<256x128xf32>, vector<400x256xf32> -> vector<400x256xf32>
    %slice3A = vector.extract_strided_slice %dot_general3A_5 {offsets = [0, 0], sizes = [400, 128], strides = [1, 1]} : vector<400x256xf32> to vector<400x128xf32>
    %convert_element_type3A = arith.truncf %slice3A : vector<400x128xf32> to vector<400x128xbf16>
    %swap3A = arith.constant 0 : index
    %swap3A_6 = arith.constant 0 : index
    %swap3A_7 = arith.constant 0 : index
    %swap3A_8 = vector.load %arg10[%swap3A, %swap3A_6, %swap3A_7] : memref<2x400x128xbf16, #tpu.memory_space<vmem>>, vector<1x400x128xbf16>
    %swap3A_9 = vector.shape_cast %swap3A_8 : vector<1x400x128xbf16> to vector<400x128xbf16>
    %swap3A_10 = vector.shape_cast %convert_element_type3A : vector<400x128xbf16> to vector<1x400x128xbf16>
    tpu.vector_store %arg10[%swap3A, %swap3A_6, %swap3A_7], %swap3A_10 {strides = array<i32>} : memref<2x400x128xbf16, #tpu.memory_space<vmem>>, vector<1x400x128xbf16>,
    %slice3A_11 = vector.extract_strided_slice %dot_general3A_5 {offsets = [0, 128], sizes = [400, 128], strides = [1, 1]} : vector<400x256xf32> to vector<400x128xf32>
    %convert_element_type3A_12 = arith.truncf %slice3A_11 : vector<400x128xf32> to vector<400x128xbf16>
    %swap3A_13 = arith.constant 1 : index
    %swap3A_14 = arith.constant 0 : index
    %swap3A_15 = arith.constant 0 : index
    %swap3A_16 = vector.load %arg10[%swap3A_13, %swap3A_14, %swap3A_15] : memref<2x400x128xbf16, #tpu.memory_space<vmem>>, vector<1x400x128xbf16>
    %swap3A_17 = vector.shape_cast %swap3A_16 : vector<1x400x128xbf16> to vector<400x128xbf16>
    %swap3A_18 = vector.shape_cast %convert_element_type3A_12 : vector<400x128xbf16> to vector<1x400x128xbf16>
    tpu.vector_store %arg10[%swap3A_13, %swap3A_14, %swap3A_15], %swap3A_18 {strides = array<i32>} : memref<2x400x128xbf16, #tpu.memory_space<vmem>>, vector<1x400x128xbf16>,
    %get3A_19 = arith.constant 0 : index
    %get3A_20 = arith.constant 0 : index
    %get3A_21 = vector.load %arg2[%get3A_19, %get3A_20] : memref<400x128xf32, #tpu.memory_space<vmem>>, vector<400x128xf32>
    %get3A_22 = arith.constant 0 : index
    %get3A_23 = arith.constant 0 : index
    %get3A_24 = vector.load %arg6[%get3A_22, %get3A_23] : memref<32x128xf32, #tpu.memory_space<vmem>>, vector<32x128xf32>
    %dot_general3A_25 = arith.constant dense<0.000000e+00> : vector<400x32xf32>
    %dot_general3A_26 = tpu.matmul %get3A_21, %get3A_24, %dot_general3A_25 {dimension_numbers = #tpu.dot_dimension_numbers<[1], [1], [0], [0], [0, 0, 1, 0], [], []>, transpose_lhs_hint = false} : vector<400x128xf32>, vector<32x128xf32>, vector<400x32xf32> -> vector<400x32xf32>
    %get3A_27 = arith.constant 0 : index
    %get3A_28 = arith.constant 0 : index
    %get3A_29 = vector.load %arg8[%get3A_27, %get3A_28] : memref<1x32xf32, #tpu.memory_space<vmem>>, vector<1x32xf32>
    %add3A = vector.broadcast %get3A_29 : vector<1x32xf32> to vector<400x32xf32>
    %add3A_30 = arith.addf %dot_general3A_26, %add3A : vector<400x32xf32>
    %gt3A = arith.constant 0.000000e+00 : f32
    %gt3A_31 = vector.broadcast %gt3A : f32 to vector<400x32xf32>
    %gt3A_32 = arith.cmpf ogt, %add3A_30, %gt3A_31 : vector<400x32xf32>
    %exp3A = math.exp %add3A_30 : vector<400x32xf32>
    %sub3A = arith.constant 1.000000e+00 : f32
    %sub3A_33 = vector.broadcast %sub3A : f32 to vector<400x32xf32>
    %sub3A_34 = arith.subf %exp3A, %sub3A_33 : vector<400x32xf32>
    %select_n3A = arith.select %gt3A_32, %add3A_30, %sub3A_34 : vector<400x32xi1>, vector<400x32xf32>
    %get3A_35 = arith.constant 0 : index
    %get3A_36 = arith.constant 0 : index
    %get3A_37 = vector.load %arg7[%get3A_35, %get3A_36] : memref<32x16xf32, #tpu.memory_space<vmem>>, vector<32x16xf32>
    %dot_general3A_38 = arith.constant dense<0.000000e+00> : vector<400x16xf32>
    %dot_general3A_39 = tpu.matmul %select_n3A, %get3A_37, %dot_general3A_38 {dimension_numbers = #tpu.dot_dimension_numbers<[1], [0], [0], [1], [0, 0, 1, 1], [], []>, transpose_lhs_hint = false} : vector<400x32xf32>, vector<32x16xf32>, vector<400x16xf32> -> vector<400x16xf32>
    %get3A_40 = arith.constant 0 : index
    %get3A_41 = arith.constant 0 : index
    %get3A_42 = vector.load %arg9[%get3A_40, %get3A_41] : memref<1x16xf32, #tpu.memory_space<vmem>>, vector<1x16xf32>
    %add3A_43 = vector.broadcast %get3A_42 : vector<1x16xf32> to vector<400x16xf32>
    %add3A_44 = arith.addf %dot_general3A_39, %add3A_43 : vector<400x16xf32>
    %neg3A = arith.constant 0.000000e+00 : f32
    %neg3A_45 = vector.broadcast %neg3A : f32 to vector<400x16xf32>
    %neg3A_46 = arith.subf %neg3A_45, %add3A_44 : vector<400x16xf32>
    %exp3A_47 = math.exp %neg3A_46 : vector<400x16xf32>
    %add3A_48 = arith.constant 1.000000e+00 : f32
    %add3A_49 = vector.broadcast %add3A_48 : f32 to vector<400x16xf32>
    %add3A_50 = arith.addf %add3A_49, %exp3A_47 : vector<400x16xf32>
    %div3A = arith.constant 1.000000e+00 : f32
    %div3A_51 = vector.broadcast %div3A : f32 to vector<400x16xf32>
    %div3A_52 = arith.divf %div3A_51, %add3A_50 : vector<400x16xf32>
    %iota3A = tpu.iota {dimensions = array<i32: 1>} : vector<1x16xi32>
    %eq3A = arith.constant 8 : i32
    %eq3A_53 = vector.broadcast %eq3A : i32 to vector<1x16xi32>
    %eq3A_54 = arith.cmpi eq, %iota3A, %eq3A_53 : vector<1x16xi32>
    %convert_element_type3A_55 = arith.extui %eq3A_54 : vector<1x16xi1> to vector<1x16xi32>
    %convert_element_type3A_56 = arith.sitofp %convert_element_type3A_55 : vector<1x16xi32> to vector<1x16xf32>
    %mul3A = vector.broadcast %convert_element_type3A_56 : vector<1x16xf32> to vector<400x16xf32>
    %mul3A_57 = arith.mulf %div3A_52, %mul3A : vector<400x16xf32>
    %get3A_58 = arith.constant 0 : index
    %get3A_59 = arith.constant 0 : index
    %get3A_60 = vector.load %arg4[%get3A_58, %get3A_59] : memref<256x16xf32, #tpu.memory_space<vmem>>, vector<256x16xf32>
    %dot_general3A_61 = arith.constant dense<0.000000e+00> : vector<400x16xf32>
    %dot_general3A_62 = tpu.matmul %dot_general3A_5, %get3A_60, %dot_general3A_61 {dimension_numbers = #tpu.dot_dimension_numbers<[1], [0], [0], [1], [0, 0, 1, 1], [], []>, transpose_lhs_hint = false} : vector<400x256xf32>, vector<256x16xf32>, vector<400x16xf32> -> vector<400x16xf32>
    %add3A_63 = arith.addf %dot_general3A_62, %mul3A_57 : vector<400x16xf32>
    %swap3A_64 = arith.constant 0 : index
    %swap3A_65 = arith.constant 0 : index
    %swap3A_66 = arith.constant 0 : index
    %swap3A_67 = vector.load %arg11[%swap3A_64, %swap3A_65, %swap3A_66] : memref<2x400x16xf32, #tpu.memory_space<vmem>>, vector<1x400x16xf32>
    %swap3A_68 = vector.shape_cast %swap3A_67 : vector<1x400x16xf32> to vector<400x16xf32>
    %swap3A_69 = vector.shape_cast %add3A_63 : vector<400x16xf32> to vector<1x400x16xf32>
    tpu.vector_store %arg11[%swap3A_64, %swap3A_65, %swap3A_66], %swap3A_69 {strides = array<i32>} : memref<2x400x16xf32, #tpu.memory_space<vmem>>, vector<1x400x16xf32>,
    %get3A_70 = arith.constant 0 : index
    %get3A_71 = arith.constant 0 : index
    %get3A_72 = vector.load %arg5[%get3A_70, %get3A_71] : memref<256x16xf32, #tpu.memory_space<vmem>>, vector<256x16xf32>
    %dot_general3A_73 = arith.constant dense<0.000000e+00> : vector<400x16xf32>
    %dot_general3A_74 = tpu.matmul %dot_general3A_5, %get3A_72, %dot_general3A_73 {dimension_numbers = #tpu.dot_dimension_numbers<[1], [0], [0], [1], [0, 0, 1, 1], [], []>, transpose_lhs_hint = false} : vector<400x256xf32>, vector<256x16xf32>, vector<400x16xf32> -> vector<400x16xf32>
    %add3A_75 = arith.addf %dot_general3A_74, %mul3A_57 : vector<400x16xf32>
    %swap3A_76 = arith.constant 1 : index
    %swap3A_77 = arith.constant 0 : index
    %swap3A_78 = arith.constant 0 : index
    %swap3A_79 = vector.load %arg11[%swap3A_76, %swap3A_77, %swap3A_78] : memref<2x400x16xf32, #tpu.memory_space<vmem>>, vector<1x400x16xf32>
    %swap3A_80 = vector.shape_cast %swap3A_79 : vector<1x400x16xf32> to vector<400x16xf32>
    %swap3A_81 = vector.shape_cast %add3A_75 : vector<400x16xf32> to vector<1x400x16xf32>
    tpu.vector_store %arg11[%swap3A_76, %swap3A_77, %swap3A_78], %swap3A_81 {strides = array<i32>} : memref<2x400x16xf32, #tpu.memory_space<vmem>>, vector<1x400x16xf32>,
    return
  }
  func.func @transform_0(%arg0: i32) -> (i32, i32) {
    %c0_i32 = arith.constant 0 : i32
    %c0_i32_0 = arith.constant 0 : i32
    return %arg0, %c0_i32 : i32, i32
  }
  func.func @transform_1(%arg0: i32) -> (i32, i32) {
    %c0_i32 = arith.constant 0 : i32
    %c0_i32_0 = arith.constant 0 : i32
    return %arg0, %c0_i32 : i32, i32
  }
  func.func @transform_2(%arg0: i32) -> (i32, i32) {
    %c0_i32 = arith.constant 0 : i32
    %c0_i32_0 = arith.constant 0 : i32
    %c0_i32_1 = arith.constant 0 : i32
    return %c0_i32, %c0_i32_0 : i32, i32
  }
  func.func @transform_3(%arg0: i32) -> (i32, i32) {
    %c0_i32 = arith.constant 0 : i32
    %c0_i32_0 = arith.constant 0 : i32
    %c0_i32_1 = arith.constant 0 : i32
    return %c0_i32, %c0_i32_0 : i32, i32
  }
  func.func @transform_4(%arg0: i32) -> (i32, i32) {
    %c0_i32 = arith.constant 0 : i32
    %c0_i32_0 = arith.constant 0 : i32
    %c0_i32_1 = arith.constant 0 : i32
    return %c0_i32, %c0_i32_0 : i32, i32
  }
  func.func @transform_5(%arg0: i32) -> (i32, i32) {
    %c0_i32 = arith.constant 0 : i32
    %c0_i32_0 = arith.constant 0 : i32
    %c0_i32_1 = arith.constant 0 : i32
    return %c0_i32, %c0_i32_0 : i32, i32
  }
  func.func @transform_6(%arg0: i32) -> (i32, i32) {
    %c0_i32 = arith.constant 0 : i32
    %c0_i32_0 = arith.constant 0 : i32
    %c0_i32_1 = arith.constant 0 : i32
    return %c0_i32, %c0_i32_0 : i32, i32
  }
  func.func @transform_7(%arg0: i32) -> (i32, i32) {
    %c0_i32 = arith.constant 0 : i32
    %c0_i32_0 = arith.constant 0 : i32
    %c0_i32_1 = arith.constant 0 : i32
    return %c0_i32, %c0_i32_0 : i32, i32
  }
  func.func @transform_8(%arg0: i32) -> (i32, i32) {
    %c0_i32 = arith.constant 0 : i32
    %c0_i32_0 = arith.constant 0 : i32
    %c0_i32_1 = arith.constant 0 : i32
    return %c0_i32, %c0_i32_0 : i32, i32
  }
  func.func @transform_9(%arg0: i32) -> (i32, i32, i32) {
    %c0_i32 = arith.constant 0 : i32
    %c0_i32_0 = arith.constant 0 : i32
    %c0_i32_1 = arith.constant 0 : i32
    return %c0_i32, %arg0, %c0_i32_0 : i32, i32, i32
  }
  func.func @transform_10(%arg0: i32) -> (i32, i32, i32) {
    %c0_i32 = arith.constant 0 : i32
    %c0_i32_0 = arith.constant 0 : i32
    %c0_i32_1 = arith.constant 0 : i32
    return %c0_i32, %arg0, %c0_i32_0 : i32, i32, i32
  }
}

</mosaic_0001>

<sc_bundles>
// kernel: kernel.4.cloned.1.call-start
scs
__scs_entry_jumppad:
0x0: {  	(pc) =	sbr.rel $0x88, $3  }
0x1: {  	(tag) =	ssettag $0x0;
	lr =	simm.s32 $0x1  }
0x2: {  	[smem:$0x3F94] =	sst lr;
	_ =	strace $0xD0000000  }
0x3: {  	_ = 	snop  }
0x4: {  	_ = 	snop  }
0x5: {  	_ = 	snop  }
0x6: {  	_ = 	snop  }
0x7: {  	_ = 	snop  }
__scs_overlays_trampoline_lowered:
0x8: {  	[smem:$0x3FA3] =	sst s0  }
0x9: {  	[smem:$0x3FA4] =	sst s1  }
0xa: {  	[smem:$0x3FA5] =	sst s2  }
0xb: {  	[smem:$0x3FA6] =	sst s3  }
0xc: {  	[smem:$0x3FA7] =	sst s4  }
0xd: {  	[smem:$0x3FA8] =	sst s5  }
0xe: {  	[smem:$0x3FA9] =	sst s6  }
0xf: {  	[smem:$0x3FAA] =	sst s7  }
0x10: {  	[smem:$0x3FAB] =	sst s8  }
0x11: {  	[smem:$0x3FAC] =	sst s9;
	s0 =	simm.s32 @!p0 $0x0  }
0x12: {  	s1 =	sld [smem:$0x3F92];
	s0 =	simm.s32 @p0 $0x1  }
0x13: {  	[smem:$0x3FAD] =	sst s0;
	s0 =	simm.s32 @!p1 $0x0  }
0x14: {  	s2 =	sld [smem:$0x3F91];
	s0 =	simm.s32 @p1 $0x1  }
0x15: {  	[smem:$0x3FAE] =	sst s0;
	s0 =	simm.s32 @!p2 $0x0  }
0x16: {  	s3 =	sld [smem:$0x3FDB];
	s0 =	simm.s32 @p2 $0x1  }
0x17: {  	s4 =	simm.s32 $0x1BF5;
	[smem:$0x3FB0] =	sst s0  }
0x18: {  	s0 =	sld [smem:$0x3F93];
	_ =	swait.ge [sflag:s4], $0x0  }
0x19: {  	s7 =	sld [smem:$0x3F94]  }
0x1a: {  	s8 =	sadd.s32 $0xFFFFE003, lr  }
0x1b: {  	s9 =	sadd.s32 $0xFFFFFEF7, lr;
	s5 =	simm.s32 $0xFFFFFFFF;
	p2 =	slt.u32 s8, $0xFFFFF086  }
0x1c: {  	p1 =	slt.u32 s9, $0xF7A;
	s5 =	simm.s32 @!p2 $0x0  }
0x1d: {  	s5 =	simm.s32 @p1 $0x1;
	p0 =	seq.s32 s7, s2  }
0x1e: {  	s7 =	smul.u32 @!p0 $0xF7A, s2;
	p2 =	seq.s32 @!p0 s5, $0x0  }
0x1f: {  	s9 =	smul.u32 $0xF7A, s1;
	s8 =	simm.s32 @!p0 $0x1BF5;
	p2 =	por !p2, p0  }
0x20: {  	[sflag:s8] =	ssyncset.s32 @!p0 $0xFFFFF086;
	s6 =	sadd.s32 @!p0 s3, s7;
	s7 =	simm.s32 @!p0 $0x108  }
0x21: {  	s3 =	sadd.s32 s3, s9;
	s6 =	sadd.s32 @!p0 $0x88, s6;
	s7 =	simm.s32 @p2 $0x1082  }
0x22: {  	[simem:s7], [sflag:s8] =	dma.local @!p0 [hbm:s6], $0xF7A  }
0x23: {  	s9 =	sor.u32 $0xD0000000, s2;
	s6 =	simm.s32 $0x108;
	_ =	swait.ge @!p0 [sflag:s8], $0x0  }
0x24: {  	s3 =	sadd.s32 $0x88, s3;
	s6 =	simm.s32 @!p1 $0x1082;
	[sflag:s4] =	ssyncset.s32 $0xFFFFF086  }
0x25: {  	[simem:s6], [sflag:s4] =	dma.local [hbm:s3], $0xF7A  }
0x26: {  	[smem:$0x3F94] =	sst s1;
	(tag) =	ssettag s2;
	_ =	strace s9  }
0x27: {  	s1 =	sld [smem:$0x3FA4]  }
0x28: {  	s2 =	sld [smem:$0x3FA5]  }
0x29: {  	s4 =	sld [smem:$0x3FA7]  }
0x2a: {  	p0 =	seq.s32 s5, $0x0;
	s5 =	sld [smem:$0x3FA8]  }
0x2b: {  	s6 =	sld [smem:$0x3FA9]  }
0x2c: {  	s7 =	sld [smem:$0x3FAA]  }
0x2d: {  	s3 =	simm.s32 $0x108;
	s8 =	sld [smem:$0x3FAB]  }
0x2e: {  	s3 =	simm.s32 @!p0 $0x1082;
	s9 =	sld [smem:$0x3FAC]  }
0x2f: {  	lr =	sadd.s32 s0, s3;
	s0 =	sld [smem:$0x3FA3]  }
0x30: {  	s3 =	sld [smem:$0x3FA6]  }
0x31: {  	[smem:$0x3FAF] =	sst s10  }
0x32: {  	s10 =	sld [smem:$0x3FAD];
	_ =	sdelay $0x3  }
0x33: {  	p0 =	seq.s32 s10, $0x1;
	s10 =	sld [smem:$0x3FAF];
	_ =	sdelay $0x3  }
0x34: {  	[smem:$0x3FAF] =	sst s10  }
0x35: {  	s10 =	sld [smem:$0x3FAE];
	_ =	sdelay $0x3  }
0x36: {  	p1 =	seq.s32 s10, $0x1;
	s10 =	sld [smem:$0x3FAF];
	_ =	sdelay $0x3  }
0x37: {  	[smem:$0x3FAF] =	sst s10  }
0x38: {  	s10 =	sld [smem:$0x3FB0]  }
0x39: {  	_ = 	snop;
	(pc) =	sbr.ind lr, $3  }
0x3a: {  	_ = 	snop  }
0x3b: {  	_ = 	snop  }
0x3c: {  	p2 =	seq.s32 s10, $0x1;
	s10 =	sld [smem:$0x3FAF]  }
0x3d: {  	_ =	shalt  }
0x3e: {  	_ =	shalt  }
0x3f: {  	_ =	shalt  }
0x40: {  	_ =	shalt  }
0x41: {  	_ =	shalt  }
0x42: {  	_ =	shalt  }
0x43: {  	_ =	shalt  }
0x44: {  	_ =	shalt  }
0x45: {  	_ =	shalt  }
0x46: {  	_ =	shalt  }
0x47: {  	_ =	shalt  }
0x48: {  	_ =	shalt  }
0x49: {  	_ =	shalt  }
0x4a: {  	_ =	shalt  }
0x4b: {  	_ =	shalt  }
0x4c: {  	_ =	shalt  }
0x4d: {  	_ =	shalt  }
0x4e: {  	_ =	shalt  }
0x4f: {  	_ =	shalt  }
0x50: {  	_ =	shalt  }
0x51: {  	_ =	shalt  }
0x52: {  	_ =	shalt  }
0x53: {  	_ =	shalt  }
0x54: {  	_ =	shalt  }
0x55: {  	_ =	shalt  }
0x56: {  	_ =	shalt  }
0x57: {  	_ =	shalt  }
0x58: {  	_ =	shalt  }
0x59: {  	_ =	shalt  }
0x5a: {  	_ =	shalt  }
0x5b: {  	_ =	shalt  }
0x5c: {  	_ =	shalt  }
0x5d: {  	_ =	shalt  }
0x5e: {  	_ =	shalt  }
0x5f: {  	_ =	shalt  }
0x60: {  	_ =	shalt  }
0x61: {  	_ =	shalt  }
0x62: {  	_ =	shalt  }
0x63: {  	_ =	shalt  }
0x64: {  	_ =	shalt  }
0x65: {  	_ =	shalt  }
0x66: {  	_ =	shalt  }
0x67: {  	_ =	shalt  }
0x68: {  	_ =	shalt  }
0x69: {  	_ =	shalt  }
0x6a: {  	_ =	shalt  }
0x6b: {  	_ =	shalt  }
0x6c: {  	_ =	shalt  }
0x6d: {  	_ =	shalt  }
0x6e: {  	_ =	shalt  }
0x6f: {  	_ =	shalt  }
0x70: {  	_ =	shalt  }
0x71: {  	_ =	shalt  }
0x72: {  	_ =	shalt  }
0x73: {  	_ =	shalt  }
0x74: {  	_ =	shalt  }
0x75: {  	_ =	shalt  }
0x76: {  	_ =	shalt  }
0x77: {  	_ =	shalt  }
0x78: {  	_ =	shalt  }
0x79: {  	_ =	shalt  }
0x7a: {  	_ =	shalt  }
0x7b: {  	_ =	shalt  }
0x7c: {  	_ =	shalt  }
0x7d: {  	_ =	shalt  }
0x7e: {  	_ =	shalt  }
0x7f: {  	_ =	shalt  }
0x80: {  	_ =	shalt  }
0x81: {  	_ =	shalt  }
0x82: {  	_ =	shalt  }
0x83: {  	_ =	shalt  }
0x84: {  	_ =	shalt  }
0x85: {  	_ =	shalt  }
0x86: {  	_ =	shalt  }
0x87: {  	_ =	shalt  }
.Lfunc_end0:
.L_simem_size_0:
called_computation_lowered:
.L_overlay_start_0:
0x88: {  	s2 =	sld [smem:$0x3FD9]  }
0x89: {  	s3 =	sld [smem:$0x3FFE];
	_ =	sdelay $0x1  }
0x8a: {  	s1 =	srdreg.scid  }
0x8b: {  	s0 =	sand.u32 $0x1, s1  }
0x8c: {  	s14 =	sshll.u32 s0, $0xA;
	s2 =	sadd.s32 s3, s2  }
0x8d: {  	s2 =	sadd.s32 s2, s14  }
0x8e: {  	[smem:$0x3FBB] =	sst s2  }
0x8f: {  	_ = 	snop  }
0x90: {  	s2 =	sld [smem:$0x3FD0];
	_ =	sdelay $0x2  }
0x91: {  	s4 =	simm.s32 $0xA;
	s5 =	simm.s32 $0x10;
	s15 =	sld [smem:$0x3FC1]  }
0x92: {  	[smem:s5], [sflag:s4] =	dma.local [hbm:s2], $0x1  }
0x93: {  	_ =	swait.eq [sflag:s4], $0x1  }
0x94: {  	[sflag:s4] =	ssyncset.done $0x0  }
0x95: {  	[sflag:s4] =	ssyncadd.s32 $0xFFFFFFFF  }
0x96: {  	s16 =	sld [smem:$0x10];
	(tm) =	ssettm $0x1  }
0x97: {  	s17 =	sld [smem:$0x3FFB];
	_ =	sdelay $0x3  }
0x98: {  	_ =	strace s17  }
0x99: {  	s4 =	sld [smem:$0x3FFC];
	_ =	sdelay $0x3  }
0x9a: {  	_ =	strace s4  }
0x9b: {  	s4 =	sld [smem:$0x3FFD];
	_ =	sdelay $0x3  }
0x9c: {  	_ =	strace s4  }
0x9d: {  	_ =	strace $0x8FFFFFFF  }
0x9e: {  	s18 =	sld [smem:$0x3FDB];
	_ =	sdelay $0x1  }
0x9f: {  	s19 =	simm.s32 $_scs_section_size  }
0xa0: {  	s6 =	simm.s32 $_size__tile_overlayer_lowered;
	s7 =	simm.s32 $_tile_overlayer_lowered  }
0xa1: {  	s22 =	simm.s32 $0x1BFF;
	s21 =	sshll.u32 s7, $0x1;
	s4 =	sadd.s32 s19, s18  }
0xa2: {  	s8 =	simm.s32 $0x0;
	s20 =	sshll.u32 s6, $0x1;
	s6 =	sadd.s32 s21, s4  }
0xa3: {  	[timem:s8], [sflag:s22] =	dma.local [hbm:s6], s20  }
0xa4: {  	_ =	swait.ge [sflag:s22], s20  }
0xa5: {  	s5 =	ssub.s32 $0x0, s20;
	[sflag:s22] =	ssyncset.done $0x0  }
0xa6: {  	[sflag:s22] =	ssyncadd.s32 s5;
	_ =	sdelay $0x1  }
0xa7: {  	s23 =	simm.s32 $0x1B8B  }
0xa8: {  	_ =	swait.ge [sflag:s23], $0x1  }
0xa9: {  	[sflag:s23] =	ssyncset.done $0x0  }
0xaa: {  	s25 =	simm.s32 $0x1B8E;
	s24 =	sld [smem:$0x3FFE];
	[sflag:s23] =	ssyncadd.s32 $0xFFFFFFFF  }
0xab: {  	s26 =	simm.s32 $execute0_lowered;
	[smem:$0x3FD2] =	sst s25  }
0xac: {  	s6 =	sshll.u32 s26, $0x1;
	_ =	strace $0x80000046;
	[dreg:$0x1] =	wrdreg $0xFFFFFFFF  }
0xad: {  	s28 =	simm.s32 $_size_execute0_lowered;
	s4 =	sadd.s32 s4, s6;
	[dreg:$0x0] =	wrdreg $0x0  }
0xae: {  	s6 =	sshll.u32 s28, $0x1;
	[dreg:$0x2] =	wrdreg s4  }
0xaf: {  	[dreg:$0x3] =	wrdreg s6  }
0xb0: {  	[dreg:$0x4] =	wrdreg $0xC0  }
0xb1: {  	_ =	task [dreg:s8], $0x5FFFF  }
0xb2: {  	[dreg:$0x1] =	wrdreg $0xFFFFFFFF  }
0xb3: {  	[dreg:$0x0] =	wrdreg $0x60  }
0xb4: {  	[dreg:$0x2] =	wrdreg s24  }
0xb5: {  	[dreg:$0x3] =	wrdreg s15  }
0xb6: {  	[dreg:$0x4] =	wrdreg s16  }
0xb7: {  	[dreg:$0x5] =	wrdreg $0x94A00  }
0xb8: {  	[dreg:$0x6] =	wrdreg $0x9  }
0xb9: {  	_ =	task.clear_ibuf [dreg:s8], $0x7FFFF;
	_ =	strace $0x90000046  }
0xba: {  	s29 =	simm.s32 $0x9;
	_ =	strace $0x80000048  }
0xbb: {  	_ =	swait.ge [sflag:s29], $0x1  }
0xbc: {  	[sflag:s29] =	ssyncadd.s32 $0xFFFFFFFF  }
0xbd: {  	_ =	strace $0x90000048  }
0xbe: {  	_ =	sfence  }
0xbf: {  	s30 =	sld [smem:$0x0];
	_ =	sdelay $0x2  }
0xc0: {  	s31 =	sshll.u32 s1, $0xD;
	s1 =	sshrl.u32 s1, $0x2  }
0xc1: {  	s3 =	sand.u32 $0x4000, s31;
	s1 =	sadd.s32 s1, s30  }
0xc2: {  	s0 =	sor.u32 s3, s0;
	s1 =	sshll.u32 s1, $0x11  }
0xc3: {  	s0 =	sor.u32 s1, s0  }
0xc4: {  	s0 =	sadd.s32 $0x8F2B, s0  }
0xc5: {  	[sflag:s0] =	ssyncadd.remote.s32 $0x1  }
0xc6: {  	_ =	sfence.sel $0xFFFF  }
0xc7: {  	[dreg:$0x0] =	wrdreg $0xFFFFFFFF;
	(pc) =	sbr.abs _section_cstart, $3  }
0xc8: {  	[dreg:$0x1] =	wrdreg $0xFFFFFFFF  }
0xc9: {  	_ =	task.clear_ibuf [dreg:s8], $0x2FFFF;
	_ =	strace $0x9FFFFFFF  }
0xca: {  	(tm) =	ssettm $0x7FFFFFFF  }
0xcb: {  	_ =	shalt  }
tec
execute0_lowered:
.L_overlay_start_1:
0x0: {  	(tag) =	ssettag $0x1  }
0x1: {  	s0 =	rddreg [dreg:$0x0]  }
0x2: {  	s1 =	rddreg [dreg:$0x1]  }
0x3: {  	s2 =	rddreg [dreg:$0x3];
	s3 =	simm.s32 $0x0;
	s5 =	srdreg.scid  }
0x4: {  	s11 =	simm.s32 $0xD;
	s29 =	simm.s32 $0x7;
	s30 =	simm.s32 $0x50  }
0x5: {  	s31 =	simm.s32 $0x3;
	s28 =	simm.s32 $0x5620;
	[smem:$0x7FF] =	sst s3  }
0x6: {  	s4 =	sadd.s32 $0x1600, s0;
	s5 =	sand.u32 $0x1, s5;
	s6 =	sadd.s32 $0x28800, s0  }
0x7: {  	s7 =	sadd.s32 $0x3C400, s0;
	s9 =	sadd.s32 $0x32600, s0;
	s10 =	sadd.s32 $0x46200, s0  }
0x8: {  	s0 =	sadd.s32 $0x462A0, s0;
	_ =	strace $0x80000047;
	[dreg:$0x6] =	wrdreg s10  }
0x9: {  	s8 =	sshll.u32 s5, $0x1;
	s14 =	smul.u32 $0x2710, s5;
	[dreg:$0xf] =	wrdreg s0  }
0xa: {  	s12 =	ssub.s32 $0x2, s5;
	s17 =	scvt.s32.f32 s5;
	[dreg:$0x5] =	wrdreg s5  }
0xb: {  	s18 =	sshll.u32 s5, $0x4;
	s16 =	scvt.s32.f32 s8;
	s8 =	stileid.u32  }
0xc: {  	s13 =	sshrl.u32 s12, $0x1;
	s1 =	sadd.s32 s1, s18;
	p0 =	slt.u32 s8, $0x8  }
0xd: {  	s15 =	smul.u32 $0x50, s8;
	s13 =	ssub.s32 s12, s13;
	s12 =	sshll.u32 s5, $0x7  }
0xe: {  	[dreg:$0x7] =	wrdreg s1;
	s22 =	smul.u32 $0x6A40, s8;
	s23 =	sor.u32 $0x20, s8  }
0xf: {  	s24 =	sor.u32 $0x30, s8;
	v0 =	vmov s14;
	s14 =	simm.s32 $0x1E0A8;
	s10 =	ssub.f32 $1.000000000e+00, s16  }
0x10: {  	s11 =	simm.s32 @!p0 $0xC;
	s16 =	smul.u32 $0xA, s8;
	[dreg:$0xc] =	wrdreg s23  }
0x11: {  	[dreg:$0xd] =	wrdreg s24;
	s25 =	smax.u32 s13, $0x1;
	p0 =	sne.s32 s5, $0x0  }
0x12: {  	s23 =	simm.s32 $0x2BA0;
	s24 =	simm.s32 $0xB;
	s13 =	simm.s32 $0x2AB0  }
0x13: {  	s15 =	sshrl.u32 s15, $0x3;
	[dreg:$0xe] =	wrdreg s25;
	s26 =	sshrl.u32 s22, $0x2  }
0x14: {  	s25 =	simm.s32 $0x6;
	s22 =	simm.s32 $0x4;
	s18 =	sadd.s32 s7, s16  }
0x15: {  	s19 =	sadd.s32 $0xA0, s15;
	s20 =	sadd.s32 s9, s16;
	[dreg:$0x8] =	wrdreg s18  }
0x16: {  	s0 =	sadd.s32 s26, s2;
	s15 =	simm.s32 $0x8;
	[dreg:$0x9] =	wrdreg s20  }
0x17: {  	s16 =	simm.s32 $0x8FA0;
	s21 =	sadd.s32 s7, s19;
	[dreg:$0x10] =	wrdreg s0  }
0x18: {  	v3 =	vimm.f32 $0.0e+00;
	s1 =	sadd.s32 s9, s19;
	s20 =	simm.s32 $0x85A0;
	[dreg:$0xa] =	wrdreg s21  }
0x19: {  	v4 =	vlaneseq.u32;
	v2 =	vmov s17;
	v1 =	vmov s10;
	s19 =	simm.s32 $0x9;
	[dreg:$0xb] =	wrdreg s1;
	s1 =	simm.s32 $0x0  }
.LBB2_1:
0x1a: {  	s0 =	simm.s32 $0x40  }
0x1b: {  	[tilespmem:s0+$0x2BD0] =	vst v3  }
0x1c: {  	[tilespmem:s0+$0x5650] =	vst v3  }
0x1d: {  	[dreg:$0x11] =	wrdreg s1;
	s1 =	simm.s32 $0x320;
	[tilespmem:s0+$0x2BD8] =	vst v3  }
.LBB2_2:
0x1e: {  	p1 =	sne.s32 s1, $0xA8E0;
	[tilespmem:s0+$0x5658] =	vst v3  }
0x1f: {  	[tilespmem:s0+$0x2B60] =	vst v3  }
0x20: {  	[tilespmem:s0+$0x2B70] =	vst v3  }
0x21: {  	[tilespmem:s0+$0x2B80] =	vst v3  }
0x22: {  	[tilespmem:s0+$0x2B90] =	vst v3  }
0x23: {  	[tilespmem:s0+$0x2BA0] =	vst v3  }
0x24: {  	[tilespmem:s0+$0x2BB0] =	vst v3  }
0x25: {  	[tilespmem:s0+$0x2BC0] =	vst v3  }
0x26: {  	[tilespmem:s0+$0x55E0] =	vst v3  }
0x27: {  	[tilespmem:s0+$0x55F0] =	vst v3  }
0x28: {  	[tilespmem:s0+$0x5600] =	vst v3  }
0x29: {  	[tilespmem:s0+$0x5610] =	vst v3  }
0x2a: {  	[tilespmem:s0+$0x5620] =	vst v3  }
.Ltmp0:
0x2b: {  	[tilespmem:s0+$0x5630] =	vst v3;
	(pc) =	sbr.rel @p1 .LBB2_2-.Ltmp0, $4  }
0x2c: {  	[tilespmem:s0+$0x5640] =	vst v3;
	s0 =	sshra.s32 s1, $0x2  }
0x2d: {  	[tilespmem:s0+$0x2BD0] =	vst v3  }
0x2e: {  	[tilespmem:s0+$0x2BD8] =	vst v3  }
0x2f: {  	s1 =	sadd.s32 $0x220, s1;
	[tilespmem:s0+$0x5650] =	vst v3  }
0x30: {  	[tilespmem:s0+$0x5658] =	vst v3  }
0x31: {  	[tilespmem:s0+$0x2B60] =	vst v3  }
0x32: {  	[tilespmem:s0+$0x2B70] =	vst v3  }
0x33: {  	[tilespmem:s0+$0x2B80] =	vst v3  }
0x34: {  	[tilespmem:s0+$0x2B90] =	vst v3  }
0x35: {  	[tilespmem:s0+$0x2BA0] =	vst v3  }
0x36: {  	[tilespmem:s0+$0x2BB0] =	vst v3  }
0x37: {  	[tilespmem:s0+$0x2BC0] =	vst v3  }
0x38: {  	[tilespmem:s0+$0x55E0] =	vst v3  }
0x39: {  	[tilespmem:s0+$0x55F0] =	vst v3  }
0x3a: {  	[tilespmem:s0+$0x5600] =	vst v3  }
0x3b: {  	[tilespmem:s0+$0x5610] =	vst v3  }
0x3c: {  	[tilespmem:s0+$0x5620] =	vst v3;
	p1 =	sne.s32 s11, $0x1  }
.Ltmp1:
0x3d: {  	[tilespmem:s0+$0x5630] =	vst v3;
	(pc) =	sbr.rel @!p1 .LBB2_5-.Ltmp1, $4  }
0x3e: {  	[tilespmem:s0+$0x5640] =	vst v3;
	s1 =	rddreg [dreg:$0x10]  }
0x3f: {  	[spmem:s1] =	stream.linear.scatter [tilespmem:s23], [sflag:$0xB], $0x1A90, $0x38;
	[tilespmem:$0x1E5A8] =	vst v63  }
0x40: {  	_ =	swait.ge [sflag:s24], $0x1A90  }
0x41: {  	s0 =	sadd.s32 $0xFFFFFFFF, s11;
	[sflag:s24] =	ssyncset.done $0x0  }
.LBB2_4:
0x42: {  	p1 =	sne.s32 s0, $0x1;
	[sflag:s24] =	ssyncadd.s32 $0xFFFFE570;
	s1 =	sadd.s32 $0x1A900, s1  }
.Ltmp2:
0x43: {  	s0 =	sadd.s32 $0xFFFFFFFF, s0;
	(pc) =	sbr.rel @p1 .LBB2_4-.Ltmp2, $4  }
0x44: {  	_ = 	snop  }
0x45: {  	[spmem:s1] =	stream.linear.scatter [tilespmem:s23], [sflag:$0xB], $0x1A90, $0x38;
	[tilespmem:$0x1E5A8] =	vst v63  }
0x46: {  	_ =	swait.ge [sflag:s24], $0x1A90  }
0x47: {  	[sflag:s24] =	ssyncset.done $0x0  }
.LBB2_5:
0x48: {  	[sflag:s24] =	ssyncadd.s32 $0xFFFFE570  }
0x49: {  	s0 =	simm.s32 $0x0;
	s1 =	rddreg [dreg:$0x7];
	s5 =	simm.s32 $0xA0  }
0x4a: {  	[tilespmem:s5], [sflag:$0xB] =	stream.linear.gather [hbm4b:s1+s0], $0x80, $0x38;
	[tilespmem:$0x1E5A8] =	vst v63  }
0x4b: {  	_ =	swait.ge [sflag:s24], $0x80  }
0x4c: {  	[sflag:s24] =	ssyncset.done $0x0  }
0x4d: {  	[sflag:s24] =	ssyncadd.s32 $0xFFFFFF80  }
0x4e: {  	[bflag:$0x0] =	sbarrier.arrive $0xFFFF  }
0x4f: {  	s5 =	simm.s32 $0x2A60;
	s10 =	rddreg [dreg:$0x8]  }
0x50: {  	[tilespmem:s5], [sflag:$0x7] =	stream.linear.gather [hbm4b:s10+s0], $0x50, $0x38;
	[tilespmem:$0x1E5A8] =	vst v63  }
0x51: {  	s17 =	rddreg [dreg:$0x9];
	s10 =	simm.s32 $0x2920  }
0x52: {  	[tilespmem:s10], [sflag:$0x7] =	stream.linear.gather [hbm4b:s17+s0], $0x50, $0x38;
	[tilespmem:$0x1E5A8] =	vst v63  }
0x53: {  	_ =	swait.ge [sflag:s29], $0x50  }
0x54: {  	[sflag:s29] =	ssyncset.done $0x0  }
0x55: {  	[sflag:s29] =	ssyncadd.s32 $0xFFFFFFB0  }
0x56: {  	_ =	swait.ge [sflag:s29], $0x50  }
0x57: {  	[sflag:s29] =	ssyncset.done $0x0  }
0x58: {  	[sflag:s29] =	ssyncadd.s32 $0xFFFFFFB0  }
0x59: {  	v5 =	vld [tilespmem:$0x2A60]  }
0x5a: {  	v6 =	vld [tilespmem:$0x2920]  }
0x5b: {  	v7 =	vld [tilespmem:$0x2A70]  }
0x5c: {  	v8 =	vld [tilespmem:$0x2930]  }
0x5d: {  	v9 =	vld [tilespmem:$0x2A80]  }
0x5e: {  	v10 =	vld [tilespmem:$0x2940];
	v5 =	vadd.s32 v0, v5  }
0x5f: {  	[tilespmem:$0x2A60] =	vst v5;
	v5 =	vadd.s32 v0, v6;
	v6 =	vld [tilespmem:$0x2A90]  }
0x60: {  	[tilespmem:$0x29C0] =	vst v5;
	v5 =	vadd.s32 v0, v7;
	v7 =	vld [tilespmem:$0x2950]  }
0x61: {  	v62 =	vld [tilespmem:$0x2AA0];
	[tilespmem:$0x2A70] =	vst v5;
	v5 =	vadd.s32 v0, v8  }
0x62: {  	v63 =	vld [tilespmem:$0x2960];
	[tilespmem:$0x29D0] =	vst v5;
	v5 =	vadd.s32 v0, v9  }
0x63: {  	[tilespmem:$0x2A80] =	vst v5;
	v5 =	vadd.s32 v0, v10  }
0x64: {  	[tilespmem:$0x29E0] =	vst v5;
	v5 =	vadd.s32 v0, v6  }
0x65: {  	[tilespmem:$0x2A90] =	vst v5;
	v5 =	vadd.s32 v0, v7  }
0x66: {  	[tilespmem:$0x29F0] =	vst v5;
	v5 =	vadd.s32 v0, v62  }
0x67: {  	[tilespmem:$0x2AA0] =	vst v5;
	v5 =	vadd.s32 v0, v63  }
0x68: {  	s18 =	simm.s32 $0x8AA0;
	[tilespmem:$0x2A00] =	vst v5  }
0x69: {  	[tilespmem:s18], [sflag:$0x5] =	stream.indirect.gather [hbm4b:s6+s30], $0x10, s5, s30, $0xb8;
	[tilespmem:$0x1E5A8] =	vst v63  }
0x6a: {  	s21 =	simm.s32 $0x29C0;
	s26 =	simm.s32 $0x80A0  }
0x6b: {  	[tilespmem:s26], [sflag:$0x5] =	stream.indirect.gather [hbm4b:s6+s30], $0x10, s21, s30, $0xb8;
	[tilespmem:$0x1E5A8] =	vst v63  }
0x6c: {  	s17 =	simm.s32 $0x120  }
0x6d: {  	[tilespmem:s17], [sflag:$0x3] =	stream.indirect.gather [hbm4b:s4+s30], $0x40, s5, s30, $0xb8;
	[tilespmem:$0x1E5A8] =	vst v63  }
0x6e: {  	s18 =	rddreg [dreg:$0xa]  }
0x6f: {  	[tilespmem:s13], [sflag:$0x8] =	stream.linear.gather [hbm4b:s18+s0], $0x50, $0x38;
	[tilespmem:$0x1E5A8] =	vst v63  }
0x70: {  	s21 =	rddreg [dreg:$0xb];
	s26 =	simm.s32 $0x2970  }
0x71: {  	[tilespmem:s26], [sflag:$0x8] =	stream.linear.gather [hbm4b:s21+s0], $0x50, $0x38;
	[tilespmem:$0x1E5A8] =	vst v63  }
.LBB2_6:
0x72: {  	p1 =	seq.s32 s0, $0x7D  }
0x73: {  	v6 =	vlaneseq.u32 @!p1  }
0x74: {  	s1 =	simm.s32 @!p1 $0x5;
	v5 =	vmul.u32 @!p1 $0x10, v6  }
0x75: {  	_ =	swait.ge @!p1 [sflag:s1], $0x500  }
0x76: {  	[sflag:s1] =	ssyncset.done @!p1 $0x0;
	v7 =	vor.u32 @!p1 $0x8, v5  }
0x77: {  	[sflag:s1] =	ssyncadd.s32 @!p1 $0xFFFFFB00  }
0x78: {  	_ =	swait.ge @!p1 [sflag:s1], $0x500  }
0x79: {  	[sflag:s1] =	ssyncset.done @!p1 $0x0  }
0x7a: {  	s17 =	simm.s32 @!p1 $0x8AA0;
	[sflag:s1] =	ssyncadd.s32 @!p1 $0xFFFFFB00  }
0x7b: {  	s26 =	simm.s32 @!p1 $0x80A0;
	v8 =	vld.idx.msk @!p1 [tilespmem:v7+s17+$0x0], $0xffff  }
0x7c: {  	v7 =	vld.idx.msk @!p1 [tilespmem:v7+s26+$0x0], $0xffff;
	_ =	sdelay $0x4  }
0x7d: {  	v7 =	vadd.f32 @!p1 v7, v8;
	_ =	sdelay $0x1  }
0x7e: {  	v7 =	vsub.f32 @!p1 $0.0e+00, v7;
	_ =	sdelay $0x1  }
0x7f: {  	v7 =	vmul.f32 @!p1 $1.442695020e+00, v7;
	_ =	sdelay $0x1  }
0x80: {  	(erf) = vpow2.f32 @!p1 v7;
	_ =	sdelay $0x8  }
0x81: {  	v7 =	vpop @!p1 (erf)  }
0x82: {  	v7 =	vadd.f32 @!p1 $1.000000000e+00, v7;
	_ =	sdelay $0x1  }
0x83: {  	(erf) = vrcp.f32 @!p1 v7;
	_ =	sdelay $0x6  }
0x84: {  	v7 =	vor.u32 @!p1 $0x4, v5;
	_ =	sdelay $0x1  }
0x85: {  	v8 =	vpop @!p1 (erf)  }
0x86: {  	[tilespmem:$0x0] =	vst @!p1 v8  }
0x87: {  	v9 =	vld.idx.msk @!p1 [tilespmem:v5+s17+$0x0], $0xffff  }
0x88: {  	v7 =	vld.idx.msk @!p1 [tilespmem:v7+s26+$0x0], $0xffff;
	_ =	sdelay $0x4  }
0x89: {  	v7 =	vadd.f32 @!p1 v7, v9;
	_ =	sdelay $0x1  }
0x8a: {  	v9 =	vmul.f32 @!p1 $2.000000030e-01, v7  }
0x8b: {  	vm0 =	vge.f32 @!p1 v7, $0.0e+00  }
0x8c: {  	v7 =	vsel @!p1 vm0, v7, v9  }
0x8d: {  	v7 =	vmul.f32 @!p1 v7, v1;
	_ =	sdelay $0x1  }
0x8e: {  	v7 =	vmul.f32 @!p1 $1.442695020e+00, v7;
	_ =	sdelay $0x1  }
0x8f: {  	(erf) = vpow2.f32 @!p1 v7;
	_ =	sdelay $0x3  }
0x90: {  	v6 =	vmul.u32 @!p1 $0x88, v6;
	_ =	sdelay $0x1  }
0x91: {  	v7 =	vmul.f32 @!p1 v8, v1;
	v8 =	vadd.s32 @!p1 $0x80, v6;
	_ =	sdelay $0x1  }
0x92: {  	v9 =	vor.u32 @!p1 $0x1, v5;
	v7 =	vadd.f32 @!p1 v7, v2  }
0x93: {  	v11 =	vor.u32 @!p1 $0x5, v5;
	v10 =	vpop @!p1 (erf)  }
0x94: {  	s10 =	simm.s32 @!p1 $0x2BA0;
	v12 =	vmul.f32 @!p1 v10, v7  }
0x95: {  	s1 =	simm.s32 @!p1 $0x1E0A8;
	[tilespmem:v8+s10+$0x0] =	vst.idx.msk @!p1 $0xffff, v10  }
0x96: {  	[tilespmem:v5+s1+$0x0] =	vst.idx.msk @!p1 $0xffff, v12  }
0x97: {  	v8 =	vld.idx.msk @!p1 [tilespmem:v9+s17+$0x0], $0xffff  }
0x98: {  	v10 =	vld.idx.msk @!p1 [tilespmem:v11+s26+$0x0], $0xffff;
	_ =	sdelay $0x4  }
0x99: {  	v8 =	vadd.f32 @!p1 v10, v8;
	_ =	sdelay $0x1  }
0x9a: {  	v10 =	vmul.f32 @!p1 $2.000000030e-01, v8  }
0x9b: {  	vm0 =	vge.f32 @!p1 v8, $0.0e+00  }
0x9c: {  	v8 =	vsel @!p1 vm0, v8, v10  }
0x9d: {  	v8 =	vmul.f32 @!p1 v8, v1;
	_ =	sdelay $0x1  }
0x9e: {  	v8 =	vmul.f32 @!p1 $1.442695020e+00, v8;
	_ =	sdelay $0x1  }
0x9f: {  	(erf) = vpow2.f32 @!p1 v8;
	_ =	sdelay $0x5  }
0xa0: {  	v8 =	vadd.s32 @!p1 $0x81, v6;
	_ =	sdelay $0x1  }
0xa1: {  	v10 =	vor.u32 @!p1 $0x2, v5  }
0xa2: {  	v12 =	vor.u32 @!p1 $0x6, v5;
	v11 =	vpop @!p1 (erf)  }
0xa3: {  	v13 =	vmul.f32 @!p1 v11, v7  }
0xa4: {  	[tilespmem:v8+s10+$0x0] =	vst.idx.msk @!p1 $0xffff, v11  }
0xa5: {  	[tilespmem:v9+s1+$0x0] =	vst.idx.msk @!p1 $0xffff, v13  }
0xa6: {  	v8 =	vld.idx.msk @!p1 [tilespmem:v10+s17+$0x0], $0xffff  }
0xa7: {  	v9 =	vld.idx.msk @!p1 [tilespmem:v12+s26+$0x0], $0xffff;
	_ =	sdelay $0x4  }
0xa8: {  	v8 =	vadd.f32 @!p1 v9, v8;
	_ =	sdelay $0x1  }
0xa9: {  	v9 =	vmul.f32 @!p1 $2.000000030e-01, v8  }
0xaa: {  	vm0 =	vge.f32 @!p1 v8, $0.0e+00  }
0xab: {  	v8 =	vsel @!p1 vm0, v8, v9  }
0xac: {  	v8 =	vmul.f32 @!p1 v8, v1;
	_ =	sdelay $0x1  }
0xad: {  	v8 =	vmul.f32 @!p1 $1.442695020e+00, v8;
	_ =	sdelay $0x1  }
0xae: {  	(erf) = vpow2.f32 @!p1 v8;
	_ =	sdelay $0x5  }
0xaf: {  	v8 =	vadd.s32 @!p1 $0x82, v6;
	_ =	sdelay $0x1  }
0xb0: {  	v9 =	vor.u32 @!p1 $0x3, v5  }
0xb1: {  	v12 =	vor.u32 @!p1 $0x7, v5;
	v11 =	vpop @!p1 (erf)  }
0xb2: {  	v13 =	vmul.f32 @!p1 v11, v7  }
0xb3: {  	[tilespmem:v8+s10+$0x0] =	vst.idx.msk @!p1 $0xffff, v11  }
0xb4: {  	[tilespmem:v10+s1+$0x0] =	vst.idx.msk @!p1 $0xffff, v13  }
0xb5: {  	v8 =	vld.idx.msk @!p1 [tilespmem:v9+s17+$0x0], $0xffff  }
0xb6: {  	v10 =	vld.idx.msk @!p1 [tilespmem:v12+s26+$0x0], $0xffff;
	_ =	sdelay $0x4  }
0xb7: {  	v8 =	vadd.f32 @!p1 v10, v8;
	_ =	sdelay $0x1  }
0xb8: {  	v10 =	vmul.f32 @!p1 $2.000000030e-01, v8  }
0xb9: {  	vm0 =	vge.f32 @!p1 v8, $0.0e+00  }
0xba: {  	v8 =	vsel @!p1 vm0, v8, v10  }
0xbb: {  	v8 =	vmul.f32 @!p1 v8, v1;
	_ =	sdelay $0x1  }
0xbc: {  	v8 =	vmul.f32 @!p1 $1.442695020e+00, v8;
	_ =	sdelay $0x1  }
0xbd: {  	(erf) = vpow2.f32 @!p1 v8;
	_ =	sdelay $0x5  }
0xbe: {  	v8 =	vadd.s32 @!p1 $0x83, v6;
	_ =	sdelay $0x2  }
0xbf: {  	v10 =	vpop @!p1 (erf)  }
0xc0: {  	v7 =	vmul.f32 @!p1 v10, v7  }
0xc1: {  	[tilespmem:v8+s10+$0x0] =	vst.idx.msk @!p1 $0xffff, v10  }
0xc2: {  	[tilespmem:v9+s1+$0x0] =	vst.idx.msk @!p1 $0xffff, v7  }
0xc3: {  	v7 =	vld @!p1 [tilespmem:$0x2920]  }
0xc4: {  	v8 =	vor.u32 @!p1 $0x108, v5;
	_ =	sdelay $0x3  }
0xc5: {  	[tilespmem:$0x2B00] =	vst @!p1 v7  }
0xc6: {  	v7 =	vld.idx.msk @!p1 [tilespmem:v8+s17+$0x0], $0xffff  }
0xc7: {  	v8 =	vld.idx.msk @!p1 [tilespmem:v8+s26+$0x0], $0xffff;
	_ =	sdelay $0x4  }
0xc8: {  	v7 =	vadd.f32 @!p1 v8, v7;
	_ =	sdelay $0x1  }
0xc9: {  	v7 =	vsub.f32 @!p1 $0.0e+00, v7;
	_ =	sdelay $0x1  }
0xca: {  	v7 =	vmul.f32 @!p1 $1.442695020e+00, v7;
	_ =	sdelay $0x1  }
0xcb: {  	(erf) = vpow2.f32 @!p1 v7;
	_ =	sdelay $0x8  }
0xcc: {  	v7 =	vpop @!p1 (erf)  }
0xcd: {  	v7 =	vadd.f32 @!p1 $1.000000000e+00, v7;
	_ =	sdelay $0x1  }
0xce: {  	(erf) = vrcp.f32 @!p1 v7;
	_ =	sdelay $0x5  }
0xcf: {  	v7 =	vor.u32 @!p1 $0x100, v5  }
0xd0: {  	v8 =	vor.u32 @!p1 $0x104, v5;
	_ =	sdelay $0x1  }
0xd1: {  	v9 =	vpop @!p1 (erf)  }
0xd2: {  	[tilespmem:$0x10] =	vst @!p1 v9  }
0xd3: {  	v10 =	vld.idx.msk @!p1 [tilespmem:v7+s17+$0x0], $0xffff  }
0xd4: {  	v8 =	vld.idx.msk @!p1 [tilespmem:v8+s26+$0x0], $0xffff;
	_ =	sdelay $0x4  }
0xd5: {  	v8 =	vadd.f32 @!p1 v8, v10;
	_ =	sdelay $0x1  }
0xd6: {  	v10 =	vmul.f32 @!p1 $2.000000030e-01, v8  }
0xd7: {  	vm0 =	vge.f32 @!p1 v8, $0.0e+00  }
0xd8: {  	v8 =	vsel @!p1 vm0, v8, v10  }
0xd9: {  	v8 =	vmul.f32 @!p1 v8, v1;
	_ =	sdelay $0x1  }
0xda: {  	v8 =	vmul.f32 @!p1 $1.442695020e+00, v8;
	_ =	sdelay $0x1  }
0xdb: {  	(erf) = vpow2.f32 @!p1 v8;
	_ =	sdelay $0x5  }
0xdc: {  	v8 =	vmul.f32 @!p1 v9, v1;
	v9 =	vadd.s32 @!p1 $0x900, v6;
	_ =	sdelay $0x1  }
0xdd: {  	v10 =	vor.u32 @!p1 $0x101, v5;
	v8 =	vadd.f32 @!p1 v8, v2  }
0xde: {  	v12 =	vor.u32 @!p1 $0x105, v5;
	v11 =	vpop @!p1 (erf)  }
0xdf: {  	v13 =	vmul.f32 @!p1 v11, v8  }
0xe0: {  	[tilespmem:v9+s10+$0x0] =	vst.idx.msk @!p1 $0xffff, v11  }
0xe1: {  	[tilespmem:v7+s1+$0x0] =	vst.idx.msk @!p1 $0xffff, v13  }
0xe2: {  	v7 =	vld.idx.msk @!p1 [tilespmem:v10+s17+$0x0], $0xffff  }
0xe3: {  	v9 =	vld.idx.msk @!p1 [tilespmem:v12+s26+$0x0], $0xffff;
	_ =	sdelay $0x4  }
0xe4: {  	v7 =	vadd.f32 @!p1 v9, v7;
	_ =	sdelay $0x1  }
0xe5: {  	v9 =	vmul.f32 @!p1 $2.000000030e-01, v7  }
0xe6: {  	vm0 =	vge.f32 @!p1 v7, $0.0e+00  }
0xe7: {  	v7 =	vsel @!p1 vm0, v7, v9  }
0xe8: {  	v7 =	vmul.f32 @!p1 v7, v1;
	_ =	sdelay $0x1  }
0xe9: {  	v7 =	vmul.f32 @!p1 $1.442695020e+00, v7;
	_ =	sdelay $0x1  }
0xea: {  	(erf) = vpow2.f32 @!p1 v7;
	_ =	sdelay $0x5  }
0xeb: {  	v7 =	vadd.s32 @!p1 $0x901, v6;
	_ =	sdelay $0x1  }
0xec: {  	v9 =	vor.u32 @!p1 $0x102, v5  }
0xed: {  	v12 =	vor.u32 @!p1 $0x106, v5;
	v11 =	vpop @!p1 (erf)  }
0xee: {  	v13 =	vmul.f32 @!p1 v11, v8  }
0xef: {  	[tilespmem:v7+s10+$0x0] =	vst.idx.msk @!p1 $0xffff, v11  }
0xf0: {  	[tilespmem:v10+s1+$0x0] =	vst.idx.msk @!p1 $0xffff, v13  }
0xf1: {  	v7 =	vld.idx.msk @!p1 [tilespmem:v9+s17+$0x0], $0xffff  }
0xf2: {  	v10 =	vld.idx.msk @!p1 [tilespmem:v12+s26+$0x0], $0xffff;
	_ =	sdelay $0x4  }
0xf3: {  	v7 =	vadd.f32 @!p1 v10, v7;
	_ =	sdelay $0x1  }
0xf4: {  	v10 =	vmul.f32 @!p1 $2.000000030e-01, v7  }
0xf5: {  	vm0 =	vge.f32 @!p1 v7, $0.0e+00  }
0xf6: {  	v7 =	vsel @!p1 vm0, v7, v10  }
0xf7: {  	v7 =	vmul.f32 @!p1 v7, v1;
	_ =	sdelay $0x1  }
0xf8: {  	v7 =	vmul.f32 @!p1 $1.442695020e+00, v7;
	_ =	sdelay $0x1  }
0xf9: {  	(erf) = vpow2.f32 @!p1 v7;
	_ =	sdelay $0x5  }
0xfa: {  	v7 =	vadd.s32 @!p1 $0x902, v6;
	_ =	sdelay $0x1  }
0xfb: {  	v10 =	vor.u32 @!p1 $0x103, v5  }
0xfc: {  	v12 =	vor.u32 @!p1 $0x107, v5;
	v11 =	vpop @!p1 (erf)  }
0xfd: {  	v13 =	vmul.f32 @!p1 v11, v8  }
0xfe: {  	[tilespmem:v7+s10+$0x0] =	vst.idx.msk @!p1 $0xffff, v11  }
0xff: {  	[tilespmem:v9+s1+$0x0] =	vst.idx.msk @!p1 $0xffff, v13  }
0x100: {  	v7 =	vld.idx.msk @!p1 [tilespmem:v10+s17+$0x0], $0xffff  }
0x101: {  	v9 =	vld.idx.msk @!p1 [tilespmem:v12+s26+$0x0], $0xffff;
	_ =	sdelay $0x4  }
0x102: {  	v7 =	vadd.f32 @!p1 v9, v7;
	_ =	sdelay $0x1  }
0x103: {  	v9 =	vmul.f32 @!p1 $2.000000030e-01, v7  }
0x104: {  	vm0 =	vge.f32 @!p1 v7, $0.0e+00  }
0x105: {  	v7 =	vsel @!p1 vm0, v7, v9  }
0x106: {  	v7 =	vmul.f32 @!p1 v7, v1;
	_ =	sdelay $0x1  }
0x107: {  	v7 =	vmul.f32 @!p1 $1.442695020e+00, v7;
	_ =	sdelay $0x1  }
0x108: {  	(erf) = vpow2.f32 @!p1 v7;
	_ =	sdelay $0x5  }
0x109: {  	v7 =	vadd.s32 @!p1 $0x903, v6;
	_ =	sdelay $0x2  }
0x10a: {  	v9 =	vpop @!p1 (erf)  }
0x10b: {  	v8 =	vmul.f32 @!p1 v9, v8  }
0x10c: {  	[tilespmem:v7+s10+$0x0] =	vst.idx.msk @!p1 $0xffff, v9  }
0x10d: {  	[tilespmem:v10+s1+$0x0] =	vst.idx.msk @!p1 $0xffff, v8  }
0x10e: {  	v7 =	vld @!p1 [tilespmem:$0x2930]  }
0x10f: {  	v8 =	vor.u32 @!p1 $0x208, v5;
	_ =	sdelay $0x3  }
0x110: {  	[tilespmem:$0x2B10] =	vst @!p1 v7  }
0x111: {  	v7 =	vld.idx.msk @!p1 [tilespmem:v8+s17+$0x0], $0xffff  }
0x112: {  	v8 =	vld.idx.msk @!p1 [tilespmem:v8+s26+$0x0], $0xffff;
	_ =	sdelay $0x4  }
0x113: {  	v7 =	vadd.f32 @!p1 v8, v7;
	_ =	sdelay $0x1  }
0x114: {  	v7 =	vsub.f32 @!p1 $0.0e+00, v7;
	_ =	sdelay $0x1  }
0x115: {  	v7 =	vmul.f32 @!p1 $1.442695020e+00, v7;
	_ =	sdelay $0x1  }
0x116: {  	(erf) = vpow2.f32 @!p1 v7;
	_ =	sdelay $0x8  }
0x117: {  	v7 =	vpop @!p1 (erf)  }
0x118: {  	v7 =	vadd.f32 @!p1 $1.000000000e+00, v7;
	_ =	sdelay $0x1  }
0x119: {  	(erf) = vrcp.f32 @!p1 v7;
	_ =	sdelay $0x5  }
0x11a: {  	v7 =	vor.u32 @!p1 $0x200, v5  }
0x11b: {  	v8 =	vor.u32 @!p1 $0x204, v5;
	_ =	sdelay $0x1  }
0x11c: {  	v9 =	vpop @!p1 (erf)  }
0x11d: {  	[tilespmem:$0x20] =	vst @!p1 v9  }
0x11e: {  	v10 =	vld.idx.msk @!p1 [tilespmem:v7+s17+$0x0], $0xffff  }
0x11f: {  	v8 =	vld.idx.msk @!p1 [tilespmem:v8+s26+$0x0], $0xffff;
	_ =	sdelay $0x4  }
0x120: {  	v8 =	vadd.f32 @!p1 v8, v10;
	_ =	sdelay $0x1  }
0x121: {  	v10 =	vmul.f32 @!p1 $2.000000030e-01, v8  }
0x122: {  	vm0 =	vge.f32 @!p1 v8, $0.0e+00  }
0x123: {  	v8 =	vsel @!p1 vm0, v8, v10  }
0x124: {  	v8 =	vmul.f32 @!p1 v8, v1;
	_ =	sdelay $0x1  }
0x125: {  	v8 =	vmul.f32 @!p1 $1.442695020e+00, v8;
	_ =	sdelay $0x1  }
0x126: {  	(erf) = vpow2.f32 @!p1 v8;
	_ =	sdelay $0x5  }
0x127: {  	v8 =	vmul.f32 @!p1 v9, v1;
	v9 =	vadd.s32 @!p1 $0x1180, v6;
	_ =	sdelay $0x1  }
0x128: {  	v10 =	vor.u32 @!p1 $0x201, v5;
	v8 =	vadd.f32 @!p1 v8, v2  }
0x129: {  	v12 =	vor.u32 @!p1 $0x205, v5;
	v11 =	vpop @!p1 (erf)  }
0x12a: {  	v13 =	vmul.f32 @!p1 v11, v8  }
0x12b: {  	[tilespmem:v9+s10+$0x0] =	vst.idx.msk @!p1 $0xffff, v11  }
0x12c: {  	[tilespmem:v7+s1+$0x0] =	vst.idx.msk @!p1 $0xffff, v13  }
0x12d: {  	v7 =	vld.idx.msk @!p1 [tilespmem:v10+s17+$0x0], $0xffff  }
0x12e: {  	v9 =	vld.idx.msk @!p1 [tilespmem:v12+s26+$0x0], $0xffff;
	_ =	sdelay $0x4  }
0x12f: {  	v7 =	vadd.f32 @!p1 v9, v7;
	_ =	sdelay $0x1  }
0x130: {  	v9 =	vmul.f32 @!p1 $2.000000030e-01, v7  }
0x131: {  	vm0 =	vge.f32 @!p1 v7, $0.0e+00  }
0x132: {  	v7 =	vsel @!p1 vm0, v7, v9  }
0x133: {  	v7 =	vmul.f32 @!p1 v7, v1;
	_ =	sdelay $0x1  }
0x134: {  	v7 =	vmul.f32 @!p1 $1.442695020e+00, v7;
	_ =	sdelay $0x1  }
0x135: {  	(erf) = vpow2.f32 @!p1 v7;
	_ =	sdelay $0x5  }
0x136: {  	v7 =	vadd.s32 @!p1 $0x1181, v6;
	_ =	sdelay $0x1  }
0x137: {  	v9 =	vor.u32 @!p1 $0x202, v5  }
0x138: {  	v12 =	vor.u32 @!p1 $0x206, v5;
	v11 =	vpop @!p1 (erf)  }
0x139: {  	v13 =	vmul.f32 @!p1 v11, v8  }
0x13a: {  	[tilespmem:v7+s10+$0x0] =	vst.idx.msk @!p1 $0xffff, v11  }
0x13b: {  	[tilespmem:v10+s1+$0x0] =	vst.idx.msk @!p1 $0xffff, v13  }
0x13c: {  	v7 =	vld.idx.msk @!p1 [tilespmem:v9+s17+$0x0], $0xffff  }
0x13d: {  	v10 =	vld.idx.msk @!p1 [tilespmem:v12+s26+$0x0], $0xffff;
	_ =	sdelay $0x4  }
0x13e: {  	v7 =	vadd.f32 @!p1 v10, v7;
	_ =	sdelay $0x1  }
0x13f: {  	v10 =	vmul.f32 @!p1 $2.000000030e-01, v7  }
0x140: {  	vm0 =	vge.f32 @!p1 v7, $0.0e+00  }
0x141: {  	v7 =	vsel @!p1 vm0, v7, v10  }
0x142: {  	v7 =	vmul.f32 @!p1 v7, v1;
	_ =	sdelay $0x1  }
0x143: {  	v7 =	vmul.f32 @!p1 $1.442695020e+00, v7;
	_ =	sdelay $0x1  }
0x144: {  	(erf) = vpow2.f32 @!p1 v7;
	_ =	sdelay $0x5  }
0x145: {  	v7 =	vadd.s32 @!p1 $0x1182, v6;
	_ =	sdelay $0x1  }
0x146: {  	v10 =	vor.u32 @!p1 $0x203, v5  }
0x147: {  	v12 =	vor.u32 @!p1 $0x207, v5;
	v11 =	vpop @!p1 (erf)  }
0x148: {  	v13 =	vmul.f32 @!p1 v11, v8  }
0x149: {  	[tilespmem:v7+s10+$0x0] =	vst.idx.msk @!p1 $0xffff, v11  }
0x14a: {  	[tilespmem:v9+s1+$0x0] =	vst.idx.msk @!p1 $0xffff, v13  }
0x14b: {  	v7 =	vld.idx.msk @!p1 [tilespmem:v10+s17+$0x0], $0xffff  }
0x14c: {  	v9 =	vld.idx.msk @!p1 [tilespmem:v12+s26+$0x0], $0xffff;
	_ =	sdelay $0x4  }
0x14d: {  	v7 =	vadd.f32 @!p1 v9, v7;
	_ =	sdelay $0x1  }
0x14e: {  	v9 =	vmul.f32 @!p1 $2.000000030e-01, v7  }
0x14f: {  	vm0 =	vge.f32 @!p1 v7, $0.0e+00  }
0x150: {  	v7 =	vsel @!p1 vm0, v7, v9  }
0x151: {  	v7 =	vmul.f32 @!p1 v7, v1;
	_ =	sdelay $0x1  }
0x152: {  	v7 =	vmul.f32 @!p1 $1.442695020e+00, v7;
	_ =	sdelay $0x1  }
0x153: {  	(erf) = vpow2.f32 @!p1 v7;
	_ =	sdelay $0x5  }
0x154: {  	v7 =	vadd.s32 @!p1 $0x1183, v6;
	_ =	sdelay $0x2  }
0x155: {  	v9 =	vpop @!p1 (erf)  }
0x156: {  	v8 =	vmul.f32 @!p1 v9, v8  }
0x157: {  	[tilespmem:v7+s10+$0x0] =	vst.idx.msk @!p1 $0xffff, v9  }
0x158: {  	[tilespmem:v10+s1+$0x0] =	vst.idx.msk @!p1 $0xffff, v8  }
0x159: {  	v7 =	vld @!p1 [tilespmem:$0x2940]  }
0x15a: {  	v8 =	vor.u32 @!p1 $0x308, v5;
	_ =	sdelay $0x3  }
0x15b: {  	[tilespmem:$0x2B20] =	vst @!p1 v7  }
0x15c: {  	v7 =	vld.idx.msk @!p1 [tilespmem:v8+s17+$0x0], $0xffff  }
0x15d: {  	v8 =	vld.idx.msk @!p1 [tilespmem:v8+s26+$0x0], $0xffff;
	_ =	sdelay $0x4  }
0x15e: {  	v7 =	vadd.f32 @!p1 v8, v7;
	_ =	sdelay $0x1  }
0x15f: {  	v7 =	vsub.f32 @!p1 $0.0e+00, v7;
	_ =	sdelay $0x1  }
0x160: {  	v7 =	vmul.f32 @!p1 $1.442695020e+00, v7;
	_ =	sdelay $0x1  }
0x161: {  	(erf) = vpow2.f32 @!p1 v7;
	_ =	sdelay $0x8  }
0x162: {  	v7 =	vpop @!p1 (erf)  }
0x163: {  	v7 =	vadd.f32 @!p1 $1.000000000e+00, v7;
	_ =	sdelay $0x1  }
0x164: {  	(erf) = vrcp.f32 @!p1 v7;
	_ =	sdelay $0x5  }
0x165: {  	v7 =	vor.u32 @!p1 $0x300, v5  }
0x166: {  	v8 =	vor.u32 @!p1 $0x304, v5;
	_ =	sdelay $0x1  }
0x167: {  	v9 =	vpop @!p1 (erf)  }
0x168: {  	[tilespmem:$0x30] =	vst @!p1 v9  }
0x169: {  	v10 =	vld.idx.msk @!p1 [tilespmem:v7+s17+$0x0], $0xffff  }
0x16a: {  	v8 =	vld.idx.msk @!p1 [tilespmem:v8+s26+$0x0], $0xffff;
	_ =	sdelay $0x4  }
0x16b: {  	v8 =	vadd.f32 @!p1 v8, v10;
	_ =	sdelay $0x1  }
0x16c: {  	v10 =	vmul.f32 @!p1 $2.000000030e-01, v8  }
0x16d: {  	vm0 =	vge.f32 @!p1 v8, $0.0e+00  }
0x16e: {  	v8 =	vsel @!p1 vm0, v8, v10  }
0x16f: {  	v8 =	vmul.f32 @!p1 v8, v1;
	_ =	sdelay $0x1  }
0x170: {  	v8 =	vmul.f32 @!p1 $1.442695020e+00, v8;
	_ =	sdelay $0x1  }
0x171: {  	(erf) = vpow2.f32 @!p1 v8;
	_ =	sdelay $0x5  }
0x172: {  	v8 =	vmul.f32 @!p1 v9, v1;
	v9 =	vadd.s32 @!p1 $0x1A00, v6;
	_ =	sdelay $0x1  }
0x173: {  	v10 =	vor.u32 @!p1 $0x301, v5;
	v8 =	vadd.f32 @!p1 v8, v2  }
0x174: {  	v12 =	vor.u32 @!p1 $0x305, v5;
	v11 =	vpop @!p1 (erf)  }
0x175: {  	v13 =	vmul.f32 @!p1 v11, v8  }
0x176: {  	[tilespmem:v9+s10+$0x0] =	vst.idx.msk @!p1 $0xffff, v11  }
0x177: {  	[tilespmem:v7+s1+$0x0] =	vst.idx.msk @!p1 $0xffff, v13  }
0x178: {  	v7 =	vld.idx.msk @!p1 [tilespmem:v10+s17+$0x0], $0xffff  }
0x179: {  	v9 =	vld.idx.msk @!p1 [tilespmem:v12+s26+$0x0], $0xffff;
	_ =	sdelay $0x4  }
0x17a: {  	v7 =	vadd.f32 @!p1 v9, v7;
	_ =	sdelay $0x1  }
0x17b: {  	v9 =	vmul.f32 @!p1 $2.000000030e-01, v7  }
0x17c: {  	vm0 =	vge.f32 @!p1 v7, $0.0e+00  }
0x17d: {  	v7 =	vsel @!p1 vm0, v7, v9  }
0x17e: {  	v7 =	vmul.f32 @!p1 v7, v1;
	_ =	sdelay $0x1  }
0x17f: {  	v7 =	vmul.f32 @!p1 $1.442695020e+00, v7;
	_ =	sdelay $0x1  }
0x180: {  	(erf) = vpow2.f32 @!p1 v7;
	_ =	sdelay $0x5  }
0x181: {  	v7 =	vadd.s32 @!p1 $0x1A01, v6;
	_ =	sdelay $0x1  }
0x182: {  	v9 =	vor.u32 @!p1 $0x302, v5  }
0x183: {  	v12 =	vor.u32 @!p1 $0x306, v5;
	v11 =	vpop @!p1 (erf)  }
0x184: {  	v13 =	vmul.f32 @!p1 v11, v8  }
0x185: {  	[tilespmem:v7+s10+$0x0] =	vst.idx.msk @!p1 $0xffff, v11  }
0x186: {  	[tilespmem:v10+s1+$0x0] =	vst.idx.msk @!p1 $0xffff, v13  }
0x187: {  	v7 =	vld.idx.msk @!p1 [tilespmem:v9+s17+$0x0], $0xffff  }
0x188: {  	v10 =	vld.idx.msk @!p1 [tilespmem:v12+s26+$0x0], $0xffff;
	_ =	sdelay $0x4  }
0x189: {  	v7 =	vadd.f32 @!p1 v10, v7;
	_ =	sdelay $0x1  }
0x18a: {  	v10 =	vmul.f32 @!p1 $2.000000030e-01, v7  }
0x18b: {  	vm0 =	vge.f32 @!p1 v7, $0.0e+00  }
0x18c: {  	v7 =	vsel @!p1 vm0, v7, v10  }
0x18d: {  	v7 =	vmul.f32 @!p1 v7, v1;
	_ =	sdelay $0x1  }
0x18e: {  	v7 =	vmul.f32 @!p1 $1.442695020e+00, v7;
	_ =	sdelay $0x1  }
0x18f: {  	(erf) = vpow2.f32 @!p1 v7;
	_ =	sdelay $0x5  }
0x190: {  	v7 =	vadd.s32 @!p1 $0x1A02, v6;
	_ =	sdelay $0x1  }
0x191: {  	v10 =	vor.u32 @!p1 $0x303, v5  }
0x192: {  	v12 =	vor.u32 @!p1 $0x307, v5;
	v11 =	vpop @!p1 (erf)  }
0x193: {  	v13 =	vmul.f32 @!p1 v11, v8  }
0x194: {  	[tilespmem:v7+s10+$0x0] =	vst.idx.msk @!p1 $0xffff, v11  }
0x195: {  	[tilespmem:v9+s1+$0x0] =	vst.idx.msk @!p1 $0xffff, v13  }
0x196: {  	v7 =	vld.idx.msk @!p1 [tilespmem:v10+s17+$0x0], $0xffff  }
0x197: {  	v9 =	vld.idx.msk @!p1 [tilespmem:v12+s26+$0x0], $0xffff;
	_ =	sdelay $0x4  }
0x198: {  	v7 =	vadd.f32 @!p1 v9, v7;
	_ =	sdelay $0x1  }
0x199: {  	v9 =	vmul.f32 @!p1 $2.000000030e-01, v7  }
0x19a: {  	vm0 =	vge.f32 @!p1 v7, $0.0e+00  }
0x19b: {  	v7 =	vsel @!p1 vm0, v7, v9  }
0x19c: {  	v7 =	vmul.f32 @!p1 v7, v1;
	_ =	sdelay $0x1  }
0x19d: {  	v7 =	vmul.f32 @!p1 $1.442695020e+00, v7;
	_ =	sdelay $0x1  }
0x19e: {  	(erf) = vpow2.f32 @!p1 v7;
	_ =	sdelay $0x5  }
0x19f: {  	v7 =	vadd.s32 @!p1 $0x1A03, v6;
	_ =	sdelay $0x2  }
0x1a0: {  	v9 =	vpop @!p1 (erf)  }
0x1a1: {  	v8 =	vmul.f32 @!p1 v9, v8  }
0x1a2: {  	[tilespmem:v7+s10+$0x0] =	vst.idx.msk @!p1 $0xffff, v9  }
0x1a3: {  	[tilespmem:v10+s1+$0x0] =	vst.idx.msk @!p1 $0xffff, v8  }
0x1a4: {  	v7 =	vld @!p1 [tilespmem:$0x2950]  }
0x1a5: {  	v8 =	vor.u32 @!p1 $0x408, v5;
	_ =	sdelay $0x3  }
0x1a6: {  	[tilespmem:$0x2B30] =	vst @!p1 v7  }
0x1a7: {  	v7 =	vld.idx.msk @!p1 [tilespmem:v8+s17+$0x0], $0xffff  }
0x1a8: {  	v8 =	vld.idx.msk @!p1 [tilespmem:v8+s26+$0x0], $0xffff;
	_ =	sdelay $0x4  }
0x1a9: {  	v7 =	vadd.f32 @!p1 v8, v7;
	_ =	sdelay $0x1  }
0x1aa: {  	v7 =	vsub.f32 @!p1 $0.0e+00, v7;
	_ =	sdelay $0x1  }
0x1ab: {  	v7 =	vmul.f32 @!p1 $1.442695020e+00, v7;
	_ =	sdelay $0x1  }
0x1ac: {  	(erf) = vpow2.f32 @!p1 v7;
	_ =	sdelay $0x8  }
0x1ad: {  	v7 =	vpop @!p1 (erf)  }
0x1ae: {  	v7 =	vadd.f32 @!p1 $1.000000000e+00, v7;
	_ =	sdelay $0x1  }
0x1af: {  	(erf) = vrcp.f32 @!p1 v7;
	_ =	sdelay $0x5  }
0x1b0: {  	v7 =	vor.u32 @!p1 $0x400, v5  }
0x1b1: {  	v8 =	vor.u32 @!p1 $0x404, v5;
	_ =	sdelay $0x1  }
0x1b2: {  	v9 =	vpop @!p1 (erf)  }
0x1b3: {  	[tilespmem:$0x40] =	vst @!p1 v9  }
0x1b4: {  	v10 =	vld.idx.msk @!p1 [tilespmem:v7+s17+$0x0], $0xffff  }
0x1b5: {  	v8 =	vld.idx.msk @!p1 [tilespmem:v8+s26+$0x0], $0xffff;
	_ =	sdelay $0x4  }
0x1b6: {  	v8 =	vadd.f32 @!p1 v8, v10;
	_ =	sdelay $0x1  }
0x1b7: {  	v10 =	vmul.f32 @!p1 $2.000000030e-01, v8  }
0x1b8: {  	vm0 =	vge.f32 @!p1 v8, $0.0e+00  }
0x1b9: {  	v8 =	vsel @!p1 vm0, v8, v10  }
0x1ba: {  	v8 =	vmul.f32 @!p1 v8, v1;
	_ =	sdelay $0x1  }
0x1bb: {  	v8 =	vmul.f32 @!p1 $1.442695020e+00, v8;
	_ =	sdelay $0x1  }
0x1bc: {  	(erf) = vpow2.f32 @!p1 v8;
	_ =	sdelay $0x5  }
0x1bd: {  	v8 =	vmul.f32 @!p1 v9, v1;
	v9 =	vadd.s32 @!p1 $0x2280, v6;
	_ =	sdelay $0x1  }
0x1be: {  	v10 =	vor.u32 @!p1 $0x401, v5;
	v8 =	vadd.f32 @!p1 v8, v2  }
0x1bf: {  	v12 =	vor.u32 @!p1 $0x405, v5;
	v11 =	vpop @!p1 (erf)  }
0x1c0: {  	v13 =	vmul.f32 @!p1 v11, v8  }
0x1c1: {  	[tilespmem:v9+s10+$0x0] =	vst.idx.msk @!p1 $0xffff, v11  }
0x1c2: {  	[tilespmem:v7+s1+$0x0] =	vst.idx.msk @!p1 $0xffff, v13  }
0x1c3: {  	v7 =	vld.idx.msk @!p1 [tilespmem:v10+s17+$0x0], $0xffff  }
0x1c4: {  	v9 =	vld.idx.msk @!p1 [tilespmem:v12+s26+$0x0], $0xffff;
	_ =	sdelay $0x4  }
0x1c5: {  	v7 =	vadd.f32 @!p1 v9, v7;
	_ =	sdelay $0x1  }
0x1c6: {  	v9 =	vmul.f32 @!p1 $2.000000030e-01, v7  }
0x1c7: {  	vm0 =	vge.f32 @!p1 v7, $0.0e+00  }
0x1c8: {  	v7 =	vsel @!p1 vm0, v7, v9  }
0x1c9: {  	v7 =	vmul.f32 @!p1 v7, v1;
	_ =	sdelay $0x1  }
0x1ca: {  	v7 =	vmul.f32 @!p1 $1.442695020e+00, v7;
	_ =	sdelay $0x1  }
0x1cb: {  	(erf) = vpow2.f32 @!p1 v7;
	_ =	sdelay $0x5  }
0x1cc: {  	v7 =	vadd.s32 @!p1 $0x2281, v6;
	_ =	sdelay $0x1  }
0x1cd: {  	v9 =	vor.u32 @!p1 $0x402, v5  }
0x1ce: {  	v12 =	vor.u32 @!p1 $0x406, v5;
	v11 =	vpop @!p1 (erf)  }
0x1cf: {  	v13 =	vmul.f32 @!p1 v11, v8  }
0x1d0: {  	[tilespmem:v7+s10+$0x0] =	vst.idx.msk @!p1 $0xffff, v11  }
0x1d1: {  	[tilespmem:v10+s1+$0x0] =	vst.idx.msk @!p1 $0xffff, v13  }
0x1d2: {  	v7 =	vld.idx.msk @!p1 [tilespmem:v9+s17+$0x0], $0xffff  }
0x1d3: {  	v10 =	vld.idx.msk @!p1 [tilespmem:v12+s26+$0x0], $0xffff;
	_ =	sdelay $0x4  }
0x1d4: {  	v7 =	vadd.f32 @!p1 v10, v7;
	_ =	sdelay $0x1  }
0x1d5: {  	v10 =	vmul.f32 @!p1 $2.000000030e-01, v7  }
0x1d6: {  	vm0 =	vge.f32 @!p1 v7, $0.0e+00  }
0x1d7: {  	v7 =	vsel @!p1 vm0, v7, v10  }
0x1d8: {  	v7 =	vmul.f32 @!p1 v7, v1;
	_ =	sdelay $0x1  }
0x1d9: {  	v7 =	vmul.f32 @!p1 $1.442695020e+00, v7;
	_ =	sdelay $0x1  }
0x1da: {  	(erf) = vpow2.f32 @!p1 v7;
	_ =	sdelay $0x5  }
0x1db: {  	v7 =	vadd.s32 @!p1 $0x2282, v6;
	_ =	sdelay $0x1  }
0x1dc: {  	v10 =	vor.u32 @!p1 $0x403, v5  }
0x1dd: {  	v5 =	vor.u32 @!p1 $0x407, v5;
	v11 =	vpop @!p1 (erf)  }
0x1de: {  	v12 =	vmul.f32 @!p1 v11, v8  }
0x1df: {  	[tilespmem:v7+s10+$0x0] =	vst.idx.msk @!p1 $0xffff, v11  }
0x1e0: {  	[tilespmem:v9+s1+$0x0] =	vst.idx.msk @!p1 $0xffff, v12  }
0x1e1: {  	v7 =	vld.idx.msk @!p1 [tilespmem:v10+s17+$0x0], $0xffff  }
0x1e2: {  	v5 =	vld.idx.msk @!p1 [tilespmem:v5+s26+$0x0], $0xffff;
	_ =	sdelay $0x4  }
0x1e3: {  	v5 =	vadd.f32 @!p1 v5, v7;
	_ =	sdelay $0x1  }
0x1e4: {  	v7 =	vmul.f32 @!p1 $2.000000030e-01, v5  }
0x1e5: {  	vm0 =	vge.f32 @!p1 v5, $0.0e+00  }
0x1e6: {  	v5 =	vsel @!p1 vm0, v5, v7  }
0x1e7: {  	v5 =	vmul.f32 @!p1 v5, v1;
	_ =	sdelay $0x1  }
0x1e8: {  	v5 =	vmul.f32 @!p1 $1.442695020e+00, v5;
	_ =	sdelay $0x1  }
0x1e9: {  	(erf) = vpow2.f32 @!p1 v5;
	_ =	sdelay $0x5  }
0x1ea: {  	v5 =	vadd.s32 @!p1 $0x2283, v6;
	_ =	sdelay $0x2  }
0x1eb: {  	v6 =	vpop @!p1 (erf)  }
0x1ec: {  	v7 =	vmul.f32 @!p1 v6, v8  }
0x1ed: {  	[tilespmem:v5+s10+$0x0] =	vst.idx.msk @!p1 $0xffff, v6  }
0x1ee: {  	[tilespmem:v10+s1+$0x0] =	vst.idx.msk @!p1 $0xffff, v7  }
0x1ef: {  	v5 =	vld @!p1 [tilespmem:$0x2960];
	_ =	sdelay $0x2  }
0x1f0: {  	p2 =	seq.s32 @!p1 s0, $0x0  }
0x1f1: {  	p2 =	por p1, !p2  }
0x1f2: {  	s1 =	simm.s32 @p2 $0xA;
	[tilespmem:$0x2B40] =	vst @!p1 v5  }
0x1f3: {  	s5 =	rddreg [dreg:$0x5];
	_ =	swait.ge @p2 [sflag:s1], $0x2A80  }
0x1f4: {  	p3 =	seq.s32 @p2 s0, $0x7D;
	p1 =	sne.s32 @p2 s5, $0x0;
	[sflag:s1] =	ssyncset.done @p2 $0x0  }
0x1f5: {  	p1 =	por p1, !p2;
	[sflag:s1] =	ssyncadd.s32 @p2 $0xFFFFD580;
	p2 =	por !p2, !p3  }
.Ltmp3:
0x1f6: {  	_ = 	snop;
	(pc) =	sbr.rel @!p2 .LBB2_16-.Ltmp3, $4  }
0x1f7: {  	s1 =	simm.s32 @!p1 $0x2  }
0x1f8: {  	_ =	swait.ge @!p1 [sflag:s1], $0x50  }
0x1f9: {  	[sflag:s1] =	ssyncset.done @!p1 $0x0  }
0x1fa: {  	[sflag:s1] =	ssyncadd.s32 @!p1 $0xFFFFFFB0  }
0x1fb: {  	_ =	swait.ge [sflag:s15], $0x50  }
0x1fc: {  	[sflag:s15] =	ssyncset.done $0x0  }
0x1fd: {  	[sflag:s15] =	ssyncadd.s32 $0xFFFFFFB0  }
0x1fe: {  	_ =	swait.ge [sflag:s15], $0x50  }
0x1ff: {  	[sflag:s15] =	ssyncset.done $0x0  }
0x200: {  	[sflag:s15] =	ssyncadd.s32 $0xFFFFFFB0  }
0x201: {  	v5 =	vld [tilespmem:$0x2AB0]  }
0x202: {  	v6 =	vld [tilespmem:$0x2970]  }
0x203: {  	v7 =	vld [tilespmem:$0x2AC0]  }
0x204: {  	v8 =	vld [tilespmem:$0x2980]  }
0x205: {  	v9 =	vld [tilespmem:$0x2AD0]  }
0x206: {  	v10 =	vld [tilespmem:$0x2990];
	v5 =	vadd.s32 v0, v5  }
0x207: {  	[tilespmem:$0x2AB0] =	vst v5;
	v5 =	vadd.s32 v0, v6;
	v6 =	vld [tilespmem:$0x2AE0]  }
0x208: {  	[tilespmem:$0x2A10] =	vst v5;
	v5 =	vadd.s32 v0, v7;
	v7 =	vld [tilespmem:$0x29A0]  }
0x209: {  	[tilespmem:$0x2AC0] =	vst v5;
	v5 =	vadd.s32 v0, v8;
	v8 =	vld [tilespmem:$0x2AF0]  }
0x20a: {  	[tilespmem:$0x2A20] =	vst v5;
	v5 =	vadd.s32 v0, v9;
	v9 =	vld [tilespmem:$0x29B0]  }
0x20b: {  	[tilespmem:$0x2AD0] =	vst v5;
	v5 =	vadd.s32 v0, v10  }
0x20c: {  	[tilespmem:$0x2A30] =	vst v5;
	v5 =	vadd.s32 v0, v6  }
0x20d: {  	[tilespmem:$0x2AE0] =	vst v5;
	v5 =	vadd.s32 v0, v7  }
0x20e: {  	[tilespmem:$0x2A40] =	vst v5;
	v5 =	vadd.s32 v0, v8  }
0x20f: {  	[tilespmem:$0x2AF0] =	vst v5;
	v5 =	vadd.s32 v0, v9  }
0x210: {  	[tilespmem:$0x2A50] =	vst v5  }
0x211: {  	[tilespmem:s16], [sflag:$0x6] =	stream.indirect.gather [hbm4b:s6+s30], $0x10, s13, s30, $0xb8;
	[tilespmem:$0x1E5A8] =	vst v63  }
0x212: {  	s1 =	simm.s32 $0x2A10  }
0x213: {  	[tilespmem:s20], [sflag:$0x6] =	stream.indirect.gather [hbm4b:s6+s30], $0x10, s1, s30, $0xb8;
	[tilespmem:$0x1E5A8] =	vst v63  }
0x214: {  	s26 =	sshll.u32 s0, $0x5;
	p1 =	sgt.u32 s0, $0x7B;
	s1 =	rddreg [dreg:$0xc]  }
0x215: {  	s1 =	sadd.s32 @!p1 s1, s26  }
0x216: {  	s5 =	simm.s32 $0x1520;
	s1 =	smul.u32 @!p1 $0xA, s1  }
0x217: {  	[tilespmem:s5], [sflag:$0x4] =	stream.indirect.gather [hbm4b:s4+s30], $0x40, s13, s30, $0xb8;
	[tilespmem:$0x1E5A8] =	vst v63  }
0x218: {  	s17 =	simm.s32 @!p1 $0x0;
	s18 =	simm.s32 @!p1 $0x2A60;
	s10 =	sadd.s32 @!p1 s7, s1  }
0x219: {  	[tilespmem:s18], [sflag:$0x7] =	stream.linear.gather @!p1 [hbm4b:s10+s17], $0x50, $0x38;
	[tilespmem:$0x1E5A8] =	vst v63  }
0x21a: {  	s1 =	sadd.s32 @!p1 s9, s1;
	s10 =	simm.s32 @!p1 $0x2920  }
0x21b: {  	[tilespmem:s10], [sflag:$0x7] =	stream.linear.gather @!p1 [hbm4b:s1+s17], $0x50, $0x38;
	[tilespmem:$0x1E5A8] =	vst v63  }
0x21c: {  	_ =	swait.ge [sflag:s31], $0x1400  }
0x21d: {  	[sflag:s31] =	ssyncset.done $0x0  }
0x21e: {  	s17 =	simm.s32 $0x160;
	[sflag:s31] =	ssyncadd.s32 $0xFFFFEC00  }
0x21f: {  	v8 =	vld [tilespmem:s17+$0x20]  }
0x220: {  	v7 =	vld [tilespmem:s17+$0x0]  }
0x221: {  	s21 =	simm.s32 $0x10;
	v10 =	vld [tilespmem:s17+$0xFFFFFFC0]  }
0x222: {  	v15 =	vld [tilespmem:s21+$0x1E098]  }
0x223: {  	v5 =	vld [tilespmem:s21+$0x1E0A8]  }
0x224: {  	v17 =	vld [tilespmem:s17+$0xFFFFFFD0];
	_ =	sdelay $0x1  }
0x225: {  	v13 =	vunpack.i.u.bf16.f32 v7;
	v14 =	vunpack.i.u.bf16.f32 v10;
	v19 =	vunpack.i.l.bf16.f32 v8  }
0x226: {  	v6 =	vld [tilespmem:s17+$0x30];
	v21 =	vunpack.i.l.bf16.f32 v7;
	v18 =	vbroadcast v15, $0x0;
	v16 =	vbroadcast v15, $0x1  }
0x227: {  	v9 =	vld [tilespmem:s17+$0xFFFFFFE0];
	v10 =	vunpack.i.l.bf16.f32 v10;
	v20 =	vbroadcast v5, $0x0;
	v7 =	vbroadcast v15, $0x3  }
0x228: {  	s18 =	simm.s32 $0xC0;
	v11 =	vld [tilespmem:s17+$0xFFFFFFF0];
	v12 =	vbroadcast v5, $0x2;
	v23 =	vunpack.i.l.bf16.f32 v17;
	v22 =	vmul.f32 v10, v18  }
0x229: {  	s1 =	sor.u32 s8, s26;
	s10 =	simm.s32 $0x2C28;
	s21 =	simm.s32 $0x2C28;
	v15 =	vbroadcast v15, $0x2;
	v10 =	vunpack.i.u.bf16.f32 v8;
	v8 =	vld [tilespmem:s17+$0x10];
	v21 =	vmul.f32 v21, v20  }
.LBB2_8:
0x22a: {  	p2 =	sne.s32 s18, $0x13C0;
	[tilespmem:s10+$0xFFFFFF78] =	vst v22;
	v17 =	vunpack.i.u.bf16.f32 v17;
	v22 =	vmul.f32 v23, v16;
	v19 =	vmul.f32 v19, v12;
	s17 =	sadd.s32 $0x80, s17;
	s21 =	sadd.s32 $0x110, s21  }
0x22b: {  	v14 =	vmul.f32 v14, v18;
	v13 =	vmul.f32 v13, v20;
	s5 =	smov.u32 s18;
	s18 =	sadd.s32 $0x80, s18;
	[tilespmem:s10+$0x0] =	vst v21;
	v18 =	vunpack.i.l.bf16.f32 v6  }
0x22c: {  	v10 =	vmul.f32 v10, v12;
	v16 =	vmul.f32 v17, v16;
	[tilespmem:s10+$0xFFFFFF98] =	vst v22;
	v17 =	vunpack.i.l.bf16.f32 v9  }
0x22d: {  	v9 =	vunpack.i.u.bf16.f32 v9;
	v12 =	vmul.f32 v17, v15;
	[tilespmem:s10+$0x40] =	vst v19;
	v17 =	vbroadcast v5, $0x3  }
0x22e: {  	v6 =	vunpack.i.u.bf16.f32 v6;
	v9 =	vmul.f32 v9, v15;
	v15 =	vunpack.i.u.bf16.f32 v11;
	[tilespmem:s10+$0xFFFFFFA8] =	vst v16  }
0x22f: {  	v11 =	vunpack.i.l.bf16.f32 v11;
	[tilespmem:s10+$0x10] =	vst v13;
	v13 =	vmul.f32 v18, v17;
	v6 =	vmul.f32 v6, v17  }
0x230: {  	v5 =	vbroadcast v5, $0x1;
	v11 =	vmul.f32 v11, v7;
	[tilespmem:s10+$0xFFFFFF88] =	vst v14  }
0x231: {  	v7 =	vmul.f32 v15, v7;
	v14 =	vunpack.i.u.bf16.f32 v8;
	v8 =	vunpack.i.l.bf16.f32 v8;
	[tilespmem:s10+$0xFFFFFFC8] =	vst v9  }
0x232: {  	v8 =	vmul.f32 v8, v5;
	v5 =	vmul.f32 v14, v5;
	[tilespmem:s10+$0xFFFFFFD8] =	vst v11  }
0x233: {  	[tilespmem:s10+$0xFFFFFFE8] =	vst v7  }
0x234: {  	[tilespmem:s10+$0x70] =	vst v6  }
0x235: {  	[tilespmem:s10+$0x60] =	vst v13  }
0x236: {  	[tilespmem:s10+$0x30] =	vst v5  }
0x237: {  	[tilespmem:s10+$0xFFFFFFB8] =	vst v12  }
0x238: {  	[tilespmem:s10+$0x50] =	vst v10  }
0x239: {  	[tilespmem:s10+$0x20] =	vst v8;
	s10 =	smov.u32 s21  }
0x23a: {  	v8 =	vld [tilespmem:s17+$0x20]  }
0x23b: {  	v7 =	vld [tilespmem:s17+$0x0]  }
0x23c: {  	s5 =	sshra.s32 s5, $0x2;
	v10 =	vld [tilespmem:s17+$0xFFFFFFC0]  }
0x23d: {  	v15 =	vld [tilespmem:s5+$0x1E098]  }
0x23e: {  	v5 =	vld [tilespmem:s5+$0x1E0A8];
	_ =	sdelay $0x1  }
0x23f: {  	v17 =	vld [tilespmem:s17+$0xFFFFFFD0];
	v13 =	vunpack.i.u.bf16.f32 v7  }
.Ltmp4:
0x240: {  	v19 =	vunpack.i.l.bf16.f32 v8;
	v14 =	vunpack.i.u.bf16.f32 v10;
	(pc) =	sbr.rel @p2 .LBB2_8-.Ltmp4, $4  }
0x241: {  	v21 =	vunpack.i.l.bf16.f32 v7;
	v6 =	vld [tilespmem:s17+$0x30];
	v18 =	vbroadcast v15, $0x0;
	v16 =	vbroadcast v15, $0x1  }
0x242: {  	v10 =	vunpack.i.l.bf16.f32 v10;
	v7 =	vbroadcast v15, $0x3;
	v9 =	vld [tilespmem:s17+$0xFFFFFFE0];
	v20 =	vbroadcast v5, $0x0  }
0x243: {  	v12 =	vbroadcast v5, $0x2;
	v11 =	vld [tilespmem:s17+$0xFFFFFFF0];
	v22 =	vmul.f32 v10, v18;
	v10 =	vunpack.i.u.bf16.f32 v8  }
0x244: {  	v15 =	vbroadcast v15, $0x2;
	v8 =	vld [tilespmem:s17+$0x10];
	v21 =	vmul.f32 v21, v20;
	v23 =	vunpack.i.l.bf16.f32 v17  }
0x245: {  	[tilespmem:s10+$0xFFFFFF78] =	vst v22;
	v60 =	vmul.f32 v23, v16  }
0x246: {  	v19 =	vmul.f32 v19, v12;
	[tilespmem:s10+$0x0] =	vst v21  }
0x247: {  	v13 =	vmul.f32 v13, v20;
	[tilespmem:s10+$0xFFFFFF98] =	vst v60  }
0x248: {  	v17 =	vunpack.i.u.bf16.f32 v17;
	v14 =	vmul.f32 v14, v18;
	[tilespmem:s10+$0x40] =	vst v19  }
0x249: {  	v61 =	vmul.f32 v17, v16;
	v21 =	vbroadcast v5, $0x3;
	v62 =	vunpack.i.u.bf16.f32 v9;
	[tilespmem:s10+$0x10] =	vst v13  }
0x24a: {  	v23 =	vunpack.i.u.bf16.f32 v6;
	[tilespmem:s10+$0xFFFFFF88] =	vst v14;
	v63 =	vmul.f32 v62, v15  }
0x24b: {  	v6 =	vunpack.i.l.bf16.f32 v6;
	[tilespmem:s10+$0xFFFFFFA8] =	vst v61;
	v24 =	vmul.f32 v23, v21  }
0x24c: {  	v20 =	vunpack.i.l.bf16.f32 v11;
	v6 =	vmul.f32 v6, v21;
	[tilespmem:s10+$0xFFFFFFC8] =	vst v63  }
0x24d: {  	v5 =	vbroadcast v5, $0x1;
	v22 =	vunpack.i.u.bf16.f32 v11;
	v13 =	vmul.f32 v20, v7;
	[tilespmem:s10+$0x70] =	vst v24  }
0x24e: {  	v7 =	vmul.f32 v22, v7;
	v25 =	vunpack.i.u.bf16.f32 v8;
	[tilespmem:s10+$0x60] =	vst v6  }
0x24f: {  	v26 =	vmul.f32 v25, v5;
	[tilespmem:s10+$0xFFFFFFD8] =	vst v13  }
0x250: {  	v27 =	vunpack.i.l.bf16.f32 v8;
	v6 =	vmul.f32 v10, v12;
	[tilespmem:s10+$0xFFFFFFE8] =	vst v7  }
0x251: {  	v5 =	vmul.f32 v27, v5;
	v7 =	vunpack.i.l.bf16.f32 v9;
	[tilespmem:s10+$0x30] =	vst v26  }
0x252: {  	v7 =	vmul.f32 v7, v15;
	[tilespmem:s10+$0x50] =	vst v6  }
0x253: {  	[tilespmem:s10+$0x20] =	vst v5  }
0x254: {  	s17 =	smul.u32 @!p0 $0xA, s1;
	s21 =	simm.s32 $0x2B00;
	s1 =	rddreg [dreg:$0x6];
	[tilespmem:s10+$0xFFFFFFB8] =	vst v7  }
0x255: {  	[spmem:s2] =	stream.indirect.scatter.add.f32 [tilespmem:s23], [sflag:$0x9], $0x88, s21, s30, $0xb8;
	[tilespmem:$0x1E5A8] =	vst v63  }
0x256: {  	s5 =	simm.s32 @!p0 $0x0;
	s1 =	sadd.s32 @!p0 s1, s17  }
0x257: {  	v5 =	vmul.u32 $0x10, v4;
	[hbm4b:s1+s5] =	stream.linear.scatter @!p0 [tilespmem:s5], [sflag:$0x1], $0x50, $0x38;
	[tilespmem:$0x1E5A8] =	vst v63  }
0x258: {  	_ =	swait.ge [sflag:s25], $0x500  }
0x259: {  	v6 =	vor.u32 $0x8, v5;
	[sflag:s25] =	ssyncset.done $0x0  }
0x25a: {  	[sflag:s25] =	ssyncadd.s32 $0xFFFFFB00  }
0x25b: {  	_ =	swait.ge [sflag:s25], $0x500  }
0x25c: {  	[sflag:s25] =	ssyncset.done $0x0  }
0x25d: {  	[sflag:s25] =	ssyncadd.s32 $0xFFFFFB00  }
0x25e: {  	v7 =	vld.idx.msk [tilespmem:v6+s16+$0x0], $0xffff  }
0x25f: {  	v6 =	vld.idx.msk [tilespmem:v6+s20+$0x0], $0xffff;
	_ =	sdelay $0x4  }
0x260: {  	v6 =	vadd.f32 v6, v7;
	_ =	sdelay $0x1  }
0x261: {  	v6 =	vsub.f32 $0.0e+00, v6;
	_ =	sdelay $0x1  }
0x262: {  	v6 =	vmul.f32 $1.442695020e+00, v6;
	_ =	sdelay $0x1  }
0x263: {  	(erf) = vpow2.f32 v6;
	_ =	sdelay $0x8  }
0x264: {  	v6 =	vpop (erf)  }
0x265: {  	v6 =	vadd.f32 $1.000000000e+00, v6;
	_ =	sdelay $0x1  }
0x266: {  	(erf) = vrcp.f32 v6;
	_ =	sdelay $0x6  }
0x267: {  	v6 =	vor.u32 $0x4, v5;
	_ =	sdelay $0x1  }
0x268: {  	v7 =	vpop (erf)  }
0x269: {  	[tilespmem:$0x50] =	vst v7  }
0x26a: {  	v28 =	vld.idx.msk [tilespmem:v5+s16+$0x0], $0xffff  }
0x26b: {  	v6 =	vld.idx.msk [tilespmem:v6+s20+$0x0], $0xffff;
	_ =	sdelay $0x4  }
0x26c: {  	v6 =	vadd.f32 v6, v28;
	_ =	sdelay $0x1  }
0x26d: {  	v8 =	vmul.f32 $2.000000030e-01, v6  }
0x26e: {  	vm0 =	vge.f32 v6, $0.0e+00  }
0x26f: {  	v6 =	vsel vm0, v6, v8  }
0x270: {  	v6 =	vmul.f32 v6, v1;
	_ =	sdelay $0x1  }
0x271: {  	v6 =	vmul.f32 $1.442695020e+00, v6;
	_ =	sdelay $0x1  }
0x272: {  	(erf) = vpow2.f32 v6;
	_ =	sdelay $0x3  }
0x273: {  	v6 =	vmul.u32 $0x88, v4;
	_ =	sdelay $0x1  }
0x274: {  	v7 =	vmul.f32 v7, v1;
	v29 =	vadd.s32 $0x80, v6;
	_ =	sdelay $0x1  }
0x275: {  	v30 =	vor.u32 $0x1, v5;
	v7 =	vadd.f32 v7, v2  }
0x276: {  	v32 =	vor.u32 $0x5, v5;
	v31 =	vpop (erf)  }
0x277: {  	v33 =	vmul.f32 v31, v7  }
0x278: {  	[tilespmem:v29+s28+$0x0] =	vst.idx.msk $0xffff, v31  }
0x279: {  	[tilespmem:v5+s14+$0x0] =	vst.idx.msk $0xffff, v33  }
0x27a: {  	v8 =	vld.idx.msk [tilespmem:v30+s16+$0x0], $0xffff  }
0x27b: {  	v10 =	vld.idx.msk [tilespmem:v32+s20+$0x0], $0xffff;
	_ =	sdelay $0x4  }
0x27c: {  	v8 =	vadd.f32 v10, v8;
	_ =	sdelay $0x1  }
0x27d: {  	v10 =	vmul.f32 $2.000000030e-01, v8  }
0x27e: {  	vm9 =	vge.f32 v8, $0.0e+00  }
0x27f: {  	v8 =	vsel vm9, v8, v10  }
0x280: {  	v8 =	vmul.f32 v8, v1;
	_ =	sdelay $0x1  }
0x281: {  	v8 =	vmul.f32 $1.442695020e+00, v8;
	_ =	sdelay $0x1  }
0x282: {  	(erf) = vpow2.f32 v8;
	_ =	sdelay $0x5  }
0x283: {  	v34 =	vadd.s32 $0x81, v6;
	_ =	sdelay $0x1  }
0x284: {  	v35 =	vor.u32 $0x2, v5  }
0x285: {  	v37 =	vor.u32 $0x6, v5;
	v36 =	vpop (erf)  }
0x286: {  	v38 =	vmul.f32 v36, v7  }
0x287: {  	[tilespmem:v34+s28+$0x0] =	vst.idx.msk $0xffff, v36  }
0x288: {  	[tilespmem:v30+s14+$0x0] =	vst.idx.msk $0xffff, v38  }
0x289: {  	v8 =	vld.idx.msk [tilespmem:v35+s16+$0x0], $0xffff  }
0x28a: {  	v9 =	vld.idx.msk [tilespmem:v37+s20+$0x0], $0xffff;
	_ =	sdelay $0x4  }
0x28b: {  	v8 =	vadd.f32 v9, v8;
	_ =	sdelay $0x1  }
0x28c: {  	v9 =	vmul.f32 $2.000000030e-01, v8  }
0x28d: {  	vm10 =	vge.f32 v8, $0.0e+00  }
0x28e: {  	v8 =	vsel vm10, v8, v9  }
0x28f: {  	v8 =	vmul.f32 v8, v1;
	_ =	sdelay $0x1  }
0x290: {  	v8 =	vmul.f32 $1.442695020e+00, v8;
	_ =	sdelay $0x1  }
0x291: {  	(erf) = vpow2.f32 v8;
	_ =	sdelay $0x5  }
0x292: {  	v39 =	vadd.s32 $0x82, v6;
	_ =	sdelay $0x1  }
0x293: {  	v40 =	vor.u32 $0x3, v5  }
0x294: {  	v42 =	vor.u32 $0x7, v5;
	v41 =	vpop (erf)  }
0x295: {  	v43 =	vmul.f32 v41, v7  }
0x296: {  	[tilespmem:v39+s28+$0x0] =	vst.idx.msk $0xffff, v41  }
0x297: {  	[tilespmem:v35+s14+$0x0] =	vst.idx.msk $0xffff, v43  }
0x298: {  	v8 =	vld.idx.msk [tilespmem:v40+s16+$0x0], $0xffff  }
0x299: {  	v10 =	vld.idx.msk [tilespmem:v42+s20+$0x0], $0xffff;
	_ =	sdelay $0x4  }
0x29a: {  	v8 =	vadd.f32 v10, v8;
	_ =	sdelay $0x1  }
0x29b: {  	v10 =	vmul.f32 $2.000000030e-01, v8  }
0x29c: {  	vm11 =	vge.f32 v8, $0.0e+00  }
0x29d: {  	v8 =	vsel vm11, v8, v10  }
0x29e: {  	v8 =	vmul.f32 v8, v1;
	_ =	sdelay $0x1  }
0x29f: {  	v8 =	vmul.f32 $1.442695020e+00, v8;
	_ =	sdelay $0x1  }
0x2a0: {  	(erf) = vpow2.f32 v8;
	_ =	sdelay $0x5  }
0x2a1: {  	v44 =	vadd.s32 $0x83, v6;
	_ =	sdelay $0x2  }
0x2a2: {  	v45 =	vpop (erf)  }
0x2a3: {  	v7 =	vmul.f32 v45, v7  }
0x2a4: {  	[tilespmem:v44+s28+$0x0] =	vst.idx.msk $0xffff, v45  }
0x2a5: {  	[tilespmem:v40+s14+$0x0] =	vst.idx.msk $0xffff, v7  }
0x2a6: {  	v7 =	vld [tilespmem:$0x2970]  }
0x2a7: {  	v46 =	vor.u32 $0x108, v5;
	_ =	sdelay $0x3  }
0x2a8: {  	[tilespmem:$0x2B50] =	vst v7  }
0x2a9: {  	v7 =	vld.idx.msk [tilespmem:v46+s16+$0x0], $0xffff  }
0x2aa: {  	v8 =	vld.idx.msk [tilespmem:v46+s20+$0x0], $0xffff;
	_ =	sdelay $0x4  }
0x2ab: {  	v7 =	vadd.f32 v8, v7;
	_ =	sdelay $0x1  }
0x2ac: {  	v7 =	vsub.f32 $0.0e+00, v7;
	_ =	sdelay $0x1  }
0x2ad: {  	v7 =	vmul.f32 $1.442695020e+00, v7;
	_ =	sdelay $0x1  }
0x2ae: {  	(erf) = vpow2.f32 v7;
	_ =	sdelay $0x8  }
0x2af: {  	v7 =	vpop (erf)  }
0x2b0: {  	v7 =	vadd.f32 $1.000000000e+00, v7;
	_ =	sdelay $0x1  }
0x2b1: {  	(erf) = vrcp.f32 v7;
	_ =	sdelay $0x5  }
0x2b2: {  	v7 =	vor.u32 $0x100, v5  }
0x2b3: {  	v47 =	vor.u32 $0x104, v5;
	_ =	sdelay $0x1  }
0x2b4: {  	v48 =	vpop (erf)  }
0x2b5: {  	[tilespmem:$0x60] =	vst v48  }
0x2b6: {  	v10 =	vld.idx.msk [tilespmem:v7+s16+$0x0], $0xffff  }
0x2b7: {  	v8 =	vld.idx.msk [tilespmem:v47+s20+$0x0], $0xffff;
	_ =	sdelay $0x4  }
0x2b8: {  	v8 =	vadd.f32 v8, v10;
	_ =	sdelay $0x1  }
0x2b9: {  	v10 =	vmul.f32 $2.000000030e-01, v8  }
0x2ba: {  	vm12 =	vge.f32 v8, $0.0e+00  }
0x2bb: {  	v8 =	vsel vm12, v8, v10  }
0x2bc: {  	v8 =	vmul.f32 v8, v1;
	_ =	sdelay $0x1  }
0x2bd: {  	v8 =	vmul.f32 $1.442695020e+00, v8;
	_ =	sdelay $0x1  }
0x2be: {  	(erf) = vpow2.f32 v8;
	_ =	sdelay $0x5  }
0x2bf: {  	v50 =	vadd.s32 $0x900, v6;
	v49 =	vmul.f32 v48, v1;
	_ =	sdelay $0x1  }
0x2c0: {  	v51 =	vor.u32 $0x101, v5;
	v8 =	vadd.f32 v49, v2  }
0x2c1: {  	v53 =	vor.u32 $0x105, v5;
	v52 =	vpop (erf)  }
0x2c2: {  	v54 =	vmul.f32 v52, v8  }
0x2c3: {  	[tilespmem:v50+s28+$0x0] =	vst.idx.msk $0xffff, v52  }
0x2c4: {  	[tilespmem:v7+s14+$0x0] =	vst.idx.msk $0xffff, v54  }
0x2c5: {  	v7 =	vld.idx.msk [tilespmem:v51+s16+$0x0], $0xffff  }
0x2c6: {  	v9 =	vld.idx.msk [tilespmem:v53+s20+$0x0], $0xffff;
	_ =	sdelay $0x4  }
0x2c7: {  	v7 =	vadd.f32 v9, v7;
	_ =	sdelay $0x1  }
0x2c8: {  	v9 =	vmul.f32 $2.000000030e-01, v7  }
0x2c9: {  	vm13 =	vge.f32 v7, $0.0e+00  }
0x2ca: {  	v7 =	vsel vm13, v7, v9  }
0x2cb: {  	v7 =	vmul.f32 v7, v1;
	_ =	sdelay $0x1  }
0x2cc: {  	v7 =	vmul.f32 $1.442695020e+00, v7;
	_ =	sdelay $0x1  }
0x2cd: {  	(erf) = vpow2.f32 v7;
	_ =	sdelay $0x5  }
0x2ce: {  	v7 =	vadd.s32 $0x901, v6;
	_ =	sdelay $0x1  }
0x2cf: {  	v55 =	vor.u32 $0x102, v5  }
0x2d0: {  	v57 =	vor.u32 $0x106, v5;
	v56 =	vpop (erf)  }
0x2d1: {  	v58 =	vmul.f32 v56, v8  }
0x2d2: {  	[tilespmem:v7+s28+$0x0] =	vst.idx.msk $0xffff, v56  }
0x2d3: {  	[tilespmem:v51+s14+$0x0] =	vst.idx.msk $0xffff, v58  }
0x2d4: {  	v7 =	vld.idx.msk [tilespmem:v55+s16+$0x0], $0xffff  }
0x2d5: {  	v10 =	vld.idx.msk [tilespmem:v57+s20+$0x0], $0xffff;
	_ =	sdelay $0x4  }
0x2d6: {  	v7 =	vadd.f32 v10, v7;
	_ =	sdelay $0x1  }
0x2d7: {  	v10 =	vmul.f32 $2.000000030e-01, v7  }
0x2d8: {  	vm14 =	vge.f32 v7, $0.0e+00  }
0x2d9: {  	v7 =	vsel vm14, v7, v10  }
0x2da: {  	v7 =	vmul.f32 v7, v1;
	_ =	sdelay $0x1  }
0x2db: {  	v7 =	vmul.f32 $1.442695020e+00, v7;
	_ =	sdelay $0x1  }
0x2dc: {  	(erf) = vpow2.f32 v7;
	_ =	sdelay $0x5  }
0x2dd: {  	v7 =	vadd.s32 $0x902, v6;
	_ =	sdelay $0x1  }
0x2de: {  	v59 =	vor.u32 $0x103, v5  }
0x2df: {  	v61 =	vor.u32 $0x107, v5;
	v60 =	vpop (erf)  }
0x2e0: {  	v62 =	vmul.f32 v60, v8  }
0x2e1: {  	[tilespmem:v7+s28+$0x0] =	vst.idx.msk $0xffff, v60  }
0x2e2: {  	[tilespmem:v55+s14+$0x0] =	vst.idx.msk $0xffff, v62  }
0x2e3: {  	v7 =	vld.idx.msk [tilespmem:v59+s16+$0x0], $0xffff  }
0x2e4: {  	v9 =	vld.idx.msk [tilespmem:v61+s20+$0x0], $0xffff;
	_ =	sdelay $0x4  }
0x2e5: {  	v7 =	vadd.f32 v9, v7;
	_ =	sdelay $0x1  }
0x2e6: {  	v9 =	vmul.f32 $2.000000030e-01, v7  }
0x2e7: {  	vm15 =	vge.f32 v7, $0.0e+00  }
0x2e8: {  	v7 =	vsel vm15, v7, v9  }
0x2e9: {  	v7 =	vmul.f32 v7, v1;
	_ =	sdelay $0x1  }
0x2ea: {  	v7 =	vmul.f32 $1.442695020e+00, v7;
	_ =	sdelay $0x1  }
0x2eb: {  	(erf) = vpow2.f32 v7;
	_ =	sdelay $0x5  }
0x2ec: {  	v7 =	vadd.s32 $0x903, v6;
	_ =	sdelay $0x2  }
0x2ed: {  	v63 =	vpop (erf)  }
0x2ee: {  	v8 =	vmul.f32 v63, v8  }
0x2ef: {  	[tilespmem:v7+s28+$0x0] =	vst.idx.msk $0xffff, v63  }
0x2f0: {  	[tilespmem:v59+s14+$0x0] =	vst.idx.msk $0xffff, v8  }
0x2f1: {  	v7 =	vld [tilespmem:$0x2980]  }
0x2f2: {  	v12 =	vor.u32 $0x208, v5;
	_ =	sdelay $0x3  }
0x2f3: {  	[tilespmem:$0x2B60] =	vst v7  }
0x2f4: {  	v7 =	vld.idx.msk [tilespmem:v12+s16+$0x0], $0xffff  }
0x2f5: {  	v8 =	vld.idx.msk [tilespmem:v12+s20+$0x0], $0xffff;
	_ =	sdelay $0x4  }
0x2f6: {  	v7 =	vadd.f32 v8, v7;
	_ =	sdelay $0x1  }
0x2f7: {  	v7 =	vsub.f32 $0.0e+00, v7;
	_ =	sdelay $0x1  }
0x2f8: {  	v7 =	vmul.f32 $1.442695020e+00, v7;
	_ =	sdelay $0x1  }
0x2f9: {  	(erf) = vpow2.f32 v7;
	_ =	sdelay $0x8  }
0x2fa: {  	v7 =	vpop (erf)  }
0x2fb: {  	v7 =	vadd.f32 $1.000000000e+00, v7;
	_ =	sdelay $0x1  }
0x2fc: {  	(erf) = vrcp.f32 v7;
	_ =	sdelay $0x5  }
0x2fd: {  	v7 =	vor.u32 $0x200, v5  }
0x2fe: {  	v13 =	vor.u32 $0x204, v5;
	_ =	sdelay $0x1  }
0x2ff: {  	v14 =	vpop (erf)  }
0x300: {  	[tilespmem:$0x70] =	vst v14  }
0x301: {  	v10 =	vld.idx.msk [tilespmem:v7+s16+$0x0], $0xffff  }
0x302: {  	v8 =	vld.idx.msk [tilespmem:v13+s20+$0x0], $0xffff;
	_ =	sdelay $0x4  }
0x303: {  	v8 =	vadd.f32 v8, v10;
	_ =	sdelay $0x1  }
0x304: {  	v10 =	vmul.f32 $2.000000030e-01, v8  }
0x305: {  	vm4 =	vge.f32 v8, $0.0e+00  }
0x306: {  	v8 =	vsel vm4, v8, v10  }
0x307: {  	v8 =	vmul.f32 v8, v1;
	_ =	sdelay $0x1  }
0x308: {  	v8 =	vmul.f32 $1.442695020e+00, v8;
	_ =	sdelay $0x1  }
0x309: {  	(erf) = vpow2.f32 v8;
	_ =	sdelay $0x5  }
0x30a: {  	v16 =	vadd.s32 $0x1180, v6;
	v15 =	vmul.f32 v14, v1;
	_ =	sdelay $0x1  }
0x30b: {  	v17 =	vor.u32 $0x201, v5;
	v8 =	vadd.f32 v15, v2  }
0x30c: {  	v19 =	vor.u32 $0x205, v5;
	v18 =	vpop (erf)  }
0x30d: {  	v20 =	vmul.f32 v18, v8  }
0x30e: {  	[tilespmem:v16+s28+$0x0] =	vst.idx.msk $0xffff, v18  }
0x30f: {  	[tilespmem:v7+s14+$0x0] =	vst.idx.msk $0xffff, v20  }
0x310: {  	v7 =	vld.idx.msk [tilespmem:v17+s16+$0x0], $0xffff  }
0x311: {  	v9 =	vld.idx.msk [tilespmem:v19+s20+$0x0], $0xffff;
	_ =	sdelay $0x4  }
0x312: {  	v7 =	vadd.f32 v9, v7;
	_ =	sdelay $0x1  }
0x313: {  	v9 =	vmul.f32 $2.000000030e-01, v7  }
0x314: {  	vm5 =	vge.f32 v7, $0.0e+00  }
0x315: {  	v7 =	vsel vm5, v7, v9  }
0x316: {  	v7 =	vmul.f32 v7, v1;
	_ =	sdelay $0x1  }
0x317: {  	v7 =	vmul.f32 $1.442695020e+00, v7;
	_ =	sdelay $0x1  }
0x318: {  	(erf) = vpow2.f32 v7;
	_ =	sdelay $0x5  }
0x319: {  	v7 =	vadd.s32 $0x1181, v6;
	_ =	sdelay $0x1  }
0x31a: {  	v21 =	vor.u32 $0x202, v5  }
0x31b: {  	v23 =	vor.u32 $0x206, v5;
	v22 =	vpop (erf)  }
0x31c: {  	v24 =	vmul.f32 v22, v8  }
0x31d: {  	[tilespmem:v7+s28+$0x0] =	vst.idx.msk $0xffff, v22  }
0x31e: {  	[tilespmem:v17+s14+$0x0] =	vst.idx.msk $0xffff, v24  }
0x31f: {  	v7 =	vld.idx.msk [tilespmem:v21+s16+$0x0], $0xffff  }
0x320: {  	v10 =	vld.idx.msk [tilespmem:v23+s20+$0x0], $0xffff;
	_ =	sdelay $0x4  }
0x321: {  	v7 =	vadd.f32 v10, v7;
	_ =	sdelay $0x1  }
0x322: {  	v10 =	vmul.f32 $2.000000030e-01, v7  }
0x323: {  	vm6 =	vge.f32 v7, $0.0e+00  }
0x324: {  	v7 =	vsel vm6, v7, v10  }
0x325: {  	v7 =	vmul.f32 v7, v1;
	_ =	sdelay $0x1  }
0x326: {  	v7 =	vmul.f32 $1.442695020e+00, v7;
	_ =	sdelay $0x1  }
0x327: {  	(erf) = vpow2.f32 v7;
	_ =	sdelay $0x5  }
0x328: {  	v7 =	vadd.s32 $0x1182, v6;
	_ =	sdelay $0x1  }
0x329: {  	v25 =	vor.u32 $0x203, v5  }
0x32a: {  	v27 =	vor.u32 $0x207, v5;
	v26 =	vpop (erf)  }
0x32b: {  	v28 =	vmul.f32 v26, v8  }
0x32c: {  	[tilespmem:v7+s28+$0x0] =	vst.idx.msk $0xffff, v26  }
0x32d: {  	[tilespmem:v21+s14+$0x0] =	vst.idx.msk $0xffff, v28  }
0x32e: {  	v7 =	vld.idx.msk [tilespmem:v25+s16+$0x0], $0xffff  }
0x32f: {  	v9 =	vld.idx.msk [tilespmem:v27+s20+$0x0], $0xffff;
	_ =	sdelay $0x4  }
0x330: {  	v7 =	vadd.f32 v9, v7;
	_ =	sdelay $0x1  }
0x331: {  	v9 =	vmul.f32 $2.000000030e-01, v7  }
0x332: {  	vm7 =	vge.f32 v7, $0.0e+00  }
0x333: {  	v7 =	vsel vm7, v7, v9  }
0x334: {  	v7 =	vmul.f32 v7, v1;
	_ =	sdelay $0x1  }
0x335: {  	v7 =	vmul.f32 $1.442695020e+00, v7;
	_ =	sdelay $0x1  }
0x336: {  	(erf) = vpow2.f32 v7;
	_ =	sdelay $0x5  }
0x337: {  	v7 =	vadd.s32 $0x1183, v6;
	_ =	sdelay $0x2  }
0x338: {  	v29 =	vpop (erf)  }
0x339: {  	v8 =	vmul.f32 v29, v8  }
0x33a: {  	[tilespmem:v7+s28+$0x0] =	vst.idx.msk $0xffff, v29  }
0x33b: {  	[tilespmem:v25+s14+$0x0] =	vst.idx.msk $0xffff, v8  }
0x33c: {  	v7 =	vld [tilespmem:$0x2990]  }
0x33d: {  	v30 =	vor.u32 $0x308, v5;
	_ =	sdelay $0x3  }
0x33e: {  	[tilespmem:$0x2B70] =	vst v7  }
0x33f: {  	v7 =	vld.idx.msk [tilespmem:v30+s16+$0x0], $0xffff  }
0x340: {  	v8 =	vld.idx.msk [tilespmem:v30+s20+$0x0], $0xffff;
	_ =	sdelay $0x4  }
0x341: {  	v7 =	vadd.f32 v8, v7;
	_ =	sdelay $0x1  }
0x342: {  	v7 =	vsub.f32 $0.0e+00, v7;
	_ =	sdelay $0x1  }
0x343: {  	v7 =	vmul.f32 $1.442695020e+00, v7;
	_ =	sdelay $0x1  }
0x344: {  	(erf) = vpow2.f32 v7;
	_ =	sdelay $0x8  }
0x345: {  	v7 =	vpop (erf)  }
0x346: {  	v7 =	vadd.f32 $1.000000000e+00, v7;
	_ =	sdelay $0x1  }
0x347: {  	(erf) = vrcp.f32 v7;
	_ =	sdelay $0x5  }
0x348: {  	v7 =	vor.u32 $0x300, v5  }
0x349: {  	v31 =	vor.u32 $0x304, v5;
	_ =	sdelay $0x1  }
0x34a: {  	v32 =	vpop (erf)  }
0x34b: {  	[tilespmem:$0x80] =	vst v32  }
0x34c: {  	v10 =	vld.idx.msk [tilespmem:v7+s16+$0x0], $0xffff  }
0x34d: {  	v8 =	vld.idx.msk [tilespmem:v31+s20+$0x0], $0xffff;
	_ =	sdelay $0x4  }
0x34e: {  	v8 =	vadd.f32 v8, v10;
	_ =	sdelay $0x1  }
0x34f: {  	v10 =	vmul.f32 $2.000000030e-01, v8  }
0x350: {  	vm8 =	vge.f32 v8, $0.0e+00  }
0x351: {  	v8 =	vsel vm8, v8, v10  }
0x352: {  	v8 =	vmul.f32 v8, v1;
	_ =	sdelay $0x1  }
0x353: {  	v8 =	vmul.f32 $1.442695020e+00, v8;
	_ =	sdelay $0x1  }
0x354: {  	(erf) = vpow2.f32 v8;
	_ =	sdelay $0x5  }
0x355: {  	v34 =	vadd.s32 $0x1A00, v6;
	v33 =	vmul.f32 v32, v1;
	_ =	sdelay $0x1  }
0x356: {  	v35 =	vor.u32 $0x301, v5;
	v8 =	vadd.f32 v33, v2  }
0x357: {  	v37 =	vor.u32 $0x305, v5;
	v36 =	vpop (erf)  }
0x358: {  	v38 =	vmul.f32 v36, v8  }
0x359: {  	[tilespmem:v34+s28+$0x0] =	vst.idx.msk $0xffff, v36  }
0x35a: {  	[tilespmem:v7+s14+$0x0] =	vst.idx.msk $0xffff, v38  }
0x35b: {  	v7 =	vld.idx.msk [tilespmem:v35+s16+$0x0], $0xffff  }
0x35c: {  	v9 =	vld.idx.msk [tilespmem:v37+s20+$0x0], $0xffff;
	_ =	sdelay $0x4  }
0x35d: {  	v7 =	vadd.f32 v9, v7;
	_ =	sdelay $0x1  }
0x35e: {  	v9 =	vmul.f32 $2.000000030e-01, v7  }
0x35f: {  	vm9 =	vge.f32 v7, $0.0e+00  }
0x360: {  	v7 =	vsel vm9, v7, v9  }
0x361: {  	v7 =	vmul.f32 v7, v1;
	_ =	sdelay $0x1  }
0x362: {  	v7 =	vmul.f32 $1.442695020e+00, v7;
	_ =	sdelay $0x1  }
0x363: {  	(erf) = vpow2.f32 v7;
	_ =	sdelay $0x5  }
0x364: {  	v7 =	vadd.s32 $0x1A01, v6;
	_ =	sdelay $0x1  }
0x365: {  	v39 =	vor.u32 $0x302, v5  }
0x366: {  	v41 =	vor.u32 $0x306, v5;
	v40 =	vpop (erf)  }
0x367: {  	v42 =	vmul.f32 v40, v8  }
0x368: {  	[tilespmem:v7+s28+$0x0] =	vst.idx.msk $0xffff, v40  }
0x369: {  	[tilespmem:v35+s14+$0x0] =	vst.idx.msk $0xffff, v42  }
0x36a: {  	v7 =	vld.idx.msk [tilespmem:v39+s16+$0x0], $0xffff  }
0x36b: {  	v10 =	vld.idx.msk [tilespmem:v41+s20+$0x0], $0xffff;
	_ =	sdelay $0x4  }
0x36c: {  	v7 =	vadd.f32 v10, v7;
	_ =	sdelay $0x1  }
0x36d: {  	v10 =	vmul.f32 $2.000000030e-01, v7  }
0x36e: {  	vm10 =	vge.f32 v7, $0.0e+00  }
0x36f: {  	v7 =	vsel vm10, v7, v10  }
0x370: {  	v7 =	vmul.f32 v7, v1;
	_ =	sdelay $0x1  }
0x371: {  	v7 =	vmul.f32 $1.442695020e+00, v7;
	_ =	sdelay $0x1  }
0x372: {  	(erf) = vpow2.f32 v7;
	_ =	sdelay $0x5  }
0x373: {  	v7 =	vadd.s32 $0x1A02, v6;
	_ =	sdelay $0x1  }
0x374: {  	v43 =	vor.u32 $0x303, v5  }
0x375: {  	v45 =	vor.u32 $0x307, v5;
	v44 =	vpop (erf)  }
0x376: {  	v46 =	vmul.f32 v44, v8  }
0x377: {  	[tilespmem:v7+s28+$0x0] =	vst.idx.msk $0xffff, v44  }
0x378: {  	[tilespmem:v39+s14+$0x0] =	vst.idx.msk $0xffff, v46  }
0x379: {  	v7 =	vld.idx.msk [tilespmem:v43+s16+$0x0], $0xffff  }
0x37a: {  	v9 =	vld.idx.msk [tilespmem:v45+s20+$0x0], $0xffff;
	_ =	sdelay $0x4  }
0x37b: {  	v7 =	vadd.f32 v9, v7;
	_ =	sdelay $0x1  }
0x37c: {  	v9 =	vmul.f32 $2.000000030e-01, v7  }
0x37d: {  	vm11 =	vge.f32 v7, $0.0e+00  }
0x37e: {  	v7 =	vsel vm11, v7, v9  }
0x37f: {  	v7 =	vmul.f32 v7, v1;
	_ =	sdelay $0x1  }
0x380: {  	v7 =	vmul.f32 $1.442695020e+00, v7;
	_ =	sdelay $0x1  }
0x381: {  	(erf) = vpow2.f32 v7;
	_ =	sdelay $0x5  }
0x382: {  	v7 =	vadd.s32 $0x1A03, v6;
	_ =	sdelay $0x2  }
0x383: {  	v47 =	vpop (erf)  }
0x384: {  	v8 =	vmul.f32 v47, v8  }
0x385: {  	[tilespmem:v7+s28+$0x0] =	vst.idx.msk $0xffff, v47  }
0x386: {  	[tilespmem:v43+s14+$0x0] =	vst.idx.msk $0xffff, v8  }
0x387: {  	v7 =	vld [tilespmem:$0x29A0]  }
0x388: {  	v48 =	vor.u32 $0x408, v5;
	_ =	sdelay $0x3  }
0x389: {  	[tilespmem:$0x2B80] =	vst v7  }
0x38a: {  	v7 =	vld.idx.msk [tilespmem:v48+s16+$0x0], $0xffff  }
0x38b: {  	v8 =	vld.idx.msk [tilespmem:v48+s20+$0x0], $0xffff;
	_ =	sdelay $0x4  }
0x38c: {  	v7 =	vadd.f32 v8, v7;
	_ =	sdelay $0x1  }
0x38d: {  	v7 =	vsub.f32 $0.0e+00, v7;
	_ =	sdelay $0x1  }
0x38e: {  	v7 =	vmul.f32 $1.442695020e+00, v7;
	_ =	sdelay $0x1  }
0x38f: {  	(erf) = vpow2.f32 v7;
	_ =	sdelay $0x8  }
0x390: {  	v7 =	vpop (erf)  }
0x391: {  	v7 =	vadd.f32 $1.000000000e+00, v7;
	_ =	sdelay $0x1  }
0x392: {  	(erf) = vrcp.f32 v7;
	_ =	sdelay $0x5  }
0x393: {  	v7 =	vor.u32 $0x400, v5  }
0x394: {  	v49 =	vor.u32 $0x404, v5;
	_ =	sdelay $0x1  }
0x395: {  	v50 =	vpop (erf)  }
0x396: {  	[tilespmem:$0x90] =	vst v50  }
0x397: {  	v10 =	vld.idx.msk [tilespmem:v7+s16+$0x0], $0xffff  }
0x398: {  	v8 =	vld.idx.msk [tilespmem:v49+s20+$0x0], $0xffff;
	_ =	sdelay $0x4  }
0x399: {  	v8 =	vadd.f32 v8, v10;
	_ =	sdelay $0x1  }
0x39a: {  	v10 =	vmul.f32 $2.000000030e-01, v8  }
0x39b: {  	vm12 =	vge.f32 v8, $0.0e+00  }
0x39c: {  	v8 =	vsel vm12, v8, v10  }
0x39d: {  	v8 =	vmul.f32 v8, v1;
	_ =	sdelay $0x1  }
0x39e: {  	v8 =	vmul.f32 $1.442695020e+00, v8;
	_ =	sdelay $0x1  }
0x39f: {  	(erf) = vpow2.f32 v8;
	_ =	sdelay $0x5  }
0x3a0: {  	v52 =	vadd.s32 $0x2280, v6;
	v51 =	vmul.f32 v50, v1;
	_ =	sdelay $0x1  }
0x3a1: {  	v53 =	vor.u32 $0x401, v5;
	v8 =	vadd.f32 v51, v2  }
0x3a2: {  	v55 =	vor.u32 $0x405, v5;
	v54 =	vpop (erf)  }
0x3a3: {  	v56 =	vmul.f32 v54, v8  }
0x3a4: {  	[tilespmem:v52+s28+$0x0] =	vst.idx.msk $0xffff, v54  }
0x3a5: {  	[tilespmem:v7+s14+$0x0] =	vst.idx.msk $0xffff, v56  }
0x3a6: {  	v7 =	vld.idx.msk [tilespmem:v53+s16+$0x0], $0xffff  }
0x3a7: {  	v9 =	vld.idx.msk [tilespmem:v55+s20+$0x0], $0xffff;
	_ =	sdelay $0x4  }
0x3a8: {  	v7 =	vadd.f32 v9, v7;
	_ =	sdelay $0x1  }
0x3a9: {  	v9 =	vmul.f32 $2.000000030e-01, v7  }
0x3aa: {  	vm13 =	vge.f32 v7, $0.0e+00  }
0x3ab: {  	v7 =	vsel vm13, v7, v9  }
0x3ac: {  	v7 =	vmul.f32 v7, v1;
	_ =	sdelay $0x1  }
0x3ad: {  	v7 =	vmul.f32 $1.442695020e+00, v7;
	_ =	sdelay $0x1  }
0x3ae: {  	(erf) = vpow2.f32 v7;
	_ =	sdelay $0x5  }
0x3af: {  	v7 =	vadd.s32 $0x2281, v6;
	_ =	sdelay $0x1  }
0x3b0: {  	v57 =	vor.u32 $0x402, v5  }
0x3b1: {  	v59 =	vor.u32 $0x406, v5;
	v58 =	vpop (erf)  }
0x3b2: {  	v60 =	vmul.f32 v58, v8  }
0x3b3: {  	[tilespmem:v7+s28+$0x0] =	vst.idx.msk $0xffff, v58  }
0x3b4: {  	[tilespmem:v53+s14+$0x0] =	vst.idx.msk $0xffff, v60  }
0x3b5: {  	v7 =	vld.idx.msk [tilespmem:v57+s16+$0x0], $0xffff  }
0x3b6: {  	v10 =	vld.idx.msk [tilespmem:v59+s20+$0x0], $0xffff;
	_ =	sdelay $0x4  }
0x3b7: {  	v7 =	vadd.f32 v10, v7;
	_ =	sdelay $0x1  }
0x3b8: {  	v10 =	vmul.f32 $2.000000030e-01, v7  }
0x3b9: {  	vm14 =	vge.f32 v7, $0.0e+00  }
0x3ba: {  	v7 =	vsel vm14, v7, v10  }
0x3bb: {  	v7 =	vmul.f32 v7, v1;
	_ =	sdelay $0x1  }
0x3bc: {  	v7 =	vmul.f32 $1.442695020e+00, v7;
	_ =	sdelay $0x1  }
0x3bd: {  	(erf) = vpow2.f32 v7;
	_ =	sdelay $0x5  }
0x3be: {  	v7 =	vadd.s32 $0x2282, v6;
	_ =	sdelay $0x1  }
0x3bf: {  	v61 =	vor.u32 $0x403, v5  }
0x3c0: {  	v5 =	vor.u32 $0x407, v5;
	v62 =	vpop (erf)  }
0x3c1: {  	v63 =	vmul.f32 v62, v8  }
0x3c2: {  	[tilespmem:v7+s28+$0x0] =	vst.idx.msk $0xffff, v62  }
0x3c3: {  	[tilespmem:v57+s14+$0x0] =	vst.idx.msk $0xffff, v63  }
0x3c4: {  	v7 =	vld.idx.msk [tilespmem:v61+s16+$0x0], $0xffff  }
0x3c5: {  	v5 =	vld.idx.msk [tilespmem:v5+s20+$0x0], $0xffff;
	_ =	sdelay $0x4  }
0x3c6: {  	v5 =	vadd.f32 v5, v7;
	_ =	sdelay $0x1  }
0x3c7: {  	v7 =	vmul.f32 $2.000000030e-01, v5  }
0x3c8: {  	vm15 =	vge.f32 v5, $0.0e+00  }
0x3c9: {  	v5 =	vsel vm15, v5, v7  }
0x3ca: {  	v5 =	vmul.f32 v5, v1;
	_ =	sdelay $0x1  }
0x3cb: {  	v5 =	vmul.f32 $1.442695020e+00, v5;
	_ =	sdelay $0x1  }
0x3cc: {  	(erf) = vpow2.f32 v5;
	_ =	sdelay $0x5  }
0x3cd: {  	v5 =	vadd.s32 $0x2283, v6;
	_ =	sdelay $0x2  }
0x3ce: {  	v6 =	vpop (erf)  }
0x3cf: {  	v7 =	vmul.f32 v6, v8  }
0x3d0: {  	[tilespmem:v5+s28+$0x0] =	vst.idx.msk $0xffff, v6  }
0x3d1: {  	[tilespmem:v61+s14+$0x0] =	vst.idx.msk $0xffff, v7  }
0x3d2: {  	v5 =	vld [tilespmem:$0x29B0];
	_ =	sdelay $0x3  }
.Ltmp5:
0x3d3: {  	_ = 	snop;
	(pc) =	sbr.rel @p0 .LBB2_11-.Ltmp5, $4  }
0x3d4: {  	[tilespmem:$0x2B90] =	vst v5  }
0x3d5: {  	_ =	swait.ge [sflag:s19], $0x2A80  }
0x3d6: {  	[sflag:s19] =	ssyncset.done $0x0  }
0x3d7: {  	[sflag:s19] =	ssyncadd.s32 $0xFFFFD580  }
0x3d8: {  	p1 =	slt.u32 s0, $0x7C  }
.Ltmp6:
0x3d9: {  	_ = 	snop;
	(pc) =	sbr.rel @p1 .LBB2_12-.Ltmp6, $4  }
.Ltmp7:
0x3da: {  	s1 =	simm.s32 $0x1;
	(pc) =	sbr.rel @!p1 .LBB2_13-.Ltmp7, $4  }
0x3db: {  	_ =	swait.ge [sflag:s1], $0x50  }
0x3dc: {  	[sflag:s1] =	ssyncset.done $0x0  }
0x3dd: {  	[sflag:s1] =	ssyncadd.s32 $0xFFFFFFB0  }
0x3de: {  	_ = 	snop  }
.LBB2_11:
.Ltmp8:
0x3df: {  	(pc) =	sbr.rel @p1 .LBB2_13-.Ltmp8, $1  }
0x3e0: {  	_ =	sdelay $0x3  }
.LBB2_12:
0x3e1: {  	_ =	swait.ge [sflag:s29], $0x50  }
0x3e2: {  	[sflag:s29] =	ssyncset.done $0x0  }
0x3e3: {  	[sflag:s29] =	ssyncadd.s32 $0xFFFFFFB0  }
0x3e4: {  	_ =	swait.ge [sflag:s29], $0x50  }
0x3e5: {  	[sflag:s29] =	ssyncset.done $0x0  }
0x3e6: {  	[sflag:s29] =	ssyncadd.s32 $0xFFFFFFB0  }
0x3e7: {  	v5 =	vld [tilespmem:$0x2A60]  }
0x3e8: {  	v6 =	vld [tilespmem:$0x2920]  }
0x3e9: {  	v7 =	vld [tilespmem:$0x2A70]  }
0x3ea: {  	v8 =	vld [tilespmem:$0x2930]  }
0x3eb: {  	v9 =	vld [tilespmem:$0x2A80]  }
0x3ec: {  	v10 =	vld [tilespmem:$0x2940];
	v5 =	vadd.s32 v0, v5  }
0x3ed: {  	[tilespmem:$0x2A60] =	vst v5;
	v5 =	vadd.s32 v0, v6;
	v6 =	vld [tilespmem:$0x2A90]  }
0x3ee: {  	[tilespmem:$0x29C0] =	vst v5;
	v5 =	vadd.s32 v0, v7;
	v7 =	vld [tilespmem:$0x2950]  }
0x3ef: {  	v62 =	vld [tilespmem:$0x2AA0];
	[tilespmem:$0x2A70] =	vst v5;
	v5 =	vadd.s32 v0, v8  }
0x3f0: {  	v63 =	vld [tilespmem:$0x2960];
	[tilespmem:$0x29D0] =	vst v5;
	v5 =	vadd.s32 v0, v9  }
0x3f1: {  	[tilespmem:$0x2A80] =	vst v5;
	v5 =	vadd.s32 v0, v10  }
0x3f2: {  	[tilespmem:$0x29E0] =	vst v5;
	v5 =	vadd.s32 v0, v6  }
0x3f3: {  	[tilespmem:$0x2A90] =	vst v5;
	v5 =	vadd.s32 v0, v7  }
0x3f4: {  	[tilespmem:$0x29F0] =	vst v5;
	v5 =	vadd.s32 v0, v62  }
0x3f5: {  	[tilespmem:$0x2AA0] =	vst v5;
	v5 =	vadd.s32 v0, v63  }
0x3f6: {  	s5 =	simm.s32 $0x2A60;
	s1 =	simm.s32 $0x8AA0;
	[tilespmem:$0x2A00] =	vst v5  }
0x3f7: {  	[tilespmem:s1], [sflag:$0x5] =	stream.indirect.gather [hbm4b:s6+s30], $0x10, s5, s30, $0xb8;
	[tilespmem:$0x1E5A8] =	vst v63  }
0x3f8: {  	s21 =	simm.s32 $0x29C0;
	s10 =	simm.s32 $0x80A0  }
0x3f9: {  	[tilespmem:s10], [sflag:$0x5] =	stream.indirect.gather [hbm4b:s6+s30], $0x10, s21, s30, $0xb8;
	[tilespmem:$0x1E5A8] =	vst v63  }
0x3fa: {  	s10 =	rddreg [dreg:$0xd]  }
0x3fb: {  	s1 =	sadd.s32 s10, s26  }
0x3fc: {  	s18 =	simm.s32 $0x120;
	s1 =	smul.u32 $0xA, s1  }
0x3fd: {  	[tilespmem:s18], [sflag:$0x3] =	stream.indirect.gather [hbm4b:s4+s30], $0x40, s5, s30, $0xb8;
	[tilespmem:$0x1E5A8] =	vst v63  }
0x3fe: {  	s21 =	sadd.s32 s7, s1  }
0x3ff: {  	[tilespmem:s13], [sflag:$0x8] =	stream.linear.gather [hbm4b:s21+s3], $0x50, $0x38;
	[tilespmem:$0x1E5A8] =	vst v63  }
0x400: {  	s26 =	simm.s32 $0x2970;
	s1 =	sadd.s32 s9, s1  }
0x401: {  	[tilespmem:s26], [sflag:$0x8] =	stream.linear.gather [hbm4b:s1+s3], $0x50, $0x38;
	[tilespmem:$0x1E5A8] =	vst v63  }
.LBB2_13:
0x402: {  	_ =	swait.ge [sflag:s22], $0x1400  }
0x403: {  	[sflag:s22] =	ssyncset.done $0x0  }
0x404: {  	s10 =	simm.s32 $0x1590;
	[sflag:s22] =	ssyncadd.s32 $0xFFFFEC00  }
0x405: {  	v8 =	vld [tilespmem:s10+$0xFFFFFFF0]  }
0x406: {  	v7 =	vld [tilespmem:s10+$0xFFFFFFD0]  }
0x407: {  	s1 =	simm.s32 $0x10;
	v10 =	vld [tilespmem:s10+$0xFFFFFF90]  }
0x408: {  	v14 =	vld [tilespmem:s1+$0x1E098]  }
0x409: {  	v5 =	vld [tilespmem:s1+$0x1E0A8]  }
0x40a: {  	v17 =	vld [tilespmem:s10+$0xFFFFFFA0];
	_ =	sdelay $0x1  }
0x40b: {  	v13 =	vunpack.i.u.bf16.f32 v7;
	v15 =	vunpack.i.u.bf16.f32 v10;
	v19 =	vunpack.i.l.bf16.f32 v8  }
0x40c: {  	v6 =	vld [tilespmem:s10+$0x0];
	v21 =	vunpack.i.l.bf16.f32 v7;
	v18 =	vbroadcast v14, $0x0;
	v16 =	vbroadcast v14, $0x1  }
0x40d: {  	v9 =	vld [tilespmem:s10+$0xFFFFFFB0];
	v10 =	vunpack.i.l.bf16.f32 v10;
	v20 =	vbroadcast v5, $0x0;
	v7 =	vbroadcast v14, $0x3  }
0x40e: {  	v11 =	vld [tilespmem:s10+$0xFFFFFFC0];
	v12 =	vbroadcast v5, $0x2;
	v23 =	vunpack.i.l.bf16.f32 v17;
	v22 =	vmul.f32 v10, v18  }
0x40f: {  	s18 =	simm.s32 $0xC0;
	s21 =	simm.s32 $0x5718;
	s1 =	simm.s32 $0x5718;
	v14 =	vbroadcast v14, $0x2;
	v10 =	vunpack.i.u.bf16.f32 v8;
	v8 =	vld [tilespmem:s10+$0xFFFFFFE0];
	v21 =	vmul.f32 v21, v20  }
.LBB2_14:
0x410: {  	p1 =	sne.s32 s18, $0x13C0;
	[tilespmem:s1+$0xFFFFFF08] =	vst v22;
	v17 =	vunpack.i.u.bf16.f32 v17;
	v22 =	vmul.f32 v23, v16;
	v19 =	vmul.f32 v19, v12;
	s10 =	sadd.s32 $0x80, s10;
	s21 =	sadd.s32 $0x110, s21  }
0x411: {  	v15 =	vmul.f32 v15, v18;
	v13 =	vmul.f32 v13, v20;
	s5 =	smov.u32 s18;
	s18 =	sadd.s32 $0x80, s18;
	[tilespmem:s1+$0xFFFFFF90] =	vst v21;
	v18 =	vunpack.i.l.bf16.f32 v6  }
0x412: {  	v10 =	vmul.f32 v10, v12;
	v16 =	vmul.f32 v17, v16;
	[tilespmem:s1+$0xFFFFFF28] =	vst v22;
	v17 =	vunpack.i.l.bf16.f32 v9  }
0x413: {  	v9 =	vunpack.i.u.bf16.f32 v9;
	v12 =	vmul.f32 v17, v14;
	[tilespmem:s1+$0xFFFFFFD0] =	vst v19;
	v17 =	vbroadcast v5, $0x3  }
0x414: {  	v6 =	vunpack.i.u.bf16.f32 v6;
	v9 =	vmul.f32 v9, v14;
	v14 =	vunpack.i.u.bf16.f32 v11;
	[tilespmem:s1+$0xFFFFFF38] =	vst v16  }
0x415: {  	v11 =	vunpack.i.l.bf16.f32 v11;
	[tilespmem:s1+$0xFFFFFFA0] =	vst v13;
	v13 =	vmul.f32 v18, v17;
	v6 =	vmul.f32 v6, v17  }
0x416: {  	v5 =	vbroadcast v5, $0x1;
	v11 =	vmul.f32 v11, v7;
	[tilespmem:s1+$0xFFFFFF18] =	vst v15  }
0x417: {  	v7 =	vmul.f32 v14, v7;
	v15 =	vunpack.i.u.bf16.f32 v8;
	v8 =	vunpack.i.l.bf16.f32 v8;
	[tilespmem:s1+$0xFFFFFF58] =	vst v9  }
0x418: {  	v8 =	vmul.f32 v8, v5;
	v5 =	vmul.f32 v15, v5;
	[tilespmem:s1+$0xFFFFFF68] =	vst v11  }
0x419: {  	[tilespmem:s1+$0xFFFFFF78] =	vst v7  }
0x41a: {  	[tilespmem:s1+$0x0] =	vst v6  }
0x41b: {  	[tilespmem:s1+$0xFFFFFFF0] =	vst v13  }
0x41c: {  	[tilespmem:s1+$0xFFFFFFC0] =	vst v5  }
0x41d: {  	[tilespmem:s1+$0xFFFFFF48] =	vst v12  }
0x41e: {  	[tilespmem:s1+$0xFFFFFFE0] =	vst v10  }
0x41f: {  	[tilespmem:s1+$0xFFFFFFB0] =	vst v8;
	s1 =	smov.u32 s21  }
0x420: {  	v8 =	vld [tilespmem:s10+$0xFFFFFFF0]  }
0x421: {  	v7 =	vld [tilespmem:s10+$0xFFFFFFD0]  }
0x422: {  	s5 =	sshra.s32 s5, $0x2;
	v10 =	vld [tilespmem:s10+$0xFFFFFF90]  }
0x423: {  	v14 =	vld [tilespmem:s5+$0x1E098]  }
0x424: {  	v5 =	vld [tilespmem:s5+$0x1E0A8];
	_ =	sdelay $0x1  }
0x425: {  	v17 =	vld [tilespmem:s10+$0xFFFFFFA0];
	v13 =	vunpack.i.u.bf16.f32 v7  }
.Ltmp9:
0x426: {  	v19 =	vunpack.i.l.bf16.f32 v8;
	v15 =	vunpack.i.u.bf16.f32 v10;
	(pc) =	sbr.rel @p1 .LBB2_14-.Ltmp9, $4  }
0x427: {  	v21 =	vunpack.i.l.bf16.f32 v7;
	v6 =	vld [tilespmem:s10+$0x0];
	v18 =	vbroadcast v14, $0x0;
	v16 =	vbroadcast v14, $0x1  }
0x428: {  	v10 =	vunpack.i.l.bf16.f32 v10;
	v7 =	vbroadcast v14, $0x3;
	v9 =	vld [tilespmem:s10+$0xFFFFFFB0];
	v20 =	vbroadcast v5, $0x0  }
0x429: {  	v12 =	vbroadcast v5, $0x2;
	v11 =	vld [tilespmem:s10+$0xFFFFFFC0];
	v22 =	vmul.f32 v10, v18;
	v10 =	vunpack.i.u.bf16.f32 v8  }
0x42a: {  	v14 =	vbroadcast v14, $0x2;
	v8 =	vld [tilespmem:s10+$0xFFFFFFE0];
	v21 =	vmul.f32 v21, v20;
	v23 =	vunpack.i.l.bf16.f32 v17  }
0x42b: {  	[tilespmem:s1+$0xFFFFFF08] =	vst v22;
	v52 =	vmul.f32 v23, v16  }
0x42c: {  	v19 =	vmul.f32 v19, v12;
	[tilespmem:s1+$0xFFFFFF90] =	vst v21  }
0x42d: {  	v13 =	vmul.f32 v13, v20;
	[tilespmem:s1+$0xFFFFFF28] =	vst v52  }
0x42e: {  	v17 =	vunpack.i.u.bf16.f32 v17;
	v15 =	vmul.f32 v15, v18;
	v57 =	vbroadcast v5, $0x3;
	[tilespmem:s1+$0xFFFFFFD0] =	vst v19  }
0x42f: {  	v53 =	vmul.f32 v17, v16;
	v59 =	vunpack.i.u.bf16.f32 v6;
	[tilespmem:s1+$0xFFFFFFA0] =	vst v13  }
0x430: {  	v6 =	vunpack.i.l.bf16.f32 v6;
	[tilespmem:s1+$0xFFFFFF18] =	vst v15;
	v60 =	vmul.f32 v59, v57  }
0x431: {  	v54 =	vunpack.i.u.bf16.f32 v9;
	v6 =	vmul.f32 v6, v57;
	[tilespmem:s1+$0xFFFFFF38] =	vst v53  }
0x432: {  	v55 =	vmul.f32 v54, v14;
	v56 =	vunpack.i.l.bf16.f32 v11;
	[tilespmem:s1+$0x0] =	vst v60  }
0x433: {  	v58 =	vunpack.i.u.bf16.f32 v11;
	v13 =	vmul.f32 v56, v7;
	[tilespmem:s1+$0xFFFFFFF0] =	vst v6  }
0x434: {  	v5 =	vbroadcast v5, $0x1;
	v7 =	vmul.f32 v58, v7;
	[tilespmem:s1+$0xFFFFFF58] =	vst v55  }
0x435: {  	v61 =	vunpack.i.u.bf16.f32 v8;
	v6 =	vmul.f32 v10, v12;
	[tilespmem:s1+$0xFFFFFF68] =	vst v13  }
0x436: {  	v63 =	vunpack.i.l.bf16.f32 v8;
	v62 =	vmul.f32 v61, v5;
	[tilespmem:s1+$0xFFFFFF78] =	vst v7  }
0x437: {  	s0 =	sadd.s32 $0x1, s0;
	v5 =	vmul.f32 v63, v5;
	v7 =	vunpack.i.l.bf16.f32 v9;
	[tilespmem:s1+$0xFFFFFFE0] =	vst v6  }
0x438: {  	p1 =	sne.s32 s0, $0x7E;
	v7 =	vmul.f32 v7, v14;
	[tilespmem:s1+$0xFFFFFFC0] =	vst v62  }
.Ltmp10:
0x439: {  	[tilespmem:s1+$0xFFFFFFB0] =	vst v5;
	(pc) =	sbr.rel @p1 .LBB2_6-.Ltmp10, $4  }
0x43a: {  	s26 =	simm.s32 $0x2B50;
	[tilespmem:s1+$0xFFFFFF48] =	vst v7;
	s1 =	rddreg [dreg:$0xf]  }
0x43b: {  	[spmem:s2] =	stream.indirect.scatter.add.f32 [tilespmem:s28], [sflag:$0xA], $0x88, s26, s30, $0xb8;
	[tilespmem:$0x1E5A8] =	vst v63  }
0x43c: {  	s5 =	simm.s32 @!p0 $0x0;
	s10 =	simm.s32 @!p0 $0x50;
	s1 =	sadd.s32 @!p0 s1, s17  }
0x43d: {  	[hbm4b:s1+s5] =	stream.linear.scatter @!p0 [tilespmem:s10], [sflag:$0x2], $0x50, $0x38;
	[tilespmem:$0x1E5A8] =	vst v63  }
.LBB2_16:
0x43e: {  	[bflag:$0x0] =	sbarrier.arrive $0xFFFF  }
0x43f: {  	s0 =	simm.s32 $0x0;
	s26 =	rddreg [dreg:$0x2]  }
.LBB2_17:
0x440: {  	s1 =	sshll.u32 s0, $0x4  }
0x441: {  	s1 =	sor.u32 s8, s1  }
0x442: {  	s5 =	smul.u32 $0x6A40, s1;
	_ =	sdelay $0x1  }
0x443: {  	s5 =	sshra.s32 s5, $0x2  }
0x444: {  	s5 =	sadd.s32 s5, s2  }
0x445: {  	[tilespmem:s23], [sflag:$0xB] =	stream.linear.gather [spmem:s5], $0x1A90, $0x38;
	[tilespmem:$0x1E5A8] =	vst v63  }
0x446: {  	_ =	swait.ge [sflag:s24], $0x1A90  }
0x447: {  	[sflag:s24] =	ssyncset.done $0x0  }
0x448: {  	s10 =	simm.s32 $0x0;
	[sflag:s24] =	ssyncadd.s32 $0xFFFFE570  }
0x449: {  	v5 =	vld [tilespmem:s10+$0x2C18];
	_ =	sdelay $0x4  }
0x44a: {  	(erf) = vrcp.f32 v5;
	_ =	sdelay $0x7  }
0x44b: {  	v6 =	vld [tilespmem:s10+$0x2BA0]  }
0x44c: {  	vm0 =	vgt.f32 v5, $0.0e+00;
	v5 =	vpop (erf)  }
0x44d: {  	v7 =	vld [tilespmem:$0xA0];
	v5 =	vnsel vm0, $0x0, v5  }
0x44e: {  	v8 =	vbroadcast v5, $0x8;
	_ =	sdelay $0x1  }
0x44f: {  	v6 =	vmul.f32 v8, v6;
	_ =	sdelay $0x1  }
0x450: {  	v6 =	vadd.f32 v7, v6  }
0x451: {  	v7 =	vld [tilespmem:s10+$0x2BB0]  }
0x452: {  	[tilespmem:s10+$0x5620] =	vst v6  }
0x453: {  	v6 =	vld [tilespmem:$0xB0];
	_ =	sdelay $0x2  }
0x454: {  	v7 =	vmul.f32 v8, v7;
	_ =	sdelay $0x1  }
0x455: {  	v6 =	vadd.f32 v6, v7  }
0x456: {  	v7 =	vld [tilespmem:s10+$0x2BC0]  }
0x457: {  	[tilespmem:s10+$0x5630] =	vst v6  }
0x458: {  	v6 =	vld [tilespmem:$0xC0]  }
0x459: {  	v8 =	vbroadcast v5, $0x9;
	_ =	sdelay $0x1  }
0x45a: {  	v7 =	vmul.f32 v8, v7;
	_ =	sdelay $0x1  }
0x45b: {  	v6 =	vadd.f32 v6, v7  }
0x45c: {  	v7 =	vld [tilespmem:s10+$0x2BD0]  }
0x45d: {  	[tilespmem:s10+$0x5640] =	vst v6  }
0x45e: {  	v6 =	vld [tilespmem:$0xD0];
	_ =	sdelay $0x2  }
0x45f: {  	v7 =	vmul.f32 v7, v8;
	_ =	sdelay $0x1  }
0x460: {  	v6 =	vadd.f32 v6, v7  }
0x461: {  	v7 =	vld [tilespmem:s10+$0x2BE0]  }
0x462: {  	[tilespmem:s10+$0x5650] =	vst v6  }
0x463: {  	v6 =	vld [tilespmem:$0xE0]  }
0x464: {  	v8 =	vbroadcast v5, $0xA;
	_ =	sdelay $0x1  }
0x465: {  	v7 =	vmul.f32 v7, v8;
	_ =	sdelay $0x1  }
0x466: {  	v6 =	vadd.f32 v6, v7  }
0x467: {  	v7 =	vld [tilespmem:s10+$0x2BF0]  }
0x468: {  	[tilespmem:s10+$0x5660] =	vst v6  }
0x469: {  	v6 =	vld [tilespmem:$0xF0];
	_ =	sdelay $0x2  }
0x46a: {  	v7 =	vmul.f32 v7, v8;
	_ =	sdelay $0x1  }
0x46b: {  	v7 =	vadd.f32 v6, v7  }
0x46c: {  	v6 =	vld [tilespmem:s10+$0x2C00]  }
0x46d: {  	[tilespmem:s10+$0x5670] =	vst v7  }
0x46e: {  	s18 =	simm.s32 $0x88;
	s17 =	simm.s32 $0x440;
	v7 =	vld [tilespmem:$0x100]  }
.LBB2_18:
0x46f: {  	p1 =	sne.s32 s17, $0x6820;
	v8 =	vld [tilespmem:s18+$0x2C18];
	v5 =	vbroadcast v5, $0xB;
	_ =	sdelay $0x1  }
0x470: {  	v6 =	vmul.f32 v6, v5;
	_ =	sdelay $0x1  }
0x471: {  	v6 =	vadd.f32 v7, v6  }
0x472: {  	(erf) = vrcp.f32 v8;
	v7 =	vld [tilespmem:s10+$0x2C10]  }
0x473: {  	[tilespmem:s10+$0x5680] =	vst v6  }
0x474: {  	v6 =	vld [tilespmem:$0x110];
	_ =	sdelay $0x2  }
0x475: {  	v5 =	vmul.f32 v7, v5;
	_ =	sdelay $0x1  }
0x476: {  	v5 =	vadd.f32 v6, v5  }
0x477: {  	v6 =	vld [tilespmem:s18+$0x2BA0]  }
0x478: {  	vm0 =	vgt.f32 v8, $0.0e+00;
	v7 =	vpop (erf);
	[tilespmem:s10+$0x5690] =	vst v5;
	s10 =	smov.u32 s18  }
0x479: {  	v5 =	vnsel vm0, $0x0, v7;
	v7 =	vld [tilespmem:$0xA0]  }
0x47a: {  	v8 =	vbroadcast v5, $0x8;
	_ =	sdelay $0x1  }
0x47b: {  	v6 =	vmul.f32 v8, v6;
	_ =	sdelay $0x1  }
0x47c: {  	v6 =	vadd.f32 v7, v6  }
0x47d: {  	v7 =	vld [tilespmem:s10+$0x2BB0]  }
0x47e: {  	[tilespmem:s10+$0x5620] =	vst v6  }
0x47f: {  	v6 =	vld [tilespmem:$0xB0];
	_ =	sdelay $0x2  }
0x480: {  	v7 =	vmul.f32 v8, v7;
	_ =	sdelay $0x1  }
0x481: {  	v6 =	vadd.f32 v6, v7  }
0x482: {  	v7 =	vld [tilespmem:s10+$0x2BC0]  }
0x483: {  	[tilespmem:s10+$0x5630] =	vst v6  }
0x484: {  	v6 =	vld [tilespmem:$0xC0]  }
0x485: {  	v8 =	vbroadcast v5, $0x9;
	_ =	sdelay $0x1  }
0x486: {  	v7 =	vmul.f32 v8, v7;
	_ =	sdelay $0x1  }
0x487: {  	v6 =	vadd.f32 v6, v7  }
0x488: {  	v7 =	vld [tilespmem:s10+$0x2BD0]  }
0x489: {  	[tilespmem:s10+$0x5640] =	vst v6  }
0x48a: {  	v6 =	vld [tilespmem:$0xD0];
	_ =	sdelay $0x2  }
0x48b: {  	v7 =	vmul.f32 v7, v8;
	_ =	sdelay $0x1  }
0x48c: {  	v6 =	vadd.f32 v6, v7  }
0x48d: {  	v7 =	vld [tilespmem:s10+$0x2BE0]  }
0x48e: {  	[tilespmem:s10+$0x5650] =	vst v6  }
0x48f: {  	v6 =	vld [tilespmem:$0xE0]  }
0x490: {  	v8 =	vbroadcast v5, $0xA;
	_ =	sdelay $0x1  }
0x491: {  	v7 =	vmul.f32 v7, v8;
	_ =	sdelay $0x1  }
0x492: {  	v6 =	vadd.f32 v6, v7  }
0x493: {  	v7 =	vld [tilespmem:s10+$0x2BF0]  }
0x494: {  	[tilespmem:s10+$0x5660] =	vst v6  }
0x495: {  	v6 =	vld [tilespmem:$0xF0];
	_ =	sdelay $0x2  }
0x496: {  	v7 =	vmul.f32 v7, v8  }
.Ltmp11:
0x497: {  	(pc) =	sbr.rel @p1 .LBB2_18-.Ltmp11, $4  }
0x498: {  	v7 =	vadd.f32 v6, v7  }
0x499: {  	v6 =	vld [tilespmem:s10+$0x2C00]  }
0x49a: {  	[tilespmem:s10+$0x5670] =	vst v7  }
0x49b: {  	s18 =	sshra.s32 s17, $0x2;
	s17 =	sadd.s32 $0x220, s17;
	v7 =	vld [tilespmem:$0x100]  }
0x49c: {  	v8 =	vld [tilespmem:s18+$0x2C18];
	v5 =	vbroadcast v5, $0xB;
	_ =	sdelay $0x1  }
0x49d: {  	v6 =	vmul.f32 v6, v5;
	_ =	sdelay $0x1  }
0x49e: {  	v6 =	vadd.f32 v7, v6  }
0x49f: {  	v7 =	vld [tilespmem:s10+$0x2C10];
	(erf) = vrcp.f32 v8  }
0x4a0: {  	[tilespmem:s10+$0x5680] =	vst v6  }
0x4a1: {  	v6 =	vld [tilespmem:$0x110];
	_ =	sdelay $0x2  }
0x4a2: {  	v5 =	vmul.f32 v7, v5;
	_ =	sdelay $0x1  }
0x4a3: {  	v5 =	vadd.f32 v6, v5  }
0x4a4: {  	v6 =	vld [tilespmem:s18+$0x2BA0]  }
0x4a5: {  	vm0 =	vgt.f32 v8, $0.0e+00;
	v7 =	vpop (erf);
	[tilespmem:s10+$0x5690] =	vst v5  }
0x4a6: {  	v5 =	vnsel vm0, $0x0, v7;
	v7 =	vld [tilespmem:$0xA0]  }
0x4a7: {  	v61 =	vbroadcast v5, $0x8;
	_ =	sdelay $0x1  }
0x4a8: {  	v6 =	vmul.f32 v61, v6;
	_ =	sdelay $0x1  }
0x4a9: {  	v6 =	vadd.f32 v7, v6  }
0x4aa: {  	v7 =	vld [tilespmem:s18+$0x2BB0]  }
0x4ab: {  	[tilespmem:s18+$0x5620] =	vst v6  }
0x4ac: {  	v6 =	vld [tilespmem:$0xB0];
	_ =	sdelay $0x2  }
0x4ad: {  	v7 =	vmul.f32 v61, v7;
	_ =	sdelay $0x1  }
0x4ae: {  	v6 =	vadd.f32 v6, v7  }
0x4af: {  	v7 =	vld [tilespmem:s18+$0x2BC0]  }
0x4b0: {  	[tilespmem:s18+$0x5630] =	vst v6  }
0x4b1: {  	v6 =	vld [tilespmem:$0xC0]  }
0x4b2: {  	v62 =	vbroadcast v5, $0x9;
	_ =	sdelay $0x1  }
0x4b3: {  	v7 =	vmul.f32 v62, v7;
	_ =	sdelay $0x1  }
0x4b4: {  	v6 =	vadd.f32 v6, v7  }
0x4b5: {  	v7 =	vld [tilespmem:s18+$0x2BD0]  }
0x4b6: {  	[tilespmem:s18+$0x5640] =	vst v6  }
0x4b7: {  	v6 =	vld [tilespmem:$0xD0];
	_ =	sdelay $0x2  }
0x4b8: {  	v7 =	vmul.f32 v7, v62;
	_ =	sdelay $0x1  }
0x4b9: {  	v6 =	vadd.f32 v6, v7  }
0x4ba: {  	v7 =	vld [tilespmem:s18+$0x2BE0]  }
0x4bb: {  	[tilespmem:s18+$0x5650] =	vst v6  }
0x4bc: {  	v6 =	vld [tilespmem:$0xE0]  }
0x4bd: {  	v63 =	vbroadcast v5, $0xA;
	_ =	sdelay $0x1  }
0x4be: {  	v7 =	vmul.f32 v7, v63;
	_ =	sdelay $0x1  }
0x4bf: {  	v6 =	vadd.f32 v6, v7  }
0x4c0: {  	v7 =	vld [tilespmem:s18+$0x2BF0]  }
0x4c1: {  	[tilespmem:s18+$0x5660] =	vst v6  }
0x4c2: {  	v6 =	vld [tilespmem:$0xF0];
	_ =	sdelay $0x2  }
0x4c3: {  	v7 =	vmul.f32 v7, v63;
	_ =	sdelay $0x1  }
0x4c4: {  	v6 =	vadd.f32 v6, v7  }
0x4c5: {  	v7 =	vld [tilespmem:s18+$0x2C00]  }
0x4c6: {  	[tilespmem:s18+$0x5670] =	vst v6  }
0x4c7: {  	v6 =	vld [tilespmem:$0x100]  }
0x4c8: {  	v5 =	vbroadcast v5, $0xB;
	_ =	sdelay $0x1  }
0x4c9: {  	v7 =	vmul.f32 v7, v5;
	_ =	sdelay $0x1  }
0x4ca: {  	v6 =	vadd.f32 v6, v7  }
0x4cb: {  	v7 =	vld [tilespmem:s18+$0x2C10]  }
0x4cc: {  	[tilespmem:s18+$0x5680] =	vst v6  }
0x4cd: {  	v6 =	vld [tilespmem:$0x110];
	_ =	sdelay $0x1  }
0x4ce: {  	s1 =	smul.u32 $0x3200, s1  }
0x4cf: {  	v5 =	vmul.f32 v7, v5  }
0x4d0: {  	s1 =	sor.u32 s12, s1  }
0x4d1: {  	s1 =	sshrl.u32 s1, $0x3;
	v5 =	vadd.f32 v6, v5  }
0x4d2: {  	s17 =	simm.s32 $0x20;
	s1 =	sadd.s32 s26, s1  }
0x4d3: {  	s21 =	sadd.s32 $0x0, s1;
	s10 =	simm.s32 $0x5620;
	[tilespmem:s18+$0x5690] =	vst v5;
	s18 =	simm.s32 $0x56A8  }
.LBB2_20:
0x4d4: {  	[hbm4b:s21+s3] =	stream.linear.scatter [tilespmem:s10], [sflag:$0xB], $0x80, $0x38;
	[tilespmem:$0x1E5A8] =	vst v63  }
0x4d5: {  	s5 =	smov.u32 s17;
	s10 =	smov.u32 s18;
	p1 =	sne.s32 s17, $0x620  }
.Ltmp12:
0x4d6: {  	s17 =	sadd.s32 $0x20, s17;
	(pc) =	sbr.rel @p1 .LBB2_20-.Ltmp12, $2  }
0x4d7: {  	_ =	sdelay $0x2  }
0x4d8: {  	s18 =	sadd.s32 $0x88, s18;
	s21 =	sadd.s32 s5, s1  }
0x4d9: {  	s0 =	sadd.s32 $0x1, s0  }
0x4da: {  	p1 =	sne.s32 s0, s11  }
.Ltmp13:
0x4db: {  	_ = 	snop;
	(pc) =	sbr.rel @p1 .LBB2_17-.Ltmp13, $4  }
0x4dc: {  	[hbm4b:s21+s3] =	stream.linear.scatter [tilespmem:s10], [sflag:$0xB], $0x80, $0x38;
	[tilespmem:$0x1E5A8] =	vst v63  }
0x4dd: {  	_ =	swait.ge [sflag:s24], $0x1900  }
0x4de: {  	[sflag:s24] =	ssyncset.done $0x0  }
0x4df: {  	[sflag:s24] =	ssyncadd.s32 $0xFFFFE700  }
0x4e0: {  	s1 =	rddreg [dreg:$0x11]  }
0x4e1: {  	s0 =	rddreg [dreg:$0xe];
	s1 =	sadd.s32 $0x1, s1  }
0x4e2: {  	p1 =	sne.s32 s1, s0  }
.Ltmp14:
0x4e3: {  	_ = 	snop;
	(pc) =	sbr.rel @p1 .LBB2_1-.Ltmp14, $1  }
0x4e4: {  	_ =	sdelay $0x3  }
0x4e5: {  	_ =	sfence.sel $0x180000  }
0x4e6: {  	[bflag:$0x0] =	sbarrier.arrive $0xFFFF  }
0x4e7: {  	_ =	strace $0x90000047  }
0x4e8: {  	[bflag:$0x2] =	sbarrier.arrive $0xFFFF  }
0x4e9: {  	p0 =	sne.s32 s8, $0x0;
	s0 =	rddreg [dreg:$0x4]  }
0x4ea: {  	s0 =	sadd.s32 @!p0 $0x100000, s0  }
0x4eb: {  	[sflag:s0] =	ssyncadd.tile.s32 @!p0 $0x1;
	_ =	shalt  }
.Lfunc_end2:
_tile_overlayer_lowered:
.L_overlay_start_2:
0x4ec: {  	(tag) =	ssettag $0x2  }
0x4ed: {  	s0 =	rddreg [dreg:$0x0];
	s2 =	stileid.u32  }
0x4ee: {  	s1 =	rddreg [dreg:$0x1];
	p0 =	sne.s32 s2, $0x0  }
0x4ef: {  	s3 =	rddreg [dreg:$0x2];
	[bflag:$0x3] =	sbarrier.arrive $0xFFFF;
	s2 =	simm.s32 @!p0 $0x1C0B  }
0x4f0: {  	[timem:s3], [sflag:s2] =	dma.local @!p0 [hbm:s0], s1  }
0x4f1: {  	s0 =	simm.s32 @!p0 $0xB  }
0x4f2: {  	_ =	swait.ge @!p0 [sflag:s0], s1  }
0x4f3: {  	s1 =	ssub.s32 @!p0 $0x0, s1;
	[sflag:s0] =	ssyncset.done @!p0 $0x0  }
0x4f4: {  	[sflag:s0] =	ssyncadd.s32 @!p0 s1  }
0x4f5: {  	[bflag:$0x3] =	sbarrier.arrive $0xFFFF  }
0x4f6: {  	_ =	shalt  }

</sc_bundles>
